<compile_context>
chip_gen: v7x
topology: tpu7x:2x2x1
jax: 0.10.2.dev20260603
libtpu: 0.0.44.dev20260713+nightly
codegen_flags: <defaults>
</compile_context>

<pallas_src>
import functools

import jax
import jax.numpy as jnp
from jax import lax
from jax.experimental import pallas as pl
from jax.experimental.pallas import tpu as pltpu
from jax.experimental.pallas import tpu_sc as plsc

SPEAKER_DIM = 128
NW = 32
CHUNK = 256
LBLK = 20480
CPB = LBLK // CHUNK


def _sc_lookup(num_rows, b_per_w):
    mesh = plsc.VectorSubcoreMesh(core_axis_name="c", subcore_axis_name="s")
    num_blocks = b_per_w // LBLK

    @functools.partial(
        pl.kernel,
        mesh=mesh,
        out_type=jax.ShapeDtypeStruct((num_rows * SPEAKER_DIM,), jnp.float32),
        scratch_types=[
            pltpu.VMEM((LBLK,), jnp.int32),
            pltpu.VMEM((3 * SPEAKER_DIM,), jnp.float32),
            pltpu.VMEM((CHUNK * SPEAKER_DIM,), jnp.float32),
            pltpu.VMEM((CHUNK * SPEAKER_DIM,), jnp.float32),
            pltpu.SemaphoreType.DMA,
            pltpu.SemaphoreType.DMA,
        ],
        compiler_params=pltpu.CompilerParams(needs_layout_passes=False),
    )
    def k(labels_hbm, table_hbm, out_hbm, lab_v, tab_v, out0, out1,
          sem_o0, sem_o1):
        nc = 2
        wid = lax.axis_index("s") * nc + lax.axis_index("c")
        wbase = wid * b_per_w
        outs = (out0, out1)
        sems = (sem_o0, sem_o1)

        pltpu.sync_copy(table_hbm, tab_v)
        iota = lax.iota(jnp.int32, 16)
        ioff = [iota + cg * 16 for cg in range(SPEAKER_DIM // 16)]

        def compute_chunk(j, buf):
            jbase = j * CHUNK

            @plsc.parallel_loop(0, CHUNK // 16, unroll=2)
            def grp(g):
                lab16 = lab_v[pl.ds(jbase + g * 16, 16)] * SPEAKER_DIM
                for i in range(16):
                    s = lab16[i]
                    rb = (g * 16 + i) * SPEAKER_DIM
                    vals = [plsc.load_gather(tab_v, [ioff[cg] + s])
                            for cg in range(SPEAKER_DIM // 16)]
                    for cg in range(SPEAKER_DIM // 16):
                        buf[pl.ds(rb + cg * 16, 16)] = vals[cg]

        def start_out(row_base, b):
            dst = out_hbm.at[pl.ds(row_base * SPEAKER_DIM, CHUNK * SPEAKER_DIM)]
            pltpu.make_async_copy(outs[b], dst, sems[b]).start()

        def wait_out(b):
            dst = out_hbm.at[pl.ds(wbase * SPEAKER_DIM, CHUNK * SPEAKER_DIM)]
            pltpu.make_async_copy(outs[b], dst, sems[b]).wait()

        for b in range(2):
            src = out_hbm.at[pl.ds(wbase * SPEAKER_DIM, CHUNK * SPEAKER_DIM)]
            pltpu.make_async_copy(src, outs[b], sems[b]).start()

        def block(blk, carry):
            base = wbase + blk * LBLK
            pltpu.sync_copy(labels_hbm.at[pl.ds(base, LBLK)], lab_v)

            def pairn(jp, c):
                row_base0 = base + 2 * jp * CHUNK
                wait_out(0)
                compute_chunk(2 * jp, out0)
                start_out(row_base0, 0)
                wait_out(1)
                compute_chunk(2 * jp + 1, out1)
                start_out(row_base0 + CHUNK, 1)
                return c

            lax.fori_loop(0, CPB // 2, pairn, 0)
            return carry

        lax.fori_loop(0, num_blocks, block, 0)

        wait_out(0)
        wait_out(1)

    return k


def kernel(speaker_labels, table):
    n, m = speaker_labels.shape
    num_rows = n * m
    labels_flat = speaker_labels.reshape(num_rows).astype(jnp.int32)
    b_per_w = num_rows // NW
    tab_flat = table.reshape(3 * SPEAKER_DIM)
    out = _sc_lookup(num_rows, b_per_w)(labels_flat, tab_flat)
    return out.reshape(n, m, SPEAKER_DIM)

# --- scband reference (transcript-rebuilt; emitter-appended) ---
"""Pipeline reference for scband-speaker-12867722019312 (READ-ONLY COPY).

The authoritative reference and input builder live on the scoring server;
editing this copy changes nothing except your own understanding.
"""

import jax, jax.numpy as jnp
import numpy as np

SPEAKER_DIM = 128

def setup_inputs(seed: int = 0) -> dict:
    key = jax.random.key(seed)
    k1, k2 = jax.random.split(key)
    speaker_labels = jax.random.randint(k1, (16384, 200), 0, 3, dtype=jnp.int64)
    table = jax.random.normal(k2, (3, SPEAKER_DIM), dtype=jnp.float32)
    # padding_idx=0 -> row 0 is zeros
    table = table.at[0].set(0.0)
    return {"speaker_labels": speaker_labels, "table": table}

def reference(speaker_labels, table):
    # nn.Embedding(3, speaker_dim, padding_idx=0) lookup; Dropout(0.2) is identity at inference.
    # Mask enforces padding_idx semantics (zero output, no grad for index 0).
    emb = jnp.take(table, speaker_labels, axis=0)
    mask = (speaker_labels != 0).astype(emb.dtype)[..., None]
    return emb * mask

if __name__ == "__main__":
    import jax
    _d = setup_inputs()
    print(jax.jit(kernel)(*tuple(_d.values())))

</pallas_src>

<mosaic_0001>
#map = affine_map<(d0, d1) -> (0)>
module attributes {stable_mosaic.version = 14 : i64} {
  func.func @k(%arg0: i32, %arg1: i32, %arg2: memref<3276800xi32, #tpu.memory_space<hbm>>, %arg3: memref<384xf32, #tpu.memory_space<hbm>>, %arg4: memref<419430400xf32, #tpu.memory_space<hbm>>, %arg5: memref<20480xi32, #tpu.memory_space<vmem>>, %arg6: memref<384xf32, #tpu.memory_space<vmem>>, %arg7: memref<32768xf32, #tpu.memory_space<vmem>>, %arg8: memref<32768xf32, #tpu.memory_space<vmem>>, %arg9: memref<!tpu.dma_semaphore, #tpu.memory_space<semaphore_mem>>, %arg10: memref<!tpu.dma_semaphore, #tpu.memory_space<semaphore_mem>>) attributes {dimension_semantics = [#tpu.dimension_semantics<core_parallel>, #tpu.dimension_semantics<subcore_parallel>], iteration_bounds = array<i64: 2, 16>, scalar_prefetch = 0 : i64, scratch_operands = 6 : i64, tpu.core_type = #tpu.core_type<sc_vector_subcore>, window_params = [{transform_indices = #map}, {transform_indices = #map}, {transform_indices = #map}]} {
    %mul3A = arith.constant 2 : i32
    %mul3A_0 = arith.muli %arg1, %mul3A : i32
    %add3A = arith.addi %mul3A_0, %arg0 : i32
    %mul3A_1 = arith.constant 102400 : i32
    %mul3A_2 = arith.muli %add3A, %mul3A_1 : i32
    "tpu.region"() ({
      %run_scoped3A = tpu.sem_alloc : memref<!tpu.dma_semaphore, #tpu.memory_space<semaphore_mem>>
      tpu.enqueue_dma source(%arg3 : memref<384xf32, #tpu.memory_space<hbm>>) target(%arg6 : memref<384xf32, #tpu.memory_space<vmem>>) target_semaphore(%run_scoped3A : memref<!tpu.dma_semaphore, #tpu.memory_space<semaphore_mem>>)
      tpu.wait_dma2 semaphore(%run_scoped3A : memref<!tpu.dma_semaphore, #tpu.memory_space<semaphore_mem>>) src(%arg3 : memref<384xf32, #tpu.memory_space<hbm>>) dst(%arg6 : memref<384xf32, #tpu.memory_space<vmem>>)
      tpu.yield
    }) : () -> ()
    %iota3A = tpu.iota {dimensions = array<i32: 0>} : vector<16xi32>
    %add3A_3 = arith.constant 0 : i32
    %add3A_4 = vector.broadcast %add3A_3 : i32 to vector<16xi32>
    %add3A_5 = arith.addi %iota3A, %add3A_4 : vector<16xi32>
    %add3A_6 = arith.constant 16 : i32
    %add3A_7 = vector.broadcast %add3A_6 : i32 to vector<16xi32>
    %add3A_8 = arith.addi %iota3A, %add3A_7 : vector<16xi32>
    %add3A_9 = arith.constant 32 : i32
    %add3A_10 = vector.broadcast %add3A_9 : i32 to vector<16xi32>
    %add3A_11 = arith.addi %iota3A, %add3A_10 : vector<16xi32>
    %add3A_12 = arith.constant 48 : i32
    %add3A_13 = vector.broadcast %add3A_12 : i32 to vector<16xi32>
    %add3A_14 = arith.addi %iota3A, %add3A_13 : vector<16xi32>
    %add3A_15 = arith.constant 64 : i32
    %add3A_16 = vector.broadcast %add3A_15 : i32 to vector<16xi32>
    %add3A_17 = arith.addi %iota3A, %add3A_16 : vector<16xi32>
    %add3A_18 = arith.constant 80 : i32
    %add3A_19 = vector.broadcast %add3A_18 : i32 to vector<16xi32>
    %add3A_20 = arith.addi %iota3A, %add3A_19 : vector<16xi32>
    %add3A_21 = arith.constant 96 : i32
    %add3A_22 = vector.broadcast %add3A_21 : i32 to vector<16xi32>
    %add3A_23 = arith.addi %iota3A, %add3A_22 : vector<16xi32>
    %add3A_24 = arith.constant 112 : i32
    %add3A_25 = vector.broadcast %add3A_24 : i32 to vector<16xi32>
    %add3A_26 = arith.addi %iota3A, %add3A_25 : vector<16xi32>
    %mul3A_27 = arith.constant 128 : i32
    %mul3A_28 = arith.muli %mul3A_2, %mul3A_27 : i32
    %dma_start3A = tpu.memref_slice %arg4[%mul3A_28] : memref<419430400xf32, #tpu.memory_space<hbm>> -> memref<32768xf32, #tpu.memory_space<hbm>>
    %dma_start3A_29 = tpu.memref_slice %arg4[%mul3A_28] : memref<419430400xf32, #tpu.memory_space<hbm>> -> memref<32768xf32, #tpu.memory_space<hbm>>
    tpu.enqueue_dma source(%dma_start3A_29 : memref<32768xf32, #tpu.memory_space<hbm>>) target(%arg7 : memref<32768xf32, #tpu.memory_space<vmem>>) target_semaphore(%arg9 : memref<!tpu.dma_semaphore, #tpu.memory_space<semaphore_mem>>)
    %mul3A_30 = arith.constant 128 : i32
    %mul3A_31 = arith.muli %mul3A_2, %mul3A_30 : i32
    %dma_start3A_32 = tpu.memref_slice %arg4[%mul3A_31] : memref<419430400xf32, #tpu.memory_space<hbm>> -> memref<32768xf32, #tpu.memory_space<hbm>>
    %dma_start3A_33 = tpu.memref_slice %arg4[%mul3A_31] : memref<419430400xf32, #tpu.memory_space<hbm>> -> memref<32768xf32, #tpu.memory_space<hbm>>
    tpu.enqueue_dma source(%dma_start3A_33 : memref<32768xf32, #tpu.memory_space<hbm>>) target(%arg8 : memref<32768xf32, #tpu.memory_space<vmem>>) target_semaphore(%arg10 : memref<!tpu.dma_semaphore, #tpu.memory_space<semaphore_mem>>)
    %scan3A = arith.constant 0 : i32
    %scan3A_34 = arith.constant 0 : i32
    %scan3A_35 = arith.constant 5 : i32
    %scan3A_36 = arith.addi %scan3A_34, %scan3A_35 : i32
    %scan3A_37 = arith.constant 1 : i32
    scf.for %scan3A_46 = %scan3A_34 to %scan3A_36 step %scan3A_37  : i32 {
      %mul3A_47 = arith.constant 20480 : i32
      %mul3A_48 = arith.muli %scan3A_46, %mul3A_47 : i32
      %add3A_49 = arith.addi %mul3A_2, %mul3A_48 : i32
      "tpu.region"() ({
        %run_scoped3A = tpu.sem_alloc : memref<!tpu.dma_semaphore, #tpu.memory_space<semaphore_mem>>
        %dma_start3A_56 = tpu.memref_slice %arg2[%add3A_49] : memref<3276800xi32, #tpu.memory_space<hbm>> -> memref<20480xi32, #tpu.memory_space<hbm>>
        %dma_start3A_57 = tpu.memref_slice %arg2[%add3A_49] : memref<3276800xi32, #tpu.memory_space<hbm>> -> memref<20480xi32, #tpu.memory_space<hbm>>
        tpu.enqueue_dma source(%dma_start3A_57 : memref<20480xi32, #tpu.memory_space<hbm>>) target(%arg5 : memref<20480xi32, #tpu.memory_space<vmem>>) target_semaphore(%run_scoped3A : memref<!tpu.dma_semaphore, #tpu.memory_space<semaphore_mem>>)
        %dma_wait3A_58 = tpu.memref_slice %arg2[%add3A_49] : memref<3276800xi32, #tpu.memory_space<hbm>> -> memref<20480xi32, #tpu.memory_space<hbm>>
        %dma_wait3A_59 = tpu.memref_slice %arg2[%add3A_49] : memref<3276800xi32, #tpu.memory_space<hbm>> -> memref<20480xi32, #tpu.memory_space<hbm>>
        tpu.wait_dma2 semaphore(%run_scoped3A : memref<!tpu.dma_semaphore, #tpu.memory_space<semaphore_mem>>) src(%dma_wait3A_59 : memref<20480xi32, #tpu.memory_space<hbm>>) dst(%arg5 : memref<20480xi32, #tpu.memory_space<vmem>>)
        tpu.yield
      }) : () -> ()
      %scan3A_50 = arith.constant 0 : i32
      %scan3A_51 = arith.constant 0 : i32
      %scan3A_52 = arith.constant 40 : i32
      %scan3A_53 = arith.addi %scan3A_51, %scan3A_52 : i32
      %scan3A_54 = arith.constant 1 : i32
      scf.for %scan3A_56 = %scan3A_51 to %scan3A_53 step %scan3A_54  : i32 {
        %mul3A_57 = arith.constant 2 : i32
        %mul3A_58 = arith.muli %mul3A_57, %scan3A_56 : i32
        %mul3A_59 = arith.constant 256 : i32
        %mul3A_60 = arith.muli %mul3A_58, %mul3A_59 : i32
        %add3A_61 = arith.addi %add3A_49, %mul3A_60 : i32
        %mul3A_62 = arith.constant 128 : i32
        %mul3A_63 = arith.muli %mul3A_2, %mul3A_62 : i32
        %dma_wait3A_64 = tpu.memref_slice %arg4[%mul3A_63] : memref<419430400xf32, #tpu.memory_space<hbm>> -> memref<32768xf32, #tpu.memory_space<hbm>>
        %dma_wait3A_65 = tpu.memref_slice %arg4[%mul3A_63] : memref<419430400xf32, #tpu.memory_space<hbm>> -> memref<32768xf32, #tpu.memory_space<hbm>>
        tpu.wait_dma2 semaphore(%arg9 : memref<!tpu.dma_semaphore, #tpu.memory_space<semaphore_mem>>) src(%arg7 : memref<32768xf32, #tpu.memory_space<vmem>>) dst(%dma_wait3A_65 : memref<32768xf32, #tpu.memory_space<hbm>>)
        %mul3A_66 = arith.constant 2 : i32
        %mul3A_67 = arith.muli %mul3A_66, %scan3A_56 : i32
        %mul3A_68 = arith.constant 256 : i32
        %mul3A_69 = arith.muli %mul3A_67, %mul3A_68 : i32
        %parallel_loop3A = arith.constant 0 : i32
        %parallel_loop3A_70 = arith.constant 16 : i32
        %parallel_loop3A_71 = arith.constant 1 : i32
        scf.for %parallel_loop3A_95 = %parallel_loop3A to %parallel_loop3A_70 step %parallel_loop3A_71  : i32 {
          %parallel_loop3A_96 = arith.constant 16 : i32
          %parallel_loop3A_97 = arith.muli %parallel_loop3A_95, %parallel_loop3A_96 : i32
          %parallel_loop3A_98 = arith.addi %mul3A_69, %parallel_loop3A_97 : i32
          %parallel_loop3A_99 = arith.index_cast %parallel_loop3A_98 : i32 to index
          %parallel_loop3A_100 = tpu.vector_load %arg5[%parallel_loop3A_99] {strides = array<i32>} : memref<20480xi32, #tpu.memory_space<vmem>>, vector<16xi32>,
          %parallel_loop3A_101 = arith.constant 128 : i32
          %parallel_loop3A_102 = vector.broadcast %parallel_loop3A_101 : i32 to vector<16xi32>
          %parallel_loop3A_103 = arith.muli %parallel_loop3A_100, %parallel_loop3A_102 : vector<16xi32>
          %parallel_loop3A_104 = vector.extract_strided_slice %parallel_loop3A_103 {offsets = [0], sizes = [1], strides = [1]} : vector<16xi32> to vector<1xi32>
          %parallel_loop3A_105 = vector.extract %parallel_loop3A_104[0] : i32 from vector<1xi32>
          %parallel_loop3A_106 = arith.constant 16 : i32
          %parallel_loop3A_107 = arith.muli %parallel_loop3A_95, %parallel_loop3A_106 : i32
          %parallel_loop3A_108 = arith.constant 0 : i32
          %parallel_loop3A_109 = arith.addi %parallel_loop3A_107, %parallel_loop3A_108 : i32
          %parallel_loop3A_110 = arith.constant 128 : i32
          %parallel_loop3A_111 = arith.muli %parallel_loop3A_109, %parallel_loop3A_110 : i32
          %parallel_loop3A_112 = vector.broadcast %parallel_loop3A_105 : i32 to vector<16xi32>
          %parallel_loop3A_113 = arith.addi %add3A_5, %parallel_loop3A_112 : vector<16xi32>
          %parallel_loop3A_114 = tpu.vector_load_idx %arg6[%parallel_loop3A_113] : memref<384xf32, #tpu.memory_space<vmem>>[vector<16xi32>], vector<16xf32>,
          %parallel_loop3A_115 = vector.broadcast %parallel_loop3A_105 : i32 to vector<16xi32>
          %parallel_loop3A_116 = arith.addi %add3A_8, %parallel_loop3A_115 : vector<16xi32>
          %parallel_loop3A_117 = tpu.vector_load_idx %arg6[%parallel_loop3A_116] : memref<384xf32, #tpu.memory_space<vmem>>[vector<16xi32>], vector<16xf32>,
          %parallel_loop3A_118 = vector.broadcast %parallel_loop3A_105 : i32 to vector<16xi32>
          %parallel_loop3A_119 = arith.addi %add3A_11, %parallel_loop3A_118 : vector<16xi32>
          %parallel_loop3A_120 = tpu.vector_load_idx %arg6[%parallel_loop3A_119] : memref<384xf32, #tpu.memory_space<vmem>>[vector<16xi32>], vector<16xf32>,
          %parallel_loop3A_121 = vector.broadcast %parallel_loop3A_105 : i32 to vector<16xi32>
          %parallel_loop3A_122 = arith.addi %add3A_14, %parallel_loop3A_121 : vector<16xi32>
          %parallel_loop3A_123 = tpu.vector_load_idx %arg6[%parallel_loop3A_122] : memref<384xf32, #tpu.memory_space<vmem>>[vector<16xi32>], vector<16xf32>,
          %parallel_loop3A_124 = vector.broadcast %parallel_loop3A_105 : i32 to vector<16xi32>
          %parallel_loop3A_125 = arith.addi %add3A_17, %parallel_loop3A_124 : vector<16xi32>
          %parallel_loop3A_126 = tpu.vector_load_idx %arg6[%parallel_loop3A_125] : memref<384xf32, #tpu.memory_space<vmem>>[vector<16xi32>], vector<16xf32>,
          %parallel_loop3A_127 = vector.broadcast %parallel_loop3A_105 : i32 to vector<16xi32>
          %parallel_loop3A_128 = arith.addi %add3A_20, %parallel_loop3A_127 : vector<16xi32>
          %parallel_loop3A_129 = tpu.vector_load_idx %arg6[%parallel_loop3A_128] : memref<384xf32, #tpu.memory_space<vmem>>[vector<16xi32>], vector<16xf32>,
          %parallel_loop3A_130 = vector.broadcast %parallel_loop3A_105 : i32 to vector<16xi32>
          %parallel_loop3A_131 = arith.addi %add3A_23, %parallel_loop3A_130 : vector<16xi32>
          %parallel_loop3A_132 = tpu.vector_load_idx %arg6[%parallel_loop3A_131] : memref<384xf32, #tpu.memory_space<vmem>>[vector<16xi32>], vector<16xf32>,
          %parallel_loop3A_133 = vector.broadcast %parallel_loop3A_105 : i32 to vector<16xi32>
          %parallel_loop3A_134 = arith.addi %add3A_26, %parallel_loop3A_133 : vector<16xi32>
          %parallel_loop3A_135 = tpu.vector_load_idx %arg6[%parallel_loop3A_134] : memref<384xf32, #tpu.memory_space<vmem>>[vector<16xi32>], vector<16xf32>,
          %parallel_loop3A_136 = arith.constant 0 : i32
          %parallel_loop3A_137 = arith.addi %parallel_loop3A_111, %parallel_loop3A_136 : i32
          %parallel_loop3A_138 = arith.index_cast %parallel_loop3A_137 : i32 to index
          %parallel_loop3A_139 = tpu.vector_load %arg7[%parallel_loop3A_138] {strides = array<i32>} : memref<32768xf32, #tpu.memory_space<vmem>>, vector<16xf32>,
          tpu.vector_store %arg7[%parallel_loop3A_138], %parallel_loop3A_114 {strides = array<i32>} : memref<32768xf32, #tpu.memory_space<vmem>>, vector<16xf32>,
          %parallel_loop3A_140 = arith.constant 16 : i32
          %parallel_loop3A_141 = arith.addi %parallel_loop3A_111, %parallel_loop3A_140 : i32
          %parallel_loop3A_142 = arith.index_cast %parallel_loop3A_141 : i32 to index
          %parallel_loop3A_143 = tpu.vector_load %arg7[%parallel_loop3A_142] {strides = array<i32>} : memref<32768xf32, #tpu.memory_space<vmem>>, vector<16xf32>,
          tpu.vector_store %arg7[%parallel_loop3A_142], %parallel_loop3A_117 {strides = array<i32>} : memref<32768xf32, #tpu.memory_space<vmem>>, vector<16xf32>,
          %parallel_loop3A_144 = arith.constant 32 : i32
          %parallel_loop3A_145 = arith.addi %parallel_loop3A_111, %parallel_loop3A_144 : i32
          %parallel_loop3A_146 = arith.index_cast %parallel_loop3A_145 : i32 to index
          %parallel_loop3A_147 = tpu.vector_load %arg7[%parallel_loop3A_146] {strides = array<i32>} : memref<32768xf32, #tpu.memory_space<vmem>>, vector<16xf32>,
          tpu.vector_store %arg7[%parallel_loop3A_146], %parallel_loop3A_120 {strides = array<i32>} : memref<32768xf32, #tpu.memory_space<vmem>>, vector<16xf32>,
          %parallel_loop3A_148 = arith.constant 48 : i32
          %parallel_loop3A_149 = arith.addi %parallel_loop3A_111, %parallel_loop3A_148 : i32
          %parallel_loop3A_150 = arith.index_cast %parallel_loop3A_149 : i32 to index
          %parallel_loop3A_151 = tpu.vector_load %arg7[%parallel_loop3A_150] {strides = array<i32>} : memref<32768xf32, #tpu.memory_space<vmem>>, vector<16xf32>,
          tpu.vector_store %arg7[%parallel_loop3A_150], %parallel_loop3A_123 {strides = array<i32>} : memref<32768xf32, #tpu.memory_space<vmem>>, vector<16xf32>,
          %parallel_loop3A_152 = arith.constant 64 : i32
          %parallel_loop3A_153 = arith.addi %parallel_loop3A_111, %parallel_loop3A_152 : i32
          %parallel_loop3A_154 = arith.index_cast %parallel_loop3A_153 : i32 to index
          %parallel_loop3A_155 = tpu.vector_load %arg7[%parallel_loop3A_154] {strides = array<i32>} : memref<32768xf32, #tpu.memory_space<vmem>>, vector<16xf32>,
          tpu.vector_store %arg7[%parallel_loop3A_154], %parallel_loop3A_126 {strides = array<i32>} : memref<32768xf32, #tpu.memory_space<vmem>>, vector<16xf32>,
          %parallel_loop3A_156 = arith.constant 80 : i32
          %parallel_loop3A_157 = arith.addi %parallel_loop3A_111, %parallel_loop3A_156 : i32
          %parallel_loop3A_158 = arith.index_cast %parallel_loop3A_157 : i32 to index
          %parallel_loop3A_159 = tpu.vector_load %arg7[%parallel_loop3A_158] {strides = array<i32>} : memref<32768xf32, #tpu.memory_space<vmem>>, vector<16xf32>,
          tpu.vector_store %arg7[%parallel_loop3A_158], %parallel_loop3A_129 {strides = array<i32>} : memref<32768xf32, #tpu.memory_space<vmem>>, vector<16xf32>,
          %parallel_loop3A_160 = arith.constant 96 : i32
          %parallel_loop3A_161 = arith.addi %parallel_loop3A_111, %parallel_loop3A_160 : i32
          %parallel_loop3A_162 = arith.index_cast %parallel_loop3A_161 : i32 to index
          %parallel_loop3A_163 = tpu.vector_load %arg7[%parallel_loop3A_162] {strides = array<i32>} : memref<32768xf32, #tpu.memory_space<vmem>>, vector<16xf32>,
          tpu.vector_store %arg7[%parallel_loop3A_162], %parallel_loop3A_132 {strides = array<i32>} : memref<32768xf32, #tpu.memory_space<vmem>>, vector<16xf32>,
          %parallel_loop3A_164 = arith.constant 112 : i32
          %parallel_loop3A_165 = arith.addi %parallel_loop3A_111, %parallel_loop3A_164 : i32
          %parallel_loop3A_166 = arith.index_cast %parallel_loop3A_165 : i32 to index
          %parallel_loop3A_167 = tpu.vector_load %arg7[%parallel_loop3A_166] {strides = array<i32>} : memref<32768xf32, #tpu.memory_space<vmem>>, vector<16xf32>,
          tpu.vector_store %arg7[%parallel_loop3A_166], %parallel_loop3A_135 {strides = array<i32>} : memref<32768xf32, #tpu.memory_space<vmem>>, vector<16xf32>,
          %parallel_loop3A_168 = vector.extract_strided_slice %parallel_loop3A_103 {offsets = [1], sizes = [1], strides = [1]} : vector<16xi32> to vector<1xi32>
          %parallel_loop3A_169 = vector.extract %parallel_loop3A_168[0] : i32 from vector<1xi32>
          %parallel_loop3A_170 = arith.constant 16 : i32
          %parallel_loop3A_171 = arith.muli %parallel_loop3A_95, %parallel_loop3A_170 : i32
          %parallel_loop3A_172 = arith.constant 1 : i32
          %parallel_loop3A_173 = arith.addi %parallel_loop3A_171, %parallel_loop3A_172 : i32
          %parallel_loop3A_174 = arith.constant 128 : i32
          %parallel_loop3A_175 = arith.muli %parallel_loop3A_173, %parallel_loop3A_174 : i32
          %parallel_loop3A_176 = vector.broadcast %parallel_loop3A_169 : i32 to vector<16xi32>
          %parallel_loop3A_177 = arith.addi %add3A_5, %parallel_loop3A_176 : vector<16xi32>
          %parallel_loop3A_178 = tpu.vector_load_idx %arg6[%parallel_loop3A_177] : memref<384xf32, #tpu.memory_space<vmem>>[vector<16xi32>], vector<16xf32>,
          %parallel_loop3A_179 = vector.broadcast %parallel_loop3A_169 : i32 to vector<16xi32>
          %parallel_loop3A_180 = arith.addi %add3A_8, %parallel_loop3A_179 : vector<16xi32>
          %parallel_loop3A_181 = tpu.vector_load_idx %arg6[%parallel_loop3A_180] : memref<384xf32, #tpu.memory_space<vmem>>[vector<16xi32>], vector<16xf32>,
          %parallel_loop3A_182 = vector.broadcast %parallel_loop3A_169 : i32 to vector<16xi32>
          %parallel_loop3A_183 = arith.addi %add3A_11, %parallel_loop3A_182 : vector<16xi32>
          %parallel_loop3A_184 = tpu.vector_load_idx %arg6[%parallel_loop3A_183] : memref<384xf32, #tpu.memory_space<vmem>>[vector<16xi32>], vector<16xf32>,
          %parallel_loop3A_185 = vector.broadcast %parallel_loop3A_169 : i32 to vector<16xi32>
          %parallel_loop3A_186 = arith.addi %add3A_14, %parallel_loop3A_185 : vector<16xi32>
          %parallel_loop3A_187 = tpu.vector_load_idx %arg6[%parallel_loop3A_186] : memref<384xf32, #tpu.memory_space<vmem>>[vector<16xi32>], vector<16xf32>,
          %parallel_loop3A_188 = vector.broadcast %parallel_loop3A_169 : i32 to vector<16xi32>
          %parallel_loop3A_189 = arith.addi %add3A_17, %parallel_loop3A_188 : vector<16xi32>
          %parallel_loop3A_190 = tpu.vector_load_idx %arg6[%parallel_loop3A_189] : memref<384xf32, #tpu.memory_space<vmem>>[vector<16xi32>], vector<16xf32>,
          %parallel_loop3A_191 = vector.broadcast %parallel_loop3A_169 : i32 to vector<16xi32>
          %parallel_loop3A_192 = arith.addi %add3A_20, %parallel_loop3A_191 : vector<16xi32>
          %parallel_loop3A_193 = tpu.vector_load_idx %arg6[%parallel_loop3A_192] : memref<384xf32, #tpu.memory_space<vmem>>[vector<16xi32>], vector<16xf32>,
          %parallel_loop3A_194 = vector.broadcast %parallel_loop3A_169 : i32 to vector<16xi32>
          %parallel_loop3A_195 = arith.addi %add3A_23, %parallel_loop3A_194 : vector<16xi32>
          %parallel_loop3A_196 = tpu.vector_load_idx %arg6[%parallel_loop3A_195] : memref<384xf32, #tpu.memory_space<vmem>>[vector<16xi32>], vector<16xf32>,
          %parallel_loop3A_197 = vector.broadcast %parallel_loop3A_169 : i32 to vector<16xi32>
          %parallel_loop3A_198 = arith.addi %add3A_26, %parallel_loop3A_197 : vector<16xi32>
          %parallel_loop3A_199 = tpu.vector_load_idx %arg6[%parallel_loop3A_198] : memref<384xf32, #tpu.memory_space<vmem>>[vector<16xi32>], vector<16xf32>,
          %parallel_loop3A_200 = arith.constant 0 : i32
          %parallel_loop3A_201 = arith.addi %parallel_loop3A_175, %parallel_loop3A_200 : i32
          %parallel_loop3A_202 = arith.index_cast %parallel_loop3A_201 : i32 to index
          %parallel_loop3A_203 = tpu.vector_load %arg7[%parallel_loop3A_202] {strides = array<i32>} : memref<32768xf32, #tpu.memory_space<vmem>>, vector<16xf32>,
          tpu.vector_store %arg7[%parallel_loop3A_202], %parallel_loop3A_178 {strides = array<i32>} : memref<32768xf32, #tpu.memory_space<vmem>>, vector<16xf32>,
          %parallel_loop3A_204 = arith.constant 16 : i32
          %parallel_loop3A_205 = arith.addi %parallel_loop3A_175, %parallel_loop3A_204 : i32
          %parallel_loop3A_206 = arith.index_cast %parallel_loop3A_205 : i32 to index
          %parallel_loop3A_207 = tpu.vector_load %arg7[%parallel_loop3A_206] {strides = array<i32>} : memref<32768xf32, #tpu.memory_space<vmem>>, vector<16xf32>,
          tpu.vector_store %arg7[%parallel_loop3A_206], %parallel_loop3A_181 {strides = array<i32>} : memref<32768xf32, #tpu.memory_space<vmem>>, vector<16xf32>,
          %parallel_loop3A_208 = arith.constant 32 : i32
          %parallel_loop3A_209 = arith.addi %parallel_loop3A_175, %parallel_loop3A_208 : i32
          %parallel_loop3A_210 = arith.index_cast %parallel_loop3A_209 : i32 to index
          %parallel_loop3A_211 = tpu.vector_load %arg7[%parallel_loop3A_210] {strides = array<i32>} : memref<32768xf32, #tpu.memory_space<vmem>>, vector<16xf32>,
          tpu.vector_store %arg7[%parallel_loop3A_210], %parallel_loop3A_184 {strides = array<i32>} : memref<32768xf32, #tpu.memory_space<vmem>>, vector<16xf32>,
          %parallel_loop3A_212 = arith.constant 48 : i32
          %parallel_loop3A_213 = arith.addi %parallel_loop3A_175, %parallel_loop3A_212 : i32
          %parallel_loop3A_214 = arith.index_cast %parallel_loop3A_213 : i32 to index
          %parallel_loop3A_215 = tpu.vector_load %arg7[%parallel_loop3A_214] {strides = array<i32>} : memref<32768xf32, #tpu.memory_space<vmem>>, vector<16xf32>,
          tpu.vector_store %arg7[%parallel_loop3A_214], %parallel_loop3A_187 {strides = array<i32>} : memref<32768xf32, #tpu.memory_space<vmem>>, vector<16xf32>,
          %parallel_loop3A_216 = arith.constant 64 : i32
          %parallel_loop3A_217 = arith.addi %parallel_loop3A_175, %parallel_loop3A_216 : i32
          %parallel_loop3A_218 = arith.index_cast %parallel_loop3A_217 : i32 to index
          %parallel_loop3A_219 = tpu.vector_load %arg7[%parallel_loop3A_218] {strides = array<i32>} : memref<32768xf32, #tpu.memory_space<vmem>>, vector<16xf32>,
          tpu.vector_store %arg7[%parallel_loop3A_218], %parallel_loop3A_190 {strides = array<i32>} : memref<32768xf32, #tpu.memory_space<vmem>>, vector<16xf32>,
          %parallel_loop3A_220 = arith.constant 80 : i32
          %parallel_loop3A_221 = arith.addi %parallel_loop3A_175, %parallel_loop3A_220 : i32
          %parallel_loop3A_222 = arith.index_cast %parallel_loop3A_221 : i32 to index
          %parallel_loop3A_223 = tpu.vector_load %arg7[%parallel_loop3A_222] {strides = array<i32>} : memref<32768xf32, #tpu.memory_space<vmem>>, vector<16xf32>,
          tpu.vector_store %arg7[%parallel_loop3A_222], %parallel_loop3A_193 {strides = array<i32>} : memref<32768xf32, #tpu.memory_space<vmem>>, vector<16xf32>,
          %parallel_loop3A_224 = arith.constant 96 : i32
          %parallel_loop3A_225 = arith.addi %parallel_loop3A_175, %parallel_loop3A_224 : i32
          %parallel_loop3A_226 = arith.index_cast %parallel_loop3A_225 : i32 to index
          %parallel_loop3A_227 = tpu.vector_load %arg7[%parallel_loop3A_226] {strides = array<i32>} : memref<32768xf32, #tpu.memory_space<vmem>>, vector<16xf32>,
          tpu.vector_store %arg7[%parallel_loop3A_226], %parallel_loop3A_196 {strides = array<i32>} : memref<32768xf32, #tpu.memory_space<vmem>>, vector<16xf32>,
          %parallel_loop3A_228 = arith.constant 112 : i32
          %parallel_loop3A_229 = arith.addi %parallel_loop3A_175, %parallel_loop3A_228 : i32
          %parallel_loop3A_230 = arith.index_cast %parallel_loop3A_229 : i32 to index
          %parallel_loop3A_231 = tpu.vector_load %arg7[%parallel_loop3A_230] {strides = array<i32>} : memref<32768xf32, #tpu.memory_space<vmem>>, vector<16xf32>,
          tpu.vector_store %arg7[%parallel_loop3A_230], %parallel_loop3A_199 {strides = array<i32>} : memref<32768xf32, #tpu.memory_space<vmem>>, vector<16xf32>,
          %parallel_loop3A_232 = vector.extract_strided_slice %parallel_loop3A_103 {offsets = [2], sizes = [1], strides = [1]} : vector<16xi32> to vector<1xi32>
          %parallel_loop3A_233 = vector.extract %parallel_loop3A_232[0] : i32 from vector<1xi32>
          %parallel_loop3A_234 = arith.constant 16 : i32
          %parallel_loop3A_235 = arith.muli %parallel_loop3A_95, %parallel_loop3A_234 : i32
          %parallel_loop3A_236 = arith.constant 2 : i32
          %parallel_loop3A_237 = arith.addi %parallel_loop3A_235, %parallel_loop3A_236 : i32
          %parallel_loop3A_238 = arith.constant 128 : i32
          %parallel_loop3A_239 = arith.muli %parallel_loop3A_237, %parallel_loop3A_238 : i32
          %parallel_loop3A_240 = vector.broadcast %parallel_loop3A_233 : i32 to vector<16xi32>
          %parallel_loop3A_241 = arith.addi %add3A_5, %parallel_loop3A_240 : vector<16xi32>
          %parallel_loop3A_242 = tpu.vector_load_idx %arg6[%parallel_loop3A_241] : memref<384xf32, #tpu.memory_space<vmem>>[vector<16xi32>], vector<16xf32>,
          %parallel_loop3A_243 = vector.broadcast %parallel_loop3A_233 : i32 to vector<16xi32>
          %parallel_loop3A_244 = arith.addi %add3A_8, %parallel_loop3A_243 : vector<16xi32>
          %parallel_loop3A_245 = tpu.vector_load_idx %arg6[%parallel_loop3A_244] : memref<384xf32, #tpu.memory_space<vmem>>[vector<16xi32>], vector<16xf32>,
          %parallel_loop3A_246 = vector.broadcast %parallel_loop3A_233 : i32 to vector<16xi32>
          %parallel_loop3A_247 = arith.addi %add3A_11, %parallel_loop3A_246 : vector<16xi32>
          %parallel_loop3A_248 = tpu.vector_load_idx %arg6[%parallel_loop3A_247] : memref<384xf32, #tpu.memory_space<vmem>>[vector<16xi32>], vector<16xf32>,
          %parallel_loop3A_249 = vector.broadcast %parallel_loop3A_233 : i32 to vector<16xi32>
          %parallel_loop3A_250 = arith.addi %add3A_14, %parallel_loop3A_249 : vector<16xi32>
          %parallel_loop3A_251 = tpu.vector_load_idx %arg6[%parallel_loop3A_250] : memref<384xf32, #tpu.memory_space<vmem>>[vector<16xi32>], vector<16xf32>,
          %parallel_loop3A_252 = vector.broadcast %parallel_loop3A_233 : i32 to vector<16xi32>
          %parallel_loop3A_253 = arith.addi %add3A_17, %parallel_loop3A_252 : vector<16xi32>
          %parallel_loop3A_254 = tpu.vector_load_idx %arg6[%parallel_loop3A_253] : memref<384xf32, #tpu.memory_space<vmem>>[vector<16xi32>], vector<16xf32>,
          %parallel_loop3A_255 = vector.broadcast %parallel_loop3A_233 : i32 to vector<16xi32>
          %parallel_loop3A_256 = arith.addi %add3A_20, %parallel_loop3A_255 : vector<16xi32>
          %parallel_loop3A_257 = tpu.vector_load_idx %arg6[%parallel_loop3A_256] : memref<384xf32, #tpu.memory_space<vmem>>[vector<16xi32>], vector<16xf32>,
          %parallel_loop3A_258 = vector.broadcast %parallel_loop3A_233 : i32 to vector<16xi32>
          %parallel_loop3A_259 = arith.addi %add3A_23, %parallel_loop3A_258 : vector<16xi32>
          %parallel_loop3A_260 = tpu.vector_load_idx %arg6[%parallel_loop3A_259] : memref<384xf32, #tpu.memory_space<vmem>>[vector<16xi32>], vector<16xf32>,
          %parallel_loop3A_261 = vector.broadcast %parallel_loop3A_233 : i32 to vector<16xi32>
          %parallel_loop3A_262 = arith.addi %add3A_26, %parallel_loop3A_261 : vector<16xi32>
          %parallel_loop3A_263 = tpu.vector_load_idx %arg6[%parallel_loop3A_262] : memref<384xf32, #tpu.memory_space<vmem>>[vector<16xi32>], vector<16xf32>,
          %parallel_loop3A_264 = arith.constant 0 : i32
          %parallel_loop3A_265 = arith.addi %parallel_loop3A_239, %parallel_loop3A_264 : i32
          %parallel_loop3A_266 = arith.index_cast %parallel_loop3A_265 : i32 to index
          %parallel_loop3A_267 = tpu.vector_load %arg7[%parallel_loop3A_266] {strides = array<i32>} : memref<32768xf32, #tpu.memory_space<vmem>>, vector<16xf32>,
          tpu.vector_store %arg7[%parallel_loop3A_266], %parallel_loop3A_242 {strides = array<i32>} : memref<32768xf32, #tpu.memory_space<vmem>>, vector<16xf32>,
          %parallel_loop3A_268 = arith.constant 16 : i32
          %parallel_loop3A_269 = arith.addi %parallel_loop3A_239, %parallel_loop3A_268 : i32
          %parallel_loop3A_270 = arith.index_cast %parallel_loop3A_269 : i32 to index
          %parallel_loop3A_271 = tpu.vector_load %arg7[%parallel_loop3A_270] {strides = array<i32>} : memref<32768xf32, #tpu.memory_space<vmem>>, vector<16xf32>,
          tpu.vector_store %arg7[%parallel_loop3A_270], %parallel_loop3A_245 {strides = array<i32>} : memref<32768xf32, #tpu.memory_space<vmem>>, vector<16xf32>,
          %parallel_loop3A_272 = arith.constant 32 : i32
          %parallel_loop3A_273 = arith.addi %parallel_loop3A_239, %parallel_loop3A_272 : i32
          %parallel_loop3A_274 = arith.index_cast %parallel_loop3A_273 : i32 to index
          %parallel_loop3A_275 = tpu.vector_load %arg7[%parallel_loop3A_274] {strides = array<i32>} : memref<32768xf32, #tpu.memory_space<vmem>>, vector<16xf32>,
          tpu.vector_store %arg7[%parallel_loop3A_274], %parallel_loop3A_248 {strides = array<i32>} : memref<32768xf32, #tpu.memory_space<vmem>>, vector<16xf32>,
          %parallel_loop3A_276 = arith.constant 48 : i32
          %parallel_loop3A_277 = arith.addi %parallel_loop3A_239, %parallel_loop3A_276 : i32
          %parallel_loop3A_278 = arith.index_cast %parallel_loop3A_277 : i32 to index
          %parallel_loop3A_279 = tpu.vector_load %arg7[%parallel_loop3A_278] {strides = array<i32>} : memref<32768xf32, #tpu.memory_space<vmem>>, vector<16xf32>,
          tpu.vector_store %arg7[%parallel_loop3A_278], %parallel_loop3A_251 {strides = array<i32>} : memref<32768xf32, #tpu.memory_space<vmem>>, vector<16xf32>,
          %parallel_loop3A_280 = arith.constant 64 : i32
          %parallel_loop3A_281 = arith.addi %parallel_loop3A_239, %parallel_loop3A_280 : i32
          %parallel_loop3A_282 = arith.index_cast %parallel_loop3A_281 : i32 to index
          %parallel_loop3A_283 = tpu.vector_load %arg7[%parallel_loop3A_282] {strides = array<i32>} : memref<32768xf32, #tpu.memory_space<vmem>>, vector<16xf32>,
          tpu.vector_store %arg7[%parallel_loop3A_282], %parallel_loop3A_254 {strides = array<i32>} : memref<32768xf32, #tpu.memory_space<vmem>>, vector<16xf32>,
          %parallel_loop3A_284 = arith.constant 80 : i32
          %parallel_loop3A_285 = arith.addi %parallel_loop3A_239, %parallel_loop3A_284 : i32
          %parallel_loop3A_286 = arith.index_cast %parallel_loop3A_285 : i32 to index
          %parallel_loop3A_287 = tpu.vector_load %arg7[%parallel_loop3A_286] {strides = array<i32>} : memref<32768xf32, #tpu.memory_space<vmem>>, vector<16xf32>,
          tpu.vector_store %arg7[%parallel_loop3A_286], %parallel_loop3A_257 {strides = array<i32>} : memref<32768xf32, #tpu.memory_space<vmem>>, vector<16xf32>,
          %parallel_loop3A_288 = arith.constant 96 : i32
          %parallel_loop3A_289 = arith.addi %parallel_loop3A_239, %parallel_loop3A_288 : i32
          %parallel_loop3A_290 = arith.index_cast %parallel_loop3A_289 : i32 to index
          %parallel_loop3A_291 = tpu.vector_load %arg7[%parallel_loop3A_290] {strides = array<i32>} : memref<32768xf32, #tpu.memory_space<vmem>>, vector<16xf32>,
          tpu.vector_store %arg7[%parallel_loop3A_290], %parallel_loop3A_260 {strides = array<i32>} : memref<32768xf32, #tpu.memory_space<vmem>>, vector<16xf32>,
          %parallel_loop3A_292 = arith.constant 112 : i32
          %parallel_loop3A_293 = arith.addi %parallel_loop3A_239, %parallel_loop3A_292 : i32
          %parallel_loop3A_294 = arith.index_cast %parallel_loop3A_293 : i32 to index
          %parallel_loop3A_295 = tpu.vector_load %arg7[%parallel_loop3A_294] {strides = array<i32>} : memref<32768xf32, #tpu.memory_space<vmem>>, vector<16xf32>,
          tpu.vector_store %arg7[%parallel_loop3A_294], %parallel_loop3A_263 {strides = array<i32>} : memref<32768xf32, #tpu.memory_space<vmem>>, vector<16xf32>,
          %parallel_loop3A_296 = vector.extract_strided_slice %parallel_loop3A_103 {offsets = [3], sizes = [1], strides = [1]} : vector<16xi32> to vector<1xi32>
          %parallel_loop3A_297 = vector.extract %parallel_loop3A_296[0] : i32 from vector<1xi32>
          %parallel_loop3A_298 = arith.constant 16 : i32
          %parallel_loop3A_299 = arith.muli %parallel_loop3A_95, %parallel_loop3A_298 : i32
          %parallel_loop3A_300 = arith.constant 3 : i32
          %parallel_loop3A_301 = arith.addi %parallel_loop3A_299, %parallel_loop3A_300 : i32
          %parallel_loop3A_302 = arith.constant 128 : i32
          %parallel_loop3A_303 = arith.muli %parallel_loop3A_301, %parallel_loop3A_302 : i32
          %parallel_loop3A_304 = vector.broadcast %parallel_loop3A_297 : i32 to vector<16xi32>
          %parallel_loop3A_305 = arith.addi %add3A_5, %parallel_loop3A_304 : vector<16xi32>
          %parallel_loop3A_306 = tpu.vector_load_idx %arg6[%parallel_loop3A_305] : memref<384xf32, #tpu.memory_space<vmem>>[vector<16xi32>], vector<16xf32>,
          %parallel_loop3A_307 = vector.broadcast %parallel_loop3A_297 : i32 to vector<16xi32>
          %parallel_loop3A_308 = arith.addi %add3A_8, %parallel_loop3A_307 : vector<16xi32>
          %parallel_loop3A_309 = tpu.vector_load_idx %arg6[%parallel_loop3A_308] : memref<384xf32, #tpu.memory_space<vmem>>[vector<16xi32>], vector<16xf32>,
          %parallel_loop3A_310 = vector.broadcast %parallel_loop3A_297 : i32 to vector<16xi32>
          %parallel_loop3A_311 = arith.addi %add3A_11, %parallel_loop3A_310 : vector<16xi32>
          %parallel_loop3A_312 = tpu.vector_load_idx %arg6[%parallel_loop3A_311] : memref<384xf32, #tpu.memory_space<vmem>>[vector<16xi32>], vector<16xf32>,
          %parallel_loop3A_313 = vector.broadcast %parallel_loop3A_297 : i32 to vector<16xi32>
          %parallel_loop3A_314 = arith.addi %add3A_14, %parallel_loop3A_313 : vector<16xi32>
          %parallel_loop3A_315 = tpu.vector_load_idx %arg6[%parallel_loop3A_314] : memref<384xf32, #tpu.memory_space<vmem>>[vector<16xi32>], vector<16xf32>,
          %parallel_loop3A_316 = vector.broadcast %parallel_loop3A_297 : i32 to vector<16xi32>
          %parallel_loop3A_317 = arith.addi %add3A_17, %parallel_loop3A_316 : vector<16xi32>
          %parallel_loop3A_318 = tpu.vector_load_idx %arg6[%parallel_loop3A_317] : memref<384xf32, #tpu.memory_space<vmem>>[vector<16xi32>], vector<16xf32>,
          %parallel_loop3A_319 = vector.broadcast %parallel_loop3A_297 : i32 to vector<16xi32>
          %parallel_loop3A_320 = arith.addi %add3A_20, %parallel_loop3A_319 : vector<16xi32>
          %parallel_loop3A_321 = tpu.vector_load_idx %arg6[%parallel_loop3A_320] : memref<384xf32, #tpu.memory_space<vmem>>[vector<16xi32>], vector<16xf32>,
          %parallel_loop3A_322 = vector.broadcast %parallel_loop3A_297 : i32 to vector<16xi32>
          %parallel_loop3A_323 = arith.addi %add3A_23, %parallel_loop3A_322 : vector<16xi32>
          %parallel_loop3A_324 = tpu.vector_load_idx %arg6[%parallel_loop3A_323] : memref<384xf32, #tpu.memory_space<vmem>>[vector<16xi32>], vector<16xf32>,
          %parallel_loop3A_325 = vector.broadcast %parallel_loop3A_297 : i32 to vector<16xi32>
          %parallel_loop3A_326 = arith.addi %add3A_26, %parallel_loop3A_325 : vector<16xi32>
          %parallel_loop3A_327 = tpu.vector_load_idx %arg6[%parallel_loop3A_326] : memref<384xf32, #tpu.memory_space<vmem>>[vector<16xi32>], vector<16xf32>,
          %parallel_loop3A_328 = arith.constant 0 : i32
          %parallel_loop3A_329 = arith.addi %parallel_loop3A_303, %parallel_loop3A_328 : i32
          %parallel_loop3A_330 = arith.index_cast %parallel_loop3A_329 : i32 to index
          %parallel_loop3A_331 = tpu.vector_load %arg7[%parallel_loop3A_330] {strides = array<i32>} : memref<32768xf32, #tpu.memory_space<vmem>>, vector<16xf32>,
          tpu.vector_store %arg7[%parallel_loop3A_330], %parallel_loop3A_306 {strides = array<i32>} : memref<32768xf32, #tpu.memory_space<vmem>>, vector<16xf32>,
          %parallel_loop3A_332 = arith.constant 16 : i32
          %parallel_loop3A_333 = arith.addi %parallel_loop3A_303, %parallel_loop3A_332 : i32
          %parallel_loop3A_334 = arith.index_cast %parallel_loop3A_333 : i32 to index
          %parallel_loop3A_335 = tpu.vector_load %arg7[%parallel_loop3A_334] {strides = array<i32>} : memref<32768xf32, #tpu.memory_space<vmem>>, vector<16xf32>,
          tpu.vector_store %arg7[%parallel_loop3A_334], %parallel_loop3A_309 {strides = array<i32>} : memref<32768xf32, #tpu.memory_space<vmem>>, vector<16xf32>,
          %parallel_loop3A_336 = arith.constant 32 : i32
          %parallel_loop3A_337 = arith.addi %parallel_loop3A_303, %parallel_loop3A_336 : i32
          %parallel_loop3A_338 = arith.index_cast %parallel_loop3A_337 : i32 to index
          %parallel_loop3A_339 = tpu.vector_load %arg7[%parallel_loop3A_338] {strides = array<i32>} : memref<32768xf32, #tpu.memory_space<vmem>>, vector<16xf32>,
          tpu.vector_store %arg7[%parallel_loop3A_338], %parallel_loop3A_312 {strides = array<i32>} : memref<32768xf32, #tpu.memory_space<vmem>>, vector<16xf32>,
          %parallel_loop3A_340 = arith.constant 48 : i32
          %parallel_loop3A_341 = arith.addi %parallel_loop3A_303, %parallel_loop3A_340 : i32
          %parallel_loop3A_342 = arith.index_cast %parallel_loop3A_341 : i32 to index
          %parallel_loop3A_343 = tpu.vector_load %arg7[%parallel_loop3A_342] {strides = array<i32>} : memref<32768xf32, #tpu.memory_space<vmem>>, vector<16xf32>,
          tpu.vector_store %arg7[%parallel_loop3A_342], %parallel_loop3A_315 {strides = array<i32>} : memref<32768xf32, #tpu.memory_space<vmem>>, vector<16xf32>,
          %parallel_loop3A_344 = arith.constant 64 : i32
          %parallel_loop3A_345 = arith.addi %parallel_loop3A_303, %parallel_loop3A_344 : i32
          %parallel_loop3A_346 = arith.index_cast %parallel_loop3A_345 : i32 to index
          %parallel_loop3A_347 = tpu.vector_load %arg7[%parallel_loop3A_346] {strides = array<i32>} : memref<32768xf32, #tpu.memory_space<vmem>>, vector<16xf32>,
          tpu.vector_store %arg7[%parallel_loop3A_346], %parallel_loop3A_318 {strides = array<i32>} : memref<32768xf32, #tpu.memory_space<vmem>>, vector<16xf32>,
          %parallel_loop3A_348 = arith.constant 80 : i32
          %parallel_loop3A_349 = arith.addi %parallel_loop3A_303, %parallel_loop3A_348 : i32
          %parallel_loop3A_350 = arith.index_cast %parallel_loop3A_349 : i32 to index
          %parallel_loop3A_351 = tpu.vector_load %arg7[%parallel_loop3A_350] {strides = array<i32>} : memref<32768xf32, #tpu.memory_space<vmem>>, vector<16xf32>,
          tpu.vector_store %arg7[%parallel_loop3A_350], %parallel_loop3A_321 {strides = array<i32>} : memref<32768xf32, #tpu.memory_space<vmem>>, vector<16xf32>,
          %parallel_loop3A_352 = arith.constant 96 : i32
          %parallel_loop3A_353 = arith.addi %parallel_loop3A_303, %parallel_loop3A_352 : i32
          %parallel_loop3A_354 = arith.index_cast %parallel_loop3A_353 : i32 to index
          %parallel_loop3A_355 = tpu.vector_load %arg7[%parallel_loop3A_354] {strides = array<i32>} : memref<32768xf32, #tpu.memory_space<vmem>>, vector<16xf32>,
          tpu.vector_store %arg7[%parallel_loop3A_354], %parallel_loop3A_324 {strides = array<i32>} : memref<32768xf32, #tpu.memory_space<vmem>>, vector<16xf32>,
          %parallel_loop3A_356 = arith.constant 112 : i32
          %parallel_loop3A_357 = arith.addi %parallel_loop3A_303, %parallel_loop3A_356 : i32
          %parallel_loop3A_358 = arith.index_cast %parallel_loop3A_357 : i32 to index
          %parallel_loop3A_359 = tpu.vector_load %arg7[%parallel_loop3A_358] {strides = array<i32>} : memref<32768xf32, #tpu.memory_space<vmem>>, vector<16xf32>,
          tpu.vector_store %arg7[%parallel_loop3A_358], %parallel_loop3A_327 {strides = array<i32>} : memref<32768xf32, #tpu.memory_space<vmem>>, vector<16xf32>,
          %parallel_loop3A_360 = vector.extract_strided_slice %parallel_loop3A_103 {offsets = [4], sizes = [1], strides = [1]} : vector<16xi32> to vector<1xi32>
          %parallel_loop3A_361 = vector.extract %parallel_loop3A_360[0] : i32 from vector<1xi32>
          %parallel_loop3A_362 = arith.constant 16 : i32
          %parallel_loop3A_363 = arith.muli %parallel_loop3A_95, %parallel_loop3A_362 : i32
          %parallel_loop3A_364 = arith.constant 4 : i32
          %parallel_loop3A_365 = arith.addi %parallel_loop3A_363, %parallel_loop3A_364 : i32
          %parallel_loop3A_366 = arith.constant 128 : i32
          %parallel_loop3A_367 = arith.muli %parallel_loop3A_365, %parallel_loop3A_366 : i32
          %parallel_loop3A_368 = vector.broadcast %parallel_loop3A_361 : i32 to vector<16xi32>
          %parallel_loop3A_369 = arith.addi %add3A_5, %parallel_loop3A_368 : vector<16xi32>
          %parallel_loop3A_370 = tpu.vector_load_idx %arg6[%parallel_loop3A_369] : memref<384xf32, #tpu.memory_space<vmem>>[vector<16xi32>], vector<16xf32>,
          %parallel_loop3A_371 = vector.broadcast %parallel_loop3A_361 : i32 to vector<16xi32>
          %parallel_loop3A_372 = arith.addi %add3A_8, %parallel_loop3A_371 : vector<16xi32>
          %parallel_loop3A_373 = tpu.vector_load_idx %arg6[%parallel_loop3A_372] : memref<384xf32, #tpu.memory_space<vmem>>[vector<16xi32>], vector<16xf32>,
          %parallel_loop3A_374 = vector.broadcast %parallel_loop3A_361 : i32 to vector<16xi32>
          %parallel_loop3A_375 = arith.addi %add3A_11, %parallel_loop3A_374 : vector<16xi32>
          %parallel_loop3A_376 = tpu.vector_load_idx %arg6[%parallel_loop3A_375] : memref<384xf32, #tpu.memory_space<vmem>>[vector<16xi32>], vector<16xf32>,
          %parallel_loop3A_377 = vector.broadcast %parallel_loop3A_361 : i32 to vector<16xi32>
          %parallel_loop3A_378 = arith.addi %add3A_14, %parallel_loop3A_377 : vector<16xi32>
          %parallel_loop3A_379 = tpu.vector_load_idx %arg6[%parallel_loop3A_378] : memref<384xf32, #tpu.memory_space<vmem>>[vector<16xi32>], vector<16xf32>,
          %parallel_loop3A_380 = vector.broadcast %parallel_loop3A_361 : i32 to vector<16xi32>
          %parallel_loop3A_381 = arith.addi %add3A_17, %parallel_loop3A_380 : vector<16xi32>
          %parallel_loop3A_382 = tpu.vector_load_idx %arg6[%parallel_loop3A_381] : memref<384xf32, #tpu.memory_space<vmem>>[vector<16xi32>], vector<16xf32>,
          %parallel_loop3A_383 = vector.broadcast %parallel_loop3A_361 : i32 to vector<16xi32>
          %parallel_loop3A_384 = arith.addi %add3A_20, %parallel_loop3A_383 : vector<16xi32>
          %parallel_loop3A_385 = tpu.vector_load_idx %arg6[%parallel_loop3A_384] : memref<384xf32, #tpu.memory_space<vmem>>[vector<16xi32>], vector<16xf32>,
          %parallel_loop3A_386 = vector.broadcast %parallel_loop3A_361 : i32 to vector<16xi32>
          %parallel_loop3A_387 = arith.addi %add3A_23, %parallel_loop3A_386 : vector<16xi32>
          %parallel_loop3A_388 = tpu.vector_load_idx %arg6[%parallel_loop3A_387] : memref<384xf32, #tpu.memory_space<vmem>>[vector<16xi32>], vector<16xf32>,
          %parallel_loop3A_389 = vector.broadcast %parallel_loop3A_361 : i32 to vector<16xi32>
          %parallel_loop3A_390 = arith.addi %add3A_26, %parallel_loop3A_389 : vector<16xi32>
          %parallel_loop3A_391 = tpu.vector_load_idx %arg6[%parallel_loop3A_390] : memref<384xf32, #tpu.memory_space<vmem>>[vector<16xi32>], vector<16xf32>,
          %parallel_loop3A_392 = arith.constant 0 : i32
          %parallel_loop3A_393 = arith.addi %parallel_loop3A_367, %parallel_loop3A_392 : i32
          %parallel_loop3A_394 = arith.index_cast %parallel_loop3A_393 : i32 to index
          %parallel_loop3A_395 = tpu.vector_load %arg7[%parallel_loop3A_394] {strides = array<i32>} : memref<32768xf32, #tpu.memory_space<vmem>>, vector<16xf32>,
          tpu.vector_store %arg7[%parallel_loop3A_394], %parallel_loop3A_370 {strides = array<i32>} : memref<32768xf32, #tpu.memory_space<vmem>>, vector<16xf32>,
          %parallel_loop3A_396 = arith.constant 16 : i32
          %parallel_loop3A_397 = arith.addi %parallel_loop3A_367, %parallel_loop3A_396 : i32
          %parallel_loop3A_398 = arith.index_cast %parallel_loop3A_397 : i32 to index
          %parallel_loop3A_399 = tpu.vector_load %arg7[%parallel_loop3A_398] {strides = array<i32>} : memref<32768xf32, #tpu.memory_space<vmem>>, vector<16xf32>,
          tpu.vector_store %arg7[%parallel_loop3A_398], %parallel_loop3A_373 {strides = array<i32>} : memref<32768xf32, #tpu.memory_space<vmem>>, vector<16xf32>,
          %parallel_loop3A_400 = arith.constant 32 : i32
          %parallel_loop3A_401 = arith.addi %parallel_loop3A_367, %parallel_loop3A_400 : i32
          %parallel_loop3A_402 = arith.index_cast %parallel_loop3A_401 : i32 to index
          %parallel_loop3A_403 = tpu.vector_load %arg7[%parallel_loop3A_402] {strides = array<i32>} : memref<32768xf32, #tpu.memory_space<vmem>>, vector<16xf32>,
          tpu.vector_store %arg7[%parallel_loop3A_402], %parallel_loop3A_376 {strides = array<i32>} : memref<32768xf32, #tpu.memory_space<vmem>>, vector<16xf32>,
          %parallel_loop3A_404 = arith.constant 48 : i32
          %parallel_loop3A_405 = arith.addi %parallel_loop3A_367, %parallel_loop3A_404 : i32
          %parallel_loop3A_406 = arith.index_cast %parallel_loop3A_405 : i32 to index
          %parallel_loop3A_407 = tpu.vector_load %arg7[%parallel_loop3A_406] {strides = array<i32>} : memref<32768xf32, #tpu.memory_space<vmem>>, vector<16xf32>,
          tpu.vector_store %arg7[%parallel_loop3A_406], %parallel_loop3A_379 {strides = array<i32>} : memref<32768xf32, #tpu.memory_space<vmem>>, vector<16xf32>,
          %parallel_loop3A_408 = arith.constant 64 : i32
          %parallel_loop3A_409 = arith.addi %parallel_loop3A_367, %parallel_loop3A_408 : i32
          %parallel_loop3A_410 = arith.index_cast %parallel_loop3A_409 : i32 to index
          %parallel_loop3A_411 = tpu.vector_load %arg7[%parallel_loop3A_410] {strides = array<i32>} : memref<32768xf32, #tpu.memory_space<vmem>>, vector<16xf32>,
          tpu.vector_store %arg7[%parallel_loop3A_410], %parallel_loop3A_382 {strides = array<i32>} : memref<32768xf32, #tpu.memory_space<vmem>>, vector<16xf32>,
          %parallel_loop3A_412 = arith.constant 80 : i32
          %parallel_loop3A_413 = arith.addi %parallel_loop3A_367, %parallel_loop3A_412 : i32
          %parallel_loop3A_414 = arith.index_cast %parallel_loop3A_413 : i32 to index
          %parallel_loop3A_415 = tpu.vector_load %arg7[%parallel_loop3A_414] {strides = array<i32>} : memref<32768xf32, #tpu.memory_space<vmem>>, vector<16xf32>,
          tpu.vector_store %arg7[%parallel_loop3A_414], %parallel_loop3A_385 {strides = array<i32>} : memref<32768xf32, #tpu.memory_space<vmem>>, vector<16xf32>,
          %parallel_loop3A_416 = arith.constant 96 : i32
          %parallel_loop3A_417 = arith.addi %parallel_loop3A_367, %parallel_loop3A_416 : i32
          %parallel_loop3A_418 = arith.index_cast %parallel_loop3A_417 : i32 to index
          %parallel_loop3A_419 = tpu.vector_load %arg7[%parallel_loop3A_418] {strides = array<i32>} : memref<32768xf32, #tpu.memory_space<vmem>>, vector<16xf32>,
          tpu.vector_store %arg7[%parallel_loop3A_418], %parallel_loop3A_388 {strides = array<i32>} : memref<32768xf32, #tpu.memory_space<vmem>>, vector<16xf32>,
          %parallel_loop3A_420 = arith.constant 112 : i32
          %parallel_loop3A_421 = arith.addi %parallel_loop3A_367, %parallel_loop3A_420 : i32
          %parallel_loop3A_422 = arith.index_cast %parallel_loop3A_421 : i32 to index
          %parallel_loop3A_423 = tpu.vector_load %arg7[%parallel_loop3A_422] {strides = array<i32>} : memref<32768xf32, #tpu.memory_space<vmem>>, vector<16xf32>,
          tpu.vector_store %arg7[%parallel_loop3A_422], %parallel_loop3A_391 {strides = array<i32>} : memref<32768xf32, #tpu.memory_space<vmem>>, vector<16xf32>,
          %parallel_loop3A_424 = vector.extract_strided_slice %parallel_loop3A_103 {offsets = [5], sizes = [1], strides = [1]} : vector<16xi32> to vector<1xi32>
          %parallel_loop3A_425 = vector.extract %parallel_loop3A_424[0] : i32 from vector<1xi32>
          %parallel_loop3A_426 = arith.constant 16 : i32
          %parallel_loop3A_427 = arith.muli %parallel_loop3A_95, %parallel_loop3A_426 : i32
          %parallel_loop3A_428 = arith.constant 5 : i32
          %parallel_loop3A_429 = arith.addi %parallel_loop3A_427, %parallel_loop3A_428 : i32
          %parallel_loop3A_430 = arith.constant 128 : i32
          %parallel_loop3A_431 = arith.muli %parallel_loop3A_429, %parallel_loop3A_430 : i32
          %parallel_loop3A_432 = vector.broadcast %parallel_loop3A_425 : i32 to vector<16xi32>
          %parallel_loop3A_433 = arith.addi %add3A_5, %parallel_loop3A_432 : vector<16xi32>
          %parallel_loop3A_434 = tpu.vector_load_idx %arg6[%parallel_loop3A_433] : memref<384xf32, #tpu.memory_space<vmem>>[vector<16xi32>], vector<16xf32>,
          %parallel_loop3A_435 = vector.broadcast %parallel_loop3A_425 : i32 to vector<16xi32>
          %parallel_loop3A_436 = arith.addi %add3A_8, %parallel_loop3A_435 : vector<16xi32>
          %parallel_loop3A_437 = tpu.vector_load_idx %arg6[%parallel_loop3A_436] : memref<384xf32, #tpu.memory_space<vmem>>[vector<16xi32>], vector<16xf32>,
          %parallel_loop3A_438 = vector.broadcast %parallel_loop3A_425 : i32 to vector<16xi32>
          %parallel_loop3A_439 = arith.addi %add3A_11, %parallel_loop3A_438 : vector<16xi32>
          %parallel_loop3A_440 = tpu.vector_load_idx %arg6[%parallel_loop3A_439] : memref<384xf32, #tpu.memory_space<vmem>>[vector<16xi32>], vector<16xf32>,
          %parallel_loop3A_441 = vector.broadcast %parallel_loop3A_425 : i32 to vector<16xi32>
          %parallel_loop3A_442 = arith.addi %add3A_14, %parallel_loop3A_441 : vector<16xi32>
          %parallel_loop3A_443 = tpu.vector_load_idx %arg6[%parallel_loop3A_442] : memref<384xf32, #tpu.memory_space<vmem>>[vector<16xi32>], vector<16xf32>,
          %parallel_loop3A_444 = vector.broadcast %parallel_loop3A_425 : i32 to vector<16xi32>
          %parallel_loop3A_445 = arith.addi %add3A_17, %parallel_loop3A_444 : vector<16xi32>
          %parallel_loop3A_446 = tpu.vector_load_idx %arg6[%parallel_loop3A_445] : memref<384xf32, #tpu.memory_space<vmem>>[vector<16xi32>], vector<16xf32>,
          %parallel_loop3A_447 = vector.broadcast %parallel_loop3A_425 : i32 to vector<16xi32>
          %parallel_loop3A_448 = arith.addi %add3A_20, %parallel_loop3A_447 : vector<16xi32>
          %parallel_loop3A_449 = tpu.vector_load_idx %arg6[%parallel_loop3A_448] : memref<384xf32, #tpu.memory_space<vmem>>[vector<16xi32>], vector<16xf32>,
          %parallel_loop3A_450 = vector.broadcast %parallel_loop3A_425 : i32 to vector<16xi32>
          %parallel_loop3A_451 = arith.addi %add3A_23, %parallel_loop3A_450 : vector<16xi32>
          %parallel_loop3A_452 = tpu.vector_load_idx %arg6[%parallel_loop3A_451] : memref<384xf32, #tpu.memory_space<vmem>>[vector<16xi32>], vector<16xf32>,
          %parallel_loop3A_453 = vector.broadcast %parallel_loop3A_425 : i32 to vector<16xi32>
          %parallel_loop3A_454 = arith.addi %add3A_26, %parallel_loop3A_453 : vector<16xi32>
          %parallel_loop3A_455 = tpu.vector_load_idx %arg6[%parallel_loop3A_454] : memref<384xf32, #tpu.memory_space<vmem>>[vector<16xi32>], vector<16xf32>,
          %parallel_loop3A_456 = arith.constant 0 : i32
          %parallel_loop3A_457 = arith.addi %parallel_loop3A_431, %parallel_loop3A_456 : i32
          %parallel_loop3A_458 = arith.index_cast %parallel_loop3A_457 : i32 to index
          %parallel_loop3A_459 = tpu.vector_load %arg7[%parallel_loop3A_458] {strides = array<i32>} : memref<32768xf32, #tpu.memory_space<vmem>>, vector<16xf32>,
          tpu.vector_store %arg7[%parallel_loop3A_458], %parallel_loop3A_434 {strides = array<i32>} : memref<32768xf32, #tpu.memory_space<vmem>>, vector<16xf32>,
          %parallel_loop3A_460 = arith.constant 16 : i32
          %parallel_loop3A_461 = arith.addi %parallel_loop3A_431, %parallel_loop3A_460 : i32
          %parallel_loop3A_462 = arith.index_cast %parallel_loop3A_461 : i32 to index
          %parallel_loop3A_463 = tpu.vector_load %arg7[%parallel_loop3A_462] {strides = array<i32>} : memref<32768xf32, #tpu.memory_space<vmem>>, vector<16xf32>,
          tpu.vector_store %arg7[%parallel_loop3A_462], %parallel_loop3A_437 {strides = array<i32>} : memref<32768xf32, #tpu.memory_space<vmem>>, vector<16xf32>,
          %parallel_loop3A_464 = arith.constant 32 : i32
          %parallel_loop3A_465 = arith.addi %parallel_loop3A_431, %parallel_loop3A_464 : i32
          %parallel_loop3A_466 = arith.index_cast %parallel_loop3A_465 : i32 to index
          %parallel_loop3A_467 = tpu.vector_load %arg7[%parallel_loop3A_466] {strides = array<i32>} : memref<32768xf32, #tpu.memory_space<vmem>>, vector<16xf32>,
          tpu.vector_store %arg7[%parallel_loop3A_466], %parallel_loop3A_440 {strides = array<i32>} : memref<32768xf32, #tpu.memory_space<vmem>>, vector<16xf32>,
          %parallel_loop3A_468 = arith.constant 48 : i32
          %parallel_loop3A_469 = arith.addi %parallel_loop3A_431, %parallel_loop3A_468 : i32
          %parallel_loop3A_470 = arith.index_cast %parallel_loop3A_469 : i32 to index
          %parallel_loop3A_471 = tpu.vector_load %arg7[%parallel_loop3A_470] {strides = array<i32>} : memref<32768xf32, #tpu.memory_space<vmem>>, vector<16xf32>,
          tpu.vector_store %arg7[%parallel_loop3A_470], %parallel_loop3A_443 {strides = array<i32>} : memref<32768xf32, #tpu.memory_space<vmem>>, vector<16xf32>,
          %parallel_loop3A_472 = arith.constant 64 : i32
          %parallel_loop3A_473 = arith.addi %parallel_loop3A_431, %parallel_loop3A_472 : i32
          %parallel_loop3A_474 = arith.index_cast %parallel_loop3A_473 : i32 to index
          %parallel_loop3A_475 = tpu.vector_load %arg7[%parallel_loop3A_474] {strides = array<i32>} : memref<32768xf32, #tpu.memory_space<vmem>>, vector<16xf32>,
          tpu.vector_store %arg7[%parallel_loop3A_474], %parallel_loop3A_446 {strides = array<i32>} : memref<32768xf32, #tpu.memory_space<vmem>>, vector<16xf32>,
          %parallel_loop3A_476 = arith.constant 80 : i32
          %parallel_loop3A_477 = arith.addi %parallel_loop3A_431, %parallel_loop3A_476 : i32
          %parallel_loop3A_478 = arith.index_cast %parallel_loop3A_477 : i32 to index
          %parallel_loop3A_479 = tpu.vector_load %arg7[%parallel_loop3A_478] {strides = array<i32>} : memref<32768xf32, #tpu.memory_space<vmem>>, vector<16xf32>,
          tpu.vector_store %arg7[%parallel_loop3A_478], %parallel_loop3A_449 {strides = array<i32>} : memref<32768xf32, #tpu.memory_space<vmem>>, vector<16xf32>,
          %parallel_loop3A_480 = arith.constant 96 : i32
          %parallel_loop3A_481 = arith.addi %parallel_loop3A_431, %parallel_loop3A_480 : i32
          %parallel_loop3A_482 = arith.index_cast %parallel_loop3A_481 : i32 to index
          %parallel_loop3A_483 = tpu.vector_load %arg7[%parallel_loop3A_482] {strides = array<i32>} : memref<32768xf32, #tpu.memory_space<vmem>>, vector<16xf32>,
          tpu.vector_store %arg7[%parallel_loop3A_482], %parallel_loop3A_452 {strides = array<i32>} : memref<32768xf32, #tpu.memory_space<vmem>>, vector<16xf32>,
          %parallel_loop3A_484 = arith.constant 112 : i32
          %parallel_loop3A_485 = arith.addi %parallel_loop3A_431, %parallel_loop3A_484 : i32
          %parallel_loop3A_486 = arith.index_cast %parallel_loop3A_485 : i32 to index
          %parallel_loop3A_487 = tpu.vector_load %arg7[%parallel_loop3A_486] {strides = array<i32>} : memref<32768xf32, #tpu.memory_space<vmem>>, vector<16xf32>,
          tpu.vector_store %arg7[%parallel_loop3A_486], %parallel_loop3A_455 {strides = array<i32>} : memref<32768xf32, #tpu.memory_space<vmem>>, vector<16xf32>,
          %parallel_loop3A_488 = vector.extract_strided_slice %parallel_loop3A_103 {offsets = [6], sizes = [1], strides = [1]} : vector<16xi32> to vector<1xi32>
          %parallel_loop3A_489 = vector.extract %parallel_loop3A_488[0] : i32 from vector<1xi32>
          %parallel_loop3A_490 = arith.constant 16 : i32
          %parallel_loop3A_491 = arith.muli %parallel_loop3A_95, %parallel_loop3A_490 : i32
          %parallel_loop3A_492 = arith.constant 6 : i32
          %parallel_loop3A_493 = arith.addi %parallel_loop3A_491, %parallel_loop3A_492 : i32
          %parallel_loop3A_494 = arith.constant 128 : i32
          %parallel_loop3A_495 = arith.muli %parallel_loop3A_493, %parallel_loop3A_494 : i32
          %parallel_loop3A_496 = vector.broadcast %parallel_loop3A_489 : i32 to vector<16xi32>
          %parallel_loop3A_497 = arith.addi %add3A_5, %parallel_loop3A_496 : vector<16xi32>
          %parallel_loop3A_498 = tpu.vector_load_idx %arg6[%parallel_loop3A_497] : memref<384xf32, #tpu.memory_space<vmem>>[vector<16xi32>], vector<16xf32>,
          %parallel_loop3A_499 = vector.broadcast %parallel_loop3A_489 : i32 to vector<16xi32>
          %parallel_loop3A_500 = arith.addi %add3A_8, %parallel_loop3A_499 : vector<16xi32>
          %parallel_loop3A_501 = tpu.vector_load_idx %arg6[%parallel_loop3A_500] : memref<384xf32, #tpu.memory_space<vmem>>[vector<16xi32>], vector<16xf32>,
          %parallel_loop3A_502 = vector.broadcast %parallel_loop3A_489 : i32 to vector<16xi32>
          %parallel_loop3A_503 = arith.addi %add3A_11, %parallel_loop3A_502 : vector<16xi32>
          %parallel_loop3A_504 = tpu.vector_load_idx %arg6[%parallel_loop3A_503] : memref<384xf32, #tpu.memory_space<vmem>>[vector<16xi32>], vector<16xf32>,
          %parallel_loop3A_505 = vector.broadcast %parallel_loop3A_489 : i32 to vector<16xi32>
          %parallel_loop3A_506 = arith.addi %add3A_14, %parallel_loop3A_505 : vector<16xi32>
          %parallel_loop3A_507 = tpu.vector_load_idx %arg6[%parallel_loop3A_506] : memref<384xf32, #tpu.memory_space<vmem>>[vector<16xi32>], vector<16xf32>,
          %parallel_loop3A_508 = vector.broadcast %parallel_loop3A_489 : i32 to vector<16xi32>
          %parallel_loop3A_509 = arith.addi %add3A_17, %parallel_loop3A_508 : vector<16xi32>
          %parallel_loop3A_510 = tpu.vector_load_idx %arg6[%parallel_loop3A_509] : memref<384xf32, #tpu.memory_space<vmem>>[vector<16xi32>], vector<16xf32>,
          %parallel_loop3A_511 = vector.broadcast %parallel_loop3A_489 : i32 to vector<16xi32>
          %parallel_loop3A_512 = arith.addi %add3A_20, %parallel_loop3A_511 : vector<16xi32>
          %parallel_loop3A_513 = tpu.vector_load_idx %arg6[%parallel_loop3A_512] : memref<384xf32, #tpu.memory_space<vmem>>[vector<16xi32>], vector<16xf32>,
          %parallel_loop3A_514 = vector.broadcast %parallel_loop3A_489 : i32 to vector<16xi32>
          %parallel_loop3A_515 = arith.addi %add3A_23, %parallel_loop3A_514 : vector<16xi32>
          %parallel_loop3A_516 = tpu.vector_load_idx %arg6[%parallel_loop3A_515] : memref<384xf32, #tpu.memory_space<vmem>>[vector<16xi32>], vector<16xf32>,
          %parallel_loop3A_517 = vector.broadcast %parallel_loop3A_489 : i32 to vector<16xi32>
          %parallel_loop3A_518 = arith.addi %add3A_26, %parallel_loop3A_517 : vector<16xi32>
          %parallel_loop3A_519 = tpu.vector_load_idx %arg6[%parallel_loop3A_518] : memref<384xf32, #tpu.memory_space<vmem>>[vector<16xi32>], vector<16xf32>,
          %parallel_loop3A_520 = arith.constant 0 : i32
          %parallel_loop3A_521 = arith.addi %parallel_loop3A_495, %parallel_loop3A_520 : i32
          %parallel_loop3A_522 = arith.index_cast %parallel_loop3A_521 : i32 to index
          %parallel_loop3A_523 = tpu.vector_load %arg7[%parallel_loop3A_522] {strides = array<i32>} : memref<32768xf32, #tpu.memory_space<vmem>>, vector<16xf32>,
          tpu.vector_store %arg7[%parallel_loop3A_522], %parallel_loop3A_498 {strides = array<i32>} : memref<32768xf32, #tpu.memory_space<vmem>>, vector<16xf32>,
          %parallel_loop3A_524 = arith.constant 16 : i32
          %parallel_loop3A_525 = arith.addi %parallel_loop3A_495, %parallel_loop3A_524 : i32
          %parallel_loop3A_526 = arith.index_cast %parallel_loop3A_525 : i32 to index
          %parallel_loop3A_527 = tpu.vector_load %arg7[%parallel_loop3A_526] {strides = array<i32>} : memref<32768xf32, #tpu.memory_space<vmem>>, vector<16xf32>,
          tpu.vector_store %arg7[%parallel_loop3A_526], %parallel_loop3A_501 {strides = array<i32>} : memref<32768xf32, #tpu.memory_space<vmem>>, vector<16xf32>,
          %parallel_loop3A_528 = arith.constant 32 : i32
          %parallel_loop3A_529 = arith.addi %parallel_loop3A_495, %parallel_loop3A_528 : i32
          %parallel_loop3A_530 = arith.index_cast %parallel_loop3A_529 : i32 to index
          %parallel_loop3A_531 = tpu.vector_load %arg7[%parallel_loop3A_530] {strides = array<i32>} : memref<32768xf32, #tpu.memory_space<vmem>>, vector<16xf32>,
          tpu.vector_store %arg7[%parallel_loop3A_530], %parallel_loop3A_504 {strides = array<i32>} : memref<32768xf32, #tpu.memory_space<vmem>>, vector<16xf32>,
          %parallel_loop3A_532 = arith.constant 48 : i32
          %parallel_loop3A_533 = arith.addi %parallel_loop3A_495, %parallel_loop3A_532 : i32
          %parallel_loop3A_534 = arith.index_cast %parallel_loop3A_533 : i32 to index
          %parallel_loop3A_535 = tpu.vector_load %arg7[%parallel_loop3A_534] {strides = array<i32>} : memref<32768xf32, #tpu.memory_space<vmem>>, vector<16xf32>,
          tpu.vector_store %arg7[%parallel_loop3A_534], %parallel_loop3A_507 {strides = array<i32>} : memref<32768xf32, #tpu.memory_space<vmem>>, vector<16xf32>,
          %parallel_loop3A_536 = arith.constant 64 : i32
          %parallel_loop3A_537 = arith.addi %parallel_loop3A_495, %parallel_loop3A_536 : i32
          %parallel_loop3A_538 = arith.index_cast %parallel_loop3A_537 : i32 to index
          %parallel_loop3A_539 = tpu.vector_load %arg7[%parallel_loop3A_538] {strides = array<i32>} : memref<32768xf32, #tpu.memory_space<vmem>>, vector<16xf32>,
          tpu.vector_store %arg7[%parallel_loop3A_538], %parallel_loop3A_510 {strides = array<i32>} : memref<32768xf32, #tpu.memory_space<vmem>>, vector<16xf32>,
          %parallel_loop3A_540 = arith.constant 80 : i32
          %parallel_loop3A_541 = arith.addi %parallel_loop3A_495, %parallel_loop3A_540 : i32
          %parallel_loop3A_542 = arith.index_cast %parallel_loop3A_541 : i32 to index
          %parallel_loop3A_543 = tpu.vector_load %arg7[%parallel_loop3A_542] {strides = array<i32>} : memref<32768xf32, #tpu.memory_space<vmem>>, vector<16xf32>,
          tpu.vector_store %arg7[%parallel_loop3A_542], %parallel_loop3A_513 {strides = array<i32>} : memref<32768xf32, #tpu.memory_space<vmem>>, vector<16xf32>,
          %parallel_loop3A_544 = arith.constant 96 : i32
          %parallel_loop3A_545 = arith.addi %parallel_loop3A_495, %parallel_loop3A_544 : i32
          %parallel_loop3A_546 = arith.index_cast %parallel_loop3A_545 : i32 to index
          %parallel_loop3A_547 = tpu.vector_load %arg7[%parallel_loop3A_546] {strides = array<i32>} : memref<32768xf32, #tpu.memory_space<vmem>>, vector<16xf32>,
          tpu.vector_store %arg7[%parallel_loop3A_546], %parallel_loop3A_516 {strides = array<i32>} : memref<32768xf32, #tpu.memory_space<vmem>>, vector<16xf32>,
          %parallel_loop3A_548 = arith.constant 112 : i32
          %parallel_loop3A_549 = arith.addi %parallel_loop3A_495, %parallel_loop3A_548 : i32
          %parallel_loop3A_550 = arith.index_cast %parallel_loop3A_549 : i32 to index
          %parallel_loop3A_551 = tpu.vector_load %arg7[%parallel_loop3A_550] {strides = array<i32>} : memref<32768xf32, #tpu.memory_space<vmem>>, vector<16xf32>,
          tpu.vector_store %arg7[%parallel_loop3A_550], %parallel_loop3A_519 {strides = array<i32>} : memref<32768xf32, #tpu.memory_space<vmem>>, vector<16xf32>,
          %parallel_loop3A_552 = vector.extract_strided_slice %parallel_loop3A_103 {offsets = [7], sizes = [1], strides = [1]} : vector<16xi32> to vector<1xi32>
          %parallel_loop3A_553 = vector.extract %parallel_loop3A_552[0] : i32 from vector<1xi32>
          %parallel_loop3A_554 = arith.constant 16 : i32
          %parallel_loop3A_555 = arith.muli %parallel_loop3A_95, %parallel_loop3A_554 : i32
          %parallel_loop3A_556 = arith.constant 7 : i32
          %parallel_loop3A_557 = arith.addi %parallel_loop3A_555, %parallel_loop3A_556 : i32
          %parallel_loop3A_558 = arith.constant 128 : i32
          %parallel_loop3A_559 = arith.muli %parallel_loop3A_557, %parallel_loop3A_558 : i32
          %parallel_loop3A_560 = vector.broadcast %parallel_loop3A_553 : i32 to vector<16xi32>
          %parallel_loop3A_561 = arith.addi %add3A_5, %parallel_loop3A_560 : vector<16xi32>
          %parallel_loop3A_562 = tpu.vector_load_idx %arg6[%parallel_loop3A_561] : memref<384xf32, #tpu.memory_space<vmem>>[vector<16xi32>], vector<16xf32>,
          %parallel_loop3A_563 = vector.broadcast %parallel_loop3A_553 : i32 to vector<16xi32>
          %parallel_loop3A_564 = arith.addi %add3A_8, %parallel_loop3A_563 : vector<16xi32>
          %parallel_loop3A_565 = tpu.vector_load_idx %arg6[%parallel_loop3A_564] : memref<384xf32, #tpu.memory_space<vmem>>[vector<16xi32>], vector<16xf32>,
          %parallel_loop3A_566 = vector.broadcast %parallel_loop3A_553 : i32 to vector<16xi32>
          %parallel_loop3A_567 = arith.addi %add3A_11, %parallel_loop3A_566 : vector<16xi32>
          %parallel_loop3A_568 = tpu.vector_load_idx %arg6[%parallel_loop3A_567] : memref<384xf32, #tpu.memory_space<vmem>>[vector<16xi32>], vector<16xf32>,
          %parallel_loop3A_569 = vector.broadcast %parallel_loop3A_553 : i32 to vector<16xi32>
          %parallel_loop3A_570 = arith.addi %add3A_14, %parallel_loop3A_569 : vector<16xi32>
          %parallel_loop3A_571 = tpu.vector_load_idx %arg6[%parallel_loop3A_570] : memref<384xf32, #tpu.memory_space<vmem>>[vector<16xi32>], vector<16xf32>,
          %parallel_loop3A_572 = vector.broadcast %parallel_loop3A_553 : i32 to vector<16xi32>
          %parallel_loop3A_573 = arith.addi %add3A_17, %parallel_loop3A_572 : vector<16xi32>
          %parallel_loop3A_574 = tpu.vector_load_idx %arg6[%parallel_loop3A_573] : memref<384xf32, #tpu.memory_space<vmem>>[vector<16xi32>], vector<16xf32>,
          %parallel_loop3A_575 = vector.broadcast %parallel_loop3A_553 : i32 to vector<16xi32>
          %parallel_loop3A_576 = arith.addi %add3A_20, %parallel_loop3A_575 : vector<16xi32>
          %parallel_loop3A_577 = tpu.vector_load_idx %arg6[%parallel_loop3A_576] : memref<384xf32, #tpu.memory_space<vmem>>[vector<16xi32>], vector<16xf32>,
          %parallel_loop3A_578 = vector.broadcast %parallel_loop3A_553 : i32 to vector<16xi32>
          %parallel_loop3A_579 = arith.addi %add3A_23, %parallel_loop3A_578 : vector<16xi32>
          %parallel_loop3A_580 = tpu.vector_load_idx %arg6[%parallel_loop3A_579] : memref<384xf32, #tpu.memory_space<vmem>>[vector<16xi32>], vector<16xf32>,
          %parallel_loop3A_581 = vector.broadcast %parallel_loop3A_553 : i32 to vector<16xi32>
          %parallel_loop3A_582 = arith.addi %add3A_26, %parallel_loop3A_581 : vector<16xi32>
          %parallel_loop3A_583 = tpu.vector_load_idx %arg6[%parallel_loop3A_582] : memref<384xf32, #tpu.memory_space<vmem>>[vector<16xi32>], vector<16xf32>,
          %parallel_loop3A_584 = arith.constant 0 : i32
          %parallel_loop3A_585 = arith.addi %parallel_loop3A_559, %parallel_loop3A_584 : i32
          %parallel_loop3A_586 = arith.index_cast %parallel_loop3A_585 : i32 to index
          %parallel_loop3A_587 = tpu.vector_load %arg7[%parallel_loop3A_586] {strides = array<i32>} : memref<32768xf32, #tpu.memory_space<vmem>>, vector<16xf32>,
          tpu.vector_store %arg7[%parallel_loop3A_586], %parallel_loop3A_562 {strides = array<i32>} : memref<32768xf32, #tpu.memory_space<vmem>>, vector<16xf32>,
          %parallel_loop3A_588 = arith.constant 16 : i32
          %parallel_loop3A_589 = arith.addi %parallel_loop3A_559, %parallel_loop3A_588 : i32
          %parallel_loop3A_590 = arith.index_cast %parallel_loop3A_589 : i32 to index
          %parallel_loop3A_591 = tpu.vector_load %arg7[%parallel_loop3A_590] {strides = array<i32>} : memref<32768xf32, #tpu.memory_space<vmem>>, vector<16xf32>,
          tpu.vector_store %arg7[%parallel_loop3A_590], %parallel_loop3A_565 {strides = array<i32>} : memref<32768xf32, #tpu.memory_space<vmem>>, vector<16xf32>,
          %parallel_loop3A_592 = arith.constant 32 : i32
          %parallel_loop3A_593 = arith.addi %parallel_loop3A_559, %parallel_loop3A_592 : i32
          %parallel_loop3A_594 = arith.index_cast %parallel_loop3A_593 : i32 to index
          %parallel_loop3A_595 = tpu.vector_load %arg7[%parallel_loop3A_594] {strides = array<i32>} : memref<32768xf32, #tpu.memory_space<vmem>>, vector<16xf32>,
          tpu.vector_store %arg7[%parallel_loop3A_594], %parallel_loop3A_568 {strides = array<i32>} : memref<32768xf32, #tpu.memory_space<vmem>>, vector<16xf32>,
          %parallel_loop3A_596 = arith.constant 48 : i32
          %parallel_loop3A_597 = arith.addi %parallel_loop3A_559, %parallel_loop3A_596 : i32
          %parallel_loop3A_598 = arith.index_cast %parallel_loop3A_597 : i32 to index
          %parallel_loop3A_599 = tpu.vector_load %arg7[%parallel_loop3A_598] {strides = array<i32>} : memref<32768xf32, #tpu.memory_space<vmem>>, vector<16xf32>,
          tpu.vector_store %arg7[%parallel_loop3A_598], %parallel_loop3A_571 {strides = array<i32>} : memref<32768xf32, #tpu.memory_space<vmem>>, vector<16xf32>,
          %parallel_loop3A_600 = arith.constant 64 : i32
          %parallel_loop3A_601 = arith.addi %parallel_loop3A_559, %parallel_loop3A_600 : i32
          %parallel_loop3A_602 = arith.index_cast %parallel_loop3A_601 : i32 to index
          %parallel_loop3A_603 = tpu.vector_load %arg7[%parallel_loop3A_602] {strides = array<i32>} : memref<32768xf32, #tpu.memory_space<vmem>>, vector<16xf32>,
          tpu.vector_store %arg7[%parallel_loop3A_602], %parallel_loop3A_574 {strides = array<i32>} : memref<32768xf32, #tpu.memory_space<vmem>>, vector<16xf32>,
          %parallel_loop3A_604 = arith.constant 80 : i32
          %parallel_loop3A_605 = arith.addi %parallel_loop3A_559, %parallel_loop3A_604 : i32
          %parallel_loop3A_606 = arith.index_cast %parallel_loop3A_605 : i32 to index
          %parallel_loop3A_607 = tpu.vector_load %arg7[%parallel_loop3A_606] {strides = array<i32>} : memref<32768xf32, #tpu.memory_space<vmem>>, vector<16xf32>,
          tpu.vector_store %arg7[%parallel_loop3A_606], %parallel_loop3A_577 {strides = array<i32>} : memref<32768xf32, #tpu.memory_space<vmem>>, vector<16xf32>,
          %parallel_loop3A_608 = arith.constant 96 : i32
          %parallel_loop3A_609 = arith.addi %parallel_loop3A_559, %parallel_loop3A_608 : i32
          %parallel_loop3A_610 = arith.index_cast %parallel_loop3A_609 : i32 to index
          %parallel_loop3A_611 = tpu.vector_load %arg7[%parallel_loop3A_610] {strides = array<i32>} : memref<32768xf32, #tpu.memory_space<vmem>>, vector<16xf32>,
          tpu.vector_store %arg7[%parallel_loop3A_610], %parallel_loop3A_580 {strides = array<i32>} : memref<32768xf32, #tpu.memory_space<vmem>>, vector<16xf32>,
          %parallel_loop3A_612 = arith.constant 112 : i32
          %parallel_loop3A_613 = arith.addi %parallel_loop3A_559, %parallel_loop3A_612 : i32
          %parallel_loop3A_614 = arith.index_cast %parallel_loop3A_613 : i32 to index
          %parallel_loop3A_615 = tpu.vector_load %arg7[%parallel_loop3A_614] {strides = array<i32>} : memref<32768xf32, #tpu.memory_space<vmem>>, vector<16xf32>,
          tpu.vector_store %arg7[%parallel_loop3A_614], %parallel_loop3A_583 {strides = array<i32>} : memref<32768xf32, #tpu.memory_space<vmem>>, vector<16xf32>,
          %parallel_loop3A_616 = vector.extract_strided_slice %parallel_loop3A_103 {offsets = [8], sizes = [1], strides = [1]} : vector<16xi32> to vector<1xi32>
          %parallel_loop3A_617 = vector.extract %parallel_loop3A_616[0] : i32 from vector<1xi32>
          %parallel_loop3A_618 = arith.constant 16 : i32
          %parallel_loop3A_619 = arith.muli %parallel_loop3A_95, %parallel_loop3A_618 : i32
          %parallel_loop3A_620 = arith.constant 8 : i32
          %parallel_loop3A_621 = arith.addi %parallel_loop3A_619, %parallel_loop3A_620 : i32
          %parallel_loop3A_622 = arith.constant 128 : i32
          %parallel_loop3A_623 = arith.muli %parallel_loop3A_621, %parallel_loop3A_622 : i32
          %parallel_loop3A_624 = vector.broadcast %parallel_loop3A_617 : i32 to vector<16xi32>
          %parallel_loop3A_625 = arith.addi %add3A_5, %parallel_loop3A_624 : vector<16xi32>
          %parallel_loop3A_626 = tpu.vector_load_idx %arg6[%parallel_loop3A_625] : memref<384xf32, #tpu.memory_space<vmem>>[vector<16xi32>], vector<16xf32>,
          %parallel_loop3A_627 = vector.broadcast %parallel_loop3A_617 : i32 to vector<16xi32>
          %parallel_loop3A_628 = arith.addi %add3A_8, %parallel_loop3A_627 : vector<16xi32>
          %parallel_loop3A_629 = tpu.vector_load_idx %arg6[%parallel_loop3A_628] : memref<384xf32, #tpu.memory_space<vmem>>[vector<16xi32>], vector<16xf32>,
          %parallel_loop3A_630 = vector.broadcast %parallel_loop3A_617 : i32 to vector<16xi32>
          %parallel_loop3A_631 = arith.addi %add3A_11, %parallel_loop3A_630 : vector<16xi32>
          %parallel_loop3A_632 = tpu.vector_load_idx %arg6[%parallel_loop3A_631] : memref<384xf32, #tpu.memory_space<vmem>>[vector<16xi32>], vector<16xf32>,
          %parallel_loop3A_633 = vector.broadcast %parallel_loop3A_617 : i32 to vector<16xi32>
          %parallel_loop3A_634 = arith.addi %add3A_14, %parallel_loop3A_633 : vector<16xi32>
          %parallel_loop3A_635 = tpu.vector_load_idx %arg6[%parallel_loop3A_634] : memref<384xf32, #tpu.memory_space<vmem>>[vector<16xi32>], vector<16xf32>,
          %parallel_loop3A_636 = vector.broadcast %parallel_loop3A_617 : i32 to vector<16xi32>
          %parallel_loop3A_637 = arith.addi %add3A_17, %parallel_loop3A_636 : vector<16xi32>
          %parallel_loop3A_638 = tpu.vector_load_idx %arg6[%parallel_loop3A_637] : memref<384xf32, #tpu.memory_space<vmem>>[vector<16xi32>], vector<16xf32>,
          %parallel_loop3A_639 = vector.broadcast %parallel_loop3A_617 : i32 to vector<16xi32>
          %parallel_loop3A_640 = arith.addi %add3A_20, %parallel_loop3A_639 : vector<16xi32>
          %parallel_loop3A_641 = tpu.vector_load_idx %arg6[%parallel_loop3A_640] : memref<384xf32, #tpu.memory_space<vmem>>[vector<16xi32>], vector<16xf32>,
          %parallel_loop3A_642 = vector.broadcast %parallel_loop3A_617 : i32 to vector<16xi32>
          %parallel_loop3A_643 = arith.addi %add3A_23, %parallel_loop3A_642 : vector<16xi32>
          %parallel_loop3A_644 = tpu.vector_load_idx %arg6[%parallel_loop3A_643] : memref<384xf32, #tpu.memory_space<vmem>>[vector<16xi32>], vector<16xf32>,
          %parallel_loop3A_645 = vector.broadcast %parallel_loop3A_617 : i32 to vector<16xi32>
          %parallel_loop3A_646 = arith.addi %add3A_26, %parallel_loop3A_645 : vector<16xi32>
          %parallel_loop3A_647 = tpu.vector_load_idx %arg6[%parallel_loop3A_646] : memref<384xf32, #tpu.memory_space<vmem>>[vector<16xi32>], vector<16xf32>,
          %parallel_loop3A_648 = arith.constant 0 : i32
          %parallel_loop3A_649 = arith.addi %parallel_loop3A_623, %parallel_loop3A_648 : i32
          %parallel_loop3A_650 = arith.index_cast %parallel_loop3A_649 : i32 to index
          %parallel_loop3A_651 = tpu.vector_load %arg7[%parallel_loop3A_650] {strides = array<i32>} : memref<32768xf32, #tpu.memory_space<vmem>>, vector<16xf32>,
          tpu.vector_store %arg7[%parallel_loop3A_650], %parallel_loop3A_626 {strides = array<i32>} : memref<32768xf32, #tpu.memory_space<vmem>>, vector<16xf32>,
          %parallel_loop3A_652 = arith.constant 16 : i32
          %parallel_loop3A_653 = arith.addi %parallel_loop3A_623, %parallel_loop3A_652 : i32
          %parallel_loop3A_654 = arith.index_cast %parallel_loop3A_653 : i32 to index
          %parallel_loop3A_655 = tpu.vector_load %arg7[%parallel_loop3A_654] {strides = array<i32>} : memref<32768xf32, #tpu.memory_space<vmem>>, vector<16xf32>,
          tpu.vector_store %arg7[%parallel_loop3A_654], %parallel_loop3A_629 {strides = array<i32>} : memref<32768xf32, #tpu.memory_space<vmem>>, vector<16xf32>,
          %parallel_loop3A_656 = arith.constant 32 : i32
          %parallel_loop3A_657 = arith.addi %parallel_loop3A_623, %parallel_loop3A_656 : i32
          %parallel_loop3A_658 = arith.index_cast %parallel_loop3A_657 : i32 to index
          %parallel_loop3A_659 = tpu.vector_load %arg7[%parallel_loop3A_658] {strides = array<i32>} : memref<32768xf32, #tpu.memory_space<vmem>>, vector<16xf32>,
          tpu.vector_store %arg7[%parallel_loop3A_658], %parallel_loop3A_632 {strides = array<i32>} : memref<32768xf32, #tpu.memory_space<vmem>>, vector<16xf32>,
          %parallel_loop3A_660 = arith.constant 48 : i32
          %parallel_loop3A_661 = arith.addi %parallel_loop3A_623, %parallel_loop3A_660 : i32
          %parallel_loop3A_662 = arith.index_cast %parallel_loop3A_661 : i32 to index
          %parallel_loop3A_663 = tpu.vector_load %arg7[%parallel_loop3A_662] {strides = array<i32>} : memref<32768xf32, #tpu.memory_space<vmem>>, vector<16xf32>,
          tpu.vector_store %arg7[%parallel_loop3A_662], %parallel_loop3A_635 {strides = array<i32>} : memref<32768xf32, #tpu.memory_space<vmem>>, vector<16xf32>,
          %parallel_loop3A_664 = arith.constant 64 : i32
          %parallel_loop3A_665 = arith.addi %parallel_loop3A_623, %parallel_loop3A_664 : i32
          %parallel_loop3A_666 = arith.index_cast %parallel_loop3A_665 : i32 to index
          %parallel_loop3A_667 = tpu.vector_load %arg7[%parallel_loop3A_666] {strides = array<i32>} : memref<32768xf32, #tpu.memory_space<vmem>>, vector<16xf32>,
          tpu.vector_store %arg7[%parallel_loop3A_666], %parallel_loop3A_638 {strides = array<i32>} : memref<32768xf32, #tpu.memory_space<vmem>>, vector<16xf32>,
          %parallel_loop3A_668 = arith.constant 80 : i32
          %parallel_loop3A_669 = arith.addi %parallel_loop3A_623, %parallel_loop3A_668 : i32
          %parallel_loop3A_670 = arith.index_cast %parallel_loop3A_669 : i32 to index
          %parallel_loop3A_671 = tpu.vector_load %arg7[%parallel_loop3A_670] {strides = array<i32>} : memref<32768xf32, #tpu.memory_space<vmem>>, vector<16xf32>,
          tpu.vector_store %arg7[%parallel_loop3A_670], %parallel_loop3A_641 {strides = array<i32>} : memref<32768xf32, #tpu.memory_space<vmem>>, vector<16xf32>,
          %parallel_loop3A_672 = arith.constant 96 : i32
          %parallel_loop3A_673 = arith.addi %parallel_loop3A_623, %parallel_loop3A_672 : i32
          %parallel_loop3A_674 = arith.index_cast %parallel_loop3A_673 : i32 to index
          %parallel_loop3A_675 = tpu.vector_load %arg7[%parallel_loop3A_674] {strides = array<i32>} : memref<32768xf32, #tpu.memory_space<vmem>>, vector<16xf32>,
          tpu.vector_store %arg7[%parallel_loop3A_674], %parallel_loop3A_644 {strides = array<i32>} : memref<32768xf32, #tpu.memory_space<vmem>>, vector<16xf32>,
          %parallel_loop3A_676 = arith.constant 112 : i32
          %parallel_loop3A_677 = arith.addi %parallel_loop3A_623, %parallel_loop3A_676 : i32
          %parallel_loop3A_678 = arith.index_cast %parallel_loop3A_677 : i32 to index
          %parallel_loop3A_679 = tpu.vector_load %arg7[%parallel_loop3A_678] {strides = array<i32>} : memref<32768xf32, #tpu.memory_space<vmem>>, vector<16xf32>,
          tpu.vector_store %arg7[%parallel_loop3A_678], %parallel_loop3A_647 {strides = array<i32>} : memref<32768xf32, #tpu.memory_space<vmem>>, vector<16xf32>,
          %parallel_loop3A_680 = vector.extract_strided_slice %parallel_loop3A_103 {offsets = [9], sizes = [1], strides = [1]} : vector<16xi32> to vector<1xi32>
          %parallel_loop3A_681 = vector.extract %parallel_loop3A_680[0] : i32 from vector<1xi32>
          %parallel_loop3A_682 = arith.constant 16 : i32
          %parallel_loop3A_683 = arith.muli %parallel_loop3A_95, %parallel_loop3A_682 : i32
          %parallel_loop3A_684 = arith.constant 9 : i32
          %parallel_loop3A_685 = arith.addi %parallel_loop3A_683, %parallel_loop3A_684 : i32
          %parallel_loop3A_686 = arith.constant 128 : i32
          %parallel_loop3A_687 = arith.muli %parallel_loop3A_685, %parallel_loop3A_686 : i32
          %parallel_loop3A_688 = vector.broadcast %parallel_loop3A_681 : i32 to vector<16xi32>
          %parallel_loop3A_689 = arith.addi %add3A_5, %parallel_loop3A_688 : vector<16xi32>
          %parallel_loop3A_690 = tpu.vector_load_idx %arg6[%parallel_loop3A_689] : memref<384xf32, #tpu.memory_space<vmem>>[vector<16xi32>], vector<16xf32>,
          %parallel_loop3A_691 = vector.broadcast %parallel_loop3A_681 : i32 to vector<16xi32>
          %parallel_loop3A_692 = arith.addi %add3A_8, %parallel_loop3A_691 : vector<16xi32>
          %parallel_loop3A_693 = tpu.vector_load_idx %arg6[%parallel_loop3A_692] : memref<384xf32, #tpu.memory_space<vmem>>[vector<16xi32>], vector<16xf32>,
          %parallel_loop3A_694 = vector.broadcast %parallel_loop3A_681 : i32 to vector<16xi32>
          %parallel_loop3A_695 = arith.addi %add3A_11, %parallel_loop3A_694 : vector<16xi32>
          %parallel_loop3A_696 = tpu.vector_load_idx %arg6[%parallel_loop3A_695] : memref<384xf32, #tpu.memory_space<vmem>>[vector<16xi32>], vector<16xf32>,
          %parallel_loop3A_697 = vector.broadcast %parallel_loop3A_681 : i32 to vector<16xi32>
          %parallel_loop3A_698 = arith.addi %add3A_14, %parallel_loop3A_697 : vector<16xi32>
          %parallel_loop3A_699 = tpu.vector_load_idx %arg6[%parallel_loop3A_698] : memref<384xf32, #tpu.memory_space<vmem>>[vector<16xi32>], vector<16xf32>,
          %parallel_loop3A_700 = vector.broadcast %parallel_loop3A_681 : i32 to vector<16xi32>
          %parallel_loop3A_701 = arith.addi %add3A_17, %parallel_loop3A_700 : vector<16xi32>
          %parallel_loop3A_702 = tpu.vector_load_idx %arg6[%parallel_loop3A_701] : memref<384xf32, #tpu.memory_space<vmem>>[vector<16xi32>], vector<16xf32>,
          %parallel_loop3A_703 = vector.broadcast %parallel_loop3A_681 : i32 to vector<16xi32>
          %parallel_loop3A_704 = arith.addi %add3A_20, %parallel_loop3A_703 : vector<16xi32>
          %parallel_loop3A_705 = tpu.vector_load_idx %arg6[%parallel_loop3A_704] : memref<384xf32, #tpu.memory_space<vmem>>[vector<16xi32>], vector<16xf32>,
          %parallel_loop3A_706 = vector.broadcast %parallel_loop3A_681 : i32 to vector<16xi32>
          %parallel_loop3A_707 = arith.addi %add3A_23, %parallel_loop3A_706 : vector<16xi32>
          %parallel_loop3A_708 = tpu.vector_load_idx %arg6[%parallel_loop3A_707] : memref<384xf32, #tpu.memory_space<vmem>>[vector<16xi32>], vector<16xf32>,
          %parallel_loop3A_709 = vector.broadcast %parallel_loop3A_681 : i32 to vector<16xi32>
          %parallel_loop3A_710 = arith.addi %add3A_26, %parallel_loop3A_709 : vector<16xi32>
          %parallel_loop3A_711 = tpu.vector_load_idx %arg6[%parallel_loop3A_710] : memref<384xf32, #tpu.memory_space<vmem>>[vector<16xi32>], vector<16xf32>,
          %parallel_loop3A_712 = arith.constant 0 : i32
          %parallel_loop3A_713 = arith.addi %parallel_loop3A_687, %parallel_loop3A_712 : i32
          %parallel_loop3A_714 = arith.index_cast %parallel_loop3A_713 : i32 to index
          %parallel_loop3A_715 = tpu.vector_load %arg7[%parallel_loop3A_714] {strides = array<i32>} : memref<32768xf32, #tpu.memory_space<vmem>>, vector<16xf32>,
          tpu.vector_store %arg7[%parallel_loop3A_714], %parallel_loop3A_690 {strides = array<i32>} : memref<32768xf32, #tpu.memory_space<vmem>>, vector<16xf32>,
          %parallel_loop3A_716 = arith.constant 16 : i32
          %parallel_loop3A_717 = arith.addi %parallel_loop3A_687, %parallel_loop3A_716 : i32
          %parallel_loop3A_718 = arith.index_cast %parallel_loop3A_717 : i32 to index
          %parallel_loop3A_719 = tpu.vector_load %arg7[%parallel_loop3A_718] {strides = array<i32>} : memref<32768xf32, #tpu.memory_space<vmem>>, vector<16xf32>,
          tpu.vector_store %arg7[%parallel_loop3A_718], %parallel_loop3A_693 {strides = array<i32>} : memref<32768xf32, #tpu.memory_space<vmem>>, vector<16xf32>,
          %parallel_loop3A_720 = arith.constant 32 : i32
          %parallel_loop3A_721 = arith.addi %parallel_loop3A_687, %parallel_loop3A_720 : i32
          %parallel_loop3A_722 = arith.index_cast %parallel_loop3A_721 : i32 to index
          %parallel_loop3A_723 = tpu.vector_load %arg7[%parallel_loop3A_722] {strides = array<i32>} : memref<32768xf32, #tpu.memory_space<vmem>>, vector<16xf32>,
          tpu.vector_store %arg7[%parallel_loop3A_722], %parallel_loop3A_696 {strides = array<i32>} : memref<32768xf32, #tpu.memory_space<vmem>>, vector<16xf32>,
          %parallel_loop3A_724 = arith.constant 48 : i32
          %parallel_loop3A_725 = arith.addi %parallel_loop3A_687, %parallel_loop3A_724 : i32
          %parallel_loop3A_726 = arith.index_cast %parallel_loop3A_725 : i32 to index
          %parallel_loop3A_727 = tpu.vector_load %arg7[%parallel_loop3A_726] {strides = array<i32>} : memref<32768xf32, #tpu.memory_space<vmem>>, vector<16xf32>,
          tpu.vector_store %arg7[%parallel_loop3A_726], %parallel_loop3A_699 {strides = array<i32>} : memref<32768xf32, #tpu.memory_space<vmem>>, vector<16xf32>,
          %parallel_loop3A_728 = arith.constant 64 : i32
          %parallel_loop3A_729 = arith.addi %parallel_loop3A_687, %parallel_loop3A_728 : i32
          %parallel_loop3A_730 = arith.index_cast %parallel_loop3A_729 : i32 to index
          %parallel_loop3A_731 = tpu.vector_load %arg7[%parallel_loop3A_730] {strides = array<i32>} : memref<32768xf32, #tpu.memory_space<vmem>>, vector<16xf32>,
          tpu.vector_store %arg7[%parallel_loop3A_730], %parallel_loop3A_702 {strides = array<i32>} : memref<32768xf32, #tpu.memory_space<vmem>>, vector<16xf32>,
          %parallel_loop3A_732 = arith.constant 80 : i32
          %parallel_loop3A_733 = arith.addi %parallel_loop3A_687, %parallel_loop3A_732 : i32
          %parallel_loop3A_734 = arith.index_cast %parallel_loop3A_733 : i32 to index
          %parallel_loop3A_735 = tpu.vector_load %arg7[%parallel_loop3A_734] {strides = array<i32>} : memref<32768xf32, #tpu.memory_space<vmem>>, vector<16xf32>,
          tpu.vector_store %arg7[%parallel_loop3A_734], %parallel_loop3A_705 {strides = array<i32>} : memref<32768xf32, #tpu.memory_space<vmem>>, vector<16xf32>,
          %parallel_loop3A_736 = arith.constant 96 : i32
          %parallel_loop3A_737 = arith.addi %parallel_loop3A_687, %parallel_loop3A_736 : i32
          %parallel_loop3A_738 = arith.index_cast %parallel_loop3A_737 : i32 to index
          %parallel_loop3A_739 = tpu.vector_load %arg7[%parallel_loop3A_738] {strides = array<i32>} : memref<32768xf32, #tpu.memory_space<vmem>>, vector<16xf32>,
          tpu.vector_store %arg7[%parallel_loop3A_738], %parallel_loop3A_708 {strides = array<i32>} : memref<32768xf32, #tpu.memory_space<vmem>>, vector<16xf32>,
          %parallel_loop3A_740 = arith.constant 112 : i32
          %parallel_loop3A_741 = arith.addi %parallel_loop3A_687, %parallel_loop3A_740 : i32
          %parallel_loop3A_742 = arith.index_cast %parallel_loop3A_741 : i32 to index
          %parallel_loop3A_743 = tpu.vector_load %arg7[%parallel_loop3A_742] {strides = array<i32>} : memref<32768xf32, #tpu.memory_space<vmem>>, vector<16xf32>,
          tpu.vector_store %arg7[%parallel_loop3A_742], %parallel_loop3A_711 {strides = array<i32>} : memref<32768xf32, #tpu.memory_space<vmem>>, vector<16xf32>,
          %parallel_loop3A_744 = vector.extract_strided_slice %parallel_loop3A_103 {offsets = [10], sizes = [1], strides = [1]} : vector<16xi32> to vector<1xi32>
          %parallel_loop3A_745 = vector.extract %parallel_loop3A_744[0] : i32 from vector<1xi32>
          %parallel_loop3A_746 = arith.constant 16 : i32
          %parallel_loop3A_747 = arith.muli %parallel_loop3A_95, %parallel_loop3A_746 : i32
          %parallel_loop3A_748 = arith.constant 10 : i32
          %parallel_loop3A_749 = arith.addi %parallel_loop3A_747, %parallel_loop3A_748 : i32
          %parallel_loop3A_750 = arith.constant 128 : i32
          %parallel_loop3A_751 = arith.muli %parallel_loop3A_749, %parallel_loop3A_750 : i32
          %parallel_loop3A_752 = vector.broadcast %parallel_loop3A_745 : i32 to vector<16xi32>
          %parallel_loop3A_753 = arith.addi %add3A_5, %parallel_loop3A_752 : vector<16xi32>
          %parallel_loop3A_754 = tpu.vector_load_idx %arg6[%parallel_loop3A_753] : memref<384xf32, #tpu.memory_space<vmem>>[vector<16xi32>], vector<16xf32>,
          %parallel_loop3A_755 = vector.broadcast %parallel_loop3A_745 : i32 to vector<16xi32>
          %parallel_loop3A_756 = arith.addi %add3A_8, %parallel_loop3A_755 : vector<16xi32>
          %parallel_loop3A_757 = tpu.vector_load_idx %arg6[%parallel_loop3A_756] : memref<384xf32, #tpu.memory_space<vmem>>[vector<16xi32>], vector<16xf32>,
          %parallel_loop3A_758 = vector.broadcast %parallel_loop3A_745 : i32 to vector<16xi32>
          %parallel_loop3A_759 = arith.addi %add3A_11, %parallel_loop3A_758 : vector<16xi32>
          %parallel_loop3A_760 = tpu.vector_load_idx %arg6[%parallel_loop3A_759] : memref<384xf32, #tpu.memory_space<vmem>>[vector<16xi32>], vector<16xf32>,
          %parallel_loop3A_761 = vector.broadcast %parallel_loop3A_745 : i32 to vector<16xi32>
          %parallel_loop3A_762 = arith.addi %add3A_14, %parallel_loop3A_761 : vector<16xi32>
          %parallel_loop3A_763 = tpu.vector_load_idx %arg6[%parallel_loop3A_762] : memref<384xf32, #tpu.memory_space<vmem>>[vector<16xi32>], vector<16xf32>,
          %parallel_loop3A_764 = vector.broadcast %parallel_loop3A_745 : i32 to vector<16xi32>
          %parallel_loop3A_765 = arith.addi %add3A_17, %parallel_loop3A_764 : vector<16xi32>
          %parallel_loop3A_766 = tpu.vector_load_idx %arg6[%parallel_loop3A_765] : memref<384xf32, #tpu.memory_space<vmem>>[vector<16xi32>], vector<16xf32>,
          %parallel_loop3A_767 = vector.broadcast %parallel_loop3A_745 : i32 to vector<16xi32>
          %parallel_loop3A_768 = arith.addi %add3A_20, %parallel_loop3A_767 : vector<16xi32>
          %parallel_loop3A_769 = tpu.vector_load_idx %arg6[%parallel_loop3A_768] : memref<384xf32, #tpu.memory_space<vmem>>[vector<16xi32>], vector<16xf32>,
          %parallel_loop3A_770 = vector.broadcast %parallel_loop3A_745 : i32 to vector<16xi32>
          %parallel_loop3A_771 = arith.addi %add3A_23, %parallel_loop3A_770 : vector<16xi32>
          %parallel_loop3A_772 = tpu.vector_load_idx %arg6[%parallel_loop3A_771] : memref<384xf32, #tpu.memory_space<vmem>>[vector<16xi32>], vector<16xf32>,
          %parallel_loop3A_773 = vector.broadcast %parallel_loop3A_745 : i32 to vector<16xi32>
          %parallel_loop3A_774 = arith.addi %add3A_26, %parallel_loop3A_773 : vector<16xi32>
          %parallel_loop3A_775 = tpu.vector_load_idx %arg6[%parallel_loop3A_774] : memref<384xf32, #tpu.memory_space<vmem>>[vector<16xi32>], vector<16xf32>,
          %parallel_loop3A_776 = arith.constant 0 : i32
          %parallel_loop3A_777 = arith.addi %parallel_loop3A_751, %parallel_loop3A_776 : i32
          %parallel_loop3A_778 = arith.index_cast %parallel_loop3A_777 : i32 to index
          %parallel_loop3A_779 = tpu.vector_load %arg7[%parallel_loop3A_778] {strides = array<i32>} : memref<32768xf32, #tpu.memory_space<vmem>>, vector<16xf32>,
          tpu.vector_store %arg7[%parallel_loop3A_778], %parallel_loop3A_754 {strides = array<i32>} : memref<32768xf32, #tpu.memory_space<vmem>>, vector<16xf32>,
          %parallel_loop3A_780 = arith.constant 16 : i32
          %parallel_loop3A_781 = arith.addi %parallel_loop3A_751, %parallel_loop3A_780 : i32
          %parallel_loop3A_782 = arith.index_cast %parallel_loop3A_781 : i32 to index
          %parallel_loop3A_783 = tpu.vector_load %arg7[%parallel_loop3A_782] {strides = array<i32>} : memref<32768xf32, #tpu.memory_space<vmem>>, vector<16xf32>,
          tpu.vector_store %arg7[%parallel_loop3A_782], %parallel_loop3A_757 {strides = array<i32>} : memref<32768xf32, #tpu.memory_space<vmem>>, vector<16xf32>,
          %parallel_loop3A_784 = arith.constant 32 : i32
          %parallel_loop3A_785 = arith.addi %parallel_loop3A_751, %parallel_loop3A_784 : i32
          %parallel_loop3A_786 = arith.index_cast %parallel_loop3A_785 : i32 to index
          %parallel_loop3A_787 = tpu.vector_load %arg7[%parallel_loop3A_786] {strides = array<i32>} : memref<32768xf32, #tpu.memory_space<vmem>>, vector<16xf32>,
          tpu.vector_store %arg7[%parallel_loop3A_786], %parallel_loop3A_760 {strides = array<i32>} : memref<32768xf32, #tpu.memory_space<vmem>>, vector<16xf32>,
          %parallel_loop3A_788 = arith.constant 48 : i32
          %parallel_loop3A_789 = arith.addi %parallel_loop3A_751, %parallel_loop3A_788 : i32
          %parallel_loop3A_790 = arith.index_cast %parallel_loop3A_789 : i32 to index
          %parallel_loop3A_791 = tpu.vector_load %arg7[%parallel_loop3A_790] {strides = array<i32>} : memref<32768xf32, #tpu.memory_space<vmem>>, vector<16xf32>,
          tpu.vector_store %arg7[%parallel_loop3A_790], %parallel_loop3A_763 {strides = array<i32>} : memref<32768xf32, #tpu.memory_space<vmem>>, vector<16xf32>,
          %parallel_loop3A_792 = arith.constant 64 : i32
          %parallel_loop3A_793 = arith.addi %parallel_loop3A_751, %parallel_loop3A_792 : i32
          %parallel_loop3A_794 = arith.index_cast %parallel_loop3A_793 : i32 to index
          %parallel_loop3A_795 = tpu.vector_load %arg7[%parallel_loop3A_794] {strides = array<i32>} : memref<32768xf32, #tpu.memory_space<vmem>>, vector<16xf32>,
          tpu.vector_store %arg7[%parallel_loop3A_794], %parallel_loop3A_766 {strides = array<i32>} : memref<32768xf32, #tpu.memory_space<vmem>>, vector<16xf32>,
          %parallel_loop3A_796 = arith.constant 80 : i32
          %parallel_loop3A_797 = arith.addi %parallel_loop3A_751, %parallel_loop3A_796 : i32
          %parallel_loop3A_798 = arith.index_cast %parallel_loop3A_797 : i32 to index
          %parallel_loop3A_799 = tpu.vector_load %arg7[%parallel_loop3A_798] {strides = array<i32>} : memref<32768xf32, #tpu.memory_space<vmem>>, vector<16xf32>,
          tpu.vector_store %arg7[%parallel_loop3A_798], %parallel_loop3A_769 {strides = array<i32>} : memref<32768xf32, #tpu.memory_space<vmem>>, vector<16xf32>,
          %parallel_loop3A_800 = arith.constant 96 : i32
          %parallel_loop3A_801 = arith.addi %parallel_loop3A_751, %parallel_loop3A_800 : i32
          %parallel_loop3A_802 = arith.index_cast %parallel_loop3A_801 : i32 to index
          %parallel_loop3A_803 = tpu.vector_load %arg7[%parallel_loop3A_802] {strides = array<i32>} : memref<32768xf32, #tpu.memory_space<vmem>>, vector<16xf32>,
          tpu.vector_store %arg7[%parallel_loop3A_802], %parallel_loop3A_772 {strides = array<i32>} : memref<32768xf32, #tpu.memory_space<vmem>>, vector<16xf32>,
          %parallel_loop3A_804 = arith.constant 112 : i32
          %parallel_loop3A_805 = arith.addi %parallel_loop3A_751, %parallel_loop3A_804 : i32
          %parallel_loop3A_806 = arith.index_cast %parallel_loop3A_805 : i32 to index
          %parallel_loop3A_807 = tpu.vector_load %arg7[%parallel_loop3A_806] {strides = array<i32>} : memref<32768xf32, #tpu.memory_space<vmem>>, vector<16xf32>,
          tpu.vector_store %arg7[%parallel_loop3A_806], %parallel_loop3A_775 {strides = array<i32>} : memref<32768xf32, #tpu.memory_space<vmem>>, vector<16xf32>,
          %parallel_loop3A_808 = vector.extract_strided_slice %parallel_loop3A_103 {offsets = [11], sizes = [1], strides = [1]} : vector<16xi32> to vector<1xi32>
          %parallel_loop3A_809 = vector.extract %parallel_loop3A_808[0] : i32 from vector<1xi32>
          %parallel_loop3A_810 = arith.constant 16 : i32
          %parallel_loop3A_811 = arith.muli %parallel_loop3A_95, %parallel_loop3A_810 : i32
          %parallel_loop3A_812 = arith.constant 11 : i32
          %parallel_loop3A_813 = arith.addi %parallel_loop3A_811, %parallel_loop3A_812 : i32
          %parallel_loop3A_814 = arith.constant 128 : i32
          %parallel_loop3A_815 = arith.muli %parallel_loop3A_813, %parallel_loop3A_814 : i32
          %parallel_loop3A_816 = vector.broadcast %parallel_loop3A_809 : i32 to vector<16xi32>
          %parallel_loop3A_817 = arith.addi %add3A_5, %parallel_loop3A_816 : vector<16xi32>
          %parallel_loop3A_818 = tpu.vector_load_idx %arg6[%parallel_loop3A_817] : memref<384xf32, #tpu.memory_space<vmem>>[vector<16xi32>], vector<16xf32>,
          %parallel_loop3A_819 = vector.broadcast %parallel_loop3A_809 : i32 to vector<16xi32>
          %parallel_loop3A_820 = arith.addi %add3A_8, %parallel_loop3A_819 : vector<16xi32>
          %parallel_loop3A_821 = tpu.vector_load_idx %arg6[%parallel_loop3A_820] : memref<384xf32, #tpu.memory_space<vmem>>[vector<16xi32>], vector<16xf32>,
          %parallel_loop3A_822 = vector.broadcast %parallel_loop3A_809 : i32 to vector<16xi32>
          %parallel_loop3A_823 = arith.addi %add3A_11, %parallel_loop3A_822 : vector<16xi32>
          %parallel_loop3A_824 = tpu.vector_load_idx %arg6[%parallel_loop3A_823] : memref<384xf32, #tpu.memory_space<vmem>>[vector<16xi32>], vector<16xf32>,
          %parallel_loop3A_825 = vector.broadcast %parallel_loop3A_809 : i32 to vector<16xi32>
          %parallel_loop3A_826 = arith.addi %add3A_14, %parallel_loop3A_825 : vector<16xi32>
          %parallel_loop3A_827 = tpu.vector_load_idx %arg6[%parallel_loop3A_826] : memref<384xf32, #tpu.memory_space<vmem>>[vector<16xi32>], vector<16xf32>,
          %parallel_loop3A_828 = vector.broadcast %parallel_loop3A_809 : i32 to vector<16xi32>
          %parallel_loop3A_829 = arith.addi %add3A_17, %parallel_loop3A_828 : vector<16xi32>
          %parallel_loop3A_830 = tpu.vector_load_idx %arg6[%parallel_loop3A_829] : memref<384xf32, #tpu.memory_space<vmem>>[vector<16xi32>], vector<16xf32>,
          %parallel_loop3A_831 = vector.broadcast %parallel_loop3A_809 : i32 to vector<16xi32>
          %parallel_loop3A_832 = arith.addi %add3A_20, %parallel_loop3A_831 : vector<16xi32>
          %parallel_loop3A_833 = tpu.vector_load_idx %arg6[%parallel_loop3A_832] : memref<384xf32, #tpu.memory_space<vmem>>[vector<16xi32>], vector<16xf32>,
          %parallel_loop3A_834 = vector.broadcast %parallel_loop3A_809 : i32 to vector<16xi32>
          %parallel_loop3A_835 = arith.addi %add3A_23, %parallel_loop3A_834 : vector<16xi32>
          %parallel_loop3A_836 = tpu.vector_load_idx %arg6[%parallel_loop3A_835] : memref<384xf32, #tpu.memory_space<vmem>>[vector<16xi32>], vector<16xf32>,
          %parallel_loop3A_837 = vector.broadcast %parallel_loop3A_809 : i32 to vector<16xi32>
          %parallel_loop3A_838 = arith.addi %add3A_26, %parallel_loop3A_837 : vector<16xi32>
          %parallel_loop3A_839 = tpu.vector_load_idx %arg6[%parallel_loop3A_838] : memref<384xf32, #tpu.memory_space<vmem>>[vector<16xi32>], vector<16xf32>,
          %parallel_loop3A_840 = arith.constant 0 : i32
          %parallel_loop3A_841 = arith.addi %parallel_loop3A_815, %parallel_loop3A_840 : i32
          %parallel_loop3A_842 = arith.index_cast %parallel_loop3A_841 : i32 to index
          %parallel_loop3A_843 = tpu.vector_load %arg7[%parallel_loop3A_842] {strides = array<i32>} : memref<32768xf32, #tpu.memory_space<vmem>>, vector<16xf32>,
          tpu.vector_store %arg7[%parallel_loop3A_842], %parallel_loop3A_818 {strides = array<i32>} : memref<32768xf32, #tpu.memory_space<vmem>>, vector<16xf32>,
          %parallel_loop3A_844 = arith.constant 16 : i32
          %parallel_loop3A_845 = arith.addi %parallel_loop3A_815, %parallel_loop3A_844 : i32
          %parallel_loop3A_846 = arith.index_cast %parallel_loop3A_845 : i32 to index
          %parallel_loop3A_847 = tpu.vector_load %arg7[%parallel_loop3A_846] {strides = array<i32>} : memref<32768xf32, #tpu.memory_space<vmem>>, vector<16xf32>,
          tpu.vector_store %arg7[%parallel_loop3A_846], %parallel_loop3A_821 {strides = array<i32>} : memref<32768xf32, #tpu.memory_space<vmem>>, vector<16xf32>,
          %parallel_loop3A_848 = arith.constant 32 : i32
          %parallel_loop3A_849 = arith.addi %parallel_loop3A_815, %parallel_loop3A_848 : i32
          %parallel_loop3A_850 = arith.index_cast %parallel_loop3A_849 : i32 to index
          %parallel_loop3A_851 = tpu.vector_load %arg7[%parallel_loop3A_850] {strides = array<i32>} : memref<32768xf32, #tpu.memory_space<vmem>>, vector<16xf32>,
          tpu.vector_store %arg7[%parallel_loop3A_850], %parallel_loop3A_824 {strides = array<i32>} : memref<32768xf32, #tpu.memory_space<vmem>>, vector<16xf32>,
          %parallel_loop3A_852 = arith.constant 48 : i32
          %parallel_loop3A_853 = arith.addi %parallel_loop3A_815, %parallel_loop3A_852 : i32
          %parallel_loop3A_854 = arith.index_cast %parallel_loop3A_853 : i32 to index
          %parallel_loop3A_855 = tpu.vector_load %arg7[%parallel_loop3A_854] {strides = array<i32>} : memref<32768xf32, #tpu.memory_space<vmem>>, vector<16xf32>,
          tpu.vector_store %arg7[%parallel_loop3A_854], %parallel_loop3A_827 {strides = array<i32>} : memref<32768xf32, #tpu.memory_space<vmem>>, vector<16xf32>,
          %parallel_loop3A_856 = arith.constant 64 : i32
          %parallel_loop3A_857 = arith.addi %parallel_loop3A_815, %parallel_loop3A_856 : i32
          %parallel_loop3A_858 = arith.index_cast %parallel_loop3A_857 : i32 to index
          %parallel_loop3A_859 = tpu.vector_load %arg7[%parallel_loop3A_858] {strides = array<i32>} : memref<32768xf32, #tpu.memory_space<vmem>>, vector<16xf32>,
          tpu.vector_store %arg7[%parallel_loop3A_858], %parallel_loop3A_830 {strides = array<i32>} : memref<32768xf32, #tpu.memory_space<vmem>>, vector<16xf32>,
          %parallel_loop3A_860 = arith.constant 80 : i32
          %parallel_loop3A_861 = arith.addi %parallel_loop3A_815, %parallel_loop3A_860 : i32
          %parallel_loop3A_862 = arith.index_cast %parallel_loop3A_861 : i32 to index
          %parallel_loop3A_863 = tpu.vector_load %arg7[%parallel_loop3A_862] {strides = array<i32>} : memref<32768xf32, #tpu.memory_space<vmem>>, vector<16xf32>,
          tpu.vector_store %arg7[%parallel_loop3A_862], %parallel_loop3A_833 {strides = array<i32>} : memref<32768xf32, #tpu.memory_space<vmem>>, vector<16xf32>,
          %parallel_loop3A_864 = arith.constant 96 : i32
          %parallel_loop3A_865 = arith.addi %parallel_loop3A_815, %parallel_loop3A_864 : i32
          %parallel_loop3A_866 = arith.index_cast %parallel_loop3A_865 : i32 to index
          %parallel_loop3A_867 = tpu.vector_load %arg7[%parallel_loop3A_866] {strides = array<i32>} : memref<32768xf32, #tpu.memory_space<vmem>>, vector<16xf32>,
          tpu.vector_store %arg7[%parallel_loop3A_866], %parallel_loop3A_836 {strides = array<i32>} : memref<32768xf32, #tpu.memory_space<vmem>>, vector<16xf32>,
          %parallel_loop3A_868 = arith.constant 112 : i32
          %parallel_loop3A_869 = arith.addi %parallel_loop3A_815, %parallel_loop3A_868 : i32
          %parallel_loop3A_870 = arith.index_cast %parallel_loop3A_869 : i32 to index
          %parallel_loop3A_871 = tpu.vector_load %arg7[%parallel_loop3A_870] {strides = array<i32>} : memref<32768xf32, #tpu.memory_space<vmem>>, vector<16xf32>,
          tpu.vector_store %arg7[%parallel_loop3A_870], %parallel_loop3A_839 {strides = array<i32>} : memref<32768xf32, #tpu.memory_space<vmem>>, vector<16xf32>,
          %parallel_loop3A_872 = vector.extract_strided_slice %parallel_loop3A_103 {offsets = [12], sizes = [1], strides = [1]} : vector<16xi32> to vector<1xi32>
          %parallel_loop3A_873 = vector.extract %parallel_loop3A_872[0] : i32 from vector<1xi32>
          %parallel_loop3A_874 = arith.constant 16 : i32
          %parallel_loop3A_875 = arith.muli %parallel_loop3A_95, %parallel_loop3A_874 : i32
          %parallel_loop3A_876 = arith.constant 12 : i32
          %parallel_loop3A_877 = arith.addi %parallel_loop3A_875, %parallel_loop3A_876 : i32
          %parallel_loop3A_878 = arith.constant 128 : i32
          %parallel_loop3A_879 = arith.muli %parallel_loop3A_877, %parallel_loop3A_878 : i32
          %parallel_loop3A_880 = vector.broadcast %parallel_loop3A_873 : i32 to vector<16xi32>
          %parallel_loop3A_881 = arith.addi %add3A_5, %parallel_loop3A_880 : vector<16xi32>
          %parallel_loop3A_882 = tpu.vector_load_idx %arg6[%parallel_loop3A_881] : memref<384xf32, #tpu.memory_space<vmem>>[vector<16xi32>], vector<16xf32>,
          %parallel_loop3A_883 = vector.broadcast %parallel_loop3A_873 : i32 to vector<16xi32>
          %parallel_loop3A_884 = arith.addi %add3A_8, %parallel_loop3A_883 : vector<16xi32>
          %parallel_loop3A_885 = tpu.vector_load_idx %arg6[%parallel_loop3A_884] : memref<384xf32, #tpu.memory_space<vmem>>[vector<16xi32>], vector<16xf32>,
          %parallel_loop3A_886 = vector.broadcast %parallel_loop3A_873 : i32 to vector<16xi32>
          %parallel_loop3A_887 = arith.addi %add3A_11, %parallel_loop3A_886 : vector<16xi32>
          %parallel_loop3A_888 = tpu.vector_load_idx %arg6[%parallel_loop3A_887] : memref<384xf32, #tpu.memory_space<vmem>>[vector<16xi32>], vector<16xf32>,
          %parallel_loop3A_889 = vector.broadcast %parallel_loop3A_873 : i32 to vector<16xi32>
          %parallel_loop3A_890 = arith.addi %add3A_14, %parallel_loop3A_889 : vector<16xi32>
          %parallel_loop3A_891 = tpu.vector_load_idx %arg6[%parallel_loop3A_890] : memref<384xf32, #tpu.memory_space<vmem>>[vector<16xi32>], vector<16xf32>,
          %parallel_loop3A_892 = vector.broadcast %parallel_loop3A_873 : i32 to vector<16xi32>
          %parallel_loop3A_893 = arith.addi %add3A_17, %parallel_loop3A_892 : vector<16xi32>
          %parallel_loop3A_894 = tpu.vector_load_idx %arg6[%parallel_loop3A_893] : memref<384xf32, #tpu.memory_space<vmem>>[vector<16xi32>], vector<16xf32>,
          %parallel_loop3A_895 = vector.broadcast %parallel_loop3A_873 : i32 to vector<16xi32>
          %parallel_loop3A_896 = arith.addi %add3A_20, %parallel_loop3A_895 : vector<16xi32>
          %parallel_loop3A_897 = tpu.vector_load_idx %arg6[%parallel_loop3A_896] : memref<384xf32, #tpu.memory_space<vmem>>[vector<16xi32>], vector<16xf32>,
          %parallel_loop3A_898 = vector.broadcast %parallel_loop3A_873 : i32 to vector<16xi32>
          %parallel_loop3A_899 = arith.addi %add3A_23, %parallel_loop3A_898 : vector<16xi32>
          %parallel_loop3A_900 = tpu.vector_load_idx %arg6[%parallel_loop3A_899] : memref<384xf32, #tpu.memory_space<vmem>>[vector<16xi32>], vector<16xf32>,
          %parallel_loop3A_901 = vector.broadcast %parallel_loop3A_873 : i32 to vector<16xi32>
          %parallel_loop3A_902 = arith.addi %add3A_26, %parallel_loop3A_901 : vector<16xi32>
          %parallel_loop3A_903 = tpu.vector_load_idx %arg6[%parallel_loop3A_902] : memref<384xf32, #tpu.memory_space<vmem>>[vector<16xi32>], vector<16xf32>,
          %parallel_loop3A_904 = arith.constant 0 : i32
          %parallel_loop3A_905 = arith.addi %parallel_loop3A_879, %parallel_loop3A_904 : i32
          %parallel_loop3A_906 = arith.index_cast %parallel_loop3A_905 : i32 to index
          %parallel_loop3A_907 = tpu.vector_load %arg7[%parallel_loop3A_906] {strides = array<i32>} : memref<32768xf32, #tpu.memory_space<vmem>>, vector<16xf32>,
          tpu.vector_store %arg7[%parallel_loop3A_906], %parallel_loop3A_882 {strides = array<i32>} : memref<32768xf32, #tpu.memory_space<vmem>>, vector<16xf32>,
          %parallel_loop3A_908 = arith.constant 16 : i32
          %parallel_loop3A_909 = arith.addi %parallel_loop3A_879, %parallel_loop3A_908 : i32
          %parallel_loop3A_910 = arith.index_cast %parallel_loop3A_909 : i32 to index
          %parallel_loop3A_911 = tpu.vector_load %arg7[%parallel_loop3A_910] {strides = array<i32>} : memref<32768xf32, #tpu.memory_space<vmem>>, vector<16xf32>,
          tpu.vector_store %arg7[%parallel_loop3A_910], %parallel_loop3A_885 {strides = array<i32>} : memref<32768xf32, #tpu.memory_space<vmem>>, vector<16xf32>,
          %parallel_loop3A_912 = arith.constant 32 : i32
          %parallel_loop3A_913 = arith.addi %parallel_loop3A_879, %parallel_loop3A_912 : i32
          %parallel_loop3A_914 = arith.index_cast %parallel_loop3A_913 : i32 to index
          %parallel_loop3A_915 = tpu.vector_load %arg7[%parallel_loop3A_914] {strides = array<i32>} : memref<32768xf32, #tpu.memory_space<vmem>>, vector<16xf32>,
          tpu.vector_store %arg7[%parallel_loop3A_914], %parallel_loop3A_888 {strides = array<i32>} : memref<32768xf32, #tpu.memory_space<vmem>>, vector<16xf32>,
          %parallel_loop3A_916 = arith.constant 48 : i32
          %parallel_loop3A_917 = arith.addi %parallel_loop3A_879, %parallel_loop3A_916 : i32
          %parallel_loop3A_918 = arith.index_cast %parallel_loop3A_917 : i32 to index
          %parallel_loop3A_919 = tpu.vector_load %arg7[%parallel_loop3A_918] {strides = array<i32>} : memref<32768xf32, #tpu.memory_space<vmem>>, vector<16xf32>,
          tpu.vector_store %arg7[%parallel_loop3A_918], %parallel_loop3A_891 {strides = array<i32>} : memref<32768xf32, #tpu.memory_space<vmem>>, vector<16xf32>,
          %parallel_loop3A_920 = arith.constant 64 : i32
          %parallel_loop3A_921 = arith.addi %parallel_loop3A_879, %parallel_loop3A_920 : i32
          %parallel_loop3A_922 = arith.index_cast %parallel_loop3A_921 : i32 to index
          %parallel_loop3A_923 = tpu.vector_load %arg7[%parallel_loop3A_922] {strides = array<i32>} : memref<32768xf32, #tpu.memory_space<vmem>>, vector<16xf32>,
          tpu.vector_store %arg7[%parallel_loop3A_922], %parallel_loop3A_894 {strides = array<i32>} : memref<32768xf32, #tpu.memory_space<vmem>>, vector<16xf32>,
          %parallel_loop3A_924 = arith.constant 80 : i32
          %parallel_loop3A_925 = arith.addi %parallel_loop3A_879, %parallel_loop3A_924 : i32
          %parallel_loop3A_926 = arith.index_cast %parallel_loop3A_925 : i32 to index
          %parallel_loop3A_927 = tpu.vector_load %arg7[%parallel_loop3A_926] {strides = array<i32>} : memref<32768xf32, #tpu.memory_space<vmem>>, vector<16xf32>,
          tpu.vector_store %arg7[%parallel_loop3A_926], %parallel_loop3A_897 {strides = array<i32>} : memref<32768xf32, #tpu.memory_space<vmem>>, vector<16xf32>,
          %parallel_loop3A_928 = arith.constant 96 : i32
          %parallel_loop3A_929 = arith.addi %parallel_loop3A_879, %parallel_loop3A_928 : i32
          %parallel_loop3A_930 = arith.index_cast %parallel_loop3A_929 : i32 to index
          %parallel_loop3A_931 = tpu.vector_load %arg7[%parallel_loop3A_930] {strides = array<i32>} : memref<32768xf32, #tpu.memory_space<vmem>>, vector<16xf32>,
          tpu.vector_store %arg7[%parallel_loop3A_930], %parallel_loop3A_900 {strides = array<i32>} : memref<32768xf32, #tpu.memory_space<vmem>>, vector<16xf32>,
          %parallel_loop3A_932 = arith.constant 112 : i32
          %parallel_loop3A_933 = arith.addi %parallel_loop3A_879, %parallel_loop3A_932 : i32
          %parallel_loop3A_934 = arith.index_cast %parallel_loop3A_933 : i32 to index
          %parallel_loop3A_935 = tpu.vector_load %arg7[%parallel_loop3A_934] {strides = array<i32>} : memref<32768xf32, #tpu.memory_space<vmem>>, vector<16xf32>,
          tpu.vector_store %arg7[%parallel_loop3A_934], %parallel_loop3A_903 {strides = array<i32>} : memref<32768xf32, #tpu.memory_space<vmem>>, vector<16xf32>,
          %parallel_loop3A_936 = vector.extract_strided_slice %parallel_loop3A_103 {offsets = [13], sizes = [1], strides = [1]} : vector<16xi32> to vector<1xi32>
          %parallel_loop3A_937 = vector.extract %parallel_loop3A_936[0] : i32 from vector<1xi32>
          %parallel_loop3A_938 = arith.constant 16 : i32
          %parallel_loop3A_939 = arith.muli %parallel_loop3A_95, %parallel_loop3A_938 : i32
          %parallel_loop3A_940 = arith.constant 13 : i32
          %parallel_loop3A_941 = arith.addi %parallel_loop3A_939, %parallel_loop3A_940 : i32
          %parallel_loop3A_942 = arith.constant 128 : i32
          %parallel_loop3A_943 = arith.muli %parallel_loop3A_941, %parallel_loop3A_942 : i32
          %parallel_loop3A_944 = vector.broadcast %parallel_loop3A_937 : i32 to vector<16xi32>
          %parallel_loop3A_945 = arith.addi %add3A_5, %parallel_loop3A_944 : vector<16xi32>
          %parallel_loop3A_946 = tpu.vector_load_idx %arg6[%parallel_loop3A_945] : memref<384xf32, #tpu.memory_space<vmem>>[vector<16xi32>], vector<16xf32>,
          %parallel_loop3A_947 = vector.broadcast %parallel_loop3A_937 : i32 to vector<16xi32>
          %parallel_loop3A_948 = arith.addi %add3A_8, %parallel_loop3A_947 : vector<16xi32>
          %parallel_loop3A_949 = tpu.vector_load_idx %arg6[%parallel_loop3A_948] : memref<384xf32, #tpu.memory_space<vmem>>[vector<16xi32>], vector<16xf32>,
          %parallel_loop3A_950 = vector.broadcast %parallel_loop3A_937 : i32 to vector<16xi32>
          %parallel_loop3A_951 = arith.addi %add3A_11, %parallel_loop3A_950 : vector<16xi32>
          %parallel_loop3A_952 = tpu.vector_load_idx %arg6[%parallel_loop3A_951] : memref<384xf32, #tpu.memory_space<vmem>>[vector<16xi32>], vector<16xf32>,
          %parallel_loop3A_953 = vector.broadcast %parallel_loop3A_937 : i32 to vector<16xi32>
          %parallel_loop3A_954 = arith.addi %add3A_14, %parallel_loop3A_953 : vector<16xi32>
          %parallel_loop3A_955 = tpu.vector_load_idx %arg6[%parallel_loop3A_954] : memref<384xf32, #tpu.memory_space<vmem>>[vector<16xi32>], vector<16xf32>,
          %parallel_loop3A_956 = vector.broadcast %parallel_loop3A_937 : i32 to vector<16xi32>
          %parallel_loop3A_957 = arith.addi %add3A_17, %parallel_loop3A_956 : vector<16xi32>
          %parallel_loop3A_958 = tpu.vector_load_idx %arg6[%parallel_loop3A_957] : memref<384xf32, #tpu.memory_space<vmem>>[vector<16xi32>], vector<16xf32>,
          %parallel_loop3A_959 = vector.broadcast %parallel_loop3A_937 : i32 to vector<16xi32>
          %parallel_loop3A_960 = arith.addi %add3A_20, %parallel_loop3A_959 : vector<16xi32>
          %parallel_loop3A_961 = tpu.vector_load_idx %arg6[%parallel_loop3A_960] : memref<384xf32, #tpu.memory_space<vmem>>[vector<16xi32>], vector<16xf32>,
          %parallel_loop3A_962 = vector.broadcast %parallel_loop3A_937 : i32 to vector<16xi32>
          %parallel_loop3A_963 = arith.addi %add3A_23, %parallel_loop3A_962 : vector<16xi32>
          %parallel_loop3A_964 = tpu.vector_load_idx %arg6[%parallel_loop3A_963] : memref<384xf32, #tpu.memory_space<vmem>>[vector<16xi32>], vector<16xf32>,
          %parallel_loop3A_965 = vector.broadcast %parallel_loop3A_937 : i32 to vector<16xi32>
          %parallel_loop3A_966 = arith.addi %add3A_26, %parallel_loop3A_965 : vector<16xi32>
          %parallel_loop3A_967 = tpu.vector_load_idx %arg6[%parallel_loop3A_966] : memref<384xf32, #tpu.memory_space<vmem>>[vector<16xi32>], vector<16xf32>,
          %parallel_loop3A_968 = arith.constant 0 : i32
          %parallel_loop3A_969 = arith.addi %parallel_loop3A_943, %parallel_loop3A_968 : i32
          %parallel_loop3A_970 = arith.index_cast %parallel_loop3A_969 : i32 to index
          %parallel_loop3A_971 = tpu.vector_load %arg7[%parallel_loop3A_970] {strides = array<i32>} : memref<32768xf32, #tpu.memory_space<vmem>>, vector<16xf32>,
          tpu.vector_store %arg7[%parallel_loop3A_970], %parallel_loop3A_946 {strides = array<i32>} : memref<32768xf32, #tpu.memory_space<vmem>>, vector<16xf32>,
          %parallel_loop3A_972 = arith.constant 16 : i32
          %parallel_loop3A_973 = arith.addi %parallel_loop3A_943, %parallel_loop3A_972 : i32
          %parallel_loop3A_974 = arith.index_cast %parallel_loop3A_973 : i32 to index
          %parallel_loop3A_975 = tpu.vector_load %arg7[%parallel_loop3A_974] {strides = array<i32>} : memref<32768xf32, #tpu.memory_space<vmem>>, vector<16xf32>,
          tpu.vector_store %arg7[%parallel_loop3A_974], %parallel_loop3A_949 {strides = array<i32>} : memref<32768xf32, #tpu.memory_space<vmem>>, vector<16xf32>,
          %parallel_loop3A_976 = arith.constant 32 : i32
          %parallel_loop3A_977 = arith.addi %parallel_loop3A_943, %parallel_loop3A_976 : i32
          %parallel_loop3A_978 = arith.index_cast %parallel_loop3A_977 : i32 to index
          %parallel_loop3A_979 = tpu.vector_load %arg7[%parallel_loop3A_978] {strides = array<i32>} : memref<32768xf32, #tpu.memory_space<vmem>>, vector<16xf32>,
          tpu.vector_store %arg7[%parallel_loop3A_978], %parallel_loop3A_952 {strides = array<i32>} : memref<32768xf32, #tpu.memory_space<vmem>>, vector<16xf32>,
          %parallel_loop3A_980 = arith.constant 48 : i32
          %parallel_loop3A_981 = arith.addi %parallel_loop3A_943, %parallel_loop3A_980 : i32
          %parallel_loop3A_982 = arith.index_cast %parallel_loop3A_981 : i32 to index
          %parallel_loop3A_983 = tpu.vector_load %arg7[%parallel_loop3A_982] {strides = array<i32>} : memref<32768xf32, #tpu.memory_space<vmem>>, vector<16xf32>,
          tpu.vector_store %arg7[%parallel_loop3A_982], %parallel_loop3A_955 {strides = array<i32>} : memref<32768xf32, #tpu.memory_space<vmem>>, vector<16xf32>,
          %parallel_loop3A_984 = arith.constant 64 : i32
          %parallel_loop3A_985 = arith.addi %parallel_loop3A_943, %parallel_loop3A_984 : i32
          %parallel_loop3A_986 = arith.index_cast %parallel_loop3A_985 : i32 to index
          %parallel_loop3A_987 = tpu.vector_load %arg7[%parallel_loop3A_986] {strides = array<i32>} : memref<32768xf32, #tpu.memory_space<vmem>>, vector<16xf32>,
          tpu.vector_store %arg7[%parallel_loop3A_986], %parallel_loop3A_958 {strides = array<i32>} : memref<32768xf32, #tpu.memory_space<vmem>>, vector<16xf32>,
          %parallel_loop3A_988 = arith.constant 80 : i32
          %parallel_loop3A_989 = arith.addi %parallel_loop3A_943, %parallel_loop3A_988 : i32
          %parallel_loop3A_990 = arith.index_cast %parallel_loop3A_989 : i32 to index
          %parallel_loop3A_991 = tpu.vector_load %arg7[%parallel_loop3A_990] {strides = array<i32>} : memref<32768xf32, #tpu.memory_space<vmem>>, vector<16xf32>,
          tpu.vector_store %arg7[%parallel_loop3A_990], %parallel_loop3A_961 {strides = array<i32>} : memref<32768xf32, #tpu.memory_space<vmem>>, vector<16xf32>,
          %parallel_loop3A_992 = arith.constant 96 : i32
          %parallel_loop3A_993 = arith.addi %parallel_loop3A_943, %parallel_loop3A_992 : i32
          %parallel_loop3A_994 = arith.index_cast %parallel_loop3A_993 : i32 to index
          %parallel_loop3A_995 = tpu.vector_load %arg7[%parallel_loop3A_994] {strides = array<i32>} : memref<32768xf32, #tpu.memory_space<vmem>>, vector<16xf32>,
          tpu.vector_store %arg7[%parallel_loop3A_994], %parallel_loop3A_964 {strides = array<i32>} : memref<32768xf32, #tpu.memory_space<vmem>>, vector<16xf32>,
          %parallel_loop3A_996 = arith.constant 112 : i32
          %parallel_loop3A_997 = arith.addi %parallel_loop3A_943, %parallel_loop3A_996 : i32
          %parallel_loop3A_998 = arith.index_cast %parallel_loop3A_997 : i32 to index
          %parallel_loop3A_999 = tpu.vector_load %arg7[%parallel_loop3A_998] {strides = array<i32>} : memref<32768xf32, #tpu.memory_space<vmem>>, vector<16xf32>,
          tpu.vector_store %arg7[%parallel_loop3A_998], %parallel_loop3A_967 {strides = array<i32>} : memref<32768xf32, #tpu.memory_space<vmem>>, vector<16xf32>,
          %parallel_loop3A_1000 = vector.extract_strided_slice %parallel_loop3A_103 {offsets = [14], sizes = [1], strides = [1]} : vector<16xi32> to vector<1xi32>
          %parallel_loop3A_1001 = vector.extract %parallel_loop3A_1000[0] : i32 from vector<1xi32>
          %parallel_loop3A_1002 = arith.constant 16 : i32
          %parallel_loop3A_1003 = arith.muli %parallel_loop3A_95, %parallel_loop3A_1002 : i32
          %parallel_loop3A_1004 = arith.constant 14 : i32
          %parallel_loop3A_1005 = arith.addi %parallel_loop3A_1003, %parallel_loop3A_1004 : i32
          %parallel_loop3A_1006 = arith.constant 128 : i32
          %parallel_loop3A_1007 = arith.muli %parallel_loop3A_1005, %parallel_loop3A_1006 : i32
          %parallel_loop3A_1008 = vector.broadcast %parallel_loop3A_1001 : i32 to vector<16xi32>
          %parallel_loop3A_1009 = arith.addi %add3A_5, %parallel_loop3A_1008 : vector<16xi32>
          %parallel_loop3A_1010 = tpu.vector_load_idx %arg6[%parallel_loop3A_1009] : memref<384xf32, #tpu.memory_space<vmem>>[vector<16xi32>], vector<16xf32>,
          %parallel_loop3A_1011 = vector.broadcast %parallel_loop3A_1001 : i32 to vector<16xi32>
          %parallel_loop3A_1012 = arith.addi %add3A_8, %parallel_loop3A_1011 : vector<16xi32>
          %parallel_loop3A_1013 = tpu.vector_load_idx %arg6[%parallel_loop3A_1012] : memref<384xf32, #tpu.memory_space<vmem>>[vector<16xi32>], vector<16xf32>,
          %parallel_loop3A_1014 = vector.broadcast %parallel_loop3A_1001 : i32 to vector<16xi32>
          %parallel_loop3A_1015 = arith.addi %add3A_11, %parallel_loop3A_1014 : vector<16xi32>
          %parallel_loop3A_1016 = tpu.vector_load_idx %arg6[%parallel_loop3A_1015] : memref<384xf32, #tpu.memory_space<vmem>>[vector<16xi32>], vector<16xf32>,
          %parallel_loop3A_1017 = vector.broadcast %parallel_loop3A_1001 : i32 to vector<16xi32>
          %parallel_loop3A_1018 = arith.addi %add3A_14, %parallel_loop3A_1017 : vector<16xi32>
          %parallel_loop3A_1019 = tpu.vector_load_idx %arg6[%parallel_loop3A_1018] : memref<384xf32, #tpu.memory_space<vmem>>[vector<16xi32>], vector<16xf32>,
          %parallel_loop3A_1020 = vector.broadcast %parallel_loop3A_1001 : i32 to vector<16xi32>
          %parallel_loop3A_1021 = arith.addi %add3A_17, %parallel_loop3A_1020 : vector<16xi32>
          %parallel_loop3A_1022 = tpu.vector_load_idx %arg6[%parallel_loop3A_1021] : memref<384xf32, #tpu.memory_space<vmem>>[vector<16xi32>], vector<16xf32>,
          %parallel_loop3A_1023 = vector.broadcast %parallel_loop3A_1001 : i32 to vector<16xi32>
          %parallel_loop3A_1024 = arith.addi %add3A_20, %parallel_loop3A_1023 : vector<16xi32>
          %parallel_loop3A_1025 = tpu.vector_load_idx %arg6[%parallel_loop3A_1024] : memref<384xf32, #tpu.memory_space<vmem>>[vector<16xi32>], vector<16xf32>,
          %parallel_loop3A_1026 = vector.broadcast %parallel_loop3A_1001 : i32 to vector<16xi32>
          %parallel_loop3A_1027 = arith.addi %add3A_23, %parallel_loop3A_1026 : vector<16xi32>
          %parallel_loop3A_1028 = tpu.vector_load_idx %arg6[%parallel_loop3A_1027] : memref<384xf32, #tpu.memory_space<vmem>>[vector<16xi32>], vector<16xf32>,
          %parallel_loop3A_1029 = vector.broadcast %parallel_loop3A_1001 : i32 to vector<16xi32>
          %parallel_loop3A_1030 = arith.addi %add3A_26, %parallel_loop3A_1029 : vector<16xi32>
          %parallel_loop3A_1031 = tpu.vector_load_idx %arg6[%parallel_loop3A_1030] : memref<384xf32, #tpu.memory_space<vmem>>[vector<16xi32>], vector<16xf32>,
          %parallel_loop3A_1032 = arith.constant 0 : i32
          %parallel_loop3A_1033 = arith.addi %parallel_loop3A_1007, %parallel_loop3A_1032 : i32
          %parallel_loop3A_1034 = arith.index_cast %parallel_loop3A_1033 : i32 to index
          %parallel_loop3A_1035 = tpu.vector_load %arg7[%parallel_loop3A_1034] {strides = array<i32>} : memref<32768xf32, #tpu.memory_space<vmem>>, vector<16xf32>,
          tpu.vector_store %arg7[%parallel_loop3A_1034], %parallel_loop3A_1010 {strides = array<i32>} : memref<32768xf32, #tpu.memory_space<vmem>>, vector<16xf32>,
          %parallel_loop3A_1036 = arith.constant 16 : i32
          %parallel_loop3A_1037 = arith.addi %parallel_loop3A_1007, %parallel_loop3A_1036 : i32
          %parallel_loop3A_1038 = arith.index_cast %parallel_loop3A_1037 : i32 to index
          %parallel_loop3A_1039 = tpu.vector_load %arg7[%parallel_loop3A_1038] {strides = array<i32>} : memref<32768xf32, #tpu.memory_space<vmem>>, vector<16xf32>,
          tpu.vector_store %arg7[%parallel_loop3A_1038], %parallel_loop3A_1013 {strides = array<i32>} : memref<32768xf32, #tpu.memory_space<vmem>>, vector<16xf32>,
          %parallel_loop3A_1040 = arith.constant 32 : i32
          %parallel_loop3A_1041 = arith.addi %parallel_loop3A_1007, %parallel_loop3A_1040 : i32
          %parallel_loop3A_1042 = arith.index_cast %parallel_loop3A_1041 : i32 to index
          %parallel_loop3A_1043 = tpu.vector_load %arg7[%parallel_loop3A_1042] {strides = array<i32>} : memref<32768xf32, #tpu.memory_space<vmem>>, vector<16xf32>,
          tpu.vector_store %arg7[%parallel_loop3A_1042], %parallel_loop3A_1016 {strides = array<i32>} : memref<32768xf32, #tpu.memory_space<vmem>>, vector<16xf32>,
          %parallel_loop3A_1044 = arith.constant 48 : i32
          %parallel_loop3A_1045 = arith.addi %parallel_loop3A_1007, %parallel_loop3A_1044 : i32
          %parallel_loop3A_1046 = arith.index_cast %parallel_loop3A_1045 : i32 to index
          %parallel_loop3A_1047 = tpu.vector_load %arg7[%parallel_loop3A_1046] {strides = array<i32>} : memref<32768xf32, #tpu.memory_space<vmem>>, vector<16xf32>,
          tpu.vector_store %arg7[%parallel_loop3A_1046], %parallel_loop3A_1019 {strides = array<i32>} : memref<32768xf32, #tpu.memory_space<vmem>>, vector<16xf32>,
          %parallel_loop3A_1048 = arith.constant 64 : i32
          %parallel_loop3A_1049 = arith.addi %parallel_loop3A_1007, %parallel_loop3A_1048 : i32
          %parallel_loop3A_1050 = arith.index_cast %parallel_loop3A_1049 : i32 to index
          %parallel_loop3A_1051 = tpu.vector_load %arg7[%parallel_loop3A_1050] {strides = array<i32>} : memref<32768xf32, #tpu.memory_space<vmem>>, vector<16xf32>,
          tpu.vector_store %arg7[%parallel_loop3A_1050], %parallel_loop3A_1022 {strides = array<i32>} : memref<32768xf32, #tpu.memory_space<vmem>>, vector<16xf32>,
          %parallel_loop3A_1052 = arith.constant 80 : i32
          %parallel_loop3A_1053 = arith.addi %parallel_loop3A_1007, %parallel_loop3A_1052 : i32
          %parallel_loop3A_1054 = arith.index_cast %parallel_loop3A_1053 : i32 to index
          %parallel_loop3A_1055 = tpu.vector_load %arg7[%parallel_loop3A_1054] {strides = array<i32>} : memref<32768xf32, #tpu.memory_space<vmem>>, vector<16xf32>,
          tpu.vector_store %arg7[%parallel_loop3A_1054], %parallel_loop3A_1025 {strides = array<i32>} : memref<32768xf32, #tpu.memory_space<vmem>>, vector<16xf32>,
          %parallel_loop3A_1056 = arith.constant 96 : i32
          %parallel_loop3A_1057 = arith.addi %parallel_loop3A_1007, %parallel_loop3A_1056 : i32
          %parallel_loop3A_1058 = arith.index_cast %parallel_loop3A_1057 : i32 to index
          %parallel_loop3A_1059 = tpu.vector_load %arg7[%parallel_loop3A_1058] {strides = array<i32>} : memref<32768xf32, #tpu.memory_space<vmem>>, vector<16xf32>,
          tpu.vector_store %arg7[%parallel_loop3A_1058], %parallel_loop3A_1028 {strides = array<i32>} : memref<32768xf32, #tpu.memory_space<vmem>>, vector<16xf32>,
          %parallel_loop3A_1060 = arith.constant 112 : i32
          %parallel_loop3A_1061 = arith.addi %parallel_loop3A_1007, %parallel_loop3A_1060 : i32
          %parallel_loop3A_1062 = arith.index_cast %parallel_loop3A_1061 : i32 to index
          %parallel_loop3A_1063 = tpu.vector_load %arg7[%parallel_loop3A_1062] {strides = array<i32>} : memref<32768xf32, #tpu.memory_space<vmem>>, vector<16xf32>,
          tpu.vector_store %arg7[%parallel_loop3A_1062], %parallel_loop3A_1031 {strides = array<i32>} : memref<32768xf32, #tpu.memory_space<vmem>>, vector<16xf32>,
          %parallel_loop3A_1064 = vector.extract_strided_slice %parallel_loop3A_103 {offsets = [15], sizes = [1], strides = [1]} : vector<16xi32> to vector<1xi32>
          %parallel_loop3A_1065 = vector.extract %parallel_loop3A_1064[0] : i32 from vector<1xi32>
          %parallel_loop3A_1066 = arith.constant 16 : i32
          %parallel_loop3A_1067 = arith.muli %parallel_loop3A_95, %parallel_loop3A_1066 : i32
          %parallel_loop3A_1068 = arith.constant 15 : i32
          %parallel_loop3A_1069 = arith.addi %parallel_loop3A_1067, %parallel_loop3A_1068 : i32
          %parallel_loop3A_1070 = arith.constant 128 : i32
          %parallel_loop3A_1071 = arith.muli %parallel_loop3A_1069, %parallel_loop3A_1070 : i32
          %parallel_loop3A_1072 = vector.broadcast %parallel_loop3A_1065 : i32 to vector<16xi32>
          %parallel_loop3A_1073 = arith.addi %add3A_5, %parallel_loop3A_1072 : vector<16xi32>
          %parallel_loop3A_1074 = tpu.vector_load_idx %arg6[%parallel_loop3A_1073] : memref<384xf32, #tpu.memory_space<vmem>>[vector<16xi32>], vector<16xf32>,
          %parallel_loop3A_1075 = vector.broadcast %parallel_loop3A_1065 : i32 to vector<16xi32>
          %parallel_loop3A_1076 = arith.addi %add3A_8, %parallel_loop3A_1075 : vector<16xi32>
          %parallel_loop3A_1077 = tpu.vector_load_idx %arg6[%parallel_loop3A_1076] : memref<384xf32, #tpu.memory_space<vmem>>[vector<16xi32>], vector<16xf32>,
          %parallel_loop3A_1078 = vector.broadcast %parallel_loop3A_1065 : i32 to vector<16xi32>
          %parallel_loop3A_1079 = arith.addi %add3A_11, %parallel_loop3A_1078 : vector<16xi32>
          %parallel_loop3A_1080 = tpu.vector_load_idx %arg6[%parallel_loop3A_1079] : memref<384xf32, #tpu.memory_space<vmem>>[vector<16xi32>], vector<16xf32>,
          %parallel_loop3A_1081 = vector.broadcast %parallel_loop3A_1065 : i32 to vector<16xi32>
          %parallel_loop3A_1082 = arith.addi %add3A_14, %parallel_loop3A_1081 : vector<16xi32>
          %parallel_loop3A_1083 = tpu.vector_load_idx %arg6[%parallel_loop3A_1082] : memref<384xf32, #tpu.memory_space<vmem>>[vector<16xi32>], vector<16xf32>,
          %parallel_loop3A_1084 = vector.broadcast %parallel_loop3A_1065 : i32 to vector<16xi32>
          %parallel_loop3A_1085 = arith.addi %add3A_17, %parallel_loop3A_1084 : vector<16xi32>
          %parallel_loop3A_1086 = tpu.vector_load_idx %arg6[%parallel_loop3A_1085] : memref<384xf32, #tpu.memory_space<vmem>>[vector<16xi32>], vector<16xf32>,
          %parallel_loop3A_1087 = vector.broadcast %parallel_loop3A_1065 : i32 to vector<16xi32>
          %parallel_loop3A_1088 = arith.addi %add3A_20, %parallel_loop3A_1087 : vector<16xi32>
          %parallel_loop3A_1089 = tpu.vector_load_idx %arg6[%parallel_loop3A_1088] : memref<384xf32, #tpu.memory_space<vmem>>[vector<16xi32>], vector<16xf32>,
          %parallel_loop3A_1090 = vector.broadcast %parallel_loop3A_1065 : i32 to vector<16xi32>
          %parallel_loop3A_1091 = arith.addi %add3A_23, %parallel_loop3A_1090 : vector<16xi32>
          %parallel_loop3A_1092 = tpu.vector_load_idx %arg6[%parallel_loop3A_1091] : memref<384xf32, #tpu.memory_space<vmem>>[vector<16xi32>], vector<16xf32>,
          %parallel_loop3A_1093 = vector.broadcast %parallel_loop3A_1065 : i32 to vector<16xi32>
          %parallel_loop3A_1094 = arith.addi %add3A_26, %parallel_loop3A_1093 : vector<16xi32>
          %parallel_loop3A_1095 = tpu.vector_load_idx %arg6[%parallel_loop3A_1094] : memref<384xf32, #tpu.memory_space<vmem>>[vector<16xi32>], vector<16xf32>,
          %parallel_loop3A_1096 = arith.constant 0 : i32
          %parallel_loop3A_1097 = arith.addi %parallel_loop3A_1071, %parallel_loop3A_1096 : i32
          %parallel_loop3A_1098 = arith.index_cast %parallel_loop3A_1097 : i32 to index
          %parallel_loop3A_1099 = tpu.vector_load %arg7[%parallel_loop3A_1098] {strides = array<i32>} : memref<32768xf32, #tpu.memory_space<vmem>>, vector<16xf32>,
          tpu.vector_store %arg7[%parallel_loop3A_1098], %parallel_loop3A_1074 {strides = array<i32>} : memref<32768xf32, #tpu.memory_space<vmem>>, vector<16xf32>,
          %parallel_loop3A_1100 = arith.constant 16 : i32
          %parallel_loop3A_1101 = arith.addi %parallel_loop3A_1071, %parallel_loop3A_1100 : i32
          %parallel_loop3A_1102 = arith.index_cast %parallel_loop3A_1101 : i32 to index
          %parallel_loop3A_1103 = tpu.vector_load %arg7[%parallel_loop3A_1102] {strides = array<i32>} : memref<32768xf32, #tpu.memory_space<vmem>>, vector<16xf32>,
          tpu.vector_store %arg7[%parallel_loop3A_1102], %parallel_loop3A_1077 {strides = array<i32>} : memref<32768xf32, #tpu.memory_space<vmem>>, vector<16xf32>,
          %parallel_loop3A_1104 = arith.constant 32 : i32
          %parallel_loop3A_1105 = arith.addi %parallel_loop3A_1071, %parallel_loop3A_1104 : i32
          %parallel_loop3A_1106 = arith.index_cast %parallel_loop3A_1105 : i32 to index
          %parallel_loop3A_1107 = tpu.vector_load %arg7[%parallel_loop3A_1106] {strides = array<i32>} : memref<32768xf32, #tpu.memory_space<vmem>>, vector<16xf32>,
          tpu.vector_store %arg7[%parallel_loop3A_1106], %parallel_loop3A_1080 {strides = array<i32>} : memref<32768xf32, #tpu.memory_space<vmem>>, vector<16xf32>,
          %parallel_loop3A_1108 = arith.constant 48 : i32
          %parallel_loop3A_1109 = arith.addi %parallel_loop3A_1071, %parallel_loop3A_1108 : i32
          %parallel_loop3A_1110 = arith.index_cast %parallel_loop3A_1109 : i32 to index
          %parallel_loop3A_1111 = tpu.vector_load %arg7[%parallel_loop3A_1110] {strides = array<i32>} : memref<32768xf32, #tpu.memory_space<vmem>>, vector<16xf32>,
          tpu.vector_store %arg7[%parallel_loop3A_1110], %parallel_loop3A_1083 {strides = array<i32>} : memref<32768xf32, #tpu.memory_space<vmem>>, vector<16xf32>,
          %parallel_loop3A_1112 = arith.constant 64 : i32
          %parallel_loop3A_1113 = arith.addi %parallel_loop3A_1071, %parallel_loop3A_1112 : i32
          %parallel_loop3A_1114 = arith.index_cast %parallel_loop3A_1113 : i32 to index
          %parallel_loop3A_1115 = tpu.vector_load %arg7[%parallel_loop3A_1114] {strides = array<i32>} : memref<32768xf32, #tpu.memory_space<vmem>>, vector<16xf32>,
          tpu.vector_store %arg7[%parallel_loop3A_1114], %parallel_loop3A_1086 {strides = array<i32>} : memref<32768xf32, #tpu.memory_space<vmem>>, vector<16xf32>,
          %parallel_loop3A_1116 = arith.constant 80 : i32
          %parallel_loop3A_1117 = arith.addi %parallel_loop3A_1071, %parallel_loop3A_1116 : i32
          %parallel_loop3A_1118 = arith.index_cast %parallel_loop3A_1117 : i32 to index
          %parallel_loop3A_1119 = tpu.vector_load %arg7[%parallel_loop3A_1118] {strides = array<i32>} : memref<32768xf32, #tpu.memory_space<vmem>>, vector<16xf32>,
          tpu.vector_store %arg7[%parallel_loop3A_1118], %parallel_loop3A_1089 {strides = array<i32>} : memref<32768xf32, #tpu.memory_space<vmem>>, vector<16xf32>,
          %parallel_loop3A_1120 = arith.constant 96 : i32
          %parallel_loop3A_1121 = arith.addi %parallel_loop3A_1071, %parallel_loop3A_1120 : i32
          %parallel_loop3A_1122 = arith.index_cast %parallel_loop3A_1121 : i32 to index
          %parallel_loop3A_1123 = tpu.vector_load %arg7[%parallel_loop3A_1122] {strides = array<i32>} : memref<32768xf32, #tpu.memory_space<vmem>>, vector<16xf32>,
          tpu.vector_store %arg7[%parallel_loop3A_1122], %parallel_loop3A_1092 {strides = array<i32>} : memref<32768xf32, #tpu.memory_space<vmem>>, vector<16xf32>,
          %parallel_loop3A_1124 = arith.constant 112 : i32
          %parallel_loop3A_1125 = arith.addi %parallel_loop3A_1071, %parallel_loop3A_1124 : i32
          %parallel_loop3A_1126 = arith.index_cast %parallel_loop3A_1125 : i32 to index
          %parallel_loop3A_1127 = tpu.vector_load %arg7[%parallel_loop3A_1126] {strides = array<i32>} : memref<32768xf32, #tpu.memory_space<vmem>>, vector<16xf32>,
          tpu.vector_store %arg7[%parallel_loop3A_1126], %parallel_loop3A_1095 {strides = array<i32>} : memref<32768xf32, #tpu.memory_space<vmem>>, vector<16xf32>,
        } {sc.loop_unroll_factor = 2 : i64, sc.parallel_access}
        %mul3A_72 = arith.constant 128 : i32
        %mul3A_73 = arith.muli %add3A_61, %mul3A_72 : i32
        %dma_start3A_74 = tpu.memref_slice %arg4[%mul3A_73] : memref<419430400xf32, #tpu.memory_space<hbm>> -> memref<32768xf32, #tpu.memory_space<hbm>>
        %dma_start3A_75 = tpu.memref_slice %arg4[%mul3A_73] : memref<419430400xf32, #tpu.memory_space<hbm>> -> memref<32768xf32, #tpu.memory_space<hbm>>
        tpu.enqueue_dma source(%arg7 : memref<32768xf32, #tpu.memory_space<vmem>>) target(%dma_start3A_75 : memref<32768xf32, #tpu.memory_space<hbm>>) target_semaphore(%arg9 : memref<!tpu.dma_semaphore, #tpu.memory_space<semaphore_mem>>)
        %mul3A_76 = arith.constant 128 : i32
        %mul3A_77 = arith.muli %mul3A_2, %mul3A_76 : i32
        %dma_wait3A_78 = tpu.memref_slice %arg4[%mul3A_77] : memref<419430400xf32, #tpu.memory_space<hbm>> -> memref<32768xf32, #tpu.memory_space<hbm>>
        %dma_wait3A_79 = tpu.memref_slice %arg4[%mul3A_77] : memref<419430400xf32, #tpu.memory_space<hbm>> -> memref<32768xf32, #tpu.memory_space<hbm>>
        tpu.wait_dma2 semaphore(%arg10 : memref<!tpu.dma_semaphore, #tpu.memory_space<semaphore_mem>>) src(%arg8 : memref<32768xf32, #tpu.memory_space<vmem>>) dst(%dma_wait3A_79 : memref<32768xf32, #tpu.memory_space<hbm>>)
        %mul3A_80 = arith.constant 2 : i32
        %mul3A_81 = arith.muli %mul3A_80, %scan3A_56 : i32
        %add3A_82 = arith.constant 1 : i32
        %add3A_83 = arith.addi %mul3A_81, %add3A_82 : i32
        %mul3A_84 = arith.constant 256 : i32
        %mul3A_85 = arith.muli %add3A_83, %mul3A_84 : i32
        %parallel_loop3A_86 = arith.constant 0 : i32
        %parallel_loop3A_87 = arith.constant 16 : i32
        %parallel_loop3A_88 = arith.constant 1 : i32
        scf.for %parallel_loop3A_95 = %parallel_loop3A_86 to %parallel_loop3A_87 step %parallel_loop3A_88  : i32 {
          %parallel_loop3A_96 = arith.constant 16 : i32
          %parallel_loop3A_97 = arith.muli %parallel_loop3A_95, %parallel_loop3A_96 : i32
          %parallel_loop3A_98 = arith.addi %mul3A_85, %parallel_loop3A_97 : i32
          %parallel_loop3A_99 = arith.index_cast %parallel_loop3A_98 : i32 to index
          %parallel_loop3A_100 = tpu.vector_load %arg5[%parallel_loop3A_99] {strides = array<i32>} : memref<20480xi32, #tpu.memory_space<vmem>>, vector<16xi32>,
          %parallel_loop3A_101 = arith.constant 128 : i32
          %parallel_loop3A_102 = vector.broadcast %parallel_loop3A_101 : i32 to vector<16xi32>
          %parallel_loop3A_103 = arith.muli %parallel_loop3A_100, %parallel_loop3A_102 : vector<16xi32>
          %parallel_loop3A_104 = vector.extract_strided_slice %parallel_loop3A_103 {offsets = [0], sizes = [1], strides = [1]} : vector<16xi32> to vector<1xi32>
          %parallel_loop3A_105 = vector.extract %parallel_loop3A_104[0] : i32 from vector<1xi32>
          %parallel_loop3A_106 = arith.constant 16 : i32
          %parallel_loop3A_107 = arith.muli %parallel_loop3A_95, %parallel_loop3A_106 : i32
          %parallel_loop3A_108 = arith.constant 0 : i32
          %parallel_loop3A_109 = arith.addi %parallel_loop3A_107, %parallel_loop3A_108 : i32
          %parallel_loop3A_110 = arith.constant 128 : i32
          %parallel_loop3A_111 = arith.muli %parallel_loop3A_109, %parallel_loop3A_110 : i32
          %parallel_loop3A_112 = vector.broadcast %parallel_loop3A_105 : i32 to vector<16xi32>
          %parallel_loop3A_113 = arith.addi %add3A_5, %parallel_loop3A_112 : vector<16xi32>
          %parallel_loop3A_114 = tpu.vector_load_idx %arg6[%parallel_loop3A_113] : memref<384xf32, #tpu.memory_space<vmem>>[vector<16xi32>], vector<16xf32>,
          %parallel_loop3A_115 = vector.broadcast %parallel_loop3A_105 : i32 to vector<16xi32>
          %parallel_loop3A_116 = arith.addi %add3A_8, %parallel_loop3A_115 : vector<16xi32>
          %parallel_loop3A_117 = tpu.vector_load_idx %arg6[%parallel_loop3A_116] : memref<384xf32, #tpu.memory_space<vmem>>[vector<16xi32>], vector<16xf32>,
          %parallel_loop3A_118 = vector.broadcast %parallel_loop3A_105 : i32 to vector<16xi32>
          %parallel_loop3A_119 = arith.addi %add3A_11, %parallel_loop3A_118 : vector<16xi32>
          %parallel_loop3A_120 = tpu.vector_load_idx %arg6[%parallel_loop3A_119] : memref<384xf32, #tpu.memory_space<vmem>>[vector<16xi32>], vector<16xf32>,
          %parallel_loop3A_121 = vector.broadcast %parallel_loop3A_105 : i32 to vector<16xi32>
          %parallel_loop3A_122 = arith.addi %add3A_14, %parallel_loop3A_121 : vector<16xi32>
          %parallel_loop3A_123 = tpu.vector_load_idx %arg6[%parallel_loop3A_122] : memref<384xf32, #tpu.memory_space<vmem>>[vector<16xi32>], vector<16xf32>,
          %parallel_loop3A_124 = vector.broadcast %parallel_loop3A_105 : i32 to vector<16xi32>
          %parallel_loop3A_125 = arith.addi %add3A_17, %parallel_loop3A_124 : vector<16xi32>
          %parallel_loop3A_126 = tpu.vector_load_idx %arg6[%parallel_loop3A_125] : memref<384xf32, #tpu.memory_space<vmem>>[vector<16xi32>], vector<16xf32>,
          %parallel_loop3A_127 = vector.broadcast %parallel_loop3A_105 : i32 to vector<16xi32>
          %parallel_loop3A_128 = arith.addi %add3A_20, %parallel_loop3A_127 : vector<16xi32>
          %parallel_loop3A_129 = tpu.vector_load_idx %arg6[%parallel_loop3A_128] : memref<384xf32, #tpu.memory_space<vmem>>[vector<16xi32>], vector<16xf32>,
          %parallel_loop3A_130 = vector.broadcast %parallel_loop3A_105 : i32 to vector<16xi32>
          %parallel_loop3A_131 = arith.addi %add3A_23, %parallel_loop3A_130 : vector<16xi32>
          %parallel_loop3A_132 = tpu.vector_load_idx %arg6[%parallel_loop3A_131] : memref<384xf32, #tpu.memory_space<vmem>>[vector<16xi32>], vector<16xf32>,
          %parallel_loop3A_133 = vector.broadcast %parallel_loop3A_105 : i32 to vector<16xi32>
          %parallel_loop3A_134 = arith.addi %add3A_26, %parallel_loop3A_133 : vector<16xi32>
          %parallel_loop3A_135 = tpu.vector_load_idx %arg6[%parallel_loop3A_134] : memref<384xf32, #tpu.memory_space<vmem>>[vector<16xi32>], vector<16xf32>,
          %parallel_loop3A_136 = arith.constant 0 : i32
          %parallel_loop3A_137 = arith.addi %parallel_loop3A_111, %parallel_loop3A_136 : i32
          %parallel_loop3A_138 = arith.index_cast %parallel_loop3A_137 : i32 to index
          %parallel_loop3A_139 = tpu.vector_load %arg8[%parallel_loop3A_138] {strides = array<i32>} : memref<32768xf32, #tpu.memory_space<vmem>>, vector<16xf32>,
          tpu.vector_store %arg8[%parallel_loop3A_138], %parallel_loop3A_114 {strides = array<i32>} : memref<32768xf32, #tpu.memory_space<vmem>>, vector<16xf32>,
          %parallel_loop3A_140 = arith.constant 16 : i32
          %parallel_loop3A_141 = arith.addi %parallel_loop3A_111, %parallel_loop3A_140 : i32
          %parallel_loop3A_142 = arith.index_cast %parallel_loop3A_141 : i32 to index
          %parallel_loop3A_143 = tpu.vector_load %arg8[%parallel_loop3A_142] {strides = array<i32>} : memref<32768xf32, #tpu.memory_space<vmem>>, vector<16xf32>,
          tpu.vector_store %arg8[%parallel_loop3A_142], %parallel_loop3A_117 {strides = array<i32>} : memref<32768xf32, #tpu.memory_space<vmem>>, vector<16xf32>,
          %parallel_loop3A_144 = arith.constant 32 : i32
          %parallel_loop3A_145 = arith.addi %parallel_loop3A_111, %parallel_loop3A_144 : i32
          %parallel_loop3A_146 = arith.index_cast %parallel_loop3A_145 : i32 to index
          %parallel_loop3A_147 = tpu.vector_load %arg8[%parallel_loop3A_146] {strides = array<i32>} : memref<32768xf32, #tpu.memory_space<vmem>>, vector<16xf32>,
          tpu.vector_store %arg8[%parallel_loop3A_146], %parallel_loop3A_120 {strides = array<i32>} : memref<32768xf32, #tpu.memory_space<vmem>>, vector<16xf32>,
          %parallel_loop3A_148 = arith.constant 48 : i32
          %parallel_loop3A_149 = arith.addi %parallel_loop3A_111, %parallel_loop3A_148 : i32
          %parallel_loop3A_150 = arith.index_cast %parallel_loop3A_149 : i32 to index
          %parallel_loop3A_151 = tpu.vector_load %arg8[%parallel_loop3A_150] {strides = array<i32>} : memref<32768xf32, #tpu.memory_space<vmem>>, vector<16xf32>,
          tpu.vector_store %arg8[%parallel_loop3A_150], %parallel_loop3A_123 {strides = array<i32>} : memref<32768xf32, #tpu.memory_space<vmem>>, vector<16xf32>,
          %parallel_loop3A_152 = arith.constant 64 : i32
          %parallel_loop3A_153 = arith.addi %parallel_loop3A_111, %parallel_loop3A_152 : i32
          %parallel_loop3A_154 = arith.index_cast %parallel_loop3A_153 : i32 to index
          %parallel_loop3A_155 = tpu.vector_load %arg8[%parallel_loop3A_154] {strides = array<i32>} : memref<32768xf32, #tpu.memory_space<vmem>>, vector<16xf32>,
          tpu.vector_store %arg8[%parallel_loop3A_154], %parallel_loop3A_126 {strides = array<i32>} : memref<32768xf32, #tpu.memory_space<vmem>>, vector<16xf32>,
          %parallel_loop3A_156 = arith.constant 80 : i32
          %parallel_loop3A_157 = arith.addi %parallel_loop3A_111, %parallel_loop3A_156 : i32
          %parallel_loop3A_158 = arith.index_cast %parallel_loop3A_157 : i32 to index
          %parallel_loop3A_159 = tpu.vector_load %arg8[%parallel_loop3A_158] {strides = array<i32>} : memref<32768xf32, #tpu.memory_space<vmem>>, vector<16xf32>,
          tpu.vector_store %arg8[%parallel_loop3A_158], %parallel_loop3A_129 {strides = array<i32>} : memref<32768xf32, #tpu.memory_space<vmem>>, vector<16xf32>,
          %parallel_loop3A_160 = arith.constant 96 : i32
          %parallel_loop3A_161 = arith.addi %parallel_loop3A_111, %parallel_loop3A_160 : i32
          %parallel_loop3A_162 = arith.index_cast %parallel_loop3A_161 : i32 to index
          %parallel_loop3A_163 = tpu.vector_load %arg8[%parallel_loop3A_162] {strides = array<i32>} : memref<32768xf32, #tpu.memory_space<vmem>>, vector<16xf32>,
          tpu.vector_store %arg8[%parallel_loop3A_162], %parallel_loop3A_132 {strides = array<i32>} : memref<32768xf32, #tpu.memory_space<vmem>>, vector<16xf32>,
          %parallel_loop3A_164 = arith.constant 112 : i32
          %parallel_loop3A_165 = arith.addi %parallel_loop3A_111, %parallel_loop3A_164 : i32
          %parallel_loop3A_166 = arith.index_cast %parallel_loop3A_165 : i32 to index
          %parallel_loop3A_167 = tpu.vector_load %arg8[%parallel_loop3A_166] {strides = array<i32>} : memref<32768xf32, #tpu.memory_space<vmem>>, vector<16xf32>,
          tpu.vector_store %arg8[%parallel_loop3A_166], %parallel_loop3A_135 {strides = array<i32>} : memref<32768xf32, #tpu.memory_space<vmem>>, vector<16xf32>,
          %parallel_loop3A_168 = vector.extract_strided_slice %parallel_loop3A_103 {offsets = [1], sizes = [1], strides = [1]} : vector<16xi32> to vector<1xi32>
          %parallel_loop3A_169 = vector.extract %parallel_loop3A_168[0] : i32 from vector<1xi32>
          %parallel_loop3A_170 = arith.constant 16 : i32
          %parallel_loop3A_171 = arith.muli %parallel_loop3A_95, %parallel_loop3A_170 : i32
          %parallel_loop3A_172 = arith.constant 1 : i32
          %parallel_loop3A_173 = arith.addi %parallel_loop3A_171, %parallel_loop3A_172 : i32
          %parallel_loop3A_174 = arith.constant 128 : i32
          %parallel_loop3A_175 = arith.muli %parallel_loop3A_173, %parallel_loop3A_174 : i32
          %parallel_loop3A_176 = vector.broadcast %parallel_loop3A_169 : i32 to vector<16xi32>
          %parallel_loop3A_177 = arith.addi %add3A_5, %parallel_loop3A_176 : vector<16xi32>
          %parallel_loop3A_178 = tpu.vector_load_idx %arg6[%parallel_loop3A_177] : memref<384xf32, #tpu.memory_space<vmem>>[vector<16xi32>], vector<16xf32>,
          %parallel_loop3A_179 = vector.broadcast %parallel_loop3A_169 : i32 to vector<16xi32>
          %parallel_loop3A_180 = arith.addi %add3A_8, %parallel_loop3A_179 : vector<16xi32>
          %parallel_loop3A_181 = tpu.vector_load_idx %arg6[%parallel_loop3A_180] : memref<384xf32, #tpu.memory_space<vmem>>[vector<16xi32>], vector<16xf32>,
          %parallel_loop3A_182 = vector.broadcast %parallel_loop3A_169 : i32 to vector<16xi32>
          %parallel_loop3A_183 = arith.addi %add3A_11, %parallel_loop3A_182 : vector<16xi32>
          %parallel_loop3A_184 = tpu.vector_load_idx %arg6[%parallel_loop3A_183] : memref<384xf32, #tpu.memory_space<vmem>>[vector<16xi32>], vector<16xf32>,
          %parallel_loop3A_185 = vector.broadcast %parallel_loop3A_169 : i32 to vector<16xi32>
          %parallel_loop3A_186 = arith.addi %add3A_14, %parallel_loop3A_185 : vector<16xi32>
          %parallel_loop3A_187 = tpu.vector_load_idx %arg6[%parallel_loop3A_186] : memref<384xf32, #tpu.memory_space<vmem>>[vector<16xi32>], vector<16xf32>,
          %parallel_loop3A_188 = vector.broadcast %parallel_loop3A_169 : i32 to vector<16xi32>
          %parallel_loop3A_189 = arith.addi %add3A_17, %parallel_loop3A_188 : vector<16xi32>
          %parallel_loop3A_190 = tpu.vector_load_idx %arg6[%parallel_loop3A_189] : memref<384xf32, #tpu.memory_space<vmem>>[vector<16xi32>], vector<16xf32>,
          %parallel_loop3A_191 = vector.broadcast %parallel_loop3A_169 : i32 to vector<16xi32>
          %parallel_loop3A_192 = arith.addi %add3A_20, %parallel_loop3A_191 : vector<16xi32>
          %parallel_loop3A_193 = tpu.vector_load_idx %arg6[%parallel_loop3A_192] : memref<384xf32, #tpu.memory_space<vmem>>[vector<16xi32>], vector<16xf32>,
          %parallel_loop3A_194 = vector.broadcast %parallel_loop3A_169 : i32 to vector<16xi32>
          %parallel_loop3A_195 = arith.addi %add3A_23, %parallel_loop3A_194 : vector<16xi32>
          %parallel_loop3A_196 = tpu.vector_load_idx %arg6[%parallel_loop3A_195] : memref<384xf32, #tpu.memory_space<vmem>>[vector<16xi32>], vector<16xf32>,
          %parallel_loop3A_197 = vector.broadcast %parallel_loop3A_169 : i32 to vector<16xi32>
          %parallel_loop3A_198 = arith.addi %add3A_26, %parallel_loop3A_197 : vector<16xi32>
          %parallel_loop3A_199 = tpu.vector_load_idx %arg6[%parallel_loop3A_198] : memref<384xf32, #tpu.memory_space<vmem>>[vector<16xi32>], vector<16xf32>,
          %parallel_loop3A_200 = arith.constant 0 : i32
          %parallel_loop3A_201 = arith.addi %parallel_loop3A_175, %parallel_loop3A_200 : i32
          %parallel_loop3A_202 = arith.index_cast %parallel_loop3A_201 : i32 to index
          %parallel_loop3A_203 = tpu.vector_load %arg8[%parallel_loop3A_202] {strides = array<i32>} : memref<32768xf32, #tpu.memory_space<vmem>>, vector<16xf32>,
          tpu.vector_store %arg8[%parallel_loop3A_202], %parallel_loop3A_178 {strides = array<i32>} : memref<32768xf32, #tpu.memory_space<vmem>>, vector<16xf32>,
          %parallel_loop3A_204 = arith.constant 16 : i32
          %parallel_loop3A_205 = arith.addi %parallel_loop3A_175, %parallel_loop3A_204 : i32
          %parallel_loop3A_206 = arith.index_cast %parallel_loop3A_205 : i32 to index
          %parallel_loop3A_207 = tpu.vector_load %arg8[%parallel_loop3A_206] {strides = array<i32>} : memref<32768xf32, #tpu.memory_space<vmem>>, vector<16xf32>,
          tpu.vector_store %arg8[%parallel_loop3A_206], %parallel_loop3A_181 {strides = array<i32>} : memref<32768xf32, #tpu.memory_space<vmem>>, vector<16xf32>,
          %parallel_loop3A_208 = arith.constant 32 : i32
          %parallel_loop3A_209 = arith.addi %parallel_loop3A_175, %parallel_loop3A_208 : i32
          %parallel_loop3A_210 = arith.index_cast %parallel_loop3A_209 : i32 to index
          %parallel_loop3A_211 = tpu.vector_load %arg8[%parallel_loop3A_210] {strides = array<i32>} : memref<32768xf32, #tpu.memory_space<vmem>>, vector<16xf32>,
          tpu.vector_store %arg8[%parallel_loop3A_210], %parallel_loop3A_184 {strides = array<i32>} : memref<32768xf32, #tpu.memory_space<vmem>>, vector<16xf32>,
          %parallel_loop3A_212 = arith.constant 48 : i32
          %parallel_loop3A_213 = arith.addi %parallel_loop3A_175, %parallel_loop3A_212 : i32
          %parallel_loop3A_214 = arith.index_cast %parallel_loop3A_213 : i32 to index
          %parallel_loop3A_215 = tpu.vector_load %arg8[%parallel_loop3A_214] {strides = array<i32>} : memref<32768xf32, #tpu.memory_space<vmem>>, vector<16xf32>,
          tpu.vector_store %arg8[%parallel_loop3A_214], %parallel_loop3A_187 {strides = array<i32>} : memref<32768xf32, #tpu.memory_space<vmem>>, vector<16xf32>,
          %parallel_loop3A_216 = arith.constant 64 : i32
          %parallel_loop3A_217 = arith.addi %parallel_loop3A_175, %parallel_loop3A_216 : i32
          %parallel_loop3A_218 = arith.index_cast %parallel_loop3A_217 : i32 to index
          %parallel_loop3A_219 = tpu.vector_load %arg8[%parallel_loop3A_218] {strides = array<i32>} : memref<32768xf32, #tpu.memory_space<vmem>>, vector<16xf32>,
          tpu.vector_store %arg8[%parallel_loop3A_218], %parallel_loop3A_190 {strides = array<i32>} : memref<32768xf32, #tpu.memory_space<vmem>>, vector<16xf32>,
          %parallel_loop3A_220 = arith.constant 80 : i32
          %parallel_loop3A_221 = arith.addi %parallel_loop3A_175, %parallel_loop3A_220 : i32
          %parallel_loop3A_222 = arith.index_cast %parallel_loop3A_221 : i32 to index
          %parallel_loop3A_223 = tpu.vector_load %arg8[%parallel_loop3A_222] {strides = array<i32>} : memref<32768xf32, #tpu.memory_space<vmem>>, vector<16xf32>,
          tpu.vector_store %arg8[%parallel_loop3A_222], %parallel_loop3A_193 {strides = array<i32>} : memref<32768xf32, #tpu.memory_space<vmem>>, vector<16xf32>,
          %parallel_loop3A_224 = arith.constant 96 : i32
          %parallel_loop3A_225 = arith.addi %parallel_loop3A_175, %parallel_loop3A_224 : i32
          %parallel_loop3A_226 = arith.index_cast %parallel_loop3A_225 : i32 to index
          %parallel_loop3A_227 = tpu.vector_load %arg8[%parallel_loop3A_226] {strides = array<i32>} : memref<32768xf32, #tpu.memory_space<vmem>>, vector<16xf32>,
          tpu.vector_store %arg8[%parallel_loop3A_226], %parallel_loop3A_196 {strides = array<i32>} : memref<32768xf32, #tpu.memory_space<vmem>>, vector<16xf32>,
          %parallel_loop3A_228 = arith.constant 112 : i32
          %parallel_loop3A_229 = arith.addi %parallel_loop3A_175, %parallel_loop3A_228 : i32
          %parallel_loop3A_230 = arith.index_cast %parallel_loop3A_229 : i32 to index
          %parallel_loop3A_231 = tpu.vector_load %arg8[%parallel_loop3A_230] {strides = array<i32>} : memref<32768xf32, #tpu.memory_space<vmem>>, vector<16xf32>,
          tpu.vector_store %arg8[%parallel_loop3A_230], %parallel_loop3A_199 {strides = array<i32>} : memref<32768xf32, #tpu.memory_space<vmem>>, vector<16xf32>,
          %parallel_loop3A_232 = vector.extract_strided_slice %parallel_loop3A_103 {offsets = [2], sizes = [1], strides = [1]} : vector<16xi32> to vector<1xi32>
          %parallel_loop3A_233 = vector.extract %parallel_loop3A_232[0] : i32 from vector<1xi32>
          %parallel_loop3A_234 = arith.constant 16 : i32
          %parallel_loop3A_235 = arith.muli %parallel_loop3A_95, %parallel_loop3A_234 : i32
          %parallel_loop3A_236 = arith.constant 2 : i32
          %parallel_loop3A_237 = arith.addi %parallel_loop3A_235, %parallel_loop3A_236 : i32
          %parallel_loop3A_238 = arith.constant 128 : i32
          %parallel_loop3A_239 = arith.muli %parallel_loop3A_237, %parallel_loop3A_238 : i32
          %parallel_loop3A_240 = vector.broadcast %parallel_loop3A_233 : i32 to vector<16xi32>
          %parallel_loop3A_241 = arith.addi %add3A_5, %parallel_loop3A_240 : vector<16xi32>
          %parallel_loop3A_242 = tpu.vector_load_idx %arg6[%parallel_loop3A_241] : memref<384xf32, #tpu.memory_space<vmem>>[vector<16xi32>], vector<16xf32>,
          %parallel_loop3A_243 = vector.broadcast %parallel_loop3A_233 : i32 to vector<16xi32>
          %parallel_loop3A_244 = arith.addi %add3A_8, %parallel_loop3A_243 : vector<16xi32>
          %parallel_loop3A_245 = tpu.vector_load_idx %arg6[%parallel_loop3A_244] : memref<384xf32, #tpu.memory_space<vmem>>[vector<16xi32>], vector<16xf32>,
          %parallel_loop3A_246 = vector.broadcast %parallel_loop3A_233 : i32 to vector<16xi32>
          %parallel_loop3A_247 = arith.addi %add3A_11, %parallel_loop3A_246 : vector<16xi32>
          %parallel_loop3A_248 = tpu.vector_load_idx %arg6[%parallel_loop3A_247] : memref<384xf32, #tpu.memory_space<vmem>>[vector<16xi32>], vector<16xf32>,
          %parallel_loop3A_249 = vector.broadcast %parallel_loop3A_233 : i32 to vector<16xi32>
          %parallel_loop3A_250 = arith.addi %add3A_14, %parallel_loop3A_249 : vector<16xi32>
          %parallel_loop3A_251 = tpu.vector_load_idx %arg6[%parallel_loop3A_250] : memref<384xf32, #tpu.memory_space<vmem>>[vector<16xi32>], vector<16xf32>,
          %parallel_loop3A_252 = vector.broadcast %parallel_loop3A_233 : i32 to vector<16xi32>
          %parallel_loop3A_253 = arith.addi %add3A_17, %parallel_loop3A_252 : vector<16xi32>
          %parallel_loop3A_254 = tpu.vector_load_idx %arg6[%parallel_loop3A_253] : memref<384xf32, #tpu.memory_space<vmem>>[vector<16xi32>], vector<16xf32>,
          %parallel_loop3A_255 = vector.broadcast %parallel_loop3A_233 : i32 to vector<16xi32>
          %parallel_loop3A_256 = arith.addi %add3A_20, %parallel_loop3A_255 : vector<16xi32>
          %parallel_loop3A_257 = tpu.vector_load_idx %arg6[%parallel_loop3A_256] : memref<384xf32, #tpu.memory_space<vmem>>[vector<16xi32>], vector<16xf32>,
          %parallel_loop3A_258 = vector.broadcast %parallel_loop3A_233 : i32 to vector<16xi32>
          %parallel_loop3A_259 = arith.addi %add3A_23, %parallel_loop3A_258 : vector<16xi32>
          %parallel_loop3A_260 = tpu.vector_load_idx %arg6[%parallel_loop3A_259] : memref<384xf32, #tpu.memory_space<vmem>>[vector<16xi32>], vector<16xf32>,
          %parallel_loop3A_261 = vector.broadcast %parallel_loop3A_233 : i32 to vector<16xi32>
          %parallel_loop3A_262 = arith.addi %add3A_26, %parallel_loop3A_261 : vector<16xi32>
          %parallel_loop3A_263 = tpu.vector_load_idx %arg6[%parallel_loop3A_262] : memref<384xf32, #tpu.memory_space<vmem>>[vector<16xi32>], vector<16xf32>,
          %parallel_loop3A_264 = arith.constant 0 : i32
          %parallel_loop3A_265 = arith.addi %parallel_loop3A_239, %parallel_loop3A_264 : i32
          %parallel_loop3A_266 = arith.index_cast %parallel_loop3A_265 : i32 to index
          %parallel_loop3A_267 = tpu.vector_load %arg8[%parallel_loop3A_266] {strides = array<i32>} : memref<32768xf32, #tpu.memory_space<vmem>>, vector<16xf32>,
          tpu.vector_store %arg8[%parallel_loop3A_266], %parallel_loop3A_242 {strides = array<i32>} : memref<32768xf32, #tpu.memory_space<vmem>>, vector<16xf32>,
          %parallel_loop3A_268 = arith.constant 16 : i32
          %parallel_loop3A_269 = arith.addi %parallel_loop3A_239, %parallel_loop3A_268 : i32
          %parallel_loop3A_270 = arith.index_cast %parallel_loop3A_269 : i32 to index
          %parallel_loop3A_271 = tpu.vector_load %arg8[%parallel_loop3A_270] {strides = array<i32>} : memref<32768xf32, #tpu.memory_space<vmem>>, vector<16xf32>,
          tpu.vector_store %arg8[%parallel_loop3A_270], %parallel_loop3A_245 {strides = array<i32>} : memref<32768xf32, #tpu.memory_space<vmem>>, vector<16xf32>,
          %parallel_loop3A_272 = arith.constant 32 : i32
          %parallel_loop3A_273 = arith.addi %parallel_loop3A_239, %parallel_loop3A_272 : i32
          %parallel_loop3A_274 = arith.index_cast %parallel_loop3A_273 : i32 to index
          %parallel_loop3A_275 = tpu.vector_load %arg8[%parallel_loop3A_274] {strides = array<i32>} : memref<32768xf32, #tpu.memory_space<vmem>>, vector<16xf32>,
          tpu.vector_store %arg8[%parallel_loop3A_274], %parallel_loop3A_248 {strides = array<i32>} : memref<32768xf32, #tpu.memory_space<vmem>>, vector<16xf32>,
          %parallel_loop3A_276 = arith.constant 48 : i32
          %parallel_loop3A_277 = arith.addi %parallel_loop3A_239, %parallel_loop3A_276 : i32
          %parallel_loop3A_278 = arith.index_cast %parallel_loop3A_277 : i32 to index
          %parallel_loop3A_279 = tpu.vector_load %arg8[%parallel_loop3A_278] {strides = array<i32>} : memref<32768xf32, #tpu.memory_space<vmem>>, vector<16xf32>,
          tpu.vector_store %arg8[%parallel_loop3A_278], %parallel_loop3A_251 {strides = array<i32>} : memref<32768xf32, #tpu.memory_space<vmem>>, vector<16xf32>,
          %parallel_loop3A_280 = arith.constant 64 : i32
          %parallel_loop3A_281 = arith.addi %parallel_loop3A_239, %parallel_loop3A_280 : i32
          %parallel_loop3A_282 = arith.index_cast %parallel_loop3A_281 : i32 to index
          %parallel_loop3A_283 = tpu.vector_load %arg8[%parallel_loop3A_282] {strides = array<i32>} : memref<32768xf32, #tpu.memory_space<vmem>>, vector<16xf32>,
          tpu.vector_store %arg8[%parallel_loop3A_282], %parallel_loop3A_254 {strides = array<i32>} : memref<32768xf32, #tpu.memory_space<vmem>>, vector<16xf32>,
          %parallel_loop3A_284 = arith.constant 80 : i32
          %parallel_loop3A_285 = arith.addi %parallel_loop3A_239, %parallel_loop3A_284 : i32
          %parallel_loop3A_286 = arith.index_cast %parallel_loop3A_285 : i32 to index
          %parallel_loop3A_287 = tpu.vector_load %arg8[%parallel_loop3A_286] {strides = array<i32>} : memref<32768xf32, #tpu.memory_space<vmem>>, vector<16xf32>,
          tpu.vector_store %arg8[%parallel_loop3A_286], %parallel_loop3A_257 {strides = array<i32>} : memref<32768xf32, #tpu.memory_space<vmem>>, vector<16xf32>,
          %parallel_loop3A_288 = arith.constant 96 : i32
          %parallel_loop3A_289 = arith.addi %parallel_loop3A_239, %parallel_loop3A_288 : i32
          %parallel_loop3A_290 = arith.index_cast %parallel_loop3A_289 : i32 to index
          %parallel_loop3A_291 = tpu.vector_load %arg8[%parallel_loop3A_290] {strides = array<i32>} : memref<32768xf32, #tpu.memory_space<vmem>>, vector<16xf32>,
          tpu.vector_store %arg8[%parallel_loop3A_290], %parallel_loop3A_260 {strides = array<i32>} : memref<32768xf32, #tpu.memory_space<vmem>>, vector<16xf32>,
          %parallel_loop3A_292 = arith.constant 112 : i32
          %parallel_loop3A_293 = arith.addi %parallel_loop3A_239, %parallel_loop3A_292 : i32
          %parallel_loop3A_294 = arith.index_cast %parallel_loop3A_293 : i32 to index
          %parallel_loop3A_295 = tpu.vector_load %arg8[%parallel_loop3A_294] {strides = array<i32>} : memref<32768xf32, #tpu.memory_space<vmem>>, vector<16xf32>,
          tpu.vector_store %arg8[%parallel_loop3A_294], %parallel_loop3A_263 {strides = array<i32>} : memref<32768xf32, #tpu.memory_space<vmem>>, vector<16xf32>,
          %parallel_loop3A_296 = vector.extract_strided_slice %parallel_loop3A_103 {offsets = [3], sizes = [1], strides = [1]} : vector<16xi32> to vector<1xi32>
          %parallel_loop3A_297 = vector.extract %parallel_loop3A_296[0] : i32 from vector<1xi32>
          %parallel_loop3A_298 = arith.constant 16 : i32
          %parallel_loop3A_299 = arith.muli %parallel_loop3A_95, %parallel_loop3A_298 : i32
          %parallel_loop3A_300 = arith.constant 3 : i32
          %parallel_loop3A_301 = arith.addi %parallel_loop3A_299, %parallel_loop3A_300 : i32
          %parallel_loop3A_302 = arith.constant 128 : i32
          %parallel_loop3A_303 = arith.muli %parallel_loop3A_301, %parallel_loop3A_302 : i32
          %parallel_loop3A_304 = vector.broadcast %parallel_loop3A_297 : i32 to vector<16xi32>
          %parallel_loop3A_305 = arith.addi %add3A_5, %parallel_loop3A_304 : vector<16xi32>
          %parallel_loop3A_306 = tpu.vector_load_idx %arg6[%parallel_loop3A_305] : memref<384xf32, #tpu.memory_space<vmem>>[vector<16xi32>], vector<16xf32>,
          %parallel_loop3A_307 = vector.broadcast %parallel_loop3A_297 : i32 to vector<16xi32>
          %parallel_loop3A_308 = arith.addi %add3A_8, %parallel_loop3A_307 : vector<16xi32>
          %parallel_loop3A_309 = tpu.vector_load_idx %arg6[%parallel_loop3A_308] : memref<384xf32, #tpu.memory_space<vmem>>[vector<16xi32>], vector<16xf32>,
          %parallel_loop3A_310 = vector.broadcast %parallel_loop3A_297 : i32 to vector<16xi32>
          %parallel_loop3A_311 = arith.addi %add3A_11, %parallel_loop3A_310 : vector<16xi32>
          %parallel_loop3A_312 = tpu.vector_load_idx %arg6[%parallel_loop3A_311] : memref<384xf32, #tpu.memory_space<vmem>>[vector<16xi32>], vector<16xf32>,
          %parallel_loop3A_313 = vector.broadcast %parallel_loop3A_297 : i32 to vector<16xi32>
          %parallel_loop3A_314 = arith.addi %add3A_14, %parallel_loop3A_313 : vector<16xi32>
          %parallel_loop3A_315 = tpu.vector_load_idx %arg6[%parallel_loop3A_314] : memref<384xf32, #tpu.memory_space<vmem>>[vector<16xi32>], vector<16xf32>,
          %parallel_loop3A_316 = vector.broadcast %parallel_loop3A_297 : i32 to vector<16xi32>
          %parallel_loop3A_317 = arith.addi %add3A_17, %parallel_loop3A_316 : vector<16xi32>
          %parallel_loop3A_318 = tpu.vector_load_idx %arg6[%parallel_loop3A_317] : memref<384xf32, #tpu.memory_space<vmem>>[vector<16xi32>], vector<16xf32>,
          %parallel_loop3A_319 = vector.broadcast %parallel_loop3A_297 : i32 to vector<16xi32>
          %parallel_loop3A_320 = arith.addi %add3A_20, %parallel_loop3A_319 : vector<16xi32>
          %parallel_loop3A_321 = tpu.vector_load_idx %arg6[%parallel_loop3A_320] : memref<384xf32, #tpu.memory_space<vmem>>[vector<16xi32>], vector<16xf32>,
          %parallel_loop3A_322 = vector.broadcast %parallel_loop3A_297 : i32 to vector<16xi32>
          %parallel_loop3A_323 = arith.addi %add3A_23, %parallel_loop3A_322 : vector<16xi32>
          %parallel_loop3A_324 = tpu.vector_load_idx %arg6[%parallel_loop3A_323] : memref<384xf32, #tpu.memory_space<vmem>>[vector<16xi32>], vector<16xf32>,
          %parallel_loop3A_325 = vector.broadcast %parallel_loop3A_297 : i32 to vector<16xi32>
          %parallel_loop3A_326 = arith.addi %add3A_26, %parallel_loop3A_325 : vector<16xi32>
          %parallel_loop3A_327 = tpu.vector_load_idx %arg6[%parallel_loop3A_326] : memref<384xf32, #tpu.memory_space<vmem>>[vector<16xi32>], vector<16xf32>,
          %parallel_loop3A_328 = arith.constant 0 : i32
          %parallel_loop3A_329 = arith.addi %parallel_loop3A_303, %parallel_loop3A_328 : i32
          %parallel_loop3A_330 = arith.index_cast %parallel_loop3A_329 : i32 to index
          %parallel_loop3A_331 = tpu.vector_load %arg8[%parallel_loop3A_330] {strides = array<i32>} : memref<32768xf32, #tpu.memory_space<vmem>>, vector<16xf32>,
          tpu.vector_store %arg8[%parallel_loop3A_330], %parallel_loop3A_306 {strides = array<i32>} : memref<32768xf32, #tpu.memory_space<vmem>>, vector<16xf32>,
          %parallel_loop3A_332 = arith.constant 16 : i32
          %parallel_loop3A_333 = arith.addi %parallel_loop3A_303, %parallel_loop3A_332 : i32
          %parallel_loop3A_334 = arith.index_cast %parallel_loop3A_333 : i32 to index
          %parallel_loop3A_335 = tpu.vector_load %arg8[%parallel_loop3A_334] {strides = array<i32>} : memref<32768xf32, #tpu.memory_space<vmem>>, vector<16xf32>,
          tpu.vector_store %arg8[%parallel_loop3A_334], %parallel_loop3A_309 {strides = array<i32>} : memref<32768xf32, #tpu.memory_space<vmem>>, vector<16xf32>,
          %parallel_loop3A_336 = arith.constant 32 : i32
          %parallel_loop3A_337 = arith.addi %parallel_loop3A_303, %parallel_loop3A_336 : i32
          %parallel_loop3A_338 = arith.index_cast %parallel_loop3A_337 : i32 to index
          %parallel_loop3A_339 = tpu.vector_load %arg8[%parallel_loop3A_338] {strides = array<i32>} : memref<32768xf32, #tpu.memory_space<vmem>>, vector<16xf32>,
          tpu.vector_store %arg8[%parallel_loop3A_338], %parallel_loop3A_312 {strides = array<i32>} : memref<32768xf32, #tpu.memory_space<vmem>>, vector<16xf32>,
          %parallel_loop3A_340 = arith.constant 48 : i32
          %parallel_loop3A_341 = arith.addi %parallel_loop3A_303, %parallel_loop3A_340 : i32
          %parallel_loop3A_342 = arith.index_cast %parallel_loop3A_341 : i32 to index
          %parallel_loop3A_343 = tpu.vector_load %arg8[%parallel_loop3A_342] {strides = array<i32>} : memref<32768xf32, #tpu.memory_space<vmem>>, vector<16xf32>,
          tpu.vector_store %arg8[%parallel_loop3A_342], %parallel_loop3A_315 {strides = array<i32>} : memref<32768xf32, #tpu.memory_space<vmem>>, vector<16xf32>,
          %parallel_loop3A_344 = arith.constant 64 : i32
          %parallel_loop3A_345 = arith.addi %parallel_loop3A_303, %parallel_loop3A_344 : i32
          %parallel_loop3A_346 = arith.index_cast %parallel_loop3A_345 : i32 to index
          %parallel_loop3A_347 = tpu.vector_load %arg8[%parallel_loop3A_346] {strides = array<i32>} : memref<32768xf32, #tpu.memory_space<vmem>>, vector<16xf32>,
          tpu.vector_store %arg8[%parallel_loop3A_346], %parallel_loop3A_318 {strides = array<i32>} : memref<32768xf32, #tpu.memory_space<vmem>>, vector<16xf32>,
          %parallel_loop3A_348 = arith.constant 80 : i32
          %parallel_loop3A_349 = arith.addi %parallel_loop3A_303, %parallel_loop3A_348 : i32
          %parallel_loop3A_350 = arith.index_cast %parallel_loop3A_349 : i32 to index
          %parallel_loop3A_351 = tpu.vector_load %arg8[%parallel_loop3A_350] {strides = array<i32>} : memref<32768xf32, #tpu.memory_space<vmem>>, vector<16xf32>,
          tpu.vector_store %arg8[%parallel_loop3A_350], %parallel_loop3A_321 {strides = array<i32>} : memref<32768xf32, #tpu.memory_space<vmem>>, vector<16xf32>,
          %parallel_loop3A_352 = arith.constant 96 : i32
          %parallel_loop3A_353 = arith.addi %parallel_loop3A_303, %parallel_loop3A_352 : i32
          %parallel_loop3A_354 = arith.index_cast %parallel_loop3A_353 : i32 to index
          %parallel_loop3A_355 = tpu.vector_load %arg8[%parallel_loop3A_354] {strides = array<i32>} : memref<32768xf32, #tpu.memory_space<vmem>>, vector<16xf32>,
          tpu.vector_store %arg8[%parallel_loop3A_354], %parallel_loop3A_324 {strides = array<i32>} : memref<32768xf32, #tpu.memory_space<vmem>>, vector<16xf32>,
          %parallel_loop3A_356 = arith.constant 112 : i32
          %parallel_loop3A_357 = arith.addi %parallel_loop3A_303, %parallel_loop3A_356 : i32
          %parallel_loop3A_358 = arith.index_cast %parallel_loop3A_357 : i32 to index
          %parallel_loop3A_359 = tpu.vector_load %arg8[%parallel_loop3A_358] {strides = array<i32>} : memref<32768xf32, #tpu.memory_space<vmem>>, vector<16xf32>,
          tpu.vector_store %arg8[%parallel_loop3A_358], %parallel_loop3A_327 {strides = array<i32>} : memref<32768xf32, #tpu.memory_space<vmem>>, vector<16xf32>,
          %parallel_loop3A_360 = vector.extract_strided_slice %parallel_loop3A_103 {offsets = [4], sizes = [1], strides = [1]} : vector<16xi32> to vector<1xi32>
          %parallel_loop3A_361 = vector.extract %parallel_loop3A_360[0] : i32 from vector<1xi32>
          %parallel_loop3A_362 = arith.constant 16 : i32
          %parallel_loop3A_363 = arith.muli %parallel_loop3A_95, %parallel_loop3A_362 : i32
          %parallel_loop3A_364 = arith.constant 4 : i32
          %parallel_loop3A_365 = arith.addi %parallel_loop3A_363, %parallel_loop3A_364 : i32
          %parallel_loop3A_366 = arith.constant 128 : i32
          %parallel_loop3A_367 = arith.muli %parallel_loop3A_365, %parallel_loop3A_366 : i32
          %parallel_loop3A_368 = vector.broadcast %parallel_loop3A_361 : i32 to vector<16xi32>
          %parallel_loop3A_369 = arith.addi %add3A_5, %parallel_loop3A_368 : vector<16xi32>
          %parallel_loop3A_370 = tpu.vector_load_idx %arg6[%parallel_loop3A_369] : memref<384xf32, #tpu.memory_space<vmem>>[vector<16xi32>], vector<16xf32>,
          %parallel_loop3A_371 = vector.broadcast %parallel_loop3A_361 : i32 to vector<16xi32>
          %parallel_loop3A_372 = arith.addi %add3A_8, %parallel_loop3A_371 : vector<16xi32>
          %parallel_loop3A_373 = tpu.vector_load_idx %arg6[%parallel_loop3A_372] : memref<384xf32, #tpu.memory_space<vmem>>[vector<16xi32>], vector<16xf32>,
          %parallel_loop3A_374 = vector.broadcast %parallel_loop3A_361 : i32 to vector<16xi32>
          %parallel_loop3A_375 = arith.addi %add3A_11, %parallel_loop3A_374 : vector<16xi32>
          %parallel_loop3A_376 = tpu.vector_load_idx %arg6[%parallel_loop3A_375] : memref<384xf32, #tpu.memory_space<vmem>>[vector<16xi32>], vector<16xf32>,
          %parallel_loop3A_377 = vector.broadcast %parallel_loop3A_361 : i32 to vector<16xi32>
          %parallel_loop3A_378 = arith.addi %add3A_14, %parallel_loop3A_377 : vector<16xi32>
          %parallel_loop3A_379 = tpu.vector_load_idx %arg6[%parallel_loop3A_378] : memref<384xf32, #tpu.memory_space<vmem>>[vector<16xi32>], vector<16xf32>,
          %parallel_loop3A_380 = vector.broadcast %parallel_loop3A_361 : i32 to vector<16xi32>
          %parallel_loop3A_381 = arith.addi %add3A_17, %parallel_loop3A_380 : vector<16xi32>
          %parallel_loop3A_382 = tpu.vector_load_idx %arg6[%parallel_loop3A_381] : memref<384xf32, #tpu.memory_space<vmem>>[vector<16xi32>], vector<16xf32>,
          %parallel_loop3A_383 = vector.broadcast %parallel_loop3A_361 : i32 to vector<16xi32>
          %parallel_loop3A_384 = arith.addi %add3A_20, %parallel_loop3A_383 : vector<16xi32>
          %parallel_loop3A_385 = tpu.vector_load_idx %arg6[%parallel_loop3A_384] : memref<384xf32, #tpu.memory_space<vmem>>[vector<16xi32>], vector<16xf32>,
          %parallel_loop3A_386 = vector.broadcast %parallel_loop3A_361 : i32 to vector<16xi32>
          %parallel_loop3A_387 = arith.addi %add3A_23, %parallel_loop3A_386 : vector<16xi32>
          %parallel_loop3A_388 = tpu.vector_load_idx %arg6[%parallel_loop3A_387] : memref<384xf32, #tpu.memory_space<vmem>>[vector<16xi32>], vector<16xf32>,
          %parallel_loop3A_389 = vector.broadcast %parallel_loop3A_361 : i32 to vector<16xi32>
          %parallel_loop3A_390 = arith.addi %add3A_26, %parallel_loop3A_389 : vector<16xi32>
          %parallel_loop3A_391 = tpu.vector_load_idx %arg6[%parallel_loop3A_390] : memref<384xf32, #tpu.memory_space<vmem>>[vector<16xi32>], vector<16xf32>,
          %parallel_loop3A_392 = arith.constant 0 : i32
          %parallel_loop3A_393 = arith.addi %parallel_loop3A_367, %parallel_loop3A_392 : i32
          %parallel_loop3A_394 = arith.index_cast %parallel_loop3A_393 : i32 to index
          %parallel_loop3A_395 = tpu.vector_load %arg8[%parallel_loop3A_394] {strides = array<i32>} : memref<32768xf32, #tpu.memory_space<vmem>>, vector<16xf32>,
          tpu.vector_store %arg8[%parallel_loop3A_394], %parallel_loop3A_370 {strides = array<i32>} : memref<32768xf32, #tpu.memory_space<vmem>>, vector<16xf32>,
          %parallel_loop3A_396 = arith.constant 16 : i32
          %parallel_loop3A_397 = arith.addi %parallel_loop3A_367, %parallel_loop3A_396 : i32
          %parallel_loop3A_398 = arith.index_cast %parallel_loop3A_397 : i32 to index
          %parallel_loop3A_399 = tpu.vector_load %arg8[%parallel_loop3A_398] {strides = array<i32>} : memref<32768xf32, #tpu.memory_space<vmem>>, vector<16xf32>,
          tpu.vector_store %arg8[%parallel_loop3A_398], %parallel_loop3A_373 {strides = array<i32>} : memref<32768xf32, #tpu.memory_space<vmem>>, vector<16xf32>,
          %parallel_loop3A_400 = arith.constant 32 : i32
          %parallel_loop3A_401 = arith.addi %parallel_loop3A_367, %parallel_loop3A_400 : i32
          %parallel_loop3A_402 = arith.index_cast %parallel_loop3A_401 : i32 to index
          %parallel_loop3A_403 = tpu.vector_load %arg8[%parallel_loop3A_402] {strides = array<i32>} : memref<32768xf32, #tpu.memory_space<vmem>>, vector<16xf32>,
          tpu.vector_store %arg8[%parallel_loop3A_402], %parallel_loop3A_376 {strides = array<i32>} : memref<32768xf32, #tpu.memory_space<vmem>>, vector<16xf32>,
          %parallel_loop3A_404 = arith.constant 48 : i32
          %parallel_loop3A_405 = arith.addi %parallel_loop3A_367, %parallel_loop3A_404 : i32
          %parallel_loop3A_406 = arith.index_cast %parallel_loop3A_405 : i32 to index
          %parallel_loop3A_407 = tpu.vector_load %arg8[%parallel_loop3A_406] {strides = array<i32>} : memref<32768xf32, #tpu.memory_space<vmem>>, vector<16xf32>,
          tpu.vector_store %arg8[%parallel_loop3A_406], %parallel_loop3A_379 {strides = array<i32>} : memref<32768xf32, #tpu.memory_space<vmem>>, vector<16xf32>,
          %parallel_loop3A_408 = arith.constant 64 : i32
          %parallel_loop3A_409 = arith.addi %parallel_loop3A_367, %parallel_loop3A_408 : i32
          %parallel_loop3A_410 = arith.index_cast %parallel_loop3A_409 : i32 to index
          %parallel_loop3A_411 = tpu.vector_load %arg8[%parallel_loop3A_410] {strides = array<i32>} : memref<32768xf32, #tpu.memory_space<vmem>>, vector<16xf32>,
          tpu.vector_store %arg8[%parallel_loop3A_410], %parallel_loop3A_382 {strides = array<i32>} : memref<32768xf32, #tpu.memory_space<vmem>>, vector<16xf32>,
          %parallel_loop3A_412 = arith.constant 80 : i32
          %parallel_loop3A_413 = arith.addi %parallel_loop3A_367, %parallel_loop3A_412 : i32
          %parallel_loop3A_414 = arith.index_cast %parallel_loop3A_413 : i32 to index
          %parallel_loop3A_415 = tpu.vector_load %arg8[%parallel_loop3A_414] {strides = array<i32>} : memref<32768xf32, #tpu.memory_space<vmem>>, vector<16xf32>,
          tpu.vector_store %arg8[%parallel_loop3A_414], %parallel_loop3A_385 {strides = array<i32>} : memref<32768xf32, #tpu.memory_space<vmem>>, vector<16xf32>,
          %parallel_loop3A_416 = arith.constant 96 : i32
          %parallel_loop3A_417 = arith.addi %parallel_loop3A_367, %parallel_loop3A_416 : i32
          %parallel_loop3A_418 = arith.index_cast %parallel_loop3A_417 : i32 to index
          %parallel_loop3A_419 = tpu.vector_load %arg8[%parallel_loop3A_418] {strides = array<i32>} : memref<32768xf32, #tpu.memory_space<vmem>>, vector<16xf32>,
          tpu.vector_store %arg8[%parallel_loop3A_418], %parallel_loop3A_388 {strides = array<i32>} : memref<32768xf32, #tpu.memory_space<vmem>>, vector<16xf32>,
          %parallel_loop3A_420 = arith.constant 112 : i32
          %parallel_loop3A_421 = arith.addi %parallel_loop3A_367, %parallel_loop3A_420 : i32
          %parallel_loop3A_422 = arith.index_cast %parallel_loop3A_421 : i32 to index
          %parallel_loop3A_423 = tpu.vector_load %arg8[%parallel_loop3A_422] {strides = array<i32>} : memref<32768xf32, #tpu.memory_space<vmem>>, vector<16xf32>,
          tpu.vector_store %arg8[%parallel_loop3A_422], %parallel_loop3A_391 {strides = array<i32>} : memref<32768xf32, #tpu.memory_space<vmem>>, vector<16xf32>,
          %parallel_loop3A_424 = vector.extract_strided_slice %parallel_loop3A_103 {offsets = [5], sizes = [1], strides = [1]} : vector<16xi32> to vector<1xi32>
          %parallel_loop3A_425 = vector.extract %parallel_loop3A_424[0] : i32 from vector<1xi32>
          %parallel_loop3A_426 = arith.constant 16 : i32
          %parallel_loop3A_427 = arith.muli %parallel_loop3A_95, %parallel_loop3A_426 : i32
          %parallel_loop3A_428 = arith.constant 5 : i32
          %parallel_loop3A_429 = arith.addi %parallel_loop3A_427, %parallel_loop3A_428 : i32
          %parallel_loop3A_430 = arith.constant 128 : i32
          %parallel_loop3A_431 = arith.muli %parallel_loop3A_429, %parallel_loop3A_430 : i32
          %parallel_loop3A_432 = vector.broadcast %parallel_loop3A_425 : i32 to vector<16xi32>
          %parallel_loop3A_433 = arith.addi %add3A_5, %parallel_loop3A_432 : vector<16xi32>
          %parallel_loop3A_434 = tpu.vector_load_idx %arg6[%parallel_loop3A_433] : memref<384xf32, #tpu.memory_space<vmem>>[vector<16xi32>], vector<16xf32>,
          %parallel_loop3A_435 = vector.broadcast %parallel_loop3A_425 : i32 to vector<16xi32>
          %parallel_loop3A_436 = arith.addi %add3A_8, %parallel_loop3A_435 : vector<16xi32>
          %parallel_loop3A_437 = tpu.vector_load_idx %arg6[%parallel_loop3A_436] : memref<384xf32, #tpu.memory_space<vmem>>[vector<16xi32>], vector<16xf32>,
          %parallel_loop3A_438 = vector.broadcast %parallel_loop3A_425 : i32 to vector<16xi32>
          %parallel_loop3A_439 = arith.addi %add3A_11, %parallel_loop3A_438 : vector<16xi32>
          %parallel_loop3A_440 = tpu.vector_load_idx %arg6[%parallel_loop3A_439] : memref<384xf32, #tpu.memory_space<vmem>>[vector<16xi32>], vector<16xf32>,
          %parallel_loop3A_441 = vector.broadcast %parallel_loop3A_425 : i32 to vector<16xi32>
          %parallel_loop3A_442 = arith.addi %add3A_14, %parallel_loop3A_441 : vector<16xi32>
          %parallel_loop3A_443 = tpu.vector_load_idx %arg6[%parallel_loop3A_442] : memref<384xf32, #tpu.memory_space<vmem>>[vector<16xi32>], vector<16xf32>,
          %parallel_loop3A_444 = vector.broadcast %parallel_loop3A_425 : i32 to vector<16xi32>
          %parallel_loop3A_445 = arith.addi %add3A_17, %parallel_loop3A_444 : vector<16xi32>
          %parallel_loop3A_446 = tpu.vector_load_idx %arg6[%parallel_loop3A_445] : memref<384xf32, #tpu.memory_space<vmem>>[vector<16xi32>], vector<16xf32>,
          %parallel_loop3A_447 = vector.broadcast %parallel_loop3A_425 : i32 to vector<16xi32>
          %parallel_loop3A_448 = arith.addi %add3A_20, %parallel_loop3A_447 : vector<16xi32>
          %parallel_loop3A_449 = tpu.vector_load_idx %arg6[%parallel_loop3A_448] : memref<384xf32, #tpu.memory_space<vmem>>[vector<16xi32>], vector<16xf32>,
          %parallel_loop3A_450 = vector.broadcast %parallel_loop3A_425 : i32 to vector<16xi32>
          %parallel_loop3A_451 = arith.addi %add3A_23, %parallel_loop3A_450 : vector<16xi32>
          %parallel_loop3A_452 = tpu.vector_load_idx %arg6[%parallel_loop3A_451] : memref<384xf32, #tpu.memory_space<vmem>>[vector<16xi32>], vector<16xf32>,
          %parallel_loop3A_453 = vector.broadcast %parallel_loop3A_425 : i32 to vector<16xi32>
          %parallel_loop3A_454 = arith.addi %add3A_26, %parallel_loop3A_453 : vector<16xi32>
          %parallel_loop3A_455 = tpu.vector_load_idx %arg6[%parallel_loop3A_454] : memref<384xf32, #tpu.memory_space<vmem>>[vector<16xi32>], vector<16xf32>,
          %parallel_loop3A_456 = arith.constant 0 : i32
          %parallel_loop3A_457 = arith.addi %parallel_loop3A_431, %parallel_loop3A_456 : i32
          %parallel_loop3A_458 = arith.index_cast %parallel_loop3A_457 : i32 to index
          %parallel_loop3A_459 = tpu.vector_load %arg8[%parallel_loop3A_458] {strides = array<i32>} : memref<32768xf32, #tpu.memory_space<vmem>>, vector<16xf32>,
          tpu.vector_store %arg8[%parallel_loop3A_458], %parallel_loop3A_434 {strides = array<i32>} : memref<32768xf32, #tpu.memory_space<vmem>>, vector<16xf32>,
          %parallel_loop3A_460 = arith.constant 16 : i32
          %parallel_loop3A_461 = arith.addi %parallel_loop3A_431, %parallel_loop3A_460 : i32
          %parallel_loop3A_462 = arith.index_cast %parallel_loop3A_461 : i32 to index
          %parallel_loop3A_463 = tpu.vector_load %arg8[%parallel_loop3A_462] {strides = array<i32>} : memref<32768xf32, #tpu.memory_space<vmem>>, vector<16xf32>,
          tpu.vector_store %arg8[%parallel_loop3A_462], %parallel_loop3A_437 {strides = array<i32>} : memref<32768xf32, #tpu.memory_space<vmem>>, vector<16xf32>,
          %parallel_loop3A_464 = arith.constant 32 : i32
          %parallel_loop3A_465 = arith.addi %parallel_loop3A_431, %parallel_loop3A_464 : i32
          %parallel_loop3A_466 = arith.index_cast %parallel_loop3A_465 : i32 to index
          %parallel_loop3A_467 = tpu.vector_load %arg8[%parallel_loop3A_466] {strides = array<i32>} : memref<32768xf32, #tpu.memory_space<vmem>>, vector<16xf32>,
          tpu.vector_store %arg8[%parallel_loop3A_466], %parallel_loop3A_440 {strides = array<i32>} : memref<32768xf32, #tpu.memory_space<vmem>>, vector<16xf32>,
          %parallel_loop3A_468 = arith.constant 48 : i32
          %parallel_loop3A_469 = arith.addi %parallel_loop3A_431, %parallel_loop3A_468 : i32
          %parallel_loop3A_470 = arith.index_cast %parallel_loop3A_469 : i32 to index
          %parallel_loop3A_471 = tpu.vector_load %arg8[%parallel_loop3A_470] {strides = array<i32>} : memref<32768xf32, #tpu.memory_space<vmem>>, vector<16xf32>,
          tpu.vector_store %arg8[%parallel_loop3A_470], %parallel_loop3A_443 {strides = array<i32>} : memref<32768xf32, #tpu.memory_space<vmem>>, vector<16xf32>,
          %parallel_loop3A_472 = arith.constant 64 : i32
          %parallel_loop3A_473 = arith.addi %parallel_loop3A_431, %parallel_loop3A_472 : i32
          %parallel_loop3A_474 = arith.index_cast %parallel_loop3A_473 : i32 to index
          %parallel_loop3A_475 = tpu.vector_load %arg8[%parallel_loop3A_474] {strides = array<i32>} : memref<32768xf32, #tpu.memory_space<vmem>>, vector<16xf32>,
          tpu.vector_store %arg8[%parallel_loop3A_474], %parallel_loop3A_446 {strides = array<i32>} : memref<32768xf32, #tpu.memory_space<vmem>>, vector<16xf32>,
          %parallel_loop3A_476 = arith.constant 80 : i32
          %parallel_loop3A_477 = arith.addi %parallel_loop3A_431, %parallel_loop3A_476 : i32
          %parallel_loop3A_478 = arith.index_cast %parallel_loop3A_477 : i32 to index
          %parallel_loop3A_479 = tpu.vector_load %arg8[%parallel_loop3A_478] {strides = array<i32>} : memref<32768xf32, #tpu.memory_space<vmem>>, vector<16xf32>,
          tpu.vector_store %arg8[%parallel_loop3A_478], %parallel_loop3A_449 {strides = array<i32>} : memref<32768xf32, #tpu.memory_space<vmem>>, vector<16xf32>,
          %parallel_loop3A_480 = arith.constant 96 : i32
          %parallel_loop3A_481 = arith.addi %parallel_loop3A_431, %parallel_loop3A_480 : i32
          %parallel_loop3A_482 = arith.index_cast %parallel_loop3A_481 : i32 to index
          %parallel_loop3A_483 = tpu.vector_load %arg8[%parallel_loop3A_482] {strides = array<i32>} : memref<32768xf32, #tpu.memory_space<vmem>>, vector<16xf32>,
          tpu.vector_store %arg8[%parallel_loop3A_482], %parallel_loop3A_452 {strides = array<i32>} : memref<32768xf32, #tpu.memory_space<vmem>>, vector<16xf32>,
          %parallel_loop3A_484 = arith.constant 112 : i32
          %parallel_loop3A_485 = arith.addi %parallel_loop3A_431, %parallel_loop3A_484 : i32
          %parallel_loop3A_486 = arith.index_cast %parallel_loop3A_485 : i32 to index
          %parallel_loop3A_487 = tpu.vector_load %arg8[%parallel_loop3A_486] {strides = array<i32>} : memref<32768xf32, #tpu.memory_space<vmem>>, vector<16xf32>,
          tpu.vector_store %arg8[%parallel_loop3A_486], %parallel_loop3A_455 {strides = array<i32>} : memref<32768xf32, #tpu.memory_space<vmem>>, vector<16xf32>,
          %parallel_loop3A_488 = vector.extract_strided_slice %parallel_loop3A_103 {offsets = [6], sizes = [1], strides = [1]} : vector<16xi32> to vector<1xi32>
          %parallel_loop3A_489 = vector.extract %parallel_loop3A_488[0] : i32 from vector<1xi32>
          %parallel_loop3A_490 = arith.constant 16 : i32
          %parallel_loop3A_491 = arith.muli %parallel_loop3A_95, %parallel_loop3A_490 : i32
          %parallel_loop3A_492 = arith.constant 6 : i32
          %parallel_loop3A_493 = arith.addi %parallel_loop3A_491, %parallel_loop3A_492 : i32
          %parallel_loop3A_494 = arith.constant 128 : i32
          %parallel_loop3A_495 = arith.muli %parallel_loop3A_493, %parallel_loop3A_494 : i32
          %parallel_loop3A_496 = vector.broadcast %parallel_loop3A_489 : i32 to vector<16xi32>
          %parallel_loop3A_497 = arith.addi %add3A_5, %parallel_loop3A_496 : vector<16xi32>
          %parallel_loop3A_498 = tpu.vector_load_idx %arg6[%parallel_loop3A_497] : memref<384xf32, #tpu.memory_space<vmem>>[vector<16xi32>], vector<16xf32>,
          %parallel_loop3A_499 = vector.broadcast %parallel_loop3A_489 : i32 to vector<16xi32>
          %parallel_loop3A_500 = arith.addi %add3A_8, %parallel_loop3A_499 : vector<16xi32>
          %parallel_loop3A_501 = tpu.vector_load_idx %arg6[%parallel_loop3A_500] : memref<384xf32, #tpu.memory_space<vmem>>[vector<16xi32>], vector<16xf32>,
          %parallel_loop3A_502 = vector.broadcast %parallel_loop3A_489 : i32 to vector<16xi32>
          %parallel_loop3A_503 = arith.addi %add3A_11, %parallel_loop3A_502 : vector<16xi32>
          %parallel_loop3A_504 = tpu.vector_load_idx %arg6[%parallel_loop3A_503] : memref<384xf32, #tpu.memory_space<vmem>>[vector<16xi32>], vector<16xf32>,
          %parallel_loop3A_505 = vector.broadcast %parallel_loop3A_489 : i32 to vector<16xi32>
          %parallel_loop3A_506 = arith.addi %add3A_14, %parallel_loop3A_505 : vector<16xi32>
          %parallel_loop3A_507 = tpu.vector_load_idx %arg6[%parallel_loop3A_506] : memref<384xf32, #tpu.memory_space<vmem>>[vector<16xi32>], vector<16xf32>,
          %parallel_loop3A_508 = vector.broadcast %parallel_loop3A_489 : i32 to vector<16xi32>
          %parallel_loop3A_509 = arith.addi %add3A_17, %parallel_loop3A_508 : vector<16xi32>
          %parallel_loop3A_510 = tpu.vector_load_idx %arg6[%parallel_loop3A_509] : memref<384xf32, #tpu.memory_space<vmem>>[vector<16xi32>], vector<16xf32>,
          %parallel_loop3A_511 = vector.broadcast %parallel_loop3A_489 : i32 to vector<16xi32>
          %parallel_loop3A_512 = arith.addi %add3A_20, %parallel_loop3A_511 : vector<16xi32>
          %parallel_loop3A_513 = tpu.vector_load_idx %arg6[%parallel_loop3A_512] : memref<384xf32, #tpu.memory_space<vmem>>[vector<16xi32>], vector<16xf32>,
          %parallel_loop3A_514 = vector.broadcast %parallel_loop3A_489 : i32 to vector<16xi32>
          %parallel_loop3A_515 = arith.addi %add3A_23, %parallel_loop3A_514 : vector<16xi32>
          %parallel_loop3A_516 = tpu.vector_load_idx %arg6[%parallel_loop3A_515] : memref<384xf32, #tpu.memory_space<vmem>>[vector<16xi32>], vector<16xf32>,
          %parallel_loop3A_517 = vector.broadcast %parallel_loop3A_489 : i32 to vector<16xi32>
          %parallel_loop3A_518 = arith.addi %add3A_26, %parallel_loop3A_517 : vector<16xi32>
          %parallel_loop3A_519 = tpu.vector_load_idx %arg6[%parallel_loop3A_518] : memref<384xf32, #tpu.memory_space<vmem>>[vector<16xi32>], vector<16xf32>,
          %parallel_loop3A_520 = arith.constant 0 : i32
          %parallel_loop3A_521 = arith.addi %parallel_loop3A_495, %parallel_loop3A_520 : i32
          %parallel_loop3A_522 = arith.index_cast %parallel_loop3A_521 : i32 to index
          %parallel_loop3A_523 = tpu.vector_load %arg8[%parallel_loop3A_522] {strides = array<i32>} : memref<32768xf32, #tpu.memory_space<vmem>>, vector<16xf32>,
          tpu.vector_store %arg8[%parallel_loop3A_522], %parallel_loop3A_498 {strides = array<i32>} : memref<32768xf32, #tpu.memory_space<vmem>>, vector<16xf32>,
          %parallel_loop3A_524 = arith.constant 16 : i32
          %parallel_loop3A_525 = arith.addi %parallel_loop3A_495, %parallel_loop3A_524 : i32
          %parallel_loop3A_526 = arith.index_cast %parallel_loop3A_525 : i32 to index
          %parallel_loop3A_527 = tpu.vector_load %arg8[%parallel_loop3A_526] {strides = array<i32>} : memref<32768xf32, #tpu.memory_space<vmem>>, vector<16xf32>,
          tpu.vector_store %arg8[%parallel_loop3A_526], %parallel_loop3A_501 {strides = array<i32>} : memref<32768xf32, #tpu.memory_space<vmem>>, vector<16xf32>,
          %parallel_loop3A_528 = arith.constant 32 : i32
          %parallel_loop3A_529 = arith.addi %parallel_loop3A_495, %parallel_loop3A_528 : i32
          %parallel_loop3A_530 = arith.index_cast %parallel_loop3A_529 : i32 to index
          %parallel_loop3A_531 = tpu.vector_load %arg8[%parallel_loop3A_530] {strides = array<i32>} : memref<32768xf32, #tpu.memory_space<vmem>>, vector<16xf32>,
          tpu.vector_store %arg8[%parallel_loop3A_530], %parallel_loop3A_504 {strides = array<i32>} : memref<32768xf32, #tpu.memory_space<vmem>>, vector<16xf32>,
          %parallel_loop3A_532 = arith.constant 48 : i32
          %parallel_loop3A_533 = arith.addi %parallel_loop3A_495, %parallel_loop3A_532 : i32
          %parallel_loop3A_534 = arith.index_cast %parallel_loop3A_533 : i32 to index
          %parallel_loop3A_535 = tpu.vector_load %arg8[%parallel_loop3A_534] {strides = array<i32>} : memref<32768xf32, #tpu.memory_space<vmem>>, vector<16xf32>,
          tpu.vector_store %arg8[%parallel_loop3A_534], %parallel_loop3A_507 {strides = array<i32>} : memref<32768xf32, #tpu.memory_space<vmem>>, vector<16xf32>,
          %parallel_loop3A_536 = arith.constant 64 : i32
          %parallel_loop3A_537 = arith.addi %parallel_loop3A_495, %parallel_loop3A_536 : i32
          %parallel_loop3A_538 = arith.index_cast %parallel_loop3A_537 : i32 to index
          %parallel_loop3A_539 = tpu.vector_load %arg8[%parallel_loop3A_538] {strides = array<i32>} : memref<32768xf32, #tpu.memory_space<vmem>>, vector<16xf32>,
          tpu.vector_store %arg8[%parallel_loop3A_538], %parallel_loop3A_510 {strides = array<i32>} : memref<32768xf32, #tpu.memory_space<vmem>>, vector<16xf32>,
          %parallel_loop3A_540 = arith.constant 80 : i32
          %parallel_loop3A_541 = arith.addi %parallel_loop3A_495, %parallel_loop3A_540 : i32
          %parallel_loop3A_542 = arith.index_cast %parallel_loop3A_541 : i32 to index
          %parallel_loop3A_543 = tpu.vector_load %arg8[%parallel_loop3A_542] {strides = array<i32>} : memref<32768xf32, #tpu.memory_space<vmem>>, vector<16xf32>,
          tpu.vector_store %arg8[%parallel_loop3A_542], %parallel_loop3A_513 {strides = array<i32>} : memref<32768xf32, #tpu.memory_space<vmem>>, vector<16xf32>,
          %parallel_loop3A_544 = arith.constant 96 : i32
          %parallel_loop3A_545 = arith.addi %parallel_loop3A_495, %parallel_loop3A_544 : i32
          %parallel_loop3A_546 = arith.index_cast %parallel_loop3A_545 : i32 to index
          %parallel_loop3A_547 = tpu.vector_load %arg8[%parallel_loop3A_546] {strides = array<i32>} : memref<32768xf32, #tpu.memory_space<vmem>>, vector<16xf32>,
          tpu.vector_store %arg8[%parallel_loop3A_546], %parallel_loop3A_516 {strides = array<i32>} : memref<32768xf32, #tpu.memory_space<vmem>>, vector<16xf32>,
          %parallel_loop3A_548 = arith.constant 112 : i32
          %parallel_loop3A_549 = arith.addi %parallel_loop3A_495, %parallel_loop3A_548 : i32
          %parallel_loop3A_550 = arith.index_cast %parallel_loop3A_549 : i32 to index
          %parallel_loop3A_551 = tpu.vector_load %arg8[%parallel_loop3A_550] {strides = array<i32>} : memref<32768xf32, #tpu.memory_space<vmem>>, vector<16xf32>,
          tpu.vector_store %arg8[%parallel_loop3A_550], %parallel_loop3A_519 {strides = array<i32>} : memref<32768xf32, #tpu.memory_space<vmem>>, vector<16xf32>,
          %parallel_loop3A_552 = vector.extract_strided_slice %parallel_loop3A_103 {offsets = [7], sizes = [1], strides = [1]} : vector<16xi32> to vector<1xi32>
          %parallel_loop3A_553 = vector.extract %parallel_loop3A_552[0] : i32 from vector<1xi32>
          %parallel_loop3A_554 = arith.constant 16 : i32
          %parallel_loop3A_555 = arith.muli %parallel_loop3A_95, %parallel_loop3A_554 : i32
          %parallel_loop3A_556 = arith.constant 7 : i32
          %parallel_loop3A_557 = arith.addi %parallel_loop3A_555, %parallel_loop3A_556 : i32
          %parallel_loop3A_558 = arith.constant 128 : i32
          %parallel_loop3A_559 = arith.muli %parallel_loop3A_557, %parallel_loop3A_558 : i32
          %parallel_loop3A_560 = vector.broadcast %parallel_loop3A_553 : i32 to vector<16xi32>
          %parallel_loop3A_561 = arith.addi %add3A_5, %parallel_loop3A_560 : vector<16xi32>
          %parallel_loop3A_562 = tpu.vector_load_idx %arg6[%parallel_loop3A_561] : memref<384xf32, #tpu.memory_space<vmem>>[vector<16xi32>], vector<16xf32>,
          %parallel_loop3A_563 = vector.broadcast %parallel_loop3A_553 : i32 to vector<16xi32>
          %parallel_loop3A_564 = arith.addi %add3A_8, %parallel_loop3A_563 : vector<16xi32>
          %parallel_loop3A_565 = tpu.vector_load_idx %arg6[%parallel_loop3A_564] : memref<384xf32, #tpu.memory_space<vmem>>[vector<16xi32>], vector<16xf32>,
          %parallel_loop3A_566 = vector.broadcast %parallel_loop3A_553 : i32 to vector<16xi32>
          %parallel_loop3A_567 = arith.addi %add3A_11, %parallel_loop3A_566 : vector<16xi32>
          %parallel_loop3A_568 = tpu.vector_load_idx %arg6[%parallel_loop3A_567] : memref<384xf32, #tpu.memory_space<vmem>>[vector<16xi32>], vector<16xf32>,
          %parallel_loop3A_569 = vector.broadcast %parallel_loop3A_553 : i32 to vector<16xi32>
          %parallel_loop3A_570 = arith.addi %add3A_14, %parallel_loop3A_569 : vector<16xi32>
          %parallel_loop3A_571 = tpu.vector_load_idx %arg6[%parallel_loop3A_570] : memref<384xf32, #tpu.memory_space<vmem>>[vector<16xi32>], vector<16xf32>,
          %parallel_loop3A_572 = vector.broadcast %parallel_loop3A_553 : i32 to vector<16xi32>
          %parallel_loop3A_573 = arith.addi %add3A_17, %parallel_loop3A_572 : vector<16xi32>
          %parallel_loop3A_574 = tpu.vector_load_idx %arg6[%parallel_loop3A_573] : memref<384xf32, #tpu.memory_space<vmem>>[vector<16xi32>], vector<16xf32>,
          %parallel_loop3A_575 = vector.broadcast %parallel_loop3A_553 : i32 to vector<16xi32>
          %parallel_loop3A_576 = arith.addi %add3A_20, %parallel_loop3A_575 : vector<16xi32>
          %parallel_loop3A_577 = tpu.vector_load_idx %arg6[%parallel_loop3A_576] : memref<384xf32, #tpu.memory_space<vmem>>[vector<16xi32>], vector<16xf32>,
          %parallel_loop3A_578 = vector.broadcast %parallel_loop3A_553 : i32 to vector<16xi32>
          %parallel_loop3A_579 = arith.addi %add3A_23, %parallel_loop3A_578 : vector<16xi32>
          %parallel_loop3A_580 = tpu.vector_load_idx %arg6[%parallel_loop3A_579] : memref<384xf32, #tpu.memory_space<vmem>>[vector<16xi32>], vector<16xf32>,
          %parallel_loop3A_581 = vector.broadcast %parallel_loop3A_553 : i32 to vector<16xi32>
          %parallel_loop3A_582 = arith.addi %add3A_26, %parallel_loop3A_581 : vector<16xi32>
          %parallel_loop3A_583 = tpu.vector_load_idx %arg6[%parallel_loop3A_582] : memref<384xf32, #tpu.memory_space<vmem>>[vector<16xi32>], vector<16xf32>,
          %parallel_loop3A_584 = arith.constant 0 : i32
          %parallel_loop3A_585 = arith.addi %parallel_loop3A_559, %parallel_loop3A_584 : i32
          %parallel_loop3A_586 = arith.index_cast %parallel_loop3A_585 : i32 to index
          %parallel_loop3A_587 = tpu.vector_load %arg8[%parallel_loop3A_586] {strides = array<i32>} : memref<32768xf32, #tpu.memory_space<vmem>>, vector<16xf32>,
          tpu.vector_store %arg8[%parallel_loop3A_586], %parallel_loop3A_562 {strides = array<i32>} : memref<32768xf32, #tpu.memory_space<vmem>>, vector<16xf32>,
          %parallel_loop3A_588 = arith.constant 16 : i32
          %parallel_loop3A_589 = arith.addi %parallel_loop3A_559, %parallel_loop3A_588 : i32
          %parallel_loop3A_590 = arith.index_cast %parallel_loop3A_589 : i32 to index
          %parallel_loop3A_591 = tpu.vector_load %arg8[%parallel_loop3A_590] {strides = array<i32>} : memref<32768xf32, #tpu.memory_space<vmem>>, vector<16xf32>,
          tpu.vector_store %arg8[%parallel_loop3A_590], %parallel_loop3A_565 {strides = array<i32>} : memref<32768xf32, #tpu.memory_space<vmem>>, vector<16xf32>,
          %parallel_loop3A_592 = arith.constant 32 : i32
          %parallel_loop3A_593 = arith.addi %parallel_loop3A_559, %parallel_loop3A_592 : i32
          %parallel_loop3A_594 = arith.index_cast %parallel_loop3A_593 : i32 to index
          %parallel_loop3A_595 = tpu.vector_load %arg8[%parallel_loop3A_594] {strides = array<i32>} : memref<32768xf32, #tpu.memory_space<vmem>>, vector<16xf32>,
          tpu.vector_store %arg8[%parallel_loop3A_594], %parallel_loop3A_568 {strides = array<i32>} : memref<32768xf32, #tpu.memory_space<vmem>>, vector<16xf32>,
          %parallel_loop3A_596 = arith.constant 48 : i32
          %parallel_loop3A_597 = arith.addi %parallel_loop3A_559, %parallel_loop3A_596 : i32
          %parallel_loop3A_598 = arith.index_cast %parallel_loop3A_597 : i32 to index
          %parallel_loop3A_599 = tpu.vector_load %arg8[%parallel_loop3A_598] {strides = array<i32>} : memref<32768xf32, #tpu.memory_space<vmem>>, vector<16xf32>,
          tpu.vector_store %arg8[%parallel_loop3A_598], %parallel_loop3A_571 {strides = array<i32>} : memref<32768xf32, #tpu.memory_space<vmem>>, vector<16xf32>,
          %parallel_loop3A_600 = arith.constant 64 : i32
          %parallel_loop3A_601 = arith.addi %parallel_loop3A_559, %parallel_loop3A_600 : i32
          %parallel_loop3A_602 = arith.index_cast %parallel_loop3A_601 : i32 to index
          %parallel_loop3A_603 = tpu.vector_load %arg8[%parallel_loop3A_602] {strides = array<i32>} : memref<32768xf32, #tpu.memory_space<vmem>>, vector<16xf32>,
          tpu.vector_store %arg8[%parallel_loop3A_602], %parallel_loop3A_574 {strides = array<i32>} : memref<32768xf32, #tpu.memory_space<vmem>>, vector<16xf32>,
          %parallel_loop3A_604 = arith.constant 80 : i32
          %parallel_loop3A_605 = arith.addi %parallel_loop3A_559, %parallel_loop3A_604 : i32
          %parallel_loop3A_606 = arith.index_cast %parallel_loop3A_605 : i32 to index
          %parallel_loop3A_607 = tpu.vector_load %arg8[%parallel_loop3A_606] {strides = array<i32>} : memref<32768xf32, #tpu.memory_space<vmem>>, vector<16xf32>,
          tpu.vector_store %arg8[%parallel_loop3A_606], %parallel_loop3A_577 {strides = array<i32>} : memref<32768xf32, #tpu.memory_space<vmem>>, vector<16xf32>,
          %parallel_loop3A_608 = arith.constant 96 : i32
          %parallel_loop3A_609 = arith.addi %parallel_loop3A_559, %parallel_loop3A_608 : i32
          %parallel_loop3A_610 = arith.index_cast %parallel_loop3A_609 : i32 to index
          %parallel_loop3A_611 = tpu.vector_load %arg8[%parallel_loop3A_610] {strides = array<i32>} : memref<32768xf32, #tpu.memory_space<vmem>>, vector<16xf32>,
          tpu.vector_store %arg8[%parallel_loop3A_610], %parallel_loop3A_580 {strides = array<i32>} : memref<32768xf32, #tpu.memory_space<vmem>>, vector<16xf32>,
          %parallel_loop3A_612 = arith.constant 112 : i32
          %parallel_loop3A_613 = arith.addi %parallel_loop3A_559, %parallel_loop3A_612 : i32
          %parallel_loop3A_614 = arith.index_cast %parallel_loop3A_613 : i32 to index
          %parallel_loop3A_615 = tpu.vector_load %arg8[%parallel_loop3A_614] {strides = array<i32>} : memref<32768xf32, #tpu.memory_space<vmem>>, vector<16xf32>,
          tpu.vector_store %arg8[%parallel_loop3A_614], %parallel_loop3A_583 {strides = array<i32>} : memref<32768xf32, #tpu.memory_space<vmem>>, vector<16xf32>,
          %parallel_loop3A_616 = vector.extract_strided_slice %parallel_loop3A_103 {offsets = [8], sizes = [1], strides = [1]} : vector<16xi32> to vector<1xi32>
          %parallel_loop3A_617 = vector.extract %parallel_loop3A_616[0] : i32 from vector<1xi32>
          %parallel_loop3A_618 = arith.constant 16 : i32
          %parallel_loop3A_619 = arith.muli %parallel_loop3A_95, %parallel_loop3A_618 : i32
          %parallel_loop3A_620 = arith.constant 8 : i32
          %parallel_loop3A_621 = arith.addi %parallel_loop3A_619, %parallel_loop3A_620 : i32
          %parallel_loop3A_622 = arith.constant 128 : i32
          %parallel_loop3A_623 = arith.muli %parallel_loop3A_621, %parallel_loop3A_622 : i32
          %parallel_loop3A_624 = vector.broadcast %parallel_loop3A_617 : i32 to vector<16xi32>
          %parallel_loop3A_625 = arith.addi %add3A_5, %parallel_loop3A_624 : vector<16xi32>
          %parallel_loop3A_626 = tpu.vector_load_idx %arg6[%parallel_loop3A_625] : memref<384xf32, #tpu.memory_space<vmem>>[vector<16xi32>], vector<16xf32>,
          %parallel_loop3A_627 = vector.broadcast %parallel_loop3A_617 : i32 to vector<16xi32>
          %parallel_loop3A_628 = arith.addi %add3A_8, %parallel_loop3A_627 : vector<16xi32>
          %parallel_loop3A_629 = tpu.vector_load_idx %arg6[%parallel_loop3A_628] : memref<384xf32, #tpu.memory_space<vmem>>[vector<16xi32>], vector<16xf32>,
          %parallel_loop3A_630 = vector.broadcast %parallel_loop3A_617 : i32 to vector<16xi32>
          %parallel_loop3A_631 = arith.addi %add3A_11, %parallel_loop3A_630 : vector<16xi32>
          %parallel_loop3A_632 = tpu.vector_load_idx %arg6[%parallel_loop3A_631] : memref<384xf32, #tpu.memory_space<vmem>>[vector<16xi32>], vector<16xf32>,
          %parallel_loop3A_633 = vector.broadcast %parallel_loop3A_617 : i32 to vector<16xi32>
          %parallel_loop3A_634 = arith.addi %add3A_14, %parallel_loop3A_633 : vector<16xi32>
          %parallel_loop3A_635 = tpu.vector_load_idx %arg6[%parallel_loop3A_634] : memref<384xf32, #tpu.memory_space<vmem>>[vector<16xi32>], vector<16xf32>,
          %parallel_loop3A_636 = vector.broadcast %parallel_loop3A_617 : i32 to vector<16xi32>
          %parallel_loop3A_637 = arith.addi %add3A_17, %parallel_loop3A_636 : vector<16xi32>
          %parallel_loop3A_638 = tpu.vector_load_idx %arg6[%parallel_loop3A_637] : memref<384xf32, #tpu.memory_space<vmem>>[vector<16xi32>], vector<16xf32>,
          %parallel_loop3A_639 = vector.broadcast %parallel_loop3A_617 : i32 to vector<16xi32>
          %parallel_loop3A_640 = arith.addi %add3A_20, %parallel_loop3A_639 : vector<16xi32>
          %parallel_loop3A_641 = tpu.vector_load_idx %arg6[%parallel_loop3A_640] : memref<384xf32, #tpu.memory_space<vmem>>[vector<16xi32>], vector<16xf32>,
          %parallel_loop3A_642 = vector.broadcast %parallel_loop3A_617 : i32 to vector<16xi32>
          %parallel_loop3A_643 = arith.addi %add3A_23, %parallel_loop3A_642 : vector<16xi32>
          %parallel_loop3A_644 = tpu.vector_load_idx %arg6[%parallel_loop3A_643] : memref<384xf32, #tpu.memory_space<vmem>>[vector<16xi32>], vector<16xf32>,
          %parallel_loop3A_645 = vector.broadcast %parallel_loop3A_617 : i32 to vector<16xi32>
          %parallel_loop3A_646 = arith.addi %add3A_26, %parallel_loop3A_645 : vector<16xi32>
          %parallel_loop3A_647 = tpu.vector_load_idx %arg6[%parallel_loop3A_646] : memref<384xf32, #tpu.memory_space<vmem>>[vector<16xi32>], vector<16xf32>,
          %parallel_loop3A_648 = arith.constant 0 : i32
          %parallel_loop3A_649 = arith.addi %parallel_loop3A_623, %parallel_loop3A_648 : i32
          %parallel_loop3A_650 = arith.index_cast %parallel_loop3A_649 : i32 to index
          %parallel_loop3A_651 = tpu.vector_load %arg8[%parallel_loop3A_650] {strides = array<i32>} : memref<32768xf32, #tpu.memory_space<vmem>>, vector<16xf32>,
          tpu.vector_store %arg8[%parallel_loop3A_650], %parallel_loop3A_626 {strides = array<i32>} : memref<32768xf32, #tpu.memory_space<vmem>>, vector<16xf32>,
          %parallel_loop3A_652 = arith.constant 16 : i32
          %parallel_loop3A_653 = arith.addi %parallel_loop3A_623, %parallel_loop3A_652 : i32
          %parallel_loop3A_654 = arith.index_cast %parallel_loop3A_653 : i32 to index
          %parallel_loop3A_655 = tpu.vector_load %arg8[%parallel_loop3A_654] {strides = array<i32>} : memref<32768xf32, #tpu.memory_space<vmem>>, vector<16xf32>,
          tpu.vector_store %arg8[%parallel_loop3A_654], %parallel_loop3A_629 {strides = array<i32>} : memref<32768xf32, #tpu.memory_space<vmem>>, vector<16xf32>,
          %parallel_loop3A_656 = arith.constant 32 : i32
          %parallel_loop3A_657 = arith.addi %parallel_loop3A_623, %parallel_loop3A_656 : i32
          %parallel_loop3A_658 = arith.index_cast %parallel_loop3A_657 : i32 to index
          %parallel_loop3A_659 = tpu.vector_load %arg8[%parallel_loop3A_658] {strides = array<i32>} : memref<32768xf32, #tpu.memory_space<vmem>>, vector<16xf32>,
          tpu.vector_store %arg8[%parallel_loop3A_658], %parallel_loop3A_632 {strides = array<i32>} : memref<32768xf32, #tpu.memory_space<vmem>>, vector<16xf32>,
          %parallel_loop3A_660 = arith.constant 48 : i32
          %parallel_loop3A_661 = arith.addi %parallel_loop3A_623, %parallel_loop3A_660 : i32
          %parallel_loop3A_662 = arith.index_cast %parallel_loop3A_661 : i32 to index
          %parallel_loop3A_663 = tpu.vector_load %arg8[%parallel_loop3A_662] {strides = array<i32>} : memref<32768xf32, #tpu.memory_space<vmem>>, vector<16xf32>,
          tpu.vector_store %arg8[%parallel_loop3A_662], %parallel_loop3A_635 {strides = array<i32>} : memref<32768xf32, #tpu.memory_space<vmem>>, vector<16xf32>,
          %parallel_loop3A_664 = arith.constant 64 : i32
          %parallel_loop3A_665 = arith.addi %parallel_loop3A_623, %parallel_loop3A_664 : i32
          %parallel_loop3A_666 = arith.index_cast %parallel_loop3A_665 : i32 to index
          %parallel_loop3A_667 = tpu.vector_load %arg8[%parallel_loop3A_666] {strides = array<i32>} : memref<32768xf32, #tpu.memory_space<vmem>>, vector<16xf32>,
          tpu.vector_store %arg8[%parallel_loop3A_666], %parallel_loop3A_638 {strides = array<i32>} : memref<32768xf32, #tpu.memory_space<vmem>>, vector<16xf32>,
          %parallel_loop3A_668 = arith.constant 80 : i32
          %parallel_loop3A_669 = arith.addi %parallel_loop3A_623, %parallel_loop3A_668 : i32
          %parallel_loop3A_670 = arith.index_cast %parallel_loop3A_669 : i32 to index
          %parallel_loop3A_671 = tpu.vector_load %arg8[%parallel_loop3A_670] {strides = array<i32>} : memref<32768xf32, #tpu.memory_space<vmem>>, vector<16xf32>,
          tpu.vector_store %arg8[%parallel_loop3A_670], %parallel_loop3A_641 {strides = array<i32>} : memref<32768xf32, #tpu.memory_space<vmem>>, vector<16xf32>,
          %parallel_loop3A_672 = arith.constant 96 : i32
          %parallel_loop3A_673 = arith.addi %parallel_loop3A_623, %parallel_loop3A_672 : i32
          %parallel_loop3A_674 = arith.index_cast %parallel_loop3A_673 : i32 to index
          %parallel_loop3A_675 = tpu.vector_load %arg8[%parallel_loop3A_674] {strides = array<i32>} : memref<32768xf32, #tpu.memory_space<vmem>>, vector<16xf32>,
          tpu.vector_store %arg8[%parallel_loop3A_674], %parallel_loop3A_644 {strides = array<i32>} : memref<32768xf32, #tpu.memory_space<vmem>>, vector<16xf32>,
          %parallel_loop3A_676 = arith.constant 112 : i32
          %parallel_loop3A_677 = arith.addi %parallel_loop3A_623, %parallel_loop3A_676 : i32
          %parallel_loop3A_678 = arith.index_cast %parallel_loop3A_677 : i32 to index
          %parallel_loop3A_679 = tpu.vector_load %arg8[%parallel_loop3A_678] {strides = array<i32>} : memref<32768xf32, #tpu.memory_space<vmem>>, vector<16xf32>,
          tpu.vector_store %arg8[%parallel_loop3A_678], %parallel_loop3A_647 {strides = array<i32>} : memref<32768xf32, #tpu.memory_space<vmem>>, vector<16xf32>,
          %parallel_loop3A_680 = vector.extract_strided_slice %parallel_loop3A_103 {offsets = [9], sizes = [1], strides = [1]} : vector<16xi32> to vector<1xi32>
          %parallel_loop3A_681 = vector.extract %parallel_loop3A_680[0] : i32 from vector<1xi32>
          %parallel_loop3A_682 = arith.constant 16 : i32
          %parallel_loop3A_683 = arith.muli %parallel_loop3A_95, %parallel_loop3A_682 : i32
          %parallel_loop3A_684 = arith.constant 9 : i32
          %parallel_loop3A_685 = arith.addi %parallel_loop3A_683, %parallel_loop3A_684 : i32
          %parallel_loop3A_686 = arith.constant 128 : i32
          %parallel_loop3A_687 = arith.muli %parallel_loop3A_685, %parallel_loop3A_686 : i32
          %parallel_loop3A_688 = vector.broadcast %parallel_loop3A_681 : i32 to vector<16xi32>
          %parallel_loop3A_689 = arith.addi %add3A_5, %parallel_loop3A_688 : vector<16xi32>
          %parallel_loop3A_690 = tpu.vector_load_idx %arg6[%parallel_loop3A_689] : memref<384xf32, #tpu.memory_space<vmem>>[vector<16xi32>], vector<16xf32>,
          %parallel_loop3A_691 = vector.broadcast %parallel_loop3A_681 : i32 to vector<16xi32>
          %parallel_loop3A_692 = arith.addi %add3A_8, %parallel_loop3A_691 : vector<16xi32>
          %parallel_loop3A_693 = tpu.vector_load_idx %arg6[%parallel_loop3A_692] : memref<384xf32, #tpu.memory_space<vmem>>[vector<16xi32>], vector<16xf32>,
          %parallel_loop3A_694 = vector.broadcast %parallel_loop3A_681 : i32 to vector<16xi32>
          %parallel_loop3A_695 = arith.addi %add3A_11, %parallel_loop3A_694 : vector<16xi32>
          %parallel_loop3A_696 = tpu.vector_load_idx %arg6[%parallel_loop3A_695] : memref<384xf32, #tpu.memory_space<vmem>>[vector<16xi32>], vector<16xf32>,
          %parallel_loop3A_697 = vector.broadcast %parallel_loop3A_681 : i32 to vector<16xi32>
          %parallel_loop3A_698 = arith.addi %add3A_14, %parallel_loop3A_697 : vector<16xi32>
          %parallel_loop3A_699 = tpu.vector_load_idx %arg6[%parallel_loop3A_698] : memref<384xf32, #tpu.memory_space<vmem>>[vector<16xi32>], vector<16xf32>,
          %parallel_loop3A_700 = vector.broadcast %parallel_loop3A_681 : i32 to vector<16xi32>
          %parallel_loop3A_701 = arith.addi %add3A_17, %parallel_loop3A_700 : vector<16xi32>
          %parallel_loop3A_702 = tpu.vector_load_idx %arg6[%parallel_loop3A_701] : memref<384xf32, #tpu.memory_space<vmem>>[vector<16xi32>], vector<16xf32>,
          %parallel_loop3A_703 = vector.broadcast %parallel_loop3A_681 : i32 to vector<16xi32>
          %parallel_loop3A_704 = arith.addi %add3A_20, %parallel_loop3A_703 : vector<16xi32>
          %parallel_loop3A_705 = tpu.vector_load_idx %arg6[%parallel_loop3A_704] : memref<384xf32, #tpu.memory_space<vmem>>[vector<16xi32>], vector<16xf32>,
          %parallel_loop3A_706 = vector.broadcast %parallel_loop3A_681 : i32 to vector<16xi32>
          %parallel_loop3A_707 = arith.addi %add3A_23, %parallel_loop3A_706 : vector<16xi32>
          %parallel_loop3A_708 = tpu.vector_load_idx %arg6[%parallel_loop3A_707] : memref<384xf32, #tpu.memory_space<vmem>>[vector<16xi32>], vector<16xf32>,
          %parallel_loop3A_709 = vector.broadcast %parallel_loop3A_681 : i32 to vector<16xi32>
          %parallel_loop3A_710 = arith.addi %add3A_26, %parallel_loop3A_709 : vector<16xi32>
          %parallel_loop3A_711 = tpu.vector_load_idx %arg6[%parallel_loop3A_710] : memref<384xf32, #tpu.memory_space<vmem>>[vector<16xi32>], vector<16xf32>,
          %parallel_loop3A_712 = arith.constant 0 : i32
          %parallel_loop3A_713 = arith.addi %parallel_loop3A_687, %parallel_loop3A_712 : i32
          %parallel_loop3A_714 = arith.index_cast %parallel_loop3A_713 : i32 to index
          %parallel_loop3A_715 = tpu.vector_load %arg8[%parallel_loop3A_714] {strides = array<i32>} : memref<32768xf32, #tpu.memory_space<vmem>>, vector<16xf32>,
          tpu.vector_store %arg8[%parallel_loop3A_714], %parallel_loop3A_690 {strides = array<i32>} : memref<32768xf32, #tpu.memory_space<vmem>>, vector<16xf32>,
          %parallel_loop3A_716 = arith.constant 16 : i32
          %parallel_loop3A_717 = arith.addi %parallel_loop3A_687, %parallel_loop3A_716 : i32
          %parallel_loop3A_718 = arith.index_cast %parallel_loop3A_717 : i32 to index
          %parallel_loop3A_719 = tpu.vector_load %arg8[%parallel_loop3A_718] {strides = array<i32>} : memref<32768xf32, #tpu.memory_space<vmem>>, vector<16xf32>,
          tpu.vector_store %arg8[%parallel_loop3A_718], %parallel_loop3A_693 {strides = array<i32>} : memref<32768xf32, #tpu.memory_space<vmem>>, vector<16xf32>,
          %parallel_loop3A_720 = arith.constant 32 : i32
          %parallel_loop3A_721 = arith.addi %parallel_loop3A_687, %parallel_loop3A_720 : i32
          %parallel_loop3A_722 = arith.index_cast %parallel_loop3A_721 : i32 to index
          %parallel_loop3A_723 = tpu.vector_load %arg8[%parallel_loop3A_722] {strides = array<i32>} : memref<32768xf32, #tpu.memory_space<vmem>>, vector<16xf32>,
          tpu.vector_store %arg8[%parallel_loop3A_722], %parallel_loop3A_696 {strides = array<i32>} : memref<32768xf32, #tpu.memory_space<vmem>>, vector<16xf32>,
          %parallel_loop3A_724 = arith.constant 48 : i32
          %parallel_loop3A_725 = arith.addi %parallel_loop3A_687, %parallel_loop3A_724 : i32
          %parallel_loop3A_726 = arith.index_cast %parallel_loop3A_725 : i32 to index
          %parallel_loop3A_727 = tpu.vector_load %arg8[%parallel_loop3A_726] {strides = array<i32>} : memref<32768xf32, #tpu.memory_space<vmem>>, vector<16xf32>,
          tpu.vector_store %arg8[%parallel_loop3A_726], %parallel_loop3A_699 {strides = array<i32>} : memref<32768xf32, #tpu.memory_space<vmem>>, vector<16xf32>,
          %parallel_loop3A_728 = arith.constant 64 : i32
          %parallel_loop3A_729 = arith.addi %parallel_loop3A_687, %parallel_loop3A_728 : i32
          %parallel_loop3A_730 = arith.index_cast %parallel_loop3A_729 : i32 to index
          %parallel_loop3A_731 = tpu.vector_load %arg8[%parallel_loop3A_730] {strides = array<i32>} : memref<32768xf32, #tpu.memory_space<vmem>>, vector<16xf32>,
          tpu.vector_store %arg8[%parallel_loop3A_730], %parallel_loop3A_702 {strides = array<i32>} : memref<32768xf32, #tpu.memory_space<vmem>>, vector<16xf32>,
          %parallel_loop3A_732 = arith.constant 80 : i32
          %parallel_loop3A_733 = arith.addi %parallel_loop3A_687, %parallel_loop3A_732 : i32
          %parallel_loop3A_734 = arith.index_cast %parallel_loop3A_733 : i32 to index
          %parallel_loop3A_735 = tpu.vector_load %arg8[%parallel_loop3A_734] {strides = array<i32>} : memref<32768xf32, #tpu.memory_space<vmem>>, vector<16xf32>,
          tpu.vector_store %arg8[%parallel_loop3A_734], %parallel_loop3A_705 {strides = array<i32>} : memref<32768xf32, #tpu.memory_space<vmem>>, vector<16xf32>,
          %parallel_loop3A_736 = arith.constant 96 : i32
          %parallel_loop3A_737 = arith.addi %parallel_loop3A_687, %parallel_loop3A_736 : i32
          %parallel_loop3A_738 = arith.index_cast %parallel_loop3A_737 : i32 to index
          %parallel_loop3A_739 = tpu.vector_load %arg8[%parallel_loop3A_738] {strides = array<i32>} : memref<32768xf32, #tpu.memory_space<vmem>>, vector<16xf32>,
          tpu.vector_store %arg8[%parallel_loop3A_738], %parallel_loop3A_708 {strides = array<i32>} : memref<32768xf32, #tpu.memory_space<vmem>>, vector<16xf32>,
          %parallel_loop3A_740 = arith.constant 112 : i32
          %parallel_loop3A_741 = arith.addi %parallel_loop3A_687, %parallel_loop3A_740 : i32
          %parallel_loop3A_742 = arith.index_cast %parallel_loop3A_741 : i32 to index
          %parallel_loop3A_743 = tpu.vector_load %arg8[%parallel_loop3A_742] {strides = array<i32>} : memref<32768xf32, #tpu.memory_space<vmem>>, vector<16xf32>,
          tpu.vector_store %arg8[%parallel_loop3A_742], %parallel_loop3A_711 {strides = array<i32>} : memref<32768xf32, #tpu.memory_space<vmem>>, vector<16xf32>,
          %parallel_loop3A_744 = vector.extract_strided_slice %parallel_loop3A_103 {offsets = [10], sizes = [1], strides = [1]} : vector<16xi32> to vector<1xi32>
          %parallel_loop3A_745 = vector.extract %parallel_loop3A_744[0] : i32 from vector<1xi32>
          %parallel_loop3A_746 = arith.constant 16 : i32
          %parallel_loop3A_747 = arith.muli %parallel_loop3A_95, %parallel_loop3A_746 : i32
          %parallel_loop3A_748 = arith.constant 10 : i32
          %parallel_loop3A_749 = arith.addi %parallel_loop3A_747, %parallel_loop3A_748 : i32
          %parallel_loop3A_750 = arith.constant 128 : i32
          %parallel_loop3A_751 = arith.muli %parallel_loop3A_749, %parallel_loop3A_750 : i32
          %parallel_loop3A_752 = vector.broadcast %parallel_loop3A_745 : i32 to vector<16xi32>
          %parallel_loop3A_753 = arith.addi %add3A_5, %parallel_loop3A_752 : vector<16xi32>
          %parallel_loop3A_754 = tpu.vector_load_idx %arg6[%parallel_loop3A_753] : memref<384xf32, #tpu.memory_space<vmem>>[vector<16xi32>], vector<16xf32>,
          %parallel_loop3A_755 = vector.broadcast %parallel_loop3A_745 : i32 to vector<16xi32>
          %parallel_loop3A_756 = arith.addi %add3A_8, %parallel_loop3A_755 : vector<16xi32>
          %parallel_loop3A_757 = tpu.vector_load_idx %arg6[%parallel_loop3A_756] : memref<384xf32, #tpu.memory_space<vmem>>[vector<16xi32>], vector<16xf32>,
          %parallel_loop3A_758 = vector.broadcast %parallel_loop3A_745 : i32 to vector<16xi32>
          %parallel_loop3A_759 = arith.addi %add3A_11, %parallel_loop3A_758 : vector<16xi32>
          %parallel_loop3A_760 = tpu.vector_load_idx %arg6[%parallel_loop3A_759] : memref<384xf32, #tpu.memory_space<vmem>>[vector<16xi32>], vector<16xf32>,
          %parallel_loop3A_761 = vector.broadcast %parallel_loop3A_745 : i32 to vector<16xi32>
          %parallel_loop3A_762 = arith.addi %add3A_14, %parallel_loop3A_761 : vector<16xi32>
          %parallel_loop3A_763 = tpu.vector_load_idx %arg6[%parallel_loop3A_762] : memref<384xf32, #tpu.memory_space<vmem>>[vector<16xi32>], vector<16xf32>,
          %parallel_loop3A_764 = vector.broadcast %parallel_loop3A_745 : i32 to vector<16xi32>
          %parallel_loop3A_765 = arith.addi %add3A_17, %parallel_loop3A_764 : vector<16xi32>
          %parallel_loop3A_766 = tpu.vector_load_idx %arg6[%parallel_loop3A_765] : memref<384xf32, #tpu.memory_space<vmem>>[vector<16xi32>], vector<16xf32>,
          %parallel_loop3A_767 = vector.broadcast %parallel_loop3A_745 : i32 to vector<16xi32>
          %parallel_loop3A_768 = arith.addi %add3A_20, %parallel_loop3A_767 : vector<16xi32>
          %parallel_loop3A_769 = tpu.vector_load_idx %arg6[%parallel_loop3A_768] : memref<384xf32, #tpu.memory_space<vmem>>[vector<16xi32>], vector<16xf32>,
          %parallel_loop3A_770 = vector.broadcast %parallel_loop3A_745 : i32 to vector<16xi32>
          %parallel_loop3A_771 = arith.addi %add3A_23, %parallel_loop3A_770 : vector<16xi32>
          %parallel_loop3A_772 = tpu.vector_load_idx %arg6[%parallel_loop3A_771] : memref<384xf32, #tpu.memory_space<vmem>>[vector<16xi32>], vector<16xf32>,
          %parallel_loop3A_773 = vector.broadcast %parallel_loop3A_745 : i32 to vector<16xi32>
          %parallel_loop3A_774 = arith.addi %add3A_26, %parallel_loop3A_773 : vector<16xi32>
          %parallel_loop3A_775 = tpu.vector_load_idx %arg6[%parallel_loop3A_774] : memref<384xf32, #tpu.memory_space<vmem>>[vector<16xi32>], vector<16xf32>,
          %parallel_loop3A_776 = arith.constant 0 : i32
          %parallel_loop3A_777 = arith.addi %parallel_loop3A_751, %parallel_loop3A_776 : i32
          %parallel_loop3A_778 = arith.index_cast %parallel_loop3A_777 : i32 to index
          %parallel_loop3A_779 = tpu.vector_load %arg8[%parallel_loop3A_778] {strides = array<i32>} : memref<32768xf32, #tpu.memory_space<vmem>>, vector<16xf32>,
          tpu.vector_store %arg8[%parallel_loop3A_778], %parallel_loop3A_754 {strides = array<i32>} : memref<32768xf32, #tpu.memory_space<vmem>>, vector<16xf32>,
          %parallel_loop3A_780 = arith.constant 16 : i32
          %parallel_loop3A_781 = arith.addi %parallel_loop3A_751, %parallel_loop3A_780 : i32
          %parallel_loop3A_782 = arith.index_cast %parallel_loop3A_781 : i32 to index
          %parallel_loop3A_783 = tpu.vector_load %arg8[%parallel_loop3A_782] {strides = array<i32>} : memref<32768xf32, #tpu.memory_space<vmem>>, vector<16xf32>,
          tpu.vector_store %arg8[%parallel_loop3A_782], %parallel_loop3A_757 {strides = array<i32>} : memref<32768xf32, #tpu.memory_space<vmem>>, vector<16xf32>,
          %parallel_loop3A_784 = arith.constant 32 : i32
          %parallel_loop3A_785 = arith.addi %parallel_loop3A_751, %parallel_loop3A_784 : i32
          %parallel_loop3A_786 = arith.index_cast %parallel_loop3A_785 : i32 to index
          %parallel_loop3A_787 = tpu.vector_load %arg8[%parallel_loop3A_786] {strides = array<i32>} : memref<32768xf32, #tpu.memory_space<vmem>>, vector<16xf32>,
          tpu.vector_store %arg8[%parallel_loop3A_786], %parallel_loop3A_760 {strides = array<i32>} : memref<32768xf32, #tpu.memory_space<vmem>>, vector<16xf32>,
          %parallel_loop3A_788 = arith.constant 48 : i32
          %parallel_loop3A_789 = arith.addi %parallel_loop3A_751, %parallel_loop3A_788 : i32
          %parallel_loop3A_790 = arith.index_cast %parallel_loop3A_789 : i32 to index
          %parallel_loop3A_791 = tpu.vector_load %arg8[%parallel_loop3A_790] {strides = array<i32>} : memref<32768xf32, #tpu.memory_space<vmem>>, vector<16xf32>,
          tpu.vector_store %arg8[%parallel_loop3A_790], %parallel_loop3A_763 {strides = array<i32>} : memref<32768xf32, #tpu.memory_space<vmem>>, vector<16xf32>,
          %parallel_loop3A_792 = arith.constant 64 : i32
          %parallel_loop3A_793 = arith.addi %parallel_loop3A_751, %parallel_loop3A_792 : i32
          %parallel_loop3A_794 = arith.index_cast %parallel_loop3A_793 : i32 to index
          %parallel_loop3A_795 = tpu.vector_load %arg8[%parallel_loop3A_794] {strides = array<i32>} : memref<32768xf32, #tpu.memory_space<vmem>>, vector<16xf32>,
          tpu.vector_store %arg8[%parallel_loop3A_794], %parallel_loop3A_766 {strides = array<i32>} : memref<32768xf32, #tpu.memory_space<vmem>>, vector<16xf32>,
          %parallel_loop3A_796 = arith.constant 80 : i32
          %parallel_loop3A_797 = arith.addi %parallel_loop3A_751, %parallel_loop3A_796 : i32
          %parallel_loop3A_798 = arith.index_cast %parallel_loop3A_797 : i32 to index
          %parallel_loop3A_799 = tpu.vector_load %arg8[%parallel_loop3A_798] {strides = array<i32>} : memref<32768xf32, #tpu.memory_space<vmem>>, vector<16xf32>,
          tpu.vector_store %arg8[%parallel_loop3A_798], %parallel_loop3A_769 {strides = array<i32>} : memref<32768xf32, #tpu.memory_space<vmem>>, vector<16xf32>,
          %parallel_loop3A_800 = arith.constant 96 : i32
          %parallel_loop3A_801 = arith.addi %parallel_loop3A_751, %parallel_loop3A_800 : i32
          %parallel_loop3A_802 = arith.index_cast %parallel_loop3A_801 : i32 to index
          %parallel_loop3A_803 = tpu.vector_load %arg8[%parallel_loop3A_802] {strides = array<i32>} : memref<32768xf32, #tpu.memory_space<vmem>>, vector<16xf32>,
          tpu.vector_store %arg8[%parallel_loop3A_802], %parallel_loop3A_772 {strides = array<i32>} : memref<32768xf32, #tpu.memory_space<vmem>>, vector<16xf32>,
          %parallel_loop3A_804 = arith.constant 112 : i32
          %parallel_loop3A_805 = arith.addi %parallel_loop3A_751, %parallel_loop3A_804 : i32
          %parallel_loop3A_806 = arith.index_cast %parallel_loop3A_805 : i32 to index
          %parallel_loop3A_807 = tpu.vector_load %arg8[%parallel_loop3A_806] {strides = array<i32>} : memref<32768xf32, #tpu.memory_space<vmem>>, vector<16xf32>,
          tpu.vector_store %arg8[%parallel_loop3A_806], %parallel_loop3A_775 {strides = array<i32>} : memref<32768xf32, #tpu.memory_space<vmem>>, vector<16xf32>,
          %parallel_loop3A_808 = vector.extract_strided_slice %parallel_loop3A_103 {offsets = [11], sizes = [1], strides = [1]} : vector<16xi32> to vector<1xi32>
          %parallel_loop3A_809 = vector.extract %parallel_loop3A_808[0] : i32 from vector<1xi32>
          %parallel_loop3A_810 = arith.constant 16 : i32
          %parallel_loop3A_811 = arith.muli %parallel_loop3A_95, %parallel_loop3A_810 : i32
          %parallel_loop3A_812 = arith.constant 11 : i32
          %parallel_loop3A_813 = arith.addi %parallel_loop3A_811, %parallel_loop3A_812 : i32
          %parallel_loop3A_814 = arith.constant 128 : i32
          %parallel_loop3A_815 = arith.muli %parallel_loop3A_813, %parallel_loop3A_814 : i32
          %parallel_loop3A_816 = vector.broadcast %parallel_loop3A_809 : i32 to vector<16xi32>
          %parallel_loop3A_817 = arith.addi %add3A_5, %parallel_loop3A_816 : vector<16xi32>
          %parallel_loop3A_818 = tpu.vector_load_idx %arg6[%parallel_loop3A_817] : memref<384xf32, #tpu.memory_space<vmem>>[vector<16xi32>], vector<16xf32>,
          %parallel_loop3A_819 = vector.broadcast %parallel_loop3A_809 : i32 to vector<16xi32>
          %parallel_loop3A_820 = arith.addi %add3A_8, %parallel_loop3A_819 : vector<16xi32>
          %parallel_loop3A_821 = tpu.vector_load_idx %arg6[%parallel_loop3A_820] : memref<384xf32, #tpu.memory_space<vmem>>[vector<16xi32>], vector<16xf32>,
          %parallel_loop3A_822 = vector.broadcast %parallel_loop3A_809 : i32 to vector<16xi32>
          %parallel_loop3A_823 = arith.addi %add3A_11, %parallel_loop3A_822 : vector<16xi32>
          %parallel_loop3A_824 = tpu.vector_load_idx %arg6[%parallel_loop3A_823] : memref<384xf32, #tpu.memory_space<vmem>>[vector<16xi32>], vector<16xf32>,
          %parallel_loop3A_825 = vector.broadcast %parallel_loop3A_809 : i32 to vector<16xi32>
          %parallel_loop3A_826 = arith.addi %add3A_14, %parallel_loop3A_825 : vector<16xi32>
          %parallel_loop3A_827 = tpu.vector_load_idx %arg6[%parallel_loop3A_826] : memref<384xf32, #tpu.memory_space<vmem>>[vector<16xi32>], vector<16xf32>,
          %parallel_loop3A_828 = vector.broadcast %parallel_loop3A_809 : i32 to vector<16xi32>
          %parallel_loop3A_829 = arith.addi %add3A_17, %parallel_loop3A_828 : vector<16xi32>
          %parallel_loop3A_830 = tpu.vector_load_idx %arg6[%parallel_loop3A_829] : memref<384xf32, #tpu.memory_space<vmem>>[vector<16xi32>], vector<16xf32>,
          %parallel_loop3A_831 = vector.broadcast %parallel_loop3A_809 : i32 to vector<16xi32>
          %parallel_loop3A_832 = arith.addi %add3A_20, %parallel_loop3A_831 : vector<16xi32>
          %parallel_loop3A_833 = tpu.vector_load_idx %arg6[%parallel_loop3A_832] : memref<384xf32, #tpu.memory_space<vmem>>[vector<16xi32>], vector<16xf32>,
          %parallel_loop3A_834 = vector.broadcast %parallel_loop3A_809 : i32 to vector<16xi32>
          %parallel_loop3A_835 = arith.addi %add3A_23, %parallel_loop3A_834 : vector<16xi32>
          %parallel_loop3A_836 = tpu.vector_load_idx %arg6[%parallel_loop3A_835] : memref<384xf32, #tpu.memory_space<vmem>>[vector<16xi32>], vector<16xf32>,
          %parallel_loop3A_837 = vector.broadcast %parallel_loop3A_809 : i32 to vector<16xi32>
          %parallel_loop3A_838 = arith.addi %add3A_26, %parallel_loop3A_837 : vector<16xi32>
          %parallel_loop3A_839 = tpu.vector_load_idx %arg6[%parallel_loop3A_838] : memref<384xf32, #tpu.memory_space<vmem>>[vector<16xi32>], vector<16xf32>,
          %parallel_loop3A_840 = arith.constant 0 : i32
          %parallel_loop3A_841 = arith.addi %parallel_loop3A_815, %parallel_loop3A_840 : i32
          %parallel_loop3A_842 = arith.index_cast %parallel_loop3A_841 : i32 to index
          %parallel_loop3A_843 = tpu.vector_load %arg8[%parallel_loop3A_842] {strides = array<i32>} : memref<32768xf32, #tpu.memory_space<vmem>>, vector<16xf32>,
          tpu.vector_store %arg8[%parallel_loop3A_842], %parallel_loop3A_818 {strides = array<i32>} : memref<32768xf32, #tpu.memory_space<vmem>>, vector<16xf32>,
          %parallel_loop3A_844 = arith.constant 16 : i32
          %parallel_loop3A_845 = arith.addi %parallel_loop3A_815, %parallel_loop3A_844 : i32
          %parallel_loop3A_846 = arith.index_cast %parallel_loop3A_845 : i32 to index
          %parallel_loop3A_847 = tpu.vector_load %arg8[%parallel_loop3A_846] {strides = array<i32>} : memref<32768xf32, #tpu.memory_space<vmem>>, vector<16xf32>,
          tpu.vector_store %arg8[%parallel_loop3A_846], %parallel_loop3A_821 {strides = array<i32>} : memref<32768xf32, #tpu.memory_space<vmem>>, vector<16xf32>,
          %parallel_loop3A_848 = arith.constant 32 : i32
          %parallel_loop3A_849 = arith.addi %parallel_loop3A_815, %parallel_loop3A_848 : i32
          %parallel_loop3A_850 = arith.index_cast %parallel_loop3A_849 : i32 to index
          %parallel_loop3A_851 = tpu.vector_load %arg8[%parallel_loop3A_850] {strides = array<i32>} : memref<32768xf32, #tpu.memory_space<vmem>>, vector<16xf32>,
          tpu.vector_store %arg8[%parallel_loop3A_850], %parallel_loop3A_824 {strides = array<i32>} : memref<32768xf32, #tpu.memory_space<vmem>>, vector<16xf32>,
          %parallel_loop3A_852 = arith.constant 48 : i32
          %parallel_loop3A_853 = arith.addi %parallel_loop3A_815, %parallel_loop3A_852 : i32
          %parallel_loop3A_854 = arith.index_cast %parallel_loop3A_853 : i32 to index
          %parallel_loop3A_855 = tpu.vector_load %arg8[%parallel_loop3A_854] {strides = array<i32>} : memref<32768xf32, #tpu.memory_space<vmem>>, vector<16xf32>,
          tpu.vector_store %arg8[%parallel_loop3A_854], %parallel_loop3A_827 {strides = array<i32>} : memref<32768xf32, #tpu.memory_space<vmem>>, vector<16xf32>,
          %parallel_loop3A_856 = arith.constant 64 : i32
          %parallel_loop3A_857 = arith.addi %parallel_loop3A_815, %parallel_loop3A_856 : i32
          %parallel_loop3A_858 = arith.index_cast %parallel_loop3A_857 : i32 to index
          %parallel_loop3A_859 = tpu.vector_load %arg8[%parallel_loop3A_858] {strides = array<i32>} : memref<32768xf32, #tpu.memory_space<vmem>>, vector<16xf32>,
          tpu.vector_store %arg8[%parallel_loop3A_858], %parallel_loop3A_830 {strides = array<i32>} : memref<32768xf32, #tpu.memory_space<vmem>>, vector<16xf32>,
          %parallel_loop3A_860 = arith.constant 80 : i32
          %parallel_loop3A_861 = arith.addi %parallel_loop3A_815, %parallel_loop3A_860 : i32
          %parallel_loop3A_862 = arith.index_cast %parallel_loop3A_861 : i32 to index
          %parallel_loop3A_863 = tpu.vector_load %arg8[%parallel_loop3A_862] {strides = array<i32>} : memref<32768xf32, #tpu.memory_space<vmem>>, vector<16xf32>,
          tpu.vector_store %arg8[%parallel_loop3A_862], %parallel_loop3A_833 {strides = array<i32>} : memref<32768xf32, #tpu.memory_space<vmem>>, vector<16xf32>,
          %parallel_loop3A_864 = arith.constant 96 : i32
          %parallel_loop3A_865 = arith.addi %parallel_loop3A_815, %parallel_loop3A_864 : i32
          %parallel_loop3A_866 = arith.index_cast %parallel_loop3A_865 : i32 to index
          %parallel_loop3A_867 = tpu.vector_load %arg8[%parallel_loop3A_866] {strides = array<i32>} : memref<32768xf32, #tpu.memory_space<vmem>>, vector<16xf32>,
          tpu.vector_store %arg8[%parallel_loop3A_866], %parallel_loop3A_836 {strides = array<i32>} : memref<32768xf32, #tpu.memory_space<vmem>>, vector<16xf32>,
          %parallel_loop3A_868 = arith.constant 112 : i32
          %parallel_loop3A_869 = arith.addi %parallel_loop3A_815, %parallel_loop3A_868 : i32
          %parallel_loop3A_870 = arith.index_cast %parallel_loop3A_869 : i32 to index
          %parallel_loop3A_871 = tpu.vector_load %arg8[%parallel_loop3A_870] {strides = array<i32>} : memref<32768xf32, #tpu.memory_space<vmem>>, vector<16xf32>,
          tpu.vector_store %arg8[%parallel_loop3A_870], %parallel_loop3A_839 {strides = array<i32>} : memref<32768xf32, #tpu.memory_space<vmem>>, vector<16xf32>,
          %parallel_loop3A_872 = vector.extract_strided_slice %parallel_loop3A_103 {offsets = [12], sizes = [1], strides = [1]} : vector<16xi32> to vector<1xi32>
          %parallel_loop3A_873 = vector.extract %parallel_loop3A_872[0] : i32 from vector<1xi32>
          %parallel_loop3A_874 = arith.constant 16 : i32
          %parallel_loop3A_875 = arith.muli %parallel_loop3A_95, %parallel_loop3A_874 : i32
          %parallel_loop3A_876 = arith.constant 12 : i32
          %parallel_loop3A_877 = arith.addi %parallel_loop3A_875, %parallel_loop3A_876 : i32
          %parallel_loop3A_878 = arith.constant 128 : i32
          %parallel_loop3A_879 = arith.muli %parallel_loop3A_877, %parallel_loop3A_878 : i32
          %parallel_loop3A_880 = vector.broadcast %parallel_loop3A_873 : i32 to vector<16xi32>
          %parallel_loop3A_881 = arith.addi %add3A_5, %parallel_loop3A_880 : vector<16xi32>
          %parallel_loop3A_882 = tpu.vector_load_idx %arg6[%parallel_loop3A_881] : memref<384xf32, #tpu.memory_space<vmem>>[vector<16xi32>], vector<16xf32>,
          %parallel_loop3A_883 = vector.broadcast %parallel_loop3A_873 : i32 to vector<16xi32>
          %parallel_loop3A_884 = arith.addi %add3A_8, %parallel_loop3A_883 : vector<16xi32>
          %parallel_loop3A_885 = tpu.vector_load_idx %arg6[%parallel_loop3A_884] : memref<384xf32, #tpu.memory_space<vmem>>[vector<16xi32>], vector<16xf32>,
          %parallel_loop3A_886 = vector.broadcast %parallel_loop3A_873 : i32 to vector<16xi32>
          %parallel_loop3A_887 = arith.addi %add3A_11, %parallel_loop3A_886 : vector<16xi32>
          %parallel_loop3A_888 = tpu.vector_load_idx %arg6[%parallel_loop3A_887] : memref<384xf32, #tpu.memory_space<vmem>>[vector<16xi32>], vector<16xf32>,
          %parallel_loop3A_889 = vector.broadcast %parallel_loop3A_873 : i32 to vector<16xi32>
          %parallel_loop3A_890 = arith.addi %add3A_14, %parallel_loop3A_889 : vector<16xi32>
          %parallel_loop3A_891 = tpu.vector_load_idx %arg6[%parallel_loop3A_890] : memref<384xf32, #tpu.memory_space<vmem>>[vector<16xi32>], vector<16xf32>,
          %parallel_loop3A_892 = vector.broadcast %parallel_loop3A_873 : i32 to vector<16xi32>
          %parallel_loop3A_893 = arith.addi %add3A_17, %parallel_loop3A_892 : vector<16xi32>
          %parallel_loop3A_894 = tpu.vector_load_idx %arg6[%parallel_loop3A_893] : memref<384xf32, #tpu.memory_space<vmem>>[vector<16xi32>], vector<16xf32>,
          %parallel_loop3A_895 = vector.broadcast %parallel_loop3A_873 : i32 to vector<16xi32>
          %parallel_loop3A_896 = arith.addi %add3A_20, %parallel_loop3A_895 : vector<16xi32>
          %parallel_loop3A_897 = tpu.vector_load_idx %arg6[%parallel_loop3A_896] : memref<384xf32, #tpu.memory_space<vmem>>[vector<16xi32>], vector<16xf32>,
          %parallel_loop3A_898 = vector.broadcast %parallel_loop3A_873 : i32 to vector<16xi32>
          %parallel_loop3A_899 = arith.addi %add3A_23, %parallel_loop3A_898 : vector<16xi32>
          %parallel_loop3A_900 = tpu.vector_load_idx %arg6[%parallel_loop3A_899] : memref<384xf32, #tpu.memory_space<vmem>>[vector<16xi32>], vector<16xf32>,
          %parallel_loop3A_901 = vector.broadcast %parallel_loop3A_873 : i32 to vector<16xi32>
          %parallel_loop3A_902 = arith.addi %add3A_26, %parallel_loop3A_901 : vector<16xi32>
          %parallel_loop3A_903 = tpu.vector_load_idx %arg6[%parallel_loop3A_902] : memref<384xf32, #tpu.memory_space<vmem>>[vector<16xi32>], vector<16xf32>,
          %parallel_loop3A_904 = arith.constant 0 : i32
          %parallel_loop3A_905 = arith.addi %parallel_loop3A_879, %parallel_loop3A_904 : i32
          %parallel_loop3A_906 = arith.index_cast %parallel_loop3A_905 : i32 to index
          %parallel_loop3A_907 = tpu.vector_load %arg8[%parallel_loop3A_906] {strides = array<i32>} : memref<32768xf32, #tpu.memory_space<vmem>>, vector<16xf32>,
          tpu.vector_store %arg8[%parallel_loop3A_906], %parallel_loop3A_882 {strides = array<i32>} : memref<32768xf32, #tpu.memory_space<vmem>>, vector<16xf32>,
          %parallel_loop3A_908 = arith.constant 16 : i32
          %parallel_loop3A_909 = arith.addi %parallel_loop3A_879, %parallel_loop3A_908 : i32
          %parallel_loop3A_910 = arith.index_cast %parallel_loop3A_909 : i32 to index
          %parallel_loop3A_911 = tpu.vector_load %arg8[%parallel_loop3A_910] {strides = array<i32>} : memref<32768xf32, #tpu.memory_space<vmem>>, vector<16xf32>,
          tpu.vector_store %arg8[%parallel_loop3A_910], %parallel_loop3A_885 {strides = array<i32>} : memref<32768xf32, #tpu.memory_space<vmem>>, vector<16xf32>,
          %parallel_loop3A_912 = arith.constant 32 : i32
          %parallel_loop3A_913 = arith.addi %parallel_loop3A_879, %parallel_loop3A_912 : i32
          %parallel_loop3A_914 = arith.index_cast %parallel_loop3A_913 : i32 to index
          %parallel_loop3A_915 = tpu.vector_load %arg8[%parallel_loop3A_914] {strides = array<i32>} : memref<32768xf32, #tpu.memory_space<vmem>>, vector<16xf32>,
          tpu.vector_store %arg8[%parallel_loop3A_914], %parallel_loop3A_888 {strides = array<i32>} : memref<32768xf32, #tpu.memory_space<vmem>>, vector<16xf32>,
          %parallel_loop3A_916 = arith.constant 48 : i32
          %parallel_loop3A_917 = arith.addi %parallel_loop3A_879, %parallel_loop3A_916 : i32
          %parallel_loop3A_918 = arith.index_cast %parallel_loop3A_917 : i32 to index
          %parallel_loop3A_919 = tpu.vector_load %arg8[%parallel_loop3A_918] {strides = array<i32>} : memref<32768xf32, #tpu.memory_space<vmem>>, vector<16xf32>,
          tpu.vector_store %arg8[%parallel_loop3A_918], %parallel_loop3A_891 {strides = array<i32>} : memref<32768xf32, #tpu.memory_space<vmem>>, vector<16xf32>,
          %parallel_loop3A_920 = arith.constant 64 : i32
          %parallel_loop3A_921 = arith.addi %parallel_loop3A_879, %parallel_loop3A_920 : i32
          %parallel_loop3A_922 = arith.index_cast %parallel_loop3A_921 : i32 to index
          %parallel_loop3A_923 = tpu.vector_load %arg8[%parallel_loop3A_922] {strides = array<i32>} : memref<32768xf32, #tpu.memory_space<vmem>>, vector<16xf32>,
          tpu.vector_store %arg8[%parallel_loop3A_922], %parallel_loop3A_894 {strides = array<i32>} : memref<32768xf32, #tpu.memory_space<vmem>>, vector<16xf32>,
          %parallel_loop3A_924 = arith.constant 80 : i32
          %parallel_loop3A_925 = arith.addi %parallel_loop3A_879, %parallel_loop3A_924 : i32
          %parallel_loop3A_926 = arith.index_cast %parallel_loop3A_925 : i32 to index
          %parallel_loop3A_927 = tpu.vector_load %arg8[%parallel_loop3A_926] {strides = array<i32>} : memref<32768xf32, #tpu.memory_space<vmem>>, vector<16xf32>,
          tpu.vector_store %arg8[%parallel_loop3A_926], %parallel_loop3A_897 {strides = array<i32>} : memref<32768xf32, #tpu.memory_space<vmem>>, vector<16xf32>,
          %parallel_loop3A_928 = arith.constant 96 : i32
          %parallel_loop3A_929 = arith.addi %parallel_loop3A_879, %parallel_loop3A_928 : i32
          %parallel_loop3A_930 = arith.index_cast %parallel_loop3A_929 : i32 to index
          %parallel_loop3A_931 = tpu.vector_load %arg8[%parallel_loop3A_930] {strides = array<i32>} : memref<32768xf32, #tpu.memory_space<vmem>>, vector<16xf32>,
          tpu.vector_store %arg8[%parallel_loop3A_930], %parallel_loop3A_900 {strides = array<i32>} : memref<32768xf32, #tpu.memory_space<vmem>>, vector<16xf32>,
          %parallel_loop3A_932 = arith.constant 112 : i32
          %parallel_loop3A_933 = arith.addi %parallel_loop3A_879, %parallel_loop3A_932 : i32
          %parallel_loop3A_934 = arith.index_cast %parallel_loop3A_933 : i32 to index
          %parallel_loop3A_935 = tpu.vector_load %arg8[%parallel_loop3A_934] {strides = array<i32>} : memref<32768xf32, #tpu.memory_space<vmem>>, vector<16xf32>,
          tpu.vector_store %arg8[%parallel_loop3A_934], %parallel_loop3A_903 {strides = array<i32>} : memref<32768xf32, #tpu.memory_space<vmem>>, vector<16xf32>,
          %parallel_loop3A_936 = vector.extract_strided_slice %parallel_loop3A_103 {offsets = [13], sizes = [1], strides = [1]} : vector<16xi32> to vector<1xi32>
          %parallel_loop3A_937 = vector.extract %parallel_loop3A_936[0] : i32 from vector<1xi32>
          %parallel_loop3A_938 = arith.constant 16 : i32
          %parallel_loop3A_939 = arith.muli %parallel_loop3A_95, %parallel_loop3A_938 : i32
          %parallel_loop3A_940 = arith.constant 13 : i32
          %parallel_loop3A_941 = arith.addi %parallel_loop3A_939, %parallel_loop3A_940 : i32
          %parallel_loop3A_942 = arith.constant 128 : i32
          %parallel_loop3A_943 = arith.muli %parallel_loop3A_941, %parallel_loop3A_942 : i32
          %parallel_loop3A_944 = vector.broadcast %parallel_loop3A_937 : i32 to vector<16xi32>
          %parallel_loop3A_945 = arith.addi %add3A_5, %parallel_loop3A_944 : vector<16xi32>
          %parallel_loop3A_946 = tpu.vector_load_idx %arg6[%parallel_loop3A_945] : memref<384xf32, #tpu.memory_space<vmem>>[vector<16xi32>], vector<16xf32>,
          %parallel_loop3A_947 = vector.broadcast %parallel_loop3A_937 : i32 to vector<16xi32>
          %parallel_loop3A_948 = arith.addi %add3A_8, %parallel_loop3A_947 : vector<16xi32>
          %parallel_loop3A_949 = tpu.vector_load_idx %arg6[%parallel_loop3A_948] : memref<384xf32, #tpu.memory_space<vmem>>[vector<16xi32>], vector<16xf32>,
          %parallel_loop3A_950 = vector.broadcast %parallel_loop3A_937 : i32 to vector<16xi32>
          %parallel_loop3A_951 = arith.addi %add3A_11, %parallel_loop3A_950 : vector<16xi32>
          %parallel_loop3A_952 = tpu.vector_load_idx %arg6[%parallel_loop3A_951] : memref<384xf32, #tpu.memory_space<vmem>>[vector<16xi32>], vector<16xf32>,
          %parallel_loop3A_953 = vector.broadcast %parallel_loop3A_937 : i32 to vector<16xi32>
          %parallel_loop3A_954 = arith.addi %add3A_14, %parallel_loop3A_953 : vector<16xi32>
          %parallel_loop3A_955 = tpu.vector_load_idx %arg6[%parallel_loop3A_954] : memref<384xf32, #tpu.memory_space<vmem>>[vector<16xi32>], vector<16xf32>,
          %parallel_loop3A_956 = vector.broadcast %parallel_loop3A_937 : i32 to vector<16xi32>
          %parallel_loop3A_957 = arith.addi %add3A_17, %parallel_loop3A_956 : vector<16xi32>
          %parallel_loop3A_958 = tpu.vector_load_idx %arg6[%parallel_loop3A_957] : memref<384xf32, #tpu.memory_space<vmem>>[vector<16xi32>], vector<16xf32>,
          %parallel_loop3A_959 = vector.broadcast %parallel_loop3A_937 : i32 to vector<16xi32>
          %parallel_loop3A_960 = arith.addi %add3A_20, %parallel_loop3A_959 : vector<16xi32>
          %parallel_loop3A_961 = tpu.vector_load_idx %arg6[%parallel_loop3A_960] : memref<384xf32, #tpu.memory_space<vmem>>[vector<16xi32>], vector<16xf32>,
          %parallel_loop3A_962 = vector.broadcast %parallel_loop3A_937 : i32 to vector<16xi32>
          %parallel_loop3A_963 = arith.addi %add3A_23, %parallel_loop3A_962 : vector<16xi32>
          %parallel_loop3A_964 = tpu.vector_load_idx %arg6[%parallel_loop3A_963] : memref<384xf32, #tpu.memory_space<vmem>>[vector<16xi32>], vector<16xf32>,
          %parallel_loop3A_965 = vector.broadcast %parallel_loop3A_937 : i32 to vector<16xi32>
          %parallel_loop3A_966 = arith.addi %add3A_26, %parallel_loop3A_965 : vector<16xi32>
          %parallel_loop3A_967 = tpu.vector_load_idx %arg6[%parallel_loop3A_966] : memref<384xf32, #tpu.memory_space<vmem>>[vector<16xi32>], vector<16xf32>,
          %parallel_loop3A_968 = arith.constant 0 : i32
          %parallel_loop3A_969 = arith.addi %parallel_loop3A_943, %parallel_loop3A_968 : i32
          %parallel_loop3A_970 = arith.index_cast %parallel_loop3A_969 : i32 to index
          %parallel_loop3A_971 = tpu.vector_load %arg8[%parallel_loop3A_970] {strides = array<i32>} : memref<32768xf32, #tpu.memory_space<vmem>>, vector<16xf32>,
          tpu.vector_store %arg8[%parallel_loop3A_970], %parallel_loop3A_946 {strides = array<i32>} : memref<32768xf32, #tpu.memory_space<vmem>>, vector<16xf32>,
          %parallel_loop3A_972 = arith.constant 16 : i32
          %parallel_loop3A_973 = arith.addi %parallel_loop3A_943, %parallel_loop3A_972 : i32
          %parallel_loop3A_974 = arith.index_cast %parallel_loop3A_973 : i32 to index
          %parallel_loop3A_975 = tpu.vector_load %arg8[%parallel_loop3A_974] {strides = array<i32>} : memref<32768xf32, #tpu.memory_space<vmem>>, vector<16xf32>,
          tpu.vector_store %arg8[%parallel_loop3A_974], %parallel_loop3A_949 {strides = array<i32>} : memref<32768xf32, #tpu.memory_space<vmem>>, vector<16xf32>,
          %parallel_loop3A_976 = arith.constant 32 : i32
          %parallel_loop3A_977 = arith.addi %parallel_loop3A_943, %parallel_loop3A_976 : i32
          %parallel_loop3A_978 = arith.index_cast %parallel_loop3A_977 : i32 to index
          %parallel_loop3A_979 = tpu.vector_load %arg8[%parallel_loop3A_978] {strides = array<i32>} : memref<32768xf32, #tpu.memory_space<vmem>>, vector<16xf32>,
          tpu.vector_store %arg8[%parallel_loop3A_978], %parallel_loop3A_952 {strides = array<i32>} : memref<32768xf32, #tpu.memory_space<vmem>>, vector<16xf32>,
          %parallel_loop3A_980 = arith.constant 48 : i32
          %parallel_loop3A_981 = arith.addi %parallel_loop3A_943, %parallel_loop3A_980 : i32
          %parallel_loop3A_982 = arith.index_cast %parallel_loop3A_981 : i32 to index
          %parallel_loop3A_983 = tpu.vector_load %arg8[%parallel_loop3A_982] {strides = array<i32>} : memref<32768xf32, #tpu.memory_space<vmem>>, vector<16xf32>,
          tpu.vector_store %arg8[%parallel_loop3A_982], %parallel_loop3A_955 {strides = array<i32>} : memref<32768xf32, #tpu.memory_space<vmem>>, vector<16xf32>,
          %parallel_loop3A_984 = arith.constant 64 : i32
          %parallel_loop3A_985 = arith.addi %parallel_loop3A_943, %parallel_loop3A_984 : i32
          %parallel_loop3A_986 = arith.index_cast %parallel_loop3A_985 : i32 to index
          %parallel_loop3A_987 = tpu.vector_load %arg8[%parallel_loop3A_986] {strides = array<i32>} : memref<32768xf32, #tpu.memory_space<vmem>>, vector<16xf32>,
          tpu.vector_store %arg8[%parallel_loop3A_986], %parallel_loop3A_958 {strides = array<i32>} : memref<32768xf32, #tpu.memory_space<vmem>>, vector<16xf32>,
          %parallel_loop3A_988 = arith.constant 80 : i32
          %parallel_loop3A_989 = arith.addi %parallel_loop3A_943, %parallel_loop3A_988 : i32
          %parallel_loop3A_990 = arith.index_cast %parallel_loop3A_989 : i32 to index
          %parallel_loop3A_991 = tpu.vector_load %arg8[%parallel_loop3A_990] {strides = array<i32>} : memref<32768xf32, #tpu.memory_space<vmem>>, vector<16xf32>,
          tpu.vector_store %arg8[%parallel_loop3A_990], %parallel_loop3A_961 {strides = array<i32>} : memref<32768xf32, #tpu.memory_space<vmem>>, vector<16xf32>,
          %parallel_loop3A_992 = arith.constant 96 : i32
          %parallel_loop3A_993 = arith.addi %parallel_loop3A_943, %parallel_loop3A_992 : i32
          %parallel_loop3A_994 = arith.index_cast %parallel_loop3A_993 : i32 to index
          %parallel_loop3A_995 = tpu.vector_load %arg8[%parallel_loop3A_994] {strides = array<i32>} : memref<32768xf32, #tpu.memory_space<vmem>>, vector<16xf32>,
          tpu.vector_store %arg8[%parallel_loop3A_994], %parallel_loop3A_964 {strides = array<i32>} : memref<32768xf32, #tpu.memory_space<vmem>>, vector<16xf32>,
          %parallel_loop3A_996 = arith.constant 112 : i32
          %parallel_loop3A_997 = arith.addi %parallel_loop3A_943, %parallel_loop3A_996 : i32
          %parallel_loop3A_998 = arith.index_cast %parallel_loop3A_997 : i32 to index
          %parallel_loop3A_999 = tpu.vector_load %arg8[%parallel_loop3A_998] {strides = array<i32>} : memref<32768xf32, #tpu.memory_space<vmem>>, vector<16xf32>,
          tpu.vector_store %arg8[%parallel_loop3A_998], %parallel_loop3A_967 {strides = array<i32>} : memref<32768xf32, #tpu.memory_space<vmem>>, vector<16xf32>,
          %parallel_loop3A_1000 = vector.extract_strided_slice %parallel_loop3A_103 {offsets = [14], sizes = [1], strides = [1]} : vector<16xi32> to vector<1xi32>
          %parallel_loop3A_1001 = vector.extract %parallel_loop3A_1000[0] : i32 from vector<1xi32>
          %parallel_loop3A_1002 = arith.constant 16 : i32
          %parallel_loop3A_1003 = arith.muli %parallel_loop3A_95, %parallel_loop3A_1002 : i32
          %parallel_loop3A_1004 = arith.constant 14 : i32
          %parallel_loop3A_1005 = arith.addi %parallel_loop3A_1003, %parallel_loop3A_1004 : i32
          %parallel_loop3A_1006 = arith.constant 128 : i32
          %parallel_loop3A_1007 = arith.muli %parallel_loop3A_1005, %parallel_loop3A_1006 : i32
          %parallel_loop3A_1008 = vector.broadcast %parallel_loop3A_1001 : i32 to vector<16xi32>
          %parallel_loop3A_1009 = arith.addi %add3A_5, %parallel_loop3A_1008 : vector<16xi32>
          %parallel_loop3A_1010 = tpu.vector_load_idx %arg6[%parallel_loop3A_1009] : memref<384xf32, #tpu.memory_space<vmem>>[vector<16xi32>], vector<16xf32>,
          %parallel_loop3A_1011 = vector.broadcast %parallel_loop3A_1001 : i32 to vector<16xi32>
          %parallel_loop3A_1012 = arith.addi %add3A_8, %parallel_loop3A_1011 : vector<16xi32>
          %parallel_loop3A_1013 = tpu.vector_load_idx %arg6[%parallel_loop3A_1012] : memref<384xf32, #tpu.memory_space<vmem>>[vector<16xi32>], vector<16xf32>,
          %parallel_loop3A_1014 = vector.broadcast %parallel_loop3A_1001 : i32 to vector<16xi32>
          %parallel_loop3A_1015 = arith.addi %add3A_11, %parallel_loop3A_1014 : vector<16xi32>
          %parallel_loop3A_1016 = tpu.vector_load_idx %arg6[%parallel_loop3A_1015] : memref<384xf32, #tpu.memory_space<vmem>>[vector<16xi32>], vector<16xf32>,
          %parallel_loop3A_1017 = vector.broadcast %parallel_loop3A_1001 : i32 to vector<16xi32>
          %parallel_loop3A_1018 = arith.addi %add3A_14, %parallel_loop3A_1017 : vector<16xi32>
          %parallel_loop3A_1019 = tpu.vector_load_idx %arg6[%parallel_loop3A_1018] : memref<384xf32, #tpu.memory_space<vmem>>[vector<16xi32>], vector<16xf32>,
          %parallel_loop3A_1020 = vector.broadcast %parallel_loop3A_1001 : i32 to vector<16xi32>
          %parallel_loop3A_1021 = arith.addi %add3A_17, %parallel_loop3A_1020 : vector<16xi32>
          %parallel_loop3A_1022 = tpu.vector_load_idx %arg6[%parallel_loop3A_1021] : memref<384xf32, #tpu.memory_space<vmem>>[vector<16xi32>], vector<16xf32>,
          %parallel_loop3A_1023 = vector.broadcast %parallel_loop3A_1001 : i32 to vector<16xi32>
          %parallel_loop3A_1024 = arith.addi %add3A_20, %parallel_loop3A_1023 : vector<16xi32>
          %parallel_loop3A_1025 = tpu.vector_load_idx %arg6[%parallel_loop3A_1024] : memref<384xf32, #tpu.memory_space<vmem>>[vector<16xi32>], vector<16xf32>,
          %parallel_loop3A_1026 = vector.broadcast %parallel_loop3A_1001 : i32 to vector<16xi32>
          %parallel_loop3A_1027 = arith.addi %add3A_23, %parallel_loop3A_1026 : vector<16xi32>
          %parallel_loop3A_1028 = tpu.vector_load_idx %arg6[%parallel_loop3A_1027] : memref<384xf32, #tpu.memory_space<vmem>>[vector<16xi32>], vector<16xf32>,
          %parallel_loop3A_1029 = vector.broadcast %parallel_loop3A_1001 : i32 to vector<16xi32>
          %parallel_loop3A_1030 = arith.addi %add3A_26, %parallel_loop3A_1029 : vector<16xi32>
          %parallel_loop3A_1031 = tpu.vector_load_idx %arg6[%parallel_loop3A_1030] : memref<384xf32, #tpu.memory_space<vmem>>[vector<16xi32>], vector<16xf32>,
          %parallel_loop3A_1032 = arith.constant 0 : i32
          %parallel_loop3A_1033 = arith.addi %parallel_loop3A_1007, %parallel_loop3A_1032 : i32
          %parallel_loop3A_1034 = arith.index_cast %parallel_loop3A_1033 : i32 to index
          %parallel_loop3A_1035 = tpu.vector_load %arg8[%parallel_loop3A_1034] {strides = array<i32>} : memref<32768xf32, #tpu.memory_space<vmem>>, vector<16xf32>,
          tpu.vector_store %arg8[%parallel_loop3A_1034], %parallel_loop3A_1010 {strides = array<i32>} : memref<32768xf32, #tpu.memory_space<vmem>>, vector<16xf32>,
          %parallel_loop3A_1036 = arith.constant 16 : i32
          %parallel_loop3A_1037 = arith.addi %parallel_loop3A_1007, %parallel_loop3A_1036 : i32
          %parallel_loop3A_1038 = arith.index_cast %parallel_loop3A_1037 : i32 to index
          %parallel_loop3A_1039 = tpu.vector_load %arg8[%parallel_loop3A_1038] {strides = array<i32>} : memref<32768xf32, #tpu.memory_space<vmem>>, vector<16xf32>,
          tpu.vector_store %arg8[%parallel_loop3A_1038], %parallel_loop3A_1013 {strides = array<i32>} : memref<32768xf32, #tpu.memory_space<vmem>>, vector<16xf32>,
          %parallel_loop3A_1040 = arith.constant 32 : i32
          %parallel_loop3A_1041 = arith.addi %parallel_loop3A_1007, %parallel_loop3A_1040 : i32
          %parallel_loop3A_1042 = arith.index_cast %parallel_loop3A_1041 : i32 to index
          %parallel_loop3A_1043 = tpu.vector_load %arg8[%parallel_loop3A_1042] {strides = array<i32>} : memref<32768xf32, #tpu.memory_space<vmem>>, vector<16xf32>,
          tpu.vector_store %arg8[%parallel_loop3A_1042], %parallel_loop3A_1016 {strides = array<i32>} : memref<32768xf32, #tpu.memory_space<vmem>>, vector<16xf32>,
          %parallel_loop3A_1044 = arith.constant 48 : i32
          %parallel_loop3A_1045 = arith.addi %parallel_loop3A_1007, %parallel_loop3A_1044 : i32
          %parallel_loop3A_1046 = arith.index_cast %parallel_loop3A_1045 : i32 to index
          %parallel_loop3A_1047 = tpu.vector_load %arg8[%parallel_loop3A_1046] {strides = array<i32>} : memref<32768xf32, #tpu.memory_space<vmem>>, vector<16xf32>,
          tpu.vector_store %arg8[%parallel_loop3A_1046], %parallel_loop3A_1019 {strides = array<i32>} : memref<32768xf32, #tpu.memory_space<vmem>>, vector<16xf32>,
          %parallel_loop3A_1048 = arith.constant 64 : i32
          %parallel_loop3A_1049 = arith.addi %parallel_loop3A_1007, %parallel_loop3A_1048 : i32
          %parallel_loop3A_1050 = arith.index_cast %parallel_loop3A_1049 : i32 to index
          %parallel_loop3A_1051 = tpu.vector_load %arg8[%parallel_loop3A_1050] {strides = array<i32>} : memref<32768xf32, #tpu.memory_space<vmem>>, vector<16xf32>,
          tpu.vector_store %arg8[%parallel_loop3A_1050], %parallel_loop3A_1022 {strides = array<i32>} : memref<32768xf32, #tpu.memory_space<vmem>>, vector<16xf32>,
          %parallel_loop3A_1052 = arith.constant 80 : i32
          %parallel_loop3A_1053 = arith.addi %parallel_loop3A_1007, %parallel_loop3A_1052 : i32
          %parallel_loop3A_1054 = arith.index_cast %parallel_loop3A_1053 : i32 to index
          %parallel_loop3A_1055 = tpu.vector_load %arg8[%parallel_loop3A_1054] {strides = array<i32>} : memref<32768xf32, #tpu.memory_space<vmem>>, vector<16xf32>,
          tpu.vector_store %arg8[%parallel_loop3A_1054], %parallel_loop3A_1025 {strides = array<i32>} : memref<32768xf32, #tpu.memory_space<vmem>>, vector<16xf32>,
          %parallel_loop3A_1056 = arith.constant 96 : i32
          %parallel_loop3A_1057 = arith.addi %parallel_loop3A_1007, %parallel_loop3A_1056 : i32
          %parallel_loop3A_1058 = arith.index_cast %parallel_loop3A_1057 : i32 to index
          %parallel_loop3A_1059 = tpu.vector_load %arg8[%parallel_loop3A_1058] {strides = array<i32>} : memref<32768xf32, #tpu.memory_space<vmem>>, vector<16xf32>,
          tpu.vector_store %arg8[%parallel_loop3A_1058], %parallel_loop3A_1028 {strides = array<i32>} : memref<32768xf32, #tpu.memory_space<vmem>>, vector<16xf32>,
          %parallel_loop3A_1060 = arith.constant 112 : i32
          %parallel_loop3A_1061 = arith.addi %parallel_loop3A_1007, %parallel_loop3A_1060 : i32
          %parallel_loop3A_1062 = arith.index_cast %parallel_loop3A_1061 : i32 to index
          %parallel_loop3A_1063 = tpu.vector_load %arg8[%parallel_loop3A_1062] {strides = array<i32>} : memref<32768xf32, #tpu.memory_space<vmem>>, vector<16xf32>,
          tpu.vector_store %arg8[%parallel_loop3A_1062], %parallel_loop3A_1031 {strides = array<i32>} : memref<32768xf32, #tpu.memory_space<vmem>>, vector<16xf32>,
          %parallel_loop3A_1064 = vector.extract_strided_slice %parallel_loop3A_103 {offsets = [15], sizes = [1], strides = [1]} : vector<16xi32> to vector<1xi32>
          %parallel_loop3A_1065 = vector.extract %parallel_loop3A_1064[0] : i32 from vector<1xi32>
          %parallel_loop3A_1066 = arith.constant 16 : i32
          %parallel_loop3A_1067 = arith.muli %parallel_loop3A_95, %parallel_loop3A_1066 : i32
          %parallel_loop3A_1068 = arith.constant 15 : i32
          %parallel_loop3A_1069 = arith.addi %parallel_loop3A_1067, %parallel_loop3A_1068 : i32
          %parallel_loop3A_1070 = arith.constant 128 : i32
          %parallel_loop3A_1071 = arith.muli %parallel_loop3A_1069, %parallel_loop3A_1070 : i32
          %parallel_loop3A_1072 = vector.broadcast %parallel_loop3A_1065 : i32 to vector<16xi32>
          %parallel_loop3A_1073 = arith.addi %add3A_5, %parallel_loop3A_1072 : vector<16xi32>
          %parallel_loop3A_1074 = tpu.vector_load_idx %arg6[%parallel_loop3A_1073] : memref<384xf32, #tpu.memory_space<vmem>>[vector<16xi32>], vector<16xf32>,
          %parallel_loop3A_1075 = vector.broadcast %parallel_loop3A_1065 : i32 to vector<16xi32>
          %parallel_loop3A_1076 = arith.addi %add3A_8, %parallel_loop3A_1075 : vector<16xi32>
          %parallel_loop3A_1077 = tpu.vector_load_idx %arg6[%parallel_loop3A_1076] : memref<384xf32, #tpu.memory_space<vmem>>[vector<16xi32>], vector<16xf32>,
          %parallel_loop3A_1078 = vector.broadcast %parallel_loop3A_1065 : i32 to vector<16xi32>
          %parallel_loop3A_1079 = arith.addi %add3A_11, %parallel_loop3A_1078 : vector<16xi32>
          %parallel_loop3A_1080 = tpu.vector_load_idx %arg6[%parallel_loop3A_1079] : memref<384xf32, #tpu.memory_space<vmem>>[vector<16xi32>], vector<16xf32>,
          %parallel_loop3A_1081 = vector.broadcast %parallel_loop3A_1065 : i32 to vector<16xi32>
          %parallel_loop3A_1082 = arith.addi %add3A_14, %parallel_loop3A_1081 : vector<16xi32>
          %parallel_loop3A_1083 = tpu.vector_load_idx %arg6[%parallel_loop3A_1082] : memref<384xf32, #tpu.memory_space<vmem>>[vector<16xi32>], vector<16xf32>,
          %parallel_loop3A_1084 = vector.broadcast %parallel_loop3A_1065 : i32 to vector<16xi32>
          %parallel_loop3A_1085 = arith.addi %add3A_17, %parallel_loop3A_1084 : vector<16xi32>
          %parallel_loop3A_1086 = tpu.vector_load_idx %arg6[%parallel_loop3A_1085] : memref<384xf32, #tpu.memory_space<vmem>>[vector<16xi32>], vector<16xf32>,
          %parallel_loop3A_1087 = vector.broadcast %parallel_loop3A_1065 : i32 to vector<16xi32>
          %parallel_loop3A_1088 = arith.addi %add3A_20, %parallel_loop3A_1087 : vector<16xi32>
          %parallel_loop3A_1089 = tpu.vector_load_idx %arg6[%parallel_loop3A_1088] : memref<384xf32, #tpu.memory_space<vmem>>[vector<16xi32>], vector<16xf32>,
          %parallel_loop3A_1090 = vector.broadcast %parallel_loop3A_1065 : i32 to vector<16xi32>
          %parallel_loop3A_1091 = arith.addi %add3A_23, %parallel_loop3A_1090 : vector<16xi32>
          %parallel_loop3A_1092 = tpu.vector_load_idx %arg6[%parallel_loop3A_1091] : memref<384xf32, #tpu.memory_space<vmem>>[vector<16xi32>], vector<16xf32>,
          %parallel_loop3A_1093 = vector.broadcast %parallel_loop3A_1065 : i32 to vector<16xi32>
          %parallel_loop3A_1094 = arith.addi %add3A_26, %parallel_loop3A_1093 : vector<16xi32>
          %parallel_loop3A_1095 = tpu.vector_load_idx %arg6[%parallel_loop3A_1094] : memref<384xf32, #tpu.memory_space<vmem>>[vector<16xi32>], vector<16xf32>,
          %parallel_loop3A_1096 = arith.constant 0 : i32
          %parallel_loop3A_1097 = arith.addi %parallel_loop3A_1071, %parallel_loop3A_1096 : i32
          %parallel_loop3A_1098 = arith.index_cast %parallel_loop3A_1097 : i32 to index
          %parallel_loop3A_1099 = tpu.vector_load %arg8[%parallel_loop3A_1098] {strides = array<i32>} : memref<32768xf32, #tpu.memory_space<vmem>>, vector<16xf32>,
          tpu.vector_store %arg8[%parallel_loop3A_1098], %parallel_loop3A_1074 {strides = array<i32>} : memref<32768xf32, #tpu.memory_space<vmem>>, vector<16xf32>,
          %parallel_loop3A_1100 = arith.constant 16 : i32
          %parallel_loop3A_1101 = arith.addi %parallel_loop3A_1071, %parallel_loop3A_1100 : i32
          %parallel_loop3A_1102 = arith.index_cast %parallel_loop3A_1101 : i32 to index
          %parallel_loop3A_1103 = tpu.vector_load %arg8[%parallel_loop3A_1102] {strides = array<i32>} : memref<32768xf32, #tpu.memory_space<vmem>>, vector<16xf32>,
          tpu.vector_store %arg8[%parallel_loop3A_1102], %parallel_loop3A_1077 {strides = array<i32>} : memref<32768xf32, #tpu.memory_space<vmem>>, vector<16xf32>,
          %parallel_loop3A_1104 = arith.constant 32 : i32
          %parallel_loop3A_1105 = arith.addi %parallel_loop3A_1071, %parallel_loop3A_1104 : i32
          %parallel_loop3A_1106 = arith.index_cast %parallel_loop3A_1105 : i32 to index
          %parallel_loop3A_1107 = tpu.vector_load %arg8[%parallel_loop3A_1106] {strides = array<i32>} : memref<32768xf32, #tpu.memory_space<vmem>>, vector<16xf32>,
          tpu.vector_store %arg8[%parallel_loop3A_1106], %parallel_loop3A_1080 {strides = array<i32>} : memref<32768xf32, #tpu.memory_space<vmem>>, vector<16xf32>,
          %parallel_loop3A_1108 = arith.constant 48 : i32
          %parallel_loop3A_1109 = arith.addi %parallel_loop3A_1071, %parallel_loop3A_1108 : i32
          %parallel_loop3A_1110 = arith.index_cast %parallel_loop3A_1109 : i32 to index
          %parallel_loop3A_1111 = tpu.vector_load %arg8[%parallel_loop3A_1110] {strides = array<i32>} : memref<32768xf32, #tpu.memory_space<vmem>>, vector<16xf32>,
          tpu.vector_store %arg8[%parallel_loop3A_1110], %parallel_loop3A_1083 {strides = array<i32>} : memref<32768xf32, #tpu.memory_space<vmem>>, vector<16xf32>,
          %parallel_loop3A_1112 = arith.constant 64 : i32
          %parallel_loop3A_1113 = arith.addi %parallel_loop3A_1071, %parallel_loop3A_1112 : i32
          %parallel_loop3A_1114 = arith.index_cast %parallel_loop3A_1113 : i32 to index
          %parallel_loop3A_1115 = tpu.vector_load %arg8[%parallel_loop3A_1114] {strides = array<i32>} : memref<32768xf32, #tpu.memory_space<vmem>>, vector<16xf32>,
          tpu.vector_store %arg8[%parallel_loop3A_1114], %parallel_loop3A_1086 {strides = array<i32>} : memref<32768xf32, #tpu.memory_space<vmem>>, vector<16xf32>,
          %parallel_loop3A_1116 = arith.constant 80 : i32
          %parallel_loop3A_1117 = arith.addi %parallel_loop3A_1071, %parallel_loop3A_1116 : i32
          %parallel_loop3A_1118 = arith.index_cast %parallel_loop3A_1117 : i32 to index
          %parallel_loop3A_1119 = tpu.vector_load %arg8[%parallel_loop3A_1118] {strides = array<i32>} : memref<32768xf32, #tpu.memory_space<vmem>>, vector<16xf32>,
          tpu.vector_store %arg8[%parallel_loop3A_1118], %parallel_loop3A_1089 {strides = array<i32>} : memref<32768xf32, #tpu.memory_space<vmem>>, vector<16xf32>,
          %parallel_loop3A_1120 = arith.constant 96 : i32
          %parallel_loop3A_1121 = arith.addi %parallel_loop3A_1071, %parallel_loop3A_1120 : i32
          %parallel_loop3A_1122 = arith.index_cast %parallel_loop3A_1121 : i32 to index
          %parallel_loop3A_1123 = tpu.vector_load %arg8[%parallel_loop3A_1122] {strides = array<i32>} : memref<32768xf32, #tpu.memory_space<vmem>>, vector<16xf32>,
          tpu.vector_store %arg8[%parallel_loop3A_1122], %parallel_loop3A_1092 {strides = array<i32>} : memref<32768xf32, #tpu.memory_space<vmem>>, vector<16xf32>,
          %parallel_loop3A_1124 = arith.constant 112 : i32
          %parallel_loop3A_1125 = arith.addi %parallel_loop3A_1071, %parallel_loop3A_1124 : i32
          %parallel_loop3A_1126 = arith.index_cast %parallel_loop3A_1125 : i32 to index
          %parallel_loop3A_1127 = tpu.vector_load %arg8[%parallel_loop3A_1126] {strides = array<i32>} : memref<32768xf32, #tpu.memory_space<vmem>>, vector<16xf32>,
          tpu.vector_store %arg8[%parallel_loop3A_1126], %parallel_loop3A_1095 {strides = array<i32>} : memref<32768xf32, #tpu.memory_space<vmem>>, vector<16xf32>,
        } {sc.loop_unroll_factor = 2 : i64, sc.parallel_access}
        %add3A_89 = arith.constant 256 : i32
        %add3A_90 = arith.addi %add3A_61, %add3A_89 : i32
        %mul3A_91 = arith.constant 128 : i32
        %mul3A_92 = arith.muli %add3A_90, %mul3A_91 : i32
        %dma_start3A_93 = tpu.memref_slice %arg4[%mul3A_92] : memref<419430400xf32, #tpu.memory_space<hbm>> -> memref<32768xf32, #tpu.memory_space<hbm>>
        %dma_start3A_94 = tpu.memref_slice %arg4[%mul3A_92] : memref<419430400xf32, #tpu.memory_space<hbm>> -> memref<32768xf32, #tpu.memory_space<hbm>>
        tpu.enqueue_dma source(%arg8 : memref<32768xf32, #tpu.memory_space<vmem>>) target(%dma_start3A_94 : memref<32768xf32, #tpu.memory_space<hbm>>) target_semaphore(%arg10 : memref<!tpu.dma_semaphore, #tpu.memory_space<semaphore_mem>>)
      }
      %scan3A_55 = arith.constant 40 : i32
    }
    %scan3A_38 = arith.constant 5 : i32
    %mul3A_39 = arith.constant 128 : i32
    %mul3A_40 = arith.muli %mul3A_2, %mul3A_39 : i32
    %dma_wait3A = tpu.memref_slice %arg4[%mul3A_40] : memref<419430400xf32, #tpu.memory_space<hbm>> -> memref<32768xf32, #tpu.memory_space<hbm>>
    %dma_wait3A_41 = tpu.memref_slice %arg4[%mul3A_40] : memref<419430400xf32, #tpu.memory_space<hbm>> -> memref<32768xf32, #tpu.memory_space<hbm>>
    tpu.wait_dma2 semaphore(%arg9 : memref<!tpu.dma_semaphore, #tpu.memory_space<semaphore_mem>>) src(%arg7 : memref<32768xf32, #tpu.memory_space<vmem>>) dst(%dma_wait3A_41 : memref<32768xf32, #tpu.memory_space<hbm>>)
    %mul3A_42 = arith.constant 128 : i32
    %mul3A_43 = arith.muli %mul3A_2, %mul3A_42 : i32
    %dma_wait3A_44 = tpu.memref_slice %arg4[%mul3A_43] : memref<419430400xf32, #tpu.memory_space<hbm>> -> memref<32768xf32, #tpu.memory_space<hbm>>
    %dma_wait3A_45 = tpu.memref_slice %arg4[%mul3A_43] : memref<419430400xf32, #tpu.memory_space<hbm>> -> memref<32768xf32, #tpu.memory_space<hbm>>
    tpu.wait_dma2 semaphore(%arg10 : memref<!tpu.dma_semaphore, #tpu.memory_space<semaphore_mem>>) src(%arg8 : memref<32768xf32, #tpu.memory_space<vmem>>) dst(%dma_wait3A_45 : memref<32768xf32, #tpu.memory_space<hbm>>)
    return
  }
}

</mosaic_0001>

<sc_bundles>
// kernel: kernel.3.cloned.1.call-start
scs
__scs_entry_jumppad:
0x0: {  	(pc) =	sbr.rel $0x88, $3  }
0x1: {  	(tag) =	ssettag $0x0;
	lr =	simm.s32 $0x1  }
0x2: {  	[smem:$0x3F9F] =	sst lr;
	_ =	strace $0xD0000000  }
0x3: {  	_ = 	snop  }
0x4: {  	_ = 	snop  }
0x5: {  	_ = 	snop  }
0x6: {  	_ = 	snop  }
0x7: {  	_ = 	snop  }
__scs_overlays_trampoline_lowered:
0x8: {  	[smem:$0x3FAE] =	sst s0  }
0x9: {  	[smem:$0x3FAF] =	sst s1  }
0xa: {  	[smem:$0x3FB0] =	sst s2  }
0xb: {  	[smem:$0x3FB1] =	sst s3  }
0xc: {  	[smem:$0x3FB2] =	sst s4  }
0xd: {  	[smem:$0x3FB3] =	sst s5  }
0xe: {  	[smem:$0x3FB4] =	sst s6  }
0xf: {  	[smem:$0x3FB5] =	sst s7  }
0x10: {  	[smem:$0x3FB6] =	sst s8  }
0x11: {  	[smem:$0x3FB7] =	sst s9;
	s0 =	simm.s32 @!p0 $0x0  }
0x12: {  	s1 =	sld [smem:$0x3F9D];
	s0 =	simm.s32 @p0 $0x1  }
0x13: {  	[smem:$0x3FB8] =	sst s0;
	s0 =	simm.s32 @!p1 $0x0  }
0x14: {  	s2 =	sld [smem:$0x3F9C];
	s0 =	simm.s32 @p1 $0x1  }
0x15: {  	[smem:$0x3FB9] =	sst s0;
	s0 =	simm.s32 @!p2 $0x0  }
0x16: {  	s3 =	sld [smem:$0x3FDB];
	s0 =	simm.s32 @p2 $0x1  }
0x17: {  	s4 =	simm.s32 $0x1BF5;
	[smem:$0x3FBB] =	sst s0  }
0x18: {  	s0 =	sld [smem:$0x3F9E];
	_ =	swait.ge [sflag:s4], $0x0  }
0x19: {  	s7 =	sld [smem:$0x3F9F]  }
0x1a: {  	s8 =	sadd.s32 $0xFFFFE003, lr  }
0x1b: {  	s9 =	sadd.s32 $0xFFFFFEF7, lr;
	s5 =	simm.s32 $0xFFFFFFFF;
	p2 =	slt.u32 s8, $0xFFFFF086  }
0x1c: {  	p1 =	slt.u32 s9, $0xF7A;
	s5 =	simm.s32 @!p2 $0x0  }
0x1d: {  	s5 =	simm.s32 @p1 $0x1;
	p0 =	seq.s32 s7, s2  }
0x1e: {  	s7 =	smul.u32 @!p0 $0xF7A, s2;
	p2 =	seq.s32 @!p0 s5, $0x0  }
0x1f: {  	s9 =	smul.u32 $0xF7A, s1;
	s8 =	simm.s32 @!p0 $0x1BF5;
	p2 =	por !p2, p0  }
0x20: {  	[sflag:s8] =	ssyncset.s32 @!p0 $0xFFFFF086;
	s6 =	sadd.s32 @!p0 s3, s7;
	s7 =	simm.s32 @!p0 $0x108  }
0x21: {  	s3 =	sadd.s32 s3, s9;
	s6 =	sadd.s32 @!p0 $0x88, s6;
	s7 =	simm.s32 @p2 $0x1082  }
0x22: {  	[simem:s7], [sflag:s8] =	dma.local @!p0 [hbm:s6], $0xF7A  }
0x23: {  	s9 =	sor.u32 $0xD0000000, s2;
	s6 =	simm.s32 $0x108;
	_ =	swait.ge @!p0 [sflag:s8], $0x0  }
0x24: {  	s3 =	sadd.s32 $0x88, s3;
	s6 =	simm.s32 @!p1 $0x1082;
	[sflag:s4] =	ssyncset.s32 $0xFFFFF086  }
0x25: {  	[simem:s6], [sflag:s4] =	dma.local [hbm:s3], $0xF7A  }
0x26: {  	[smem:$0x3F9F] =	sst s1;
	(tag) =	ssettag s2;
	_ =	strace s9  }
0x27: {  	s1 =	sld [smem:$0x3FAF]  }
0x28: {  	s2 =	sld [smem:$0x3FB0]  }
0x29: {  	s4 =	sld [smem:$0x3FB2]  }
0x2a: {  	p0 =	seq.s32 s5, $0x0;
	s5 =	sld [smem:$0x3FB3]  }
0x2b: {  	s6 =	sld [smem:$0x3FB4]  }
0x2c: {  	s7 =	sld [smem:$0x3FB5]  }
0x2d: {  	s3 =	simm.s32 $0x108;
	s8 =	sld [smem:$0x3FB6]  }
0x2e: {  	s3 =	simm.s32 @!p0 $0x1082;
	s9 =	sld [smem:$0x3FB7]  }
0x2f: {  	lr =	sadd.s32 s0, s3;
	s0 =	sld [smem:$0x3FAE]  }
0x30: {  	s3 =	sld [smem:$0x3FB1]  }
0x31: {  	[smem:$0x3FBA] =	sst s10  }
0x32: {  	s10 =	sld [smem:$0x3FB8];
	_ =	sdelay $0x3  }
0x33: {  	p0 =	seq.s32 s10, $0x1;
	s10 =	sld [smem:$0x3FBA];
	_ =	sdelay $0x3  }
0x34: {  	[smem:$0x3FBA] =	sst s10  }
0x35: {  	s10 =	sld [smem:$0x3FB9];
	_ =	sdelay $0x3  }
0x36: {  	p1 =	seq.s32 s10, $0x1;
	s10 =	sld [smem:$0x3FBA];
	_ =	sdelay $0x3  }
0x37: {  	[smem:$0x3FBA] =	sst s10  }
0x38: {  	s10 =	sld [smem:$0x3FBB]  }
0x39: {  	_ = 	snop;
	(pc) =	sbr.ind lr, $3  }
0x3a: {  	_ = 	snop  }
0x3b: {  	_ = 	snop  }
0x3c: {  	p2 =	seq.s32 s10, $0x1;
	s10 =	sld [smem:$0x3FBA]  }
0x3d: {  	_ =	shalt  }
0x3e: {  	_ =	shalt  }
0x3f: {  	_ =	shalt  }
0x40: {  	_ =	shalt  }
0x41: {  	_ =	shalt  }
0x42: {  	_ =	shalt  }
0x43: {  	_ =	shalt  }
0x44: {  	_ =	shalt  }
0x45: {  	_ =	shalt  }
0x46: {  	_ =	shalt  }
0x47: {  	_ =	shalt  }
0x48: {  	_ =	shalt  }
0x49: {  	_ =	shalt  }
0x4a: {  	_ =	shalt  }
0x4b: {  	_ =	shalt  }
0x4c: {  	_ =	shalt  }
0x4d: {  	_ =	shalt  }
0x4e: {  	_ =	shalt  }
0x4f: {  	_ =	shalt  }
0x50: {  	_ =	shalt  }
0x51: {  	_ =	shalt  }
0x52: {  	_ =	shalt  }
0x53: {  	_ =	shalt  }
0x54: {  	_ =	shalt  }
0x55: {  	_ =	shalt  }
0x56: {  	_ =	shalt  }
0x57: {  	_ =	shalt  }
0x58: {  	_ =	shalt  }
0x59: {  	_ =	shalt  }
0x5a: {  	_ =	shalt  }
0x5b: {  	_ =	shalt  }
0x5c: {  	_ =	shalt  }
0x5d: {  	_ =	shalt  }
0x5e: {  	_ =	shalt  }
0x5f: {  	_ =	shalt  }
0x60: {  	_ =	shalt  }
0x61: {  	_ =	shalt  }
0x62: {  	_ =	shalt  }
0x63: {  	_ =	shalt  }
0x64: {  	_ =	shalt  }
0x65: {  	_ =	shalt  }
0x66: {  	_ =	shalt  }
0x67: {  	_ =	shalt  }
0x68: {  	_ =	shalt  }
0x69: {  	_ =	shalt  }
0x6a: {  	_ =	shalt  }
0x6b: {  	_ =	shalt  }
0x6c: {  	_ =	shalt  }
0x6d: {  	_ =	shalt  }
0x6e: {  	_ =	shalt  }
0x6f: {  	_ =	shalt  }
0x70: {  	_ =	shalt  }
0x71: {  	_ =	shalt  }
0x72: {  	_ =	shalt  }
0x73: {  	_ =	shalt  }
0x74: {  	_ =	shalt  }
0x75: {  	_ =	shalt  }
0x76: {  	_ =	shalt  }
0x77: {  	_ =	shalt  }
0x78: {  	_ =	shalt  }
0x79: {  	_ =	shalt  }
0x7a: {  	_ =	shalt  }
0x7b: {  	_ =	shalt  }
0x7c: {  	_ =	shalt  }
0x7d: {  	_ =	shalt  }
0x7e: {  	_ =	shalt  }
0x7f: {  	_ =	shalt  }
0x80: {  	_ =	shalt  }
0x81: {  	_ =	shalt  }
0x82: {  	_ =	shalt  }
0x83: {  	_ =	shalt  }
0x84: {  	_ =	shalt  }
0x85: {  	_ =	shalt  }
0x86: {  	_ =	shalt  }
0x87: {  	_ =	shalt  }
.Lfunc_end0:
.L_simem_size_0:
called_computation_lowered:
.L_overlay_start_0:
0x88: {  	s2 =	sld [smem:$0x3FD9]  }
0x89: {  	s3 =	sld [smem:$0x3FFE];
	_ =	sdelay $0x1  }
0x8a: {  	s1 =	srdreg.scid  }
0x8b: {  	s0 =	sand.u32 $0x1, s1  }
0x8c: {  	s17 =	sshll.u32 s0, $0xA;
	s2 =	sadd.s32 s3, s2  }
0x8d: {  	s2 =	sadd.s32 s2, s17  }
0x8e: {  	[smem:$0x3FC6] =	sst s2  }
0x8f: {  	_ = 	snop  }
0x90: {  	s2 =	sld [smem:$0x3FC8]  }
0x91: {  	s18 =	sld [smem:$0x3FD0];
	(tm) =	ssettm $0x1  }
0x92: {  	s4 =	sld [smem:$0x3FFB];
	_ =	sdelay $0x3  }
0x93: {  	_ =	strace s4  }
0x94: {  	s4 =	sld [smem:$0x3FFC];
	_ =	sdelay $0x3  }
0x95: {  	_ =	strace s4  }
0x96: {  	s4 =	sld [smem:$0x3FFD];
	_ =	sdelay $0x3  }
0x97: {  	_ =	strace s4  }
0x98: {  	_ =	strace $0x8FFFFFFF  }
0x99: {  	s19 =	sld [smem:$0x3FDB];
	_ =	sdelay $0x1  }
0x9a: {  	s5 =	simm.s32 $_scs_section_size  }
0x9b: {  	s6 =	simm.s32 $_size__tile_overlayer_lowered;
	s7 =	simm.s32 $_tile_overlayer_lowered  }
0x9c: {  	s22 =	simm.s32 $0x1BFF;
	s21 =	sshll.u32 s7, $0x1;
	s4 =	sadd.s32 s5, s19  }
0x9d: {  	s8 =	simm.s32 $0x0;
	s20 =	sshll.u32 s6, $0x1;
	s6 =	sadd.s32 s21, s4  }
0x9e: {  	[timem:s8], [sflag:s22] =	dma.local [hbm:s6], s20  }
0x9f: {  	_ =	swait.ge [sflag:s22], s20  }
0xa0: {  	s5 =	ssub.s32 $0x0, s20;
	[sflag:s22] =	ssyncset.done $0x0  }
0xa1: {  	[sflag:s22] =	ssyncadd.s32 s5;
	_ =	sdelay $0x1  }
0xa2: {  	s23 =	simm.s32 $0x1B8B  }
0xa3: {  	_ =	swait.ge [sflag:s23], $0x1  }
0xa4: {  	[sflag:s23] =	ssyncset.done $0x0  }
0xa5: {  	s25 =	simm.s32 $0x1B8E;
	s24 =	sld [smem:$0x3FFE];
	[sflag:s23] =	ssyncadd.s32 $0xFFFFFFFF  }
0xa6: {  	s26 =	simm.s32 $execute0_lowered;
	[smem:$0x3FD2] =	sst s25  }
0xa7: {  	s6 =	sshll.u32 s26, $0x1;
	_ =	strace $0x80000046;
	[dreg:$0x1] =	wrdreg $0xFFFFFFFF  }
0xa8: {  	s28 =	simm.s32 $_size_execute0_lowered;
	s4 =	sadd.s32 s4, s6;
	[dreg:$0x0] =	wrdreg $0x0  }
0xa9: {  	s6 =	sshll.u32 s28, $0x1;
	[dreg:$0x2] =	wrdreg s4  }
0xaa: {  	[dreg:$0x3] =	wrdreg s6  }
0xab: {  	[dreg:$0x4] =	wrdreg $0xC0  }
0xac: {  	_ =	task [dreg:s8], $0x5FFFF  }
0xad: {  	[dreg:$0x1] =	wrdreg $0xFFFFFFFF  }
0xae: {  	[dreg:$0x0] =	wrdreg $0x60  }
0xaf: {  	[dreg:$0x2] =	wrdreg s24  }
0xb0: {  	[dreg:$0x3] =	wrdreg s2  }
0xb1: {  	[dreg:$0x4] =	wrdreg s18  }
0xb2: {  	[dreg:$0x5] =	wrdreg $0x9  }
0xb3: {  	_ =	task.clear_ibuf [dreg:s8], $0x6FFFF;
	_ =	strace $0x90000046  }
0xb4: {  	s29 =	simm.s32 $0x9;
	_ =	strace $0x80000048  }
0xb5: {  	_ =	swait.ge [sflag:s29], $0x1  }
0xb6: {  	[sflag:s29] =	ssyncadd.s32 $0xFFFFFFFF  }
0xb7: {  	_ =	strace $0x90000048  }
0xb8: {  	_ =	sfence  }
0xb9: {  	s30 =	sld [smem:$0x0];
	_ =	sdelay $0x2  }
0xba: {  	s31 =	sshll.u32 s1, $0xD;
	s1 =	sshrl.u32 s1, $0x2  }
0xbb: {  	s3 =	sand.u32 $0x4000, s31;
	s1 =	sadd.s32 s1, s30  }
0xbc: {  	s0 =	sor.u32 s3, s0;
	s1 =	sshll.u32 s1, $0x11  }
0xbd: {  	s0 =	sor.u32 s1, s0  }
0xbe: {  	s0 =	sadd.s32 $0x8F2B, s0  }
0xbf: {  	[sflag:s0] =	ssyncadd.remote.s32 $0x1  }
0xc0: {  	_ =	sfence.sel $0xFFFF  }
0xc1: {  	[dreg:$0x0] =	wrdreg $0xFFFFFFFF;
	(pc) =	sbr.abs _section_cstart, $3  }
0xc2: {  	[dreg:$0x1] =	wrdreg $0xFFFFFFFF  }
0xc3: {  	_ =	task.clear_ibuf [dreg:s8], $0x2FFFF;
	_ =	strace $0x9FFFFFFF  }
0xc4: {  	(tm) =	ssettm $0x7FFFFFFF  }
0xc5: {  	_ =	shalt  }
tec
execute0_lowered:
.L_overlay_start_1:
0x0: {  	(tag) =	ssettag $0x1  }
0x1: {  	s5 =	rddreg [dreg:$0x0]  }
0x2: {  	s2 =	rddreg [dreg:$0x1]  }
0x3: {  	s1 =	srdreg.scid;
	s0 =	stileid.u32  }
0x4: {  	s3 =	rddreg [dreg:$0x2];
	s4 =	simm.s32 $0x0;
	s10 =	simm.s32 $0x5000  }
0x5: {  	s11 =	simm.s32 $0x3;
	s12 =	simm.s32 $0x5180;
	s13 =	simm.s32 $0xD180  }
0x6: {  	s14 =	simm.s32 $0x1;
	s15 =	simm.s32 $0x2;
	s16 =	simm.s32 $0x0  }
0x7: {  	s6 =	sand.u32 $0x1, s1;
	s7 =	sshll.u32 s0, $0x1;
	s1 =	rddreg [dreg:$0x3]  }
0x8: {  	v0 =	vlaneseq.u32;
	[smem:$0x7FF] =	sst s4;
	s7 =	sor.u32 s6, s7;
	s6 =	ssub.s32 $0x2, s6  }
0x9: {  	s5 =	sadd.s32 $0x400, s5;
	v1 =	vor.u32 $0x10, v0;
	s8 =	smul.u32 $0x190000, s7;
	s9 =	sshrl.u32 s6, $0x1  }
0xa: {  	v2 =	vor.u32 $0x20, v0;
	v3 =	vor.u32 $0x30, v0;
	v4 =	vor.u32 $0x40, v0;
	_ =	strace $0x80000047;
	s9 =	ssub.s32 s6, s9;
	s6 =	smul.u32 $0x19000, s7  }
0xb: {  	v5 =	vor.u32 $0x50, v0;
	v6 =	vor.u32 $0x60, v0;
	v7 =	vor.u32 $0x70, v0;
	s7 =	sadd.s32 s3, s8;
	s8 =	sadd.s32 $0x1000, s3;
	s9 =	smax.u32 s9, $0x1  }
.LBB2_1:
0xc: {  	[tilespmem:s10], [sflag:$0x3] =	stream.linear.gather [hbm4b:s2+s4], $0x180, $0x38;
	[tilespmem:$0x15180] =	vst v63  }
0xd: {  	_ =	swait.ge [sflag:s11], $0x180  }
0xe: {  	[sflag:s11] =	ssyncset.done $0x0  }
0xf: {  	[sflag:s11] =	ssyncadd.s32 $0xFFFFFE80  }
0x10: {  	[tilespmem:s12], [sflag:$0x1] =	stream.linear.gather [hbm4b:s7+s4], $0x8000, $0x38;
	[tilespmem:$0x15180] =	vst v63  }
0x11: {  	s17 =	simm.s32 $0x0  }
0x12: {  	[tilespmem:s13], [sflag:$0x2] =	stream.linear.gather [hbm4b:s7+s4], $0x8000, $0x38;
	[tilespmem:$0x15180] =	vst v63  }
.LBB2_2:
0x13: {  	s18 =	smul.u32 $0x5000, s17;
	_ =	sdelay $0x1  }
0x14: {  	s18 =	sadd.s32 s6, s18  }
0x15: {  	s19 =	sshrl.u32 s18, $0x3  }
0x16: {  	s20 =	sadd.s32 s5, s19;
	s19 =	simm.s32 $0x0  }
0x17: {  	[tilespmem:s19], [sflag:$0x3] =	stream.linear.gather [hbm4b:s20+s19], $0x5000, $0x38;
	[tilespmem:$0x15180] =	vst v63  }
0x18: {  	_ =	swait.ge [sflag:s11], $0x5000  }
0x19: {  	[sflag:s11] =	ssyncset.done $0x0  }
0x1a: {  	[sflag:s11] =	ssyncadd.s32 $0xFFFFB000  }
.LBB2_3:
0x1b: {  	_ =	swait.ge [sflag:s14], $0x8000  }
0x1c: {  	[sflag:s14] =	ssyncset.done $0x0  }
0x1d: {  	s20 =	sshll.u32 s19, $0x9;
	s21 =	simm.s32 $0x0;
	[sflag:s14] =	ssyncadd.s32 $0xFFFF8000  }
.LBB2_4:
0x1e: {  	s22 =	sshll.u32 s21, $0x4  }
0x1f: {  	s23 =	sand.u32 $0x80, s22  }
0x20: {  	s22 =	sand.u32 $0x60, s22;
	s23 =	sadd.s32 s23, s20  }
0x21: {  	s22 =	sadd.s32 s22, s23  }
0x22: {  	v8 =	vld [tilespmem:s22+$0x0];
	_ =	sdelay $0x4  }
0x23: {  	v8 =	vshll.u32 v8, $0x7  }
0x24: {  	v9 =	vbroadcast v8, $0x0;
	_ =	sdelay $0x1  }
0x25: {  	v10 =	vor.u32 v0, v9  }
0x26: {  	v11 =	vor.u32 v1, v9  }
0x27: {  	v12 =	vor.u32 v2, v9  }
0x28: {  	v13 =	vor.u32 v3, v9  }
0x29: {  	v14 =	vor.u32 v4, v9  }
0x2a: {  	v15 =	vor.u32 v5, v9;
	v10 =	vld.idx.msk [tilespmem:v10+s10+$0x0], $0xffff  }
0x2b: {  	v16 =	vor.u32 v6, v9;
	v11 =	vld.idx.msk [tilespmem:v11+s10+$0x0], $0xffff  }
0x2c: {  	v9 =	vor.u32 v7, v9;
	v12 =	vld.idx.msk [tilespmem:v12+s10+$0x0], $0xffff  }
0x2d: {  	v13 =	vld.idx.msk [tilespmem:v13+s10+$0x0], $0xffff  }
0x2e: {  	v14 =	vld.idx.msk [tilespmem:v14+s10+$0x0], $0xffff  }
0x2f: {  	s29 =	sshll.u32 s21, $0xB;
	v15 =	vld.idx.msk [tilespmem:v15+s10+$0x0], $0xffff  }
0x30: {  	s22 =	sand.u32 $0x3FFFF800, s29;
	v16 =	vld.idx.msk [tilespmem:v16+s10+$0x0], $0xffff  }
0x31: {  	v17 =	vld.idx.msk [tilespmem:v9+s10+$0x0], $0xffff;
	[tilespmem:s22+$0x5180] =	vst v10  }
0x32: {  	s30 =	sor.u32 $0x1, s21;
	[tilespmem:s22+$0x5190] =	vst v11  }
0x33: {  	s24 =	sshll.u32 s30, $0x4;
	[tilespmem:s22+$0x51A0] =	vst v12  }
0x34: {  	s25 =	sand.u32 $0x80, s24;
	[tilespmem:s22+$0x51B0] =	vst v13  }
0x35: {  	s24 =	sand.u32 $0x70, s24;
	s25 =	sadd.s32 s25, s20;
	v19 =	vbroadcast v8, $0x1;
	[tilespmem:s22+$0x51C0] =	vst v14  }
0x36: {  	s24 =	sadd.s32 s24, s25;
	[tilespmem:s22+$0x51D0] =	vst v15  }
0x37: {  	v21 =	vor.u32 v0, v19;
	v51 =	vld [tilespmem:s24+$0x0]  }
0x38: {  	v22 =	vor.u32 v1, v19  }
0x39: {  	v23 =	vor.u32 v2, v19  }
0x3a: {  	v58 =	vor.u32 v3, v19;
	[tilespmem:s22+$0x51E0] =	vst v16  }
0x3b: {  	v59 =	vor.u32 v4, v19;
	[tilespmem:s22+$0x51F0] =	vst v17  }
0x3c: {  	v24 =	vor.u32 v5, v19;
	v21 =	vld.idx.msk [tilespmem:v21+s10+$0x0], $0xffff;
	v9 =	vshll.u32 v51, $0x7  }
0x3d: {  	v61 =	vor.u32 v6, v19;
	v60 =	vld.idx.msk [tilespmem:v22+s10+$0x0], $0xffff;
	v52 =	vbroadcast v9, $0x0  }
0x3e: {  	v19 =	vor.u32 v7, v19;
	v23 =	vld.idx.msk [tilespmem:v23+s10+$0x0], $0xffff  }
0x3f: {  	v63 =	vld.idx.msk [tilespmem:v58+s10+$0x0], $0xffff;
	v53 =	vor.u32 v0, v52  }
0x40: {  	v29 =	vld.idx.msk [tilespmem:v59+s10+$0x0], $0xffff;
	v54 =	vor.u32 v1, v52  }
0x41: {  	v31 =	vld.idx.msk [tilespmem:v24+s10+$0x0], $0xffff;
	v55 =	vor.u32 v2, v52  }
0x42: {  	v22 =	vld.idx.msk [tilespmem:v61+s10+$0x0], $0xffff;
	v56 =	vor.u32 v3, v52  }
0x43: {  	v19 =	vld.idx.msk [tilespmem:v19+s10+$0x0], $0xffff;
	[tilespmem:s22+$0x5200] =	vst v21;
	v57 =	vor.u32 v4, v52  }
0x44: {  	[tilespmem:s22+$0x5210] =	vst v60;
	v18 =	vor.u32 v5, v52;
	v11 =	vld.idx.msk [tilespmem:v53+s10+$0x0], $0xffff  }
0x45: {  	v36 =	vbroadcast v8, $0x2;
	[tilespmem:s22+$0x5220] =	vst v23;
	v20 =	vor.u32 v6, v52;
	v12 =	vld.idx.msk [tilespmem:v54+s10+$0x0], $0xffff  }
0x46: {  	[tilespmem:s22+$0x5230] =	vst v63;
	v10 =	vor.u32 v7, v52;
	v13 =	vld.idx.msk [tilespmem:v55+s10+$0x0], $0xffff  }
0x47: {  	v39 =	vor.u32 v1, v36;
	[tilespmem:s22+$0x5240] =	vst v29;
	v14 =	vld.idx.msk [tilespmem:v56+s10+$0x0], $0xffff  }
0x48: {  	v40 =	vor.u32 v2, v36;
	[tilespmem:s22+$0x5250] =	vst v31;
	v15 =	vld.idx.msk [tilespmem:v57+s10+$0x0], $0xffff  }
0x49: {  	s23 =	sshll.u32 s30, $0xB;
	v41 =	vor.u32 v3, v36;
	[tilespmem:s22+$0x5260] =	vst v22;
	v18 =	vld.idx.msk [tilespmem:v18+s10+$0x0], $0xffff  }
0x4a: {  	s23 =	sand.u32 $0x3FFFF800, s23;
	v43 =	vor.u32 v4, v36;
	[tilespmem:s22+$0x5270] =	vst v19;
	v20 =	vld.idx.msk [tilespmem:v20+s10+$0x0], $0xffff  }
0x4b: {  	v44 =	vor.u32 v5, v36;
	v10 =	vld.idx.msk [tilespmem:v10+s10+$0x0], $0xffff;
	[tilespmem:s23+$0x5180] =	vst v11  }
0x4c: {  	v46 =	vor.u32 v6, v36;
	v62 =	vbroadcast v9, $0x1;
	v45 =	vld.idx.msk [tilespmem:v39+s10+$0x0], $0xffff;
	[tilespmem:s23+$0x5190] =	vst v12  }
0x4d: {  	v38 =	vor.u32 v0, v36;
	v17 =	vld.idx.msk [tilespmem:v40+s10+$0x0], $0xffff;
	[tilespmem:s23+$0x51A0] =	vst v13  }
0x4e: {  	v48 =	vld.idx.msk [tilespmem:v41+s10+$0x0], $0xffff;
	v28 =	vor.u32 v0, v62;
	[tilespmem:s23+$0x51B0] =	vst v14  }
0x4f: {  	v19 =	vld.idx.msk [tilespmem:v43+s10+$0x0], $0xffff;
	v30 =	vor.u32 v1, v62;
	[tilespmem:s23+$0x51C0] =	vst v15  }
0x50: {  	v51 =	vld.idx.msk [tilespmem:v44+s10+$0x0], $0xffff;
	v32 =	vor.u32 v2, v62;
	[tilespmem:s23+$0x51D0] =	vst v18  }
0x51: {  	v16 =	vld.idx.msk [tilespmem:v46+s10+$0x0], $0xffff;
	v33 =	vor.u32 v3, v62;
	[tilespmem:s23+$0x51E0] =	vst v20  }
0x52: {  	v34 =	vor.u32 v4, v62;
	[tilespmem:s23+$0x51F0] =	vst v10;
	v13 =	vld.idx.msk [tilespmem:v38+s10+$0x0], $0xffff  }
0x53: {  	v35 =	vor.u32 v5, v62;
	v14 =	vld.idx.msk [tilespmem:v28+s10+$0x0], $0xffff  }
0x54: {  	v37 =	vor.u32 v6, v62;
	v15 =	vld.idx.msk [tilespmem:v30+s10+$0x0], $0xffff  }
0x55: {  	v11 =	vor.u32 v7, v36;
	v18 =	vld.idx.msk [tilespmem:v32+s10+$0x0], $0xffff  }
0x56: {  	v12 =	vor.u32 v7, v62;
	v20 =	vld.idx.msk [tilespmem:v33+s10+$0x0], $0xffff  }
0x57: {  	v10 =	vld.idx.msk [tilespmem:v34+s10+$0x0], $0xffff  }
0x58: {  	v21 =	vld.idx.msk [tilespmem:v35+s10+$0x0], $0xffff  }
0x59: {  	v42 =	vld.idx.msk [tilespmem:v37+s10+$0x0], $0xffff  }
0x5a: {  	v11 =	vld.idx.msk [tilespmem:v11+s10+$0x0], $0xffff;
	[tilespmem:s22+$0x5280] =	vst v13  }
0x5b: {  	v12 =	vld.idx.msk [tilespmem:v12+s10+$0x0], $0xffff;
	[tilespmem:s23+$0x5200] =	vst v14  }
0x5c: {  	v47 =	vbroadcast v9, $0x2;
	[tilespmem:s23+$0x5210] =	vst v15  }
0x5d: {  	[tilespmem:s23+$0x5220] =	vst v18  }
0x5e: {  	v49 =	vor.u32 v0, v47;
	[tilespmem:s23+$0x5230] =	vst v20  }
0x5f: {  	v50 =	vor.u32 v1, v47;
	[tilespmem:s23+$0x5240] =	vst v10  }
0x60: {  	v52 =	vor.u32 v2, v47;
	[tilespmem:s23+$0x5250] =	vst v21  }
0x61: {  	v53 =	vor.u32 v3, v47;
	[tilespmem:s23+$0x5260] =	vst v42  }
0x62: {  	v54 =	vor.u32 v4, v47;
	[tilespmem:s23+$0x5270] =	vst v12  }
0x63: {  	v56 =	vor.u32 v5, v47;
	[tilespmem:s22+$0x5290] =	vst v45;
	v55 =	vld.idx.msk [tilespmem:v49+s10+$0x0], $0xffff  }
0x64: {  	v58 =	vor.u32 v6, v47;
	v57 =	vbroadcast v8, $0x3;
	[tilespmem:s22+$0x52A0] =	vst v17;
	v10 =	vld.idx.msk [tilespmem:v50+s10+$0x0], $0xffff  }
0x65: {  	[tilespmem:s22+$0x52B0] =	vst v48;
	v15 =	vor.u32 v7, v47;
	v59 =	vld.idx.msk [tilespmem:v52+s10+$0x0], $0xffff  }
0x66: {  	v60 =	vor.u32 v0, v57;
	[tilespmem:s22+$0x52C0] =	vst v19;
	v61 =	vld.idx.msk [tilespmem:v53+s10+$0x0], $0xffff  }
0x67: {  	v62 =	vor.u32 v1, v57;
	[tilespmem:s22+$0x52D0] =	vst v51;
	v12 =	vld.idx.msk [tilespmem:v54+s10+$0x0], $0xffff  }
0x68: {  	v63 =	vor.u32 v2, v57;
	[tilespmem:s22+$0x52E0] =	vst v16;
	v20 =	vld.idx.msk [tilespmem:v56+s10+$0x0], $0xffff  }
0x69: {  	v28 =	vor.u32 v3, v57;
	[tilespmem:s22+$0x52F0] =	vst v11;
	v29 =	vld.idx.msk [tilespmem:v58+s10+$0x0], $0xffff  }
0x6a: {  	v30 =	vor.u32 v4, v57;
	v15 =	vld.idx.msk [tilespmem:v15+s10+$0x0], $0xffff;
	[tilespmem:s23+$0x5280] =	vst v55  }
0x6b: {  	v31 =	vor.u32 v5, v57;
	v18 =	vld.idx.msk [tilespmem:v60+s10+$0x0], $0xffff;
	[tilespmem:s23+$0x5290] =	vst v10  }
0x6c: {  	v33 =	vor.u32 v6, v57;
	v34 =	vbroadcast v9, $0x3;
	v32 =	vld.idx.msk [tilespmem:v62+s10+$0x0], $0xffff;
	[tilespmem:s23+$0x52A0] =	vst v59  }
0x6d: {  	v14 =	vor.u32 v7, v57;
	v22 =	vld.idx.msk [tilespmem:v63+s10+$0x0], $0xffff;
	[tilespmem:s23+$0x52B0] =	vst v61  }
0x6e: {  	v35 =	vor.u32 v0, v34;
	v16 =	vld.idx.msk [tilespmem:v28+s10+$0x0], $0xffff;
	[tilespmem:s23+$0x52C0] =	vst v12  }
0x6f: {  	v36 =	vor.u32 v1, v34;
	v11 =	vld.idx.msk [tilespmem:v30+s10+$0x0], $0xffff;
	[tilespmem:s23+$0x52D0] =	vst v20  }
0x70: {  	v38 =	vor.u32 v2, v34;
	v37 =	vld.idx.msk [tilespmem:v31+s10+$0x0], $0xffff;
	[tilespmem:s23+$0x52E0] =	vst v29  }
0x71: {  	v39 =	vor.u32 v3, v34;
	v19 =	vld.idx.msk [tilespmem:v33+s10+$0x0], $0xffff;
	[tilespmem:s23+$0x52F0] =	vst v15  }
0x72: {  	v40 =	vor.u32 v4, v34;
	v14 =	vld.idx.msk [tilespmem:v14+s10+$0x0], $0xffff;
	[tilespmem:s22+$0x5300] =	vst v18  }
0x73: {  	v41 =	vor.u32 v5, v34;
	v42 =	vbroadcast v8, $0x4;
	[tilespmem:s22+$0x5310] =	vst v32;
	v17 =	vld.idx.msk [tilespmem:v35+s10+$0x0], $0xffff  }
0x74: {  	v43 =	vor.u32 v6, v34;
	[tilespmem:s22+$0x5320] =	vst v22;
	v12 =	vld.idx.msk [tilespmem:v36+s10+$0x0], $0xffff  }
0x75: {  	v44 =	vor.u32 v0, v42;
	[tilespmem:s22+$0x5330] =	vst v16;
	v20 =	vld.idx.msk [tilespmem:v38+s10+$0x0], $0xffff  }
0x76: {  	v10 =	vor.u32 v7, v34;
	[tilespmem:s22+$0x5340] =	vst v11;
	v45 =	vld.idx.msk [tilespmem:v39+s10+$0x0], $0xffff  }
0x77: {  	v46 =	vor.u32 v1, v42;
	[tilespmem:s22+$0x5350] =	vst v37;
	v15 =	vld.idx.msk [tilespmem:v40+s10+$0x0], $0xffff  }
0x78: {  	v47 =	vor.u32 v2, v42;
	[tilespmem:s22+$0x5360] =	vst v19;
	v18 =	vld.idx.msk [tilespmem:v41+s10+$0x0], $0xffff  }
0x79: {  	v48 =	vor.u32 v3, v42;
	[tilespmem:s22+$0x5370] =	vst v14;
	v49 =	vld.idx.msk [tilespmem:v43+s10+$0x0], $0xffff  }
0x7a: {  	v50 =	vor.u32 v4, v42;
	v16 =	vld.idx.msk [tilespmem:v44+s10+$0x0], $0xffff  }
0x7b: {  	v51 =	vor.u32 v5, v42;
	v10 =	vld.idx.msk [tilespmem:v10+s10+$0x0], $0xffff;
	[tilespmem:s23+$0x5300] =	vst v17  }
0x7c: {  	v13 =	vor.u32 v7, v42;
	v11 =	vld.idx.msk [tilespmem:v46+s10+$0x0], $0xffff;
	[tilespmem:s23+$0x5310] =	vst v12  }
0x7d: {  	v52 =	vor.u32 v6, v42;
	v53 =	vbroadcast v9, $0x4;
	v21 =	vld.idx.msk [tilespmem:v47+s10+$0x0], $0xffff;
	[tilespmem:s23+$0x5320] =	vst v20  }
0x7e: {  	v19 =	vld.idx.msk [tilespmem:v48+s10+$0x0], $0xffff;
	[tilespmem:s23+$0x5330] =	vst v45  }
0x7f: {  	v54 =	vor.u32 v0, v53;
	v14 =	vld.idx.msk [tilespmem:v50+s10+$0x0], $0xffff;
	[tilespmem:s23+$0x5340] =	vst v15  }
0x80: {  	v55 =	vor.u32 v1, v53;
	v56 =	vld.idx.msk [tilespmem:v51+s10+$0x0], $0xffff;
	[tilespmem:s23+$0x5350] =	vst v18  }
0x81: {  	v57 =	vor.u32 v2, v53;
	v13 =	vld.idx.msk [tilespmem:v13+s10+$0x0], $0xffff;
	[tilespmem:s23+$0x5360] =	vst v49  }
0x82: {  	v58 =	vor.u32 v3, v53;
	v17 =	vld.idx.msk [tilespmem:v52+s10+$0x0], $0xffff;
	[tilespmem:s22+$0x5380] =	vst v16  }
0x83: {  	v59 =	vor.u32 v4, v53;
	[tilespmem:s23+$0x5370] =	vst v10  }
0x84: {  	v61 =	vor.u32 v5, v53;
	[tilespmem:s22+$0x5390] =	vst v11;
	v60 =	vld.idx.msk [tilespmem:v54+s10+$0x0], $0xffff  }
0x85: {  	v62 =	vbroadcast v8, $0x5;
	v63 =	vor.u32 v6, v53;
	[tilespmem:s22+$0x53A0] =	vst v21;
	v15 =	vld.idx.msk [tilespmem:v55+s10+$0x0], $0xffff  }
0x86: {  	v12 =	vor.u32 v7, v53;
	[tilespmem:s22+$0x53B0] =	vst v19;
	v18 =	vld.idx.msk [tilespmem:v57+s10+$0x0], $0xffff  }
0x87: {  	v27 =	vor.u32 v0, v62;
	[tilespmem:s22+$0x53C0] =	vst v14;
	v28 =	vld.idx.msk [tilespmem:v58+s10+$0x0], $0xffff  }
0x88: {  	v29 =	vor.u32 v1, v62;
	[tilespmem:s22+$0x53D0] =	vst v56;
	v10 =	vld.idx.msk [tilespmem:v59+s10+$0x0], $0xffff  }
0x89: {  	v30 =	vor.u32 v2, v62;
	[tilespmem:s22+$0x53F0] =	vst v13;
	v20 =	vld.idx.msk [tilespmem:v61+s10+$0x0], $0xffff  }
0x8a: {  	v31 =	vor.u32 v3, v62;
	[tilespmem:s22+$0x53E0] =	vst v17;
	v32 =	vld.idx.msk [tilespmem:v63+s10+$0x0], $0xffff  }
0x8b: {  	v33 =	vor.u32 v4, v62;
	v12 =	vld.idx.msk [tilespmem:v12+s10+$0x0], $0xffff;
	[tilespmem:s23+$0x5380] =	vst v60  }
0x8c: {  	v34 =	vor.u32 v5, v62;
	v19 =	vld.idx.msk [tilespmem:v27+s10+$0x0], $0xffff;
	[tilespmem:s23+$0x5390] =	vst v15  }
0x8d: {  	v35 =	vor.u32 v6, v62;
	v36 =	vbroadcast v9, $0x5;
	v14 =	vld.idx.msk [tilespmem:v29+s10+$0x0], $0xffff;
	[tilespmem:s23+$0x53A0] =	vst v18  }
0x8e: {  	v11 =	vor.u32 v7, v62;
	v22 =	vld.idx.msk [tilespmem:v30+s10+$0x0], $0xffff;
	[tilespmem:s23+$0x53B0] =	vst v28  }
0x8f: {  	v37 =	vor.u32 v0, v36;
	v17 =	vld.idx.msk [tilespmem:v31+s10+$0x0], $0xffff;
	[tilespmem:s23+$0x53C0] =	vst v10  }
0x90: {  	v38 =	vor.u32 v1, v36;
	v13 =	vld.idx.msk [tilespmem:v33+s10+$0x0], $0xffff;
	[tilespmem:s23+$0x53D0] =	vst v20  }
0x91: {  	v40 =	vor.u32 v2, v36;
	v39 =	vld.idx.msk [tilespmem:v34+s10+$0x0], $0xffff;
	[tilespmem:s23+$0x53E0] =	vst v32  }
0x92: {  	v41 =	vor.u32 v3, v36;
	v16 =	vld.idx.msk [tilespmem:v35+s10+$0x0], $0xffff;
	[tilespmem:s23+$0x53F0] =	vst v12  }
0x93: {  	v42 =	vor.u32 v4, v36;
	v11 =	vld.idx.msk [tilespmem:v11+s10+$0x0], $0xffff;
	[tilespmem:s22+$0x5400] =	vst v19  }
0x94: {  	v44 =	vbroadcast v8, $0x6;
	v43 =	vor.u32 v5, v36;
	v18 =	vld.idx.msk [tilespmem:v37+s10+$0x0], $0xffff;
	[tilespmem:s22+$0x5410] =	vst v14  }
0x95: {  	v45 =	vor.u32 v6, v36;
	v10 =	vld.idx.msk [tilespmem:v38+s10+$0x0], $0xffff;
	[tilespmem:s22+$0x5420] =	vst v22  }
0x96: {  	v46 =	vor.u32 v0, v44;
	v20 =	vld.idx.msk [tilespmem:v40+s10+$0x0], $0xffff;
	[tilespmem:s22+$0x5430] =	vst v17  }
0x97: {  	v15 =	vor.u32 v7, v36;
	v47 =	vld.idx.msk [tilespmem:v41+s10+$0x0], $0xffff;
	[tilespmem:s22+$0x5440] =	vst v13  }
0x98: {  	v48 =	vor.u32 v1, v44;
	v12 =	vld.idx.msk [tilespmem:v42+s10+$0x0], $0xffff;
	[tilespmem:s22+$0x5450] =	vst v39  }
0x99: {  	v49 =	vor.u32 v2, v44;
	v19 =	vld.idx.msk [tilespmem:v43+s10+$0x0], $0xffff;
	[tilespmem:s22+$0x5460] =	vst v16  }
0x9a: {  	v50 =	vor.u32 v3, v44;
	v51 =	vld.idx.msk [tilespmem:v45+s10+$0x0], $0xffff;
	[tilespmem:s22+$0x5470] =	vst v11  }
0x9b: {  	v52 =	vor.u32 v4, v44;
	v17 =	vld.idx.msk [tilespmem:v46+s10+$0x0], $0xffff  }
0x9c: {  	v53 =	vor.u32 v5, v44;
	v15 =	vld.idx.msk [tilespmem:v15+s10+$0x0], $0xffff;
	[tilespmem:s23+$0x5400] =	vst v18  }
0x9d: {  	v54 =	vor.u32 v6, v44;
	v13 =	vld.idx.msk [tilespmem:v48+s10+$0x0], $0xffff;
	[tilespmem:s23+$0x5410] =	vst v10  }
0x9e: {  	v55 =	vbroadcast v9, $0x6;
	v14 =	vor.u32 v7, v44;
	v21 =	vld.idx.msk [tilespmem:v49+s10+$0x0], $0xffff;
	[tilespmem:s23+$0x5420] =	vst v20  }
0x9f: {  	v16 =	vld.idx.msk [tilespmem:v50+s10+$0x0], $0xffff;
	[tilespmem:s23+$0x5430] =	vst v47  }
0xa0: {  	v56 =	vor.u32 v0, v55;
	v11 =	vld.idx.msk [tilespmem:v52+s10+$0x0], $0xffff;
	[tilespmem:s23+$0x5440] =	vst v12  }
0xa1: {  	v57 =	vor.u32 v1, v55;
	v58 =	vld.idx.msk [tilespmem:v53+s10+$0x0], $0xffff;
	[tilespmem:s23+$0x5450] =	vst v19  }
0xa2: {  	v59 =	vor.u32 v2, v55;
	v18 =	vld.idx.msk [tilespmem:v54+s10+$0x0], $0xffff;
	[tilespmem:s23+$0x5460] =	vst v51  }
0xa3: {  	v60 =	vor.u32 v3, v55;
	v14 =	vld.idx.msk [tilespmem:v14+s10+$0x0], $0xffff;
	[tilespmem:s22+$0x5480] =	vst v17  }
0xa4: {  	v61 =	vor.u32 v4, v55;
	[tilespmem:s23+$0x5470] =	vst v15  }
0xa5: {  	v63 =	vor.u32 v5, v55;
	[tilespmem:s22+$0x5490] =	vst v13;
	v62 =	vld.idx.msk [tilespmem:v56+s10+$0x0], $0xffff  }
0xa6: {  	v29 =	vor.u32 v6, v55;
	v28 =	vbroadcast v8, $0x7;
	[tilespmem:s22+$0x54A0] =	vst v21;
	v12 =	vld.idx.msk [tilespmem:v57+s10+$0x0], $0xffff  }
0xa7: {  	v10 =	vor.u32 v7, v55;
	[tilespmem:s22+$0x54B0] =	vst v16;
	v19 =	vld.idx.msk [tilespmem:v59+s10+$0x0], $0xffff  }
0xa8: {  	v30 =	vor.u32 v0, v28;
	[tilespmem:s22+$0x54C0] =	vst v11;
	v31 =	vld.idx.msk [tilespmem:v60+s10+$0x0], $0xffff  }
0xa9: {  	v32 =	vor.u32 v1, v28;
	[tilespmem:s22+$0x54D0] =	vst v58;
	v15 =	vld.idx.msk [tilespmem:v61+s10+$0x0], $0xffff  }
0xaa: {  	v33 =	vor.u32 v2, v28;
	v20 =	vld.idx.msk [tilespmem:v63+s10+$0x0], $0xffff;
	[tilespmem:s22+$0x54E0] =	vst v18  }
0xab: {  	v34 =	vor.u32 v3, v28;
	v35 =	vld.idx.msk [tilespmem:v29+s10+$0x0], $0xffff;
	[tilespmem:s22+$0x54F0] =	vst v14  }
0xac: {  	v36 =	vor.u32 v4, v28;
	v10 =	vld.idx.msk [tilespmem:v10+s10+$0x0], $0xffff;
	[tilespmem:s23+$0x5480] =	vst v62  }
0xad: {  	v37 =	vor.u32 v5, v28;
	v16 =	vld.idx.msk [tilespmem:v30+s10+$0x0], $0xffff;
	[tilespmem:s23+$0x5490] =	vst v12  }
0xae: {  	v39 =	vbroadcast v9, $0x7;
	v38 =	vor.u32 v6, v28;
	v11 =	vld.idx.msk [tilespmem:v32+s10+$0x0], $0xffff;
	[tilespmem:s23+$0x54A0] =	vst v19  }
0xaf: {  	v13 =	vor.u32 v7, v28;
	v22 =	vld.idx.msk [tilespmem:v33+s10+$0x0], $0xffff;
	[tilespmem:s23+$0x54B0] =	vst v31  }
0xb0: {  	v40 =	vor.u32 v0, v39;
	v18 =	vld.idx.msk [tilespmem:v34+s10+$0x0], $0xffff;
	[tilespmem:s23+$0x54C0] =	vst v15  }
0xb1: {  	v41 =	vor.u32 v1, v39;
	v14 =	vld.idx.msk [tilespmem:v36+s10+$0x0], $0xffff;
	[tilespmem:s23+$0x54D0] =	vst v20  }
0xb2: {  	v43 =	vor.u32 v2, v39;
	v42 =	vld.idx.msk [tilespmem:v37+s10+$0x0], $0xffff;
	[tilespmem:s23+$0x54E0] =	vst v35  }
0xb3: {  	v44 =	vor.u32 v3, v39;
	v17 =	vld.idx.msk [tilespmem:v38+s10+$0x0], $0xffff;
	[tilespmem:s23+$0x54F0] =	vst v10  }
0xb4: {  	v45 =	vor.u32 v4, v39;
	v13 =	vld.idx.msk [tilespmem:v13+s10+$0x0], $0xffff;
	[tilespmem:s22+$0x5500] =	vst v16  }
0xb5: {  	v48 =	vbroadcast v8, $0x8;
	v47 =	vor.u32 v5, v39;
	v46 =	vld.idx.msk [tilespmem:v40+s10+$0x0], $0xffff;
	[tilespmem:s22+$0x5510] =	vst v11  }
0xb6: {  	v49 =	vor.u32 v6, v39;
	v15 =	vld.idx.msk [tilespmem:v41+s10+$0x0], $0xffff;
	[tilespmem:s22+$0x5520] =	vst v22  }
0xb7: {  	v50 =	vor.u32 v0, v48;
	v20 =	vld.idx.msk [tilespmem:v43+s10+$0x0], $0xffff;
	[tilespmem:s22+$0x5530] =	vst v18  }
0xb8: {  	v12 =	vor.u32 v7, v39;
	v51 =	vld.idx.msk [tilespmem:v44+s10+$0x0], $0xffff;
	[tilespmem:s22+$0x5540] =	vst v14  }
0xb9: {  	v52 =	vor.u32 v1, v48;
	v10 =	vld.idx.msk [tilespmem:v45+s10+$0x0], $0xffff;
	[tilespmem:s22+$0x5550] =	vst v42  }
0xba: {  	v53 =	vor.u32 v2, v48;
	v19 =	vld.idx.msk [tilespmem:v47+s10+$0x0], $0xffff;
	[tilespmem:s22+$0x5560] =	vst v17  }
0xbb: {  	v54 =	vor.u32 v3, v48;
	v55 =	vld.idx.msk [tilespmem:v49+s10+$0x0], $0xffff;
	[tilespmem:s22+$0x5570] =	vst v13  }
0xbc: {  	v56 =	vor.u32 v4, v48;
	v18 =	vld.idx.msk [tilespmem:v50+s10+$0x0], $0xffff  }
0xbd: {  	v57 =	vor.u32 v5, v48;
	v12 =	vld.idx.msk [tilespmem:v12+s10+$0x0], $0xffff;
	[tilespmem:s23+$0x5500] =	vst v46  }
0xbe: {  	v58 =	vor.u32 v6, v48;
	v14 =	vld.idx.msk [tilespmem:v52+s10+$0x0], $0xffff;
	[tilespmem:s23+$0x5510] =	vst v15  }
0xbf: {  	v59 =	vbroadcast v9, $0x8;
	v11 =	vor.u32 v7, v48;
	v21 =	vld.idx.msk [tilespmem:v53+s10+$0x0], $0xffff;
	[tilespmem:s23+$0x5520] =	vst v20  }
0xc0: {  	v17 =	vld.idx.msk [tilespmem:v54+s10+$0x0], $0xffff;
	[tilespmem:s23+$0x5530] =	vst v51  }
0xc1: {  	v60 =	vor.u32 v0, v59;
	v13 =	vld.idx.msk [tilespmem:v56+s10+$0x0], $0xffff;
	[tilespmem:s23+$0x5540] =	vst v10  }
0xc2: {  	v61 =	vor.u32 v1, v59;
	v62 =	vld.idx.msk [tilespmem:v57+s10+$0x0], $0xffff;
	[tilespmem:s23+$0x5550] =	vst v19  }
0xc3: {  	v63 =	vor.u32 v2, v59;
	v16 =	vld.idx.msk [tilespmem:v58+s10+$0x0], $0xffff;
	[tilespmem:s23+$0x5560] =	vst v55  }
0xc4: {  	v28 =	vor.u32 v3, v59;
	v11 =	vld.idx.msk [tilespmem:v11+s10+$0x0], $0xffff;
	[tilespmem:s22+$0x5580] =	vst v18  }
0xc5: {  	v29 =	vor.u32 v4, v59;
	[tilespmem:s23+$0x5570] =	vst v12  }
0xc6: {  	v31 =	vor.u32 v5, v59;
	[tilespmem:s22+$0x5590] =	vst v14;
	v30 =	vld.idx.msk [tilespmem:v60+s10+$0x0], $0xffff  }
0xc7: {  	v32 =	vbroadcast v8, $0x9;
	v33 =	vor.u32 v6, v59;
	[tilespmem:s22+$0x55A0] =	vst v21;
	v10 =	vld.idx.msk [tilespmem:v61+s10+$0x0], $0xffff  }
0xc8: {  	v15 =	vor.u32 v7, v59;
	[tilespmem:s22+$0x55B0] =	vst v17;
	v19 =	vld.idx.msk [tilespmem:v63+s10+$0x0], $0xffff  }
0xc9: {  	v34 =	vor.u32 v0, v32;
	[tilespmem:s22+$0x55C0] =	vst v13;
	v35 =	vld.idx.msk [tilespmem:v28+s10+$0x0], $0xffff  }
0xca: {  	v36 =	vor.u32 v1, v32;
	[tilespmem:s22+$0x55D0] =	vst v62;
	v12 =	vld.idx.msk [tilespmem:v29+s10+$0x0], $0xffff  }
0xcb: {  	v37 =	vor.u32 v2, v32;
	[tilespmem:s22+$0x55E0] =	vst v16;
	v20 =	vld.idx.msk [tilespmem:v31+s10+$0x0], $0xffff  }
0xcc: {  	v38 =	vor.u32 v3, v32;
	v39 =	vld.idx.msk [tilespmem:v33+s10+$0x0], $0xffff;
	[tilespmem:s22+$0x55F0] =	vst v11  }
0xcd: {  	v40 =	vor.u32 v4, v32;
	v15 =	vld.idx.msk [tilespmem:v15+s10+$0x0], $0xffff;
	[tilespmem:s23+$0x5580] =	vst v30  }
0xce: {  	v41 =	vor.u32 v5, v32;
	v17 =	vld.idx.msk [tilespmem:v34+s10+$0x0], $0xffff;
	[tilespmem:s23+$0x5590] =	vst v10  }
0xcf: {  	v42 =	vor.u32 v6, v32;
	v43 =	vbroadcast v9, $0x9;
	v13 =	vld.idx.msk [tilespmem:v36+s10+$0x0], $0xffff;
	[tilespmem:s23+$0x55A0] =	vst v19  }
0xd0: {  	v14 =	vor.u32 v7, v32;
	v22 =	vld.idx.msk [tilespmem:v37+s10+$0x0], $0xffff;
	[tilespmem:s23+$0x55B0] =	vst v35  }
0xd1: {  	v44 =	vor.u32 v0, v43;
	v16 =	vld.idx.msk [tilespmem:v38+s10+$0x0], $0xffff;
	[tilespmem:s23+$0x55C0] =	vst v12  }
0xd2: {  	v45 =	vor.u32 v1, v43;
	v11 =	vld.idx.msk [tilespmem:v40+s10+$0x0], $0xffff;
	[tilespmem:s23+$0x55D0] =	vst v20  }
0xd3: {  	v47 =	vor.u32 v2, v43;
	v46 =	vld.idx.msk [tilespmem:v41+s10+$0x0], $0xffff;
	[tilespmem:s23+$0x55E0] =	vst v39  }
0xd4: {  	v48 =	vor.u32 v3, v43;
	v18 =	vld.idx.msk [tilespmem:v42+s10+$0x0], $0xffff;
	[tilespmem:s23+$0x55F0] =	vst v15  }
0xd5: {  	v49 =	vor.u32 v4, v43;
	v14 =	vld.idx.msk [tilespmem:v14+s10+$0x0], $0xffff;
	[tilespmem:s22+$0x5600] =	vst v17  }
0xd6: {  	v52 =	vbroadcast v8, $0xA;
	v51 =	vor.u32 v5, v43;
	v50 =	vld.idx.msk [tilespmem:v44+s10+$0x0], $0xffff;
	[tilespmem:s22+$0x5610] =	vst v13  }
0xd7: {  	v53 =	vor.u32 v6, v43;
	v12 =	vld.idx.msk [tilespmem:v45+s10+$0x0], $0xffff;
	[tilespmem:s22+$0x5620] =	vst v22  }
0xd8: {  	v54 =	vor.u32 v0, v52;
	v20 =	vld.idx.msk [tilespmem:v47+s10+$0x0], $0xffff;
	[tilespmem:s22+$0x5630] =	vst v16  }
0xd9: {  	v10 =	vor.u32 v7, v43;
	v55 =	vld.idx.msk [tilespmem:v48+s10+$0x0], $0xffff;
	[tilespmem:s22+$0x5640] =	vst v11  }
0xda: {  	v56 =	vor.u32 v1, v52;
	v15 =	vld.idx.msk [tilespmem:v49+s10+$0x0], $0xffff;
	[tilespmem:s22+$0x5650] =	vst v46  }
0xdb: {  	v57 =	vor.u32 v2, v52;
	v19 =	vld.idx.msk [tilespmem:v51+s10+$0x0], $0xffff;
	[tilespmem:s22+$0x5660] =	vst v18  }
0xdc: {  	v58 =	vor.u32 v3, v52;
	v59 =	vld.idx.msk [tilespmem:v53+s10+$0x0], $0xffff;
	[tilespmem:s22+$0x5670] =	vst v14  }
0xdd: {  	v60 =	vor.u32 v4, v52;
	v16 =	vld.idx.msk [tilespmem:v54+s10+$0x0], $0xffff  }
0xde: {  	v61 =	vor.u32 v5, v52;
	v10 =	vld.idx.msk [tilespmem:v10+s10+$0x0], $0xffff;
	[tilespmem:s23+$0x5600] =	vst v50  }
0xdf: {  	v62 =	vor.u32 v6, v52;
	v11 =	vld.idx.msk [tilespmem:v56+s10+$0x0], $0xffff;
	[tilespmem:s23+$0x5610] =	vst v12  }
0xe0: {  	v63 =	vbroadcast v9, $0xA;
	v13 =	vor.u32 v7, v52;
	v21 =	vld.idx.msk [tilespmem:v57+s10+$0x0], $0xffff;
	[tilespmem:s23+$0x5620] =	vst v20  }
0xe1: {  	v18 =	vld.idx.msk [tilespmem:v58+s10+$0x0], $0xffff;
	[tilespmem:s23+$0x5630] =	vst v55  }
0xe2: {  	v26 =	vor.u32 v0, v63;
	v14 =	vld.idx.msk [tilespmem:v60+s10+$0x0], $0xffff;
	[tilespmem:s23+$0x5640] =	vst v15  }
0xe3: {  	v27 =	vor.u32 v1, v63;
	v28 =	vld.idx.msk [tilespmem:v61+s10+$0x0], $0xffff;
	[tilespmem:s23+$0x5650] =	vst v19  }
0xe4: {  	v29 =	vor.u32 v2, v63;
	v17 =	vld.idx.msk [tilespmem:v62+s10+$0x0], $0xffff;
	[tilespmem:s23+$0x5660] =	vst v59  }
0xe5: {  	v30 =	vor.u32 v3, v63;
	v13 =	vld.idx.msk [tilespmem:v13+s10+$0x0], $0xffff;
	[tilespmem:s22+$0x5680] =	vst v16  }
0xe6: {  	v31 =	vor.u32 v4, v63;
	[tilespmem:s23+$0x5670] =	vst v10  }
0xe7: {  	v33 =	vor.u32 v5, v63;
	[tilespmem:s22+$0x5690] =	vst v11;
	v32 =	vld.idx.msk [tilespmem:v26+s10+$0x0], $0xffff  }
0xe8: {  	v34 =	vbroadcast v8, $0xB;
	v35 =	vor.u32 v6, v63;
	[tilespmem:s22+$0x56A0] =	vst v21;
	v15 =	vld.idx.msk [tilespmem:v27+s10+$0x0], $0xffff  }
0xe9: {  	v12 =	vor.u32 v7, v63;
	[tilespmem:s22+$0x56B0] =	vst v18;
	v19 =	vld.idx.msk [tilespmem:v29+s10+$0x0], $0xffff  }
0xea: {  	v36 =	vor.u32 v0, v34;
	[tilespmem:s22+$0x56C0] =	vst v14;
	v37 =	vld.idx.msk [tilespmem:v30+s10+$0x0], $0xffff  }
0xeb: {  	v38 =	vor.u32 v1, v34;
	[tilespmem:s22+$0x56D0] =	vst v28;
	v10 =	vld.idx.msk [tilespmem:v31+s10+$0x0], $0xffff  }
0xec: {  	v39 =	vor.u32 v2, v34;
	[tilespmem:s22+$0x56E0] =	vst v17;
	v20 =	vld.idx.msk [tilespmem:v33+s10+$0x0], $0xffff  }
0xed: {  	v40 =	vor.u32 v3, v34;
	v41 =	vld.idx.msk [tilespmem:v35+s10+$0x0], $0xffff;
	[tilespmem:s22+$0x56F0] =	vst v13  }
0xee: {  	v42 =	vor.u32 v4, v34;
	v12 =	vld.idx.msk [tilespmem:v12+s10+$0x0], $0xffff;
	[tilespmem:s23+$0x5680] =	vst v32  }
0xef: {  	v43 =	vor.u32 v5, v34;
	v18 =	vld.idx.msk [tilespmem:v36+s10+$0x0], $0xffff;
	[tilespmem:s23+$0x5690] =	vst v15  }
0xf0: {  	v44 =	vor.u32 v6, v34;
	v45 =	vbroadcast v9, $0xB;
	v14 =	vld.idx.msk [tilespmem:v38+s10+$0x0], $0xffff;
	[tilespmem:s23+$0x56A0] =	vst v19  }
0xf1: {  	v11 =	vor.u32 v7, v34;
	v22 =	vld.idx.msk [tilespmem:v39+s10+$0x0], $0xffff;
	[tilespmem:s23+$0x56B0] =	vst v37  }
0xf2: {  	v46 =	vor.u32 v0, v45;
	v17 =	vld.idx.msk [tilespmem:v40+s10+$0x0], $0xffff;
	[tilespmem:s23+$0x56C0] =	vst v10  }
0xf3: {  	v47 =	vor.u32 v1, v45;
	v13 =	vld.idx.msk [tilespmem:v42+s10+$0x0], $0xffff;
	[tilespmem:s23+$0x56D0] =	vst v20  }
0xf4: {  	v49 =	vor.u32 v2, v45;
	v48 =	vld.idx.msk [tilespmem:v43+s10+$0x0], $0xffff;
	[tilespmem:s23+$0x56E0] =	vst v41  }
0xf5: {  	v50 =	vor.u32 v3, v45;
	v16 =	vld.idx.msk [tilespmem:v44+s10+$0x0], $0xffff;
	[tilespmem:s23+$0x56F0] =	vst v12  }
0xf6: {  	v51 =	vor.u32 v4, v45;
	v11 =	vld.idx.msk [tilespmem:v11+s10+$0x0], $0xffff;
	[tilespmem:s22+$0x5700] =	vst v18  }
0xf7: {  	v54 =	vbroadcast v8, $0xC;
	v53 =	vor.u32 v5, v45;
	v52 =	vld.idx.msk [tilespmem:v46+s10+$0x0], $0xffff;
	[tilespmem:s22+$0x5710] =	vst v14  }
0xf8: {  	v55 =	vor.u32 v6, v45;
	v10 =	vld.idx.msk [tilespmem:v47+s10+$0x0], $0xffff;
	[tilespmem:s22+$0x5720] =	vst v22  }
0xf9: {  	v56 =	vor.u32 v0, v54;
	v20 =	vld.idx.msk [tilespmem:v49+s10+$0x0], $0xffff;
	[tilespmem:s22+$0x5730] =	vst v17  }
0xfa: {  	v15 =	vor.u32 v7, v45;
	v57 =	vld.idx.msk [tilespmem:v50+s10+$0x0], $0xffff;
	[tilespmem:s22+$0x5740] =	vst v13  }
0xfb: {  	v58 =	vor.u32 v1, v54;
	v12 =	vld.idx.msk [tilespmem:v51+s10+$0x0], $0xffff;
	[tilespmem:s22+$0x5750] =	vst v48  }
0xfc: {  	v59 =	vor.u32 v2, v54;
	v19 =	vld.idx.msk [tilespmem:v53+s10+$0x0], $0xffff;
	[tilespmem:s22+$0x5760] =	vst v16  }
0xfd: {  	v60 =	vor.u32 v3, v54;
	v61 =	vld.idx.msk [tilespmem:v55+s10+$0x0], $0xffff;
	[tilespmem:s22+$0x5770] =	vst v11  }
0xfe: {  	v62 =	vor.u32 v4, v54;
	v17 =	vld.idx.msk [tilespmem:v56+s10+$0x0], $0xffff  }
0xff: {  	v63 =	vor.u32 v5, v54;
	v15 =	vld.idx.msk [tilespmem:v15+s10+$0x0], $0xffff;
	[tilespmem:s23+$0x5700] =	vst v52  }
0x100: {  	v27 =	vor.u32 v6, v54;
	v13 =	vld.idx.msk [tilespmem:v58+s10+$0x0], $0xffff;
	[tilespmem:s23+$0x5710] =	vst v10  }
0x101: {  	v28 =	vbroadcast v9, $0xC;
	v14 =	vor.u32 v7, v54;
	v21 =	vld.idx.msk [tilespmem:v59+s10+$0x0], $0xffff;
	[tilespmem:s23+$0x5720] =	vst v20  }
0x102: {  	v16 =	vld.idx.msk [tilespmem:v60+s10+$0x0], $0xffff;
	[tilespmem:s23+$0x5730] =	vst v57  }
0x103: {  	v29 =	vor.u32 v0, v28;
	v11 =	vld.idx.msk [tilespmem:v62+s10+$0x0], $0xffff;
	[tilespmem:s23+$0x5740] =	vst v12  }
0x104: {  	v30 =	vor.u32 v1, v28;
	v31 =	vld.idx.msk [tilespmem:v63+s10+$0x0], $0xffff;
	[tilespmem:s23+$0x5750] =	vst v19  }
0x105: {  	v32 =	vor.u32 v2, v28;
	v18 =	vld.idx.msk [tilespmem:v27+s10+$0x0], $0xffff;
	[tilespmem:s23+$0x5760] =	vst v61  }
0x106: {  	v33 =	vor.u32 v3, v28;
	v14 =	vld.idx.msk [tilespmem:v14+s10+$0x0], $0xffff;
	[tilespmem:s22+$0x5780] =	vst v17  }
0x107: {  	v34 =	vor.u32 v4, v28;
	[tilespmem:s23+$0x5770] =	vst v15  }
0x108: {  	v36 =	vor.u32 v5, v28;
	[tilespmem:s22+$0x5790] =	vst v13;
	v35 =	vld.idx.msk [tilespmem:v29+s10+$0x0], $0xffff  }
0x109: {  	v38 =	vor.u32 v6, v28;
	v37 =	vbroadcast v8, $0xD;
	[tilespmem:s22+$0x57A0] =	vst v21;
	v12 =	vld.idx.msk [tilespmem:v30+s10+$0x0], $0xffff  }
0x10a: {  	v10 =	vor.u32 v7, v28;
	[tilespmem:s22+$0x57B0] =	vst v16;
	v19 =	vld.idx.msk [tilespmem:v32+s10+$0x0], $0xffff  }
0x10b: {  	v39 =	vor.u32 v0, v37;
	[tilespmem:s22+$0x57C0] =	vst v11;
	v40 =	vld.idx.msk [tilespmem:v33+s10+$0x0], $0xffff  }
0x10c: {  	v41 =	vor.u32 v1, v37;
	[tilespmem:s22+$0x57D0] =	vst v31;
	v15 =	vld.idx.msk [tilespmem:v34+s10+$0x0], $0xffff  }
0x10d: {  	v42 =	vor.u32 v2, v37;
	[tilespmem:s22+$0x57E0] =	vst v18;
	v20 =	vld.idx.msk [tilespmem:v36+s10+$0x0], $0xffff  }
0x10e: {  	v43 =	vor.u32 v3, v37;
	v44 =	vld.idx.msk [tilespmem:v38+s10+$0x0], $0xffff;
	[tilespmem:s22+$0x57F0] =	vst v14  }
0x10f: {  	v45 =	vor.u32 v4, v37;
	v10 =	vld.idx.msk [tilespmem:v10+s10+$0x0], $0xffff;
	[tilespmem:s23+$0x5780] =	vst v35  }
0x110: {  	v46 =	vor.u32 v5, v37;
	v16 =	vld.idx.msk [tilespmem:v39+s10+$0x0], $0xffff;
	[tilespmem:s23+$0x5790] =	vst v12  }
0x111: {  	v48 =	vbroadcast v9, $0xD;
	v47 =	vor.u32 v6, v37;
	v11 =	vld.idx.msk [tilespmem:v41+s10+$0x0], $0xffff;
	[tilespmem:s23+$0x57A0] =	vst v19  }
0x112: {  	v13 =	vor.u32 v7, v37;
	v22 =	vld.idx.msk [tilespmem:v42+s10+$0x0], $0xffff;
	[tilespmem:s23+$0x57B0] =	vst v40  }
0x113: {  	v49 =	vor.u32 v0, v48;
	v18 =	vld.idx.msk [tilespmem:v43+s10+$0x0], $0xffff;
	[tilespmem:s23+$0x57C0] =	vst v15  }
0x114: {  	v50 =	vor.u32 v1, v48;
	v14 =	vld.idx.msk [tilespmem:v45+s10+$0x0], $0xffff;
	[tilespmem:s23+$0x57D0] =	vst v20  }
0x115: {  	v52 =	vor.u32 v2, v48;
	v51 =	vld.idx.msk [tilespmem:v46+s10+$0x0], $0xffff;
	[tilespmem:s23+$0x57E0] =	vst v44  }
0x116: {  	v53 =	vor.u32 v3, v48;
	v17 =	vld.idx.msk [tilespmem:v47+s10+$0x0], $0xffff;
	[tilespmem:s23+$0x57F0] =	vst v10  }
0x117: {  	v54 =	vor.u32 v4, v48;
	v13 =	vld.idx.msk [tilespmem:v13+s10+$0x0], $0xffff;
	[tilespmem:s22+$0x5800] =	vst v16  }
0x118: {  	v56 =	vor.u32 v5, v48;
	v57 =	vbroadcast v8, $0xE;
	v55 =	vld.idx.msk [tilespmem:v49+s10+$0x0], $0xffff;
	[tilespmem:s22+$0x5810] =	vst v11  }
0x119: {  	v58 =	vor.u32 v6, v48;
	v15 =	vld.idx.msk [tilespmem:v50+s10+$0x0], $0xffff;
	[tilespmem:s22+$0x5820] =	vst v22  }
0x11a: {  	v59 =	vor.u32 v0, v57;
	v20 =	vld.idx.msk [tilespmem:v52+s10+$0x0], $0xffff;
	[tilespmem:s22+$0x5830] =	vst v18  }
0x11b: {  	v12 =	vor.u32 v7, v48;
	v60 =	vld.idx.msk [tilespmem:v53+s10+$0x0], $0xffff;
	[tilespmem:s22+$0x5840] =	vst v14  }
0x11c: {  	v61 =	vor.u32 v1, v57;
	v10 =	vld.idx.msk [tilespmem:v54+s10+$0x0], $0xffff;
	[tilespmem:s22+$0x5850] =	vst v51  }
0x11d: {  	v62 =	vor.u32 v2, v57;
	v19 =	vld.idx.msk [tilespmem:v56+s10+$0x0], $0xffff;
	[tilespmem:s22+$0x5860] =	vst v17  }
0x11e: {  	v63 =	vor.u32 v3, v57;
	v28 =	vld.idx.msk [tilespmem:v58+s10+$0x0], $0xffff;
	[tilespmem:s22+$0x5870] =	vst v13  }
0x11f: {  	v29 =	vor.u32 v4, v57;
	v18 =	vld.idx.msk [tilespmem:v59+s10+$0x0], $0xffff  }
0x120: {  	v30 =	vor.u32 v5, v57;
	v12 =	vld.idx.msk [tilespmem:v12+s10+$0x0], $0xffff;
	[tilespmem:s23+$0x5800] =	vst v55  }
0x121: {  	v31 =	vor.u32 v6, v57;
	v14 =	vld.idx.msk [tilespmem:v61+s10+$0x0], $0xffff;
	[tilespmem:s23+$0x5810] =	vst v15  }
0x122: {  	v32 =	vbroadcast v9, $0xE;
	v11 =	vor.u32 v7, v57;
	v33 =	vld.idx.msk [tilespmem:v62+s10+$0x0], $0xffff;
	[tilespmem:s23+$0x5820] =	vst v20  }
0x123: {  	v17 =	vld.idx.msk [tilespmem:v63+s10+$0x0], $0xffff;
	[tilespmem:s23+$0x5830] =	vst v60  }
0x124: {  	v34 =	vor.u32 v0, v32;
	v13 =	vld.idx.msk [tilespmem:v29+s10+$0x0], $0xffff;
	[tilespmem:s23+$0x5840] =	vst v10  }
0x125: {  	v35 =	vor.u32 v1, v32;
	v36 =	vld.idx.msk [tilespmem:v30+s10+$0x0], $0xffff;
	[tilespmem:s23+$0x5850] =	vst v19  }
0x126: {  	v37 =	vor.u32 v2, v32;
	v16 =	vld.idx.msk [tilespmem:v31+s10+$0x0], $0xffff;
	[tilespmem:s23+$0x5860] =	vst v28  }
0x127: {  	v38 =	vor.u32 v3, v32;
	v11 =	vld.idx.msk [tilespmem:v11+s10+$0x0], $0xffff;
	[tilespmem:s22+$0x5880] =	vst v18  }
0x128: {  	v39 =	vor.u32 v4, v32;
	[tilespmem:s23+$0x5870] =	vst v12  }
0x129: {  	v41 =	vor.u32 v5, v32;
	[tilespmem:s22+$0x5890] =	vst v14;
	v40 =	vld.idx.msk [tilespmem:v34+s10+$0x0], $0xffff  }
0x12a: {  	v8 =	vbroadcast v8, $0xF;
	v42 =	vor.u32 v6, v32;
	[tilespmem:s22+$0x58A0] =	vst v33;
	v10 =	vld.idx.msk [tilespmem:v35+s10+$0x0], $0xffff  }
0x12b: {  	v15 =	vor.u32 v7, v32;
	[tilespmem:s22+$0x58B0] =	vst v17;
	v19 =	vld.idx.msk [tilespmem:v37+s10+$0x0], $0xffff  }
0x12c: {  	v43 =	vor.u32 v0, v8;
	[tilespmem:s22+$0x58C0] =	vst v13;
	v44 =	vld.idx.msk [tilespmem:v38+s10+$0x0], $0xffff  }
0x12d: {  	v45 =	vor.u32 v1, v8;
	[tilespmem:s22+$0x58D0] =	vst v36;
	v12 =	vld.idx.msk [tilespmem:v39+s10+$0x0], $0xffff  }
0x12e: {  	v46 =	vor.u32 v2, v8;
	[tilespmem:s22+$0x58E0] =	vst v16;
	v21 =	vld.idx.msk [tilespmem:v41+s10+$0x0], $0xffff  }
0x12f: {  	v47 =	vor.u32 v3, v8;
	v14 =	vld.idx.msk [tilespmem:v42+s10+$0x0], $0xffff;
	[tilespmem:s22+$0x58F0] =	vst v11  }
0x130: {  	v48 =	vor.u32 v4, v8;
	v15 =	vld.idx.msk [tilespmem:v15+s10+$0x0], $0xffff;
	[tilespmem:s23+$0x5880] =	vst v40  }
0x131: {  	v49 =	vor.u32 v5, v8;
	v17 =	vld.idx.msk [tilespmem:v43+s10+$0x0], $0xffff;
	[tilespmem:s23+$0x5890] =	vst v10  }
0x132: {  	v9 =	vbroadcast v9, $0xF;
	v50 =	vor.u32 v6, v8;
	v8 =	vor.u32 v7, v8;
	v13 =	vld.idx.msk [tilespmem:v45+s10+$0x0], $0xffff;
	[tilespmem:s23+$0x58A0] =	vst v19  }
0x133: {  	v51 =	vld.idx.msk [tilespmem:v46+s10+$0x0], $0xffff;
	[tilespmem:s23+$0x58B0] =	vst v44  }
0x134: {  	v52 =	vor.u32 v0, v9;
	v16 =	vld.idx.msk [tilespmem:v47+s10+$0x0], $0xffff;
	[tilespmem:s23+$0x58C0] =	vst v12  }
0x135: {  	v53 =	vor.u32 v1, v9;
	v11 =	vld.idx.msk [tilespmem:v48+s10+$0x0], $0xffff;
	[tilespmem:s23+$0x58D0] =	vst v21  }
0x136: {  	v54 =	vor.u32 v2, v9;
	v18 =	vld.idx.msk [tilespmem:v49+s10+$0x0], $0xffff;
	[tilespmem:s23+$0x58E0] =	vst v14  }
0x137: {  	v55 =	vor.u32 v3, v9;
	v8 =	vld.idx.msk [tilespmem:v8+s10+$0x0], $0xffff;
	[tilespmem:s23+$0x58F0] =	vst v15  }
0x138: {  	v56 =	vor.u32 v4, v9;
	v10 =	vld.idx.msk [tilespmem:v50+s10+$0x0], $0xffff;
	[tilespmem:s22+$0x5900] =	vst v17  }
0x139: {  	v58 =	vor.u32 v5, v9;
	v57 =	vld.idx.msk [tilespmem:v52+s10+$0x0], $0xffff;
	[tilespmem:s22+$0x5910] =	vst v13  }
0x13a: {  	v59 =	vor.u32 v6, v9;
	v12 =	vld.idx.msk [tilespmem:v53+s10+$0x0], $0xffff;
	[tilespmem:s22+$0x5920] =	vst v51  }
0x13b: {  	v9 =	vor.u32 v7, v9;
	v60 =	vld.idx.msk [tilespmem:v54+s10+$0x0], $0xffff;
	[tilespmem:s22+$0x5930] =	vst v16  }
0x13c: {  	v14 =	vld.idx.msk [tilespmem:v55+s10+$0x0], $0xffff;
	[tilespmem:s22+$0x5940] =	vst v11  }
0x13d: {  	v61 =	vld.idx.msk [tilespmem:v56+s10+$0x0], $0xffff;
	[tilespmem:s22+$0x5950] =	vst v18  }
0x13e: {  	v62 =	vld.idx.msk [tilespmem:v58+s10+$0x0], $0xffff;
	[tilespmem:s22+$0x5970] =	vst v8  }
0x13f: {  	v63 =	vld.idx.msk [tilespmem:v59+s10+$0x0], $0xffff;
	[tilespmem:s22+$0x5960] =	vst v10  }
0x140: {  	v8 =	vld.idx.msk [tilespmem:v9+s10+$0x0], $0xffff;
	[tilespmem:s23+$0x5900] =	vst v57  }
0x141: {  	[tilespmem:s23+$0x5910] =	vst v12  }
0x142: {  	p0 =	slt.u32 s21, $0xE;
	[tilespmem:s23+$0x5920] =	vst v60  }
.Ltmp0:
0x143: {  	[tilespmem:s23+$0x5930] =	vst v14;
	(pc) =	sbr.rel @p0 .LBB2_4-.Ltmp0, $4  }
0x144: {  	[tilespmem:s23+$0x5940] =	vst v61  }
0x145: {  	[tilespmem:s23+$0x5950] =	vst v62  }
0x146: {  	s31 =	sadd.s32 $0x2, s21;
	[tilespmem:s23+$0x5960] =	vst v63  }
0x147: {  	s21 =	smov.u32 s31;
	[tilespmem:s23+$0x5970] =	vst v8  }
0x148: {  	s21 =	sadd.s32 s18, s20  }
0x149: {  	s21 =	sshll.u32 s21, $0x4  }
0x14a: {  	s22 =	simm.s32 $0x0;
	s23 =	sadd.s32 s3, s21  }
0x14b: {  	[hbm4b:s23+s22] =	stream.linear.scatter [tilespmem:s12], [sflag:$0x1], $0x8000, $0x38;
	[tilespmem:$0x15180] =	vst v63  }
0x14c: {  	_ =	swait.ge [sflag:s15], $0x8000  }
0x14d: {  	[sflag:s15] =	ssyncset.done $0x0  }
0x14e: {  	s20 =	sadd.s32 $0x100, s20;
	[sflag:s15] =	ssyncadd.s32 $0xFFFF8000  }
.LBB2_6:
0x14f: {  	s23 =	sshll.u32 s22, $0x4  }
0x150: {  	s24 =	sand.u32 $0x80, s23  }
0x151: {  	s23 =	sand.u32 $0x60, s23;
	s24 =	sadd.s32 s24, s20  }
0x152: {  	s23 =	sadd.s32 s23, s24  }
0x153: {  	v8 =	vld [tilespmem:s23+$0x0];
	_ =	sdelay $0x4  }
0x154: {  	v8 =	vshll.u32 v8, $0x7  }
0x155: {  	v9 =	vbroadcast v8, $0x0;
	_ =	sdelay $0x1  }
0x156: {  	v10 =	vor.u32 v0, v9  }
0x157: {  	v11 =	vor.u32 v1, v9  }
0x158: {  	v12 =	vor.u32 v2, v9  }
0x159: {  	v13 =	vor.u32 v3, v9  }
0x15a: {  	v14 =	vor.u32 v4, v9  }
0x15b: {  	v15 =	vor.u32 v5, v9;
	v10 =	vld.idx.msk [tilespmem:v10+s10+$0x0], $0xffff  }
0x15c: {  	v16 =	vor.u32 v6, v9;
	v11 =	vld.idx.msk [tilespmem:v11+s10+$0x0], $0xffff  }
0x15d: {  	v9 =	vor.u32 v7, v9;
	v12 =	vld.idx.msk [tilespmem:v12+s10+$0x0], $0xffff  }
0x15e: {  	v13 =	vld.idx.msk [tilespmem:v13+s10+$0x0], $0xffff  }
0x15f: {  	v14 =	vld.idx.msk [tilespmem:v14+s10+$0x0], $0xffff  }
0x160: {  	s29 =	sshll.u32 s22, $0xB;
	v15 =	vld.idx.msk [tilespmem:v15+s10+$0x0], $0xffff  }
0x161: {  	s23 =	sand.u32 $0x3FFFF800, s29;
	v16 =	vld.idx.msk [tilespmem:v16+s10+$0x0], $0xffff  }
0x162: {  	v17 =	vld.idx.msk [tilespmem:v9+s10+$0x0], $0xffff;
	[tilespmem:s23+$0xD180] =	vst v10  }
0x163: {  	s30 =	sor.u32 $0x1, s22;
	[tilespmem:s23+$0xD190] =	vst v11  }
0x164: {  	s25 =	sshll.u32 s30, $0x4;
	[tilespmem:s23+$0xD1A0] =	vst v12  }
0x165: {  	s26 =	sand.u32 $0x80, s25;
	[tilespmem:s23+$0xD1B0] =	vst v13  }
0x166: {  	s25 =	sand.u32 $0x70, s25;
	s26 =	sadd.s32 s26, s20;
	v19 =	vbroadcast v8, $0x1;
	[tilespmem:s23+$0xD1C0] =	vst v14  }
0x167: {  	s25 =	sadd.s32 s25, s26;
	[tilespmem:s23+$0xD1D0] =	vst v15  }
0x168: {  	v21 =	vor.u32 v0, v19;
	v51 =	vld [tilespmem:s25+$0x0]  }
0x169: {  	v22 =	vor.u32 v1, v19  }
0x16a: {  	v23 =	vor.u32 v2, v19  }
0x16b: {  	v58 =	vor.u32 v3, v19;
	[tilespmem:s23+$0xD1E0] =	vst v16  }
0x16c: {  	v59 =	vor.u32 v4, v19;
	[tilespmem:s23+$0xD1F0] =	vst v17  }
0x16d: {  	v24 =	vor.u32 v5, v19;
	v21 =	vld.idx.msk [tilespmem:v21+s10+$0x0], $0xffff;
	v9 =	vshll.u32 v51, $0x7  }
0x16e: {  	v61 =	vor.u32 v6, v19;
	v60 =	vld.idx.msk [tilespmem:v22+s10+$0x0], $0xffff;
	v52 =	vbroadcast v9, $0x0  }
0x16f: {  	v19 =	vor.u32 v7, v19;
	v23 =	vld.idx.msk [tilespmem:v23+s10+$0x0], $0xffff  }
0x170: {  	v63 =	vld.idx.msk [tilespmem:v58+s10+$0x0], $0xffff;
	v53 =	vor.u32 v0, v52  }
0x171: {  	v29 =	vld.idx.msk [tilespmem:v59+s10+$0x0], $0xffff;
	v54 =	vor.u32 v1, v52  }
0x172: {  	v31 =	vld.idx.msk [tilespmem:v24+s10+$0x0], $0xffff;
	v55 =	vor.u32 v2, v52  }
0x173: {  	v22 =	vld.idx.msk [tilespmem:v61+s10+$0x0], $0xffff;
	v56 =	vor.u32 v3, v52  }
0x174: {  	v19 =	vld.idx.msk [tilespmem:v19+s10+$0x0], $0xffff;
	[tilespmem:s23+$0xD200] =	vst v21;
	v57 =	vor.u32 v4, v52  }
0x175: {  	[tilespmem:s23+$0xD210] =	vst v60;
	v18 =	vor.u32 v5, v52;
	v11 =	vld.idx.msk [tilespmem:v53+s10+$0x0], $0xffff  }
0x176: {  	v36 =	vbroadcast v8, $0x2;
	[tilespmem:s23+$0xD220] =	vst v23;
	v20 =	vor.u32 v6, v52;
	v12 =	vld.idx.msk [tilespmem:v54+s10+$0x0], $0xffff  }
0x177: {  	[tilespmem:s23+$0xD230] =	vst v63;
	v10 =	vor.u32 v7, v52;
	v13 =	vld.idx.msk [tilespmem:v55+s10+$0x0], $0xffff  }
0x178: {  	v39 =	vor.u32 v1, v36;
	[tilespmem:s23+$0xD240] =	vst v29;
	v14 =	vld.idx.msk [tilespmem:v56+s10+$0x0], $0xffff  }
0x179: {  	v40 =	vor.u32 v2, v36;
	[tilespmem:s23+$0xD250] =	vst v31;
	v15 =	vld.idx.msk [tilespmem:v57+s10+$0x0], $0xffff  }
0x17a: {  	s24 =	sshll.u32 s30, $0xB;
	v41 =	vor.u32 v3, v36;
	[tilespmem:s23+$0xD260] =	vst v22;
	v18 =	vld.idx.msk [tilespmem:v18+s10+$0x0], $0xffff  }
0x17b: {  	s24 =	sand.u32 $0x3FFFF800, s24;
	v43 =	vor.u32 v4, v36;
	[tilespmem:s23+$0xD270] =	vst v19;
	v20 =	vld.idx.msk [tilespmem:v20+s10+$0x0], $0xffff  }
0x17c: {  	v44 =	vor.u32 v5, v36;
	v10 =	vld.idx.msk [tilespmem:v10+s10+$0x0], $0xffff;
	[tilespmem:s24+$0xD180] =	vst v11  }
0x17d: {  	v46 =	vor.u32 v6, v36;
	v62 =	vbroadcast v9, $0x1;
	v45 =	vld.idx.msk [tilespmem:v39+s10+$0x0], $0xffff;
	[tilespmem:s24+$0xD190] =	vst v12  }
0x17e: {  	v38 =	vor.u32 v0, v36;
	v17 =	vld.idx.msk [tilespmem:v40+s10+$0x0], $0xffff;
	[tilespmem:s24+$0xD1A0] =	vst v13  }
0x17f: {  	v48 =	vld.idx.msk [tilespmem:v41+s10+$0x0], $0xffff;
	v28 =	vor.u32 v0, v62;
	[tilespmem:s24+$0xD1B0] =	vst v14  }
0x180: {  	v19 =	vld.idx.msk [tilespmem:v43+s10+$0x0], $0xffff;
	v30 =	vor.u32 v1, v62;
	[tilespmem:s24+$0xD1C0] =	vst v15  }
0x181: {  	v51 =	vld.idx.msk [tilespmem:v44+s10+$0x0], $0xffff;
	v32 =	vor.u32 v2, v62;
	[tilespmem:s24+$0xD1D0] =	vst v18  }
0x182: {  	v16 =	vld.idx.msk [tilespmem:v46+s10+$0x0], $0xffff;
	v33 =	vor.u32 v3, v62;
	[tilespmem:s24+$0xD1E0] =	vst v20  }
0x183: {  	v34 =	vor.u32 v4, v62;
	[tilespmem:s24+$0xD1F0] =	vst v10;
	v13 =	vld.idx.msk [tilespmem:v38+s10+$0x0], $0xffff  }
0x184: {  	v35 =	vor.u32 v5, v62;
	v14 =	vld.idx.msk [tilespmem:v28+s10+$0x0], $0xffff  }
0x185: {  	v37 =	vor.u32 v6, v62;
	v15 =	vld.idx.msk [tilespmem:v30+s10+$0x0], $0xffff  }
0x186: {  	v11 =	vor.u32 v7, v36;
	v18 =	vld.idx.msk [tilespmem:v32+s10+$0x0], $0xffff  }
0x187: {  	v12 =	vor.u32 v7, v62;
	v20 =	vld.idx.msk [tilespmem:v33+s10+$0x0], $0xffff  }
0x188: {  	v10 =	vld.idx.msk [tilespmem:v34+s10+$0x0], $0xffff  }
0x189: {  	v21 =	vld.idx.msk [tilespmem:v35+s10+$0x0], $0xffff  }
0x18a: {  	v42 =	vld.idx.msk [tilespmem:v37+s10+$0x0], $0xffff  }
0x18b: {  	v11 =	vld.idx.msk [tilespmem:v11+s10+$0x0], $0xffff;
	[tilespmem:s23+$0xD280] =	vst v13  }
0x18c: {  	v12 =	vld.idx.msk [tilespmem:v12+s10+$0x0], $0xffff;
	[tilespmem:s24+$0xD200] =	vst v14  }
0x18d: {  	v47 =	vbroadcast v9, $0x2;
	[tilespmem:s24+$0xD210] =	vst v15  }
0x18e: {  	[tilespmem:s24+$0xD220] =	vst v18  }
0x18f: {  	v49 =	vor.u32 v0, v47;
	[tilespmem:s24+$0xD230] =	vst v20  }
0x190: {  	v50 =	vor.u32 v1, v47;
	[tilespmem:s24+$0xD240] =	vst v10  }
0x191: {  	v52 =	vor.u32 v2, v47;
	[tilespmem:s24+$0xD250] =	vst v21  }
0x192: {  	v53 =	vor.u32 v3, v47;
	[tilespmem:s24+$0xD260] =	vst v42  }
0x193: {  	v54 =	vor.u32 v4, v47;
	[tilespmem:s24+$0xD270] =	vst v12  }
0x194: {  	v56 =	vor.u32 v5, v47;
	[tilespmem:s23+$0xD290] =	vst v45;
	v55 =	vld.idx.msk [tilespmem:v49+s10+$0x0], $0xffff  }
0x195: {  	v58 =	vor.u32 v6, v47;
	v57 =	vbroadcast v8, $0x3;
	[tilespmem:s23+$0xD2A0] =	vst v17;
	v10 =	vld.idx.msk [tilespmem:v50+s10+$0x0], $0xffff  }
0x196: {  	[tilespmem:s23+$0xD2B0] =	vst v48;
	v15 =	vor.u32 v7, v47;
	v59 =	vld.idx.msk [tilespmem:v52+s10+$0x0], $0xffff  }
0x197: {  	v60 =	vor.u32 v0, v57;
	[tilespmem:s23+$0xD2C0] =	vst v19;
	v61 =	vld.idx.msk [tilespmem:v53+s10+$0x0], $0xffff  }
0x198: {  	v62 =	vor.u32 v1, v57;
	[tilespmem:s23+$0xD2D0] =	vst v51;
	v12 =	vld.idx.msk [tilespmem:v54+s10+$0x0], $0xffff  }
0x199: {  	v63 =	vor.u32 v2, v57;
	[tilespmem:s23+$0xD2E0] =	vst v16;
	v20 =	vld.idx.msk [tilespmem:v56+s10+$0x0], $0xffff  }
0x19a: {  	v28 =	vor.u32 v3, v57;
	[tilespmem:s23+$0xD2F0] =	vst v11;
	v29 =	vld.idx.msk [tilespmem:v58+s10+$0x0], $0xffff  }
0x19b: {  	v30 =	vor.u32 v4, v57;
	v15 =	vld.idx.msk [tilespmem:v15+s10+$0x0], $0xffff;
	[tilespmem:s24+$0xD280] =	vst v55  }
0x19c: {  	v31 =	vor.u32 v5, v57;
	v18 =	vld.idx.msk [tilespmem:v60+s10+$0x0], $0xffff;
	[tilespmem:s24+$0xD290] =	vst v10  }
0x19d: {  	v33 =	vor.u32 v6, v57;
	v34 =	vbroadcast v9, $0x3;
	v32 =	vld.idx.msk [tilespmem:v62+s10+$0x0], $0xffff;
	[tilespmem:s24+$0xD2A0] =	vst v59  }
0x19e: {  	v14 =	vor.u32 v7, v57;
	v22 =	vld.idx.msk [tilespmem:v63+s10+$0x0], $0xffff;
	[tilespmem:s24+$0xD2B0] =	vst v61  }
0x19f: {  	v35 =	vor.u32 v0, v34;
	v16 =	vld.idx.msk [tilespmem:v28+s10+$0x0], $0xffff;
	[tilespmem:s24+$0xD2C0] =	vst v12  }
0x1a0: {  	v36 =	vor.u32 v1, v34;
	v11 =	vld.idx.msk [tilespmem:v30+s10+$0x0], $0xffff;
	[tilespmem:s24+$0xD2D0] =	vst v20  }
0x1a1: {  	v38 =	vor.u32 v2, v34;
	v37 =	vld.idx.msk [tilespmem:v31+s10+$0x0], $0xffff;
	[tilespmem:s24+$0xD2E0] =	vst v29  }
0x1a2: {  	v39 =	vor.u32 v3, v34;
	v19 =	vld.idx.msk [tilespmem:v33+s10+$0x0], $0xffff;
	[tilespmem:s24+$0xD2F0] =	vst v15  }
0x1a3: {  	v40 =	vor.u32 v4, v34;
	v14 =	vld.idx.msk [tilespmem:v14+s10+$0x0], $0xffff;
	[tilespmem:s23+$0xD300] =	vst v18  }
0x1a4: {  	v41 =	vor.u32 v5, v34;
	v42 =	vbroadcast v8, $0x4;
	[tilespmem:s23+$0xD310] =	vst v32;
	v17 =	vld.idx.msk [tilespmem:v35+s10+$0x0], $0xffff  }
0x1a5: {  	v43 =	vor.u32 v6, v34;
	[tilespmem:s23+$0xD320] =	vst v22;
	v12 =	vld.idx.msk [tilespmem:v36+s10+$0x0], $0xffff  }
0x1a6: {  	v44 =	vor.u32 v0, v42;
	[tilespmem:s23+$0xD330] =	vst v16;
	v20 =	vld.idx.msk [tilespmem:v38+s10+$0x0], $0xffff  }
0x1a7: {  	v10 =	vor.u32 v7, v34;
	[tilespmem:s23+$0xD340] =	vst v11;
	v45 =	vld.idx.msk [tilespmem:v39+s10+$0x0], $0xffff  }
0x1a8: {  	v46 =	vor.u32 v1, v42;
	[tilespmem:s23+$0xD350] =	vst v37;
	v15 =	vld.idx.msk [tilespmem:v40+s10+$0x0], $0xffff  }
0x1a9: {  	v47 =	vor.u32 v2, v42;
	[tilespmem:s23+$0xD360] =	vst v19;
	v18 =	vld.idx.msk [tilespmem:v41+s10+$0x0], $0xffff  }
0x1aa: {  	v48 =	vor.u32 v3, v42;
	[tilespmem:s23+$0xD370] =	vst v14;
	v49 =	vld.idx.msk [tilespmem:v43+s10+$0x0], $0xffff  }
0x1ab: {  	v50 =	vor.u32 v4, v42;
	v16 =	vld.idx.msk [tilespmem:v44+s10+$0x0], $0xffff  }
0x1ac: {  	v51 =	vor.u32 v5, v42;
	v10 =	vld.idx.msk [tilespmem:v10+s10+$0x0], $0xffff;
	[tilespmem:s24+$0xD300] =	vst v17  }
0x1ad: {  	v13 =	vor.u32 v7, v42;
	v11 =	vld.idx.msk [tilespmem:v46+s10+$0x0], $0xffff;
	[tilespmem:s24+$0xD310] =	vst v12  }
0x1ae: {  	v52 =	vor.u32 v6, v42;
	v53 =	vbroadcast v9, $0x4;
	v21 =	vld.idx.msk [tilespmem:v47+s10+$0x0], $0xffff;
	[tilespmem:s24+$0xD320] =	vst v20  }
0x1af: {  	v19 =	vld.idx.msk [tilespmem:v48+s10+$0x0], $0xffff;
	[tilespmem:s24+$0xD330] =	vst v45  }
0x1b0: {  	v54 =	vor.u32 v0, v53;
	v14 =	vld.idx.msk [tilespmem:v50+s10+$0x0], $0xffff;
	[tilespmem:s24+$0xD340] =	vst v15  }
0x1b1: {  	v55 =	vor.u32 v1, v53;
	v56 =	vld.idx.msk [tilespmem:v51+s10+$0x0], $0xffff;
	[tilespmem:s24+$0xD350] =	vst v18  }
0x1b2: {  	v57 =	vor.u32 v2, v53;
	v13 =	vld.idx.msk [tilespmem:v13+s10+$0x0], $0xffff;
	[tilespmem:s24+$0xD360] =	vst v49  }
0x1b3: {  	v58 =	vor.u32 v3, v53;
	v17 =	vld.idx.msk [tilespmem:v52+s10+$0x0], $0xffff;
	[tilespmem:s23+$0xD380] =	vst v16  }
0x1b4: {  	v59 =	vor.u32 v4, v53;
	[tilespmem:s24+$0xD370] =	vst v10  }
0x1b5: {  	v61 =	vor.u32 v5, v53;
	[tilespmem:s23+$0xD390] =	vst v11;
	v60 =	vld.idx.msk [tilespmem:v54+s10+$0x0], $0xffff  }
0x1b6: {  	v62 =	vbroadcast v8, $0x5;
	v63 =	vor.u32 v6, v53;
	[tilespmem:s23+$0xD3A0] =	vst v21;
	v15 =	vld.idx.msk [tilespmem:v55+s10+$0x0], $0xffff  }
0x1b7: {  	v12 =	vor.u32 v7, v53;
	[tilespmem:s23+$0xD3B0] =	vst v19;
	v18 =	vld.idx.msk [tilespmem:v57+s10+$0x0], $0xffff  }
0x1b8: {  	v27 =	vor.u32 v0, v62;
	[tilespmem:s23+$0xD3C0] =	vst v14;
	v28 =	vld.idx.msk [tilespmem:v58+s10+$0x0], $0xffff  }
0x1b9: {  	v29 =	vor.u32 v1, v62;
	[tilespmem:s23+$0xD3D0] =	vst v56;
	v10 =	vld.idx.msk [tilespmem:v59+s10+$0x0], $0xffff  }
0x1ba: {  	v30 =	vor.u32 v2, v62;
	[tilespmem:s23+$0xD3F0] =	vst v13;
	v20 =	vld.idx.msk [tilespmem:v61+s10+$0x0], $0xffff  }
0x1bb: {  	v31 =	vor.u32 v3, v62;
	[tilespmem:s23+$0xD3E0] =	vst v17;
	v32 =	vld.idx.msk [tilespmem:v63+s10+$0x0], $0xffff  }
0x1bc: {  	v33 =	vor.u32 v4, v62;
	v12 =	vld.idx.msk [tilespmem:v12+s10+$0x0], $0xffff;
	[tilespmem:s24+$0xD380] =	vst v60  }
0x1bd: {  	v34 =	vor.u32 v5, v62;
	v19 =	vld.idx.msk [tilespmem:v27+s10+$0x0], $0xffff;
	[tilespmem:s24+$0xD390] =	vst v15  }
0x1be: {  	v35 =	vor.u32 v6, v62;
	v36 =	vbroadcast v9, $0x5;
	v14 =	vld.idx.msk [tilespmem:v29+s10+$0x0], $0xffff;
	[tilespmem:s24+$0xD3A0] =	vst v18  }
0x1bf: {  	v11 =	vor.u32 v7, v62;
	v22 =	vld.idx.msk [tilespmem:v30+s10+$0x0], $0xffff;
	[tilespmem:s24+$0xD3B0] =	vst v28  }
0x1c0: {  	v37 =	vor.u32 v0, v36;
	v17 =	vld.idx.msk [tilespmem:v31+s10+$0x0], $0xffff;
	[tilespmem:s24+$0xD3C0] =	vst v10  }
0x1c1: {  	v38 =	vor.u32 v1, v36;
	v13 =	vld.idx.msk [tilespmem:v33+s10+$0x0], $0xffff;
	[tilespmem:s24+$0xD3D0] =	vst v20  }
0x1c2: {  	v40 =	vor.u32 v2, v36;
	v39 =	vld.idx.msk [tilespmem:v34+s10+$0x0], $0xffff;
	[tilespmem:s24+$0xD3E0] =	vst v32  }
0x1c3: {  	v41 =	vor.u32 v3, v36;
	v16 =	vld.idx.msk [tilespmem:v35+s10+$0x0], $0xffff;
	[tilespmem:s24+$0xD3F0] =	vst v12  }
0x1c4: {  	v42 =	vor.u32 v4, v36;
	v11 =	vld.idx.msk [tilespmem:v11+s10+$0x0], $0xffff;
	[tilespmem:s23+$0xD400] =	vst v19  }
0x1c5: {  	v44 =	vbroadcast v8, $0x6;
	v43 =	vor.u32 v5, v36;
	v18 =	vld.idx.msk [tilespmem:v37+s10+$0x0], $0xffff;
	[tilespmem:s23+$0xD410] =	vst v14  }
0x1c6: {  	v45 =	vor.u32 v6, v36;
	v10 =	vld.idx.msk [tilespmem:v38+s10+$0x0], $0xffff;
	[tilespmem:s23+$0xD420] =	vst v22  }
0x1c7: {  	v46 =	vor.u32 v0, v44;
	v20 =	vld.idx.msk [tilespmem:v40+s10+$0x0], $0xffff;
	[tilespmem:s23+$0xD430] =	vst v17  }
0x1c8: {  	v15 =	vor.u32 v7, v36;
	v47 =	vld.idx.msk [tilespmem:v41+s10+$0x0], $0xffff;
	[tilespmem:s23+$0xD440] =	vst v13  }
0x1c9: {  	v48 =	vor.u32 v1, v44;
	v12 =	vld.idx.msk [tilespmem:v42+s10+$0x0], $0xffff;
	[tilespmem:s23+$0xD450] =	vst v39  }
0x1ca: {  	v49 =	vor.u32 v2, v44;
	v19 =	vld.idx.msk [tilespmem:v43+s10+$0x0], $0xffff;
	[tilespmem:s23+$0xD460] =	vst v16  }
0x1cb: {  	v50 =	vor.u32 v3, v44;
	v51 =	vld.idx.msk [tilespmem:v45+s10+$0x0], $0xffff;
	[tilespmem:s23+$0xD470] =	vst v11  }
0x1cc: {  	v52 =	vor.u32 v4, v44;
	v17 =	vld.idx.msk [tilespmem:v46+s10+$0x0], $0xffff  }
0x1cd: {  	v53 =	vor.u32 v5, v44;
	v15 =	vld.idx.msk [tilespmem:v15+s10+$0x0], $0xffff;
	[tilespmem:s24+$0xD400] =	vst v18  }
0x1ce: {  	v54 =	vor.u32 v6, v44;
	v13 =	vld.idx.msk [tilespmem:v48+s10+$0x0], $0xffff;
	[tilespmem:s24+$0xD410] =	vst v10  }
0x1cf: {  	v55 =	vbroadcast v9, $0x6;
	v14 =	vor.u32 v7, v44;
	v21 =	vld.idx.msk [tilespmem:v49+s10+$0x0], $0xffff;
	[tilespmem:s24+$0xD420] =	vst v20  }
0x1d0: {  	v16 =	vld.idx.msk [tilespmem:v50+s10+$0x0], $0xffff;
	[tilespmem:s24+$0xD430] =	vst v47  }
0x1d1: {  	v56 =	vor.u32 v0, v55;
	v11 =	vld.idx.msk [tilespmem:v52+s10+$0x0], $0xffff;
	[tilespmem:s24+$0xD440] =	vst v12  }
0x1d2: {  	v57 =	vor.u32 v1, v55;
	v58 =	vld.idx.msk [tilespmem:v53+s10+$0x0], $0xffff;
	[tilespmem:s24+$0xD450] =	vst v19  }
0x1d3: {  	v59 =	vor.u32 v2, v55;
	v18 =	vld.idx.msk [tilespmem:v54+s10+$0x0], $0xffff;
	[tilespmem:s24+$0xD460] =	vst v51  }
0x1d4: {  	v60 =	vor.u32 v3, v55;
	v14 =	vld.idx.msk [tilespmem:v14+s10+$0x0], $0xffff;
	[tilespmem:s23+$0xD480] =	vst v17  }
0x1d5: {  	v61 =	vor.u32 v4, v55;
	[tilespmem:s24+$0xD470] =	vst v15  }
0x1d6: {  	v63 =	vor.u32 v5, v55;
	[tilespmem:s23+$0xD490] =	vst v13;
	v62 =	vld.idx.msk [tilespmem:v56+s10+$0x0], $0xffff  }
0x1d7: {  	v29 =	vor.u32 v6, v55;
	v28 =	vbroadcast v8, $0x7;
	[tilespmem:s23+$0xD4A0] =	vst v21;
	v12 =	vld.idx.msk [tilespmem:v57+s10+$0x0], $0xffff  }
0x1d8: {  	v10 =	vor.u32 v7, v55;
	[tilespmem:s23+$0xD4B0] =	vst v16;
	v19 =	vld.idx.msk [tilespmem:v59+s10+$0x0], $0xffff  }
0x1d9: {  	v30 =	vor.u32 v0, v28;
	[tilespmem:s23+$0xD4C0] =	vst v11;
	v31 =	vld.idx.msk [tilespmem:v60+s10+$0x0], $0xffff  }
0x1da: {  	v32 =	vor.u32 v1, v28;
	[tilespmem:s23+$0xD4D0] =	vst v58;
	v15 =	vld.idx.msk [tilespmem:v61+s10+$0x0], $0xffff  }
0x1db: {  	v33 =	vor.u32 v2, v28;
	v20 =	vld.idx.msk [tilespmem:v63+s10+$0x0], $0xffff;
	[tilespmem:s23+$0xD4E0] =	vst v18  }
0x1dc: {  	v34 =	vor.u32 v3, v28;
	v35 =	vld.idx.msk [tilespmem:v29+s10+$0x0], $0xffff;
	[tilespmem:s23+$0xD4F0] =	vst v14  }
0x1dd: {  	v36 =	vor.u32 v4, v28;
	v10 =	vld.idx.msk [tilespmem:v10+s10+$0x0], $0xffff;
	[tilespmem:s24+$0xD480] =	vst v62  }
0x1de: {  	v37 =	vor.u32 v5, v28;
	v16 =	vld.idx.msk [tilespmem:v30+s10+$0x0], $0xffff;
	[tilespmem:s24+$0xD490] =	vst v12  }
0x1df: {  	v39 =	vbroadcast v9, $0x7;
	v38 =	vor.u32 v6, v28;
	v11 =	vld.idx.msk [tilespmem:v32+s10+$0x0], $0xffff;
	[tilespmem:s24+$0xD4A0] =	vst v19  }
0x1e0: {  	v13 =	vor.u32 v7, v28;
	v22 =	vld.idx.msk [tilespmem:v33+s10+$0x0], $0xffff;
	[tilespmem:s24+$0xD4B0] =	vst v31  }
0x1e1: {  	v40 =	vor.u32 v0, v39;
	v18 =	vld.idx.msk [tilespmem:v34+s10+$0x0], $0xffff;
	[tilespmem:s24+$0xD4C0] =	vst v15  }
0x1e2: {  	v41 =	vor.u32 v1, v39;
	v14 =	vld.idx.msk [tilespmem:v36+s10+$0x0], $0xffff;
	[tilespmem:s24+$0xD4D0] =	vst v20  }
0x1e3: {  	v43 =	vor.u32 v2, v39;
	v42 =	vld.idx.msk [tilespmem:v37+s10+$0x0], $0xffff;
	[tilespmem:s24+$0xD4E0] =	vst v35  }
0x1e4: {  	v44 =	vor.u32 v3, v39;
	v17 =	vld.idx.msk [tilespmem:v38+s10+$0x0], $0xffff;
	[tilespmem:s24+$0xD4F0] =	vst v10  }
0x1e5: {  	v45 =	vor.u32 v4, v39;
	v13 =	vld.idx.msk [tilespmem:v13+s10+$0x0], $0xffff;
	[tilespmem:s23+$0xD500] =	vst v16  }
0x1e6: {  	v48 =	vbroadcast v8, $0x8;
	v47 =	vor.u32 v5, v39;
	v46 =	vld.idx.msk [tilespmem:v40+s10+$0x0], $0xffff;
	[tilespmem:s23+$0xD510] =	vst v11  }
0x1e7: {  	v49 =	vor.u32 v6, v39;
	v15 =	vld.idx.msk [tilespmem:v41+s10+$0x0], $0xffff;
	[tilespmem:s23+$0xD520] =	vst v22  }
0x1e8: {  	v50 =	vor.u32 v0, v48;
	v20 =	vld.idx.msk [tilespmem:v43+s10+$0x0], $0xffff;
	[tilespmem:s23+$0xD530] =	vst v18  }
0x1e9: {  	v12 =	vor.u32 v7, v39;
	v51 =	vld.idx.msk [tilespmem:v44+s10+$0x0], $0xffff;
	[tilespmem:s23+$0xD540] =	vst v14  }
0x1ea: {  	v52 =	vor.u32 v1, v48;
	v10 =	vld.idx.msk [tilespmem:v45+s10+$0x0], $0xffff;
	[tilespmem:s23+$0xD550] =	vst v42  }
0x1eb: {  	v53 =	vor.u32 v2, v48;
	v19 =	vld.idx.msk [tilespmem:v47+s10+$0x0], $0xffff;
	[tilespmem:s23+$0xD560] =	vst v17  }
0x1ec: {  	v54 =	vor.u32 v3, v48;
	v55 =	vld.idx.msk [tilespmem:v49+s10+$0x0], $0xffff;
	[tilespmem:s23+$0xD570] =	vst v13  }
0x1ed: {  	v56 =	vor.u32 v4, v48;
	v18 =	vld.idx.msk [tilespmem:v50+s10+$0x0], $0xffff  }
0x1ee: {  	v57 =	vor.u32 v5, v48;
	v12 =	vld.idx.msk [tilespmem:v12+s10+$0x0], $0xffff;
	[tilespmem:s24+$0xD500] =	vst v46  }
0x1ef: {  	v58 =	vor.u32 v6, v48;
	v14 =	vld.idx.msk [tilespmem:v52+s10+$0x0], $0xffff;
	[tilespmem:s24+$0xD510] =	vst v15  }
0x1f0: {  	v59 =	vbroadcast v9, $0x8;
	v11 =	vor.u32 v7, v48;
	v21 =	vld.idx.msk [tilespmem:v53+s10+$0x0], $0xffff;
	[tilespmem:s24+$0xD520] =	vst v20  }
0x1f1: {  	v17 =	vld.idx.msk [tilespmem:v54+s10+$0x0], $0xffff;
	[tilespmem:s24+$0xD530] =	vst v51  }
0x1f2: {  	v60 =	vor.u32 v0, v59;
	v13 =	vld.idx.msk [tilespmem:v56+s10+$0x0], $0xffff;
	[tilespmem:s24+$0xD540] =	vst v10  }
0x1f3: {  	v61 =	vor.u32 v1, v59;
	v62 =	vld.idx.msk [tilespmem:v57+s10+$0x0], $0xffff;
	[tilespmem:s24+$0xD550] =	vst v19  }
0x1f4: {  	v63 =	vor.u32 v2, v59;
	v16 =	vld.idx.msk [tilespmem:v58+s10+$0x0], $0xffff;
	[tilespmem:s24+$0xD560] =	vst v55  }
0x1f5: {  	v28 =	vor.u32 v3, v59;
	v11 =	vld.idx.msk [tilespmem:v11+s10+$0x0], $0xffff;
	[tilespmem:s23+$0xD580] =	vst v18  }
0x1f6: {  	v29 =	vor.u32 v4, v59;
	[tilespmem:s24+$0xD570] =	vst v12  }
0x1f7: {  	v31 =	vor.u32 v5, v59;
	[tilespmem:s23+$0xD590] =	vst v14;
	v30 =	vld.idx.msk [tilespmem:v60+s10+$0x0], $0xffff  }
0x1f8: {  	v32 =	vbroadcast v8, $0x9;
	v33 =	vor.u32 v6, v59;
	[tilespmem:s23+$0xD5A0] =	vst v21;
	v10 =	vld.idx.msk [tilespmem:v61+s10+$0x0], $0xffff  }
0x1f9: {  	v15 =	vor.u32 v7, v59;
	[tilespmem:s23+$0xD5B0] =	vst v17;
	v19 =	vld.idx.msk [tilespmem:v63+s10+$0x0], $0xffff  }
0x1fa: {  	v34 =	vor.u32 v0, v32;
	[tilespmem:s23+$0xD5C0] =	vst v13;
	v35 =	vld.idx.msk [tilespmem:v28+s10+$0x0], $0xffff  }
0x1fb: {  	v36 =	vor.u32 v1, v32;
	[tilespmem:s23+$0xD5D0] =	vst v62;
	v12 =	vld.idx.msk [tilespmem:v29+s10+$0x0], $0xffff  }
0x1fc: {  	v37 =	vor.u32 v2, v32;
	[tilespmem:s23+$0xD5E0] =	vst v16;
	v20 =	vld.idx.msk [tilespmem:v31+s10+$0x0], $0xffff  }
0x1fd: {  	v38 =	vor.u32 v3, v32;
	v39 =	vld.idx.msk [tilespmem:v33+s10+$0x0], $0xffff;
	[tilespmem:s23+$0xD5F0] =	vst v11  }
0x1fe: {  	v40 =	vor.u32 v4, v32;
	v15 =	vld.idx.msk [tilespmem:v15+s10+$0x0], $0xffff;
	[tilespmem:s24+$0xD580] =	vst v30  }
0x1ff: {  	v41 =	vor.u32 v5, v32;
	v17 =	vld.idx.msk [tilespmem:v34+s10+$0x0], $0xffff;
	[tilespmem:s24+$0xD590] =	vst v10  }
0x200: {  	v42 =	vor.u32 v6, v32;
	v43 =	vbroadcast v9, $0x9;
	v13 =	vld.idx.msk [tilespmem:v36+s10+$0x0], $0xffff;
	[tilespmem:s24+$0xD5A0] =	vst v19  }
0x201: {  	v14 =	vor.u32 v7, v32;
	v22 =	vld.idx.msk [tilespmem:v37+s10+$0x0], $0xffff;
	[tilespmem:s24+$0xD5B0] =	vst v35  }
0x202: {  	v44 =	vor.u32 v0, v43;
	v16 =	vld.idx.msk [tilespmem:v38+s10+$0x0], $0xffff;
	[tilespmem:s24+$0xD5C0] =	vst v12  }
0x203: {  	v45 =	vor.u32 v1, v43;
	v11 =	vld.idx.msk [tilespmem:v40+s10+$0x0], $0xffff;
	[tilespmem:s24+$0xD5D0] =	vst v20  }
0x204: {  	v47 =	vor.u32 v2, v43;
	v46 =	vld.idx.msk [tilespmem:v41+s10+$0x0], $0xffff;
	[tilespmem:s24+$0xD5E0] =	vst v39  }
0x205: {  	v48 =	vor.u32 v3, v43;
	v18 =	vld.idx.msk [tilespmem:v42+s10+$0x0], $0xffff;
	[tilespmem:s24+$0xD5F0] =	vst v15  }
0x206: {  	v49 =	vor.u32 v4, v43;
	v14 =	vld.idx.msk [tilespmem:v14+s10+$0x0], $0xffff;
	[tilespmem:s23+$0xD600] =	vst v17  }
0x207: {  	v52 =	vbroadcast v8, $0xA;
	v51 =	vor.u32 v5, v43;
	v50 =	vld.idx.msk [tilespmem:v44+s10+$0x0], $0xffff;
	[tilespmem:s23+$0xD610] =	vst v13  }
0x208: {  	v53 =	vor.u32 v6, v43;
	v12 =	vld.idx.msk [tilespmem:v45+s10+$0x0], $0xffff;
	[tilespmem:s23+$0xD620] =	vst v22  }
0x209: {  	v54 =	vor.u32 v0, v52;
	v20 =	vld.idx.msk [tilespmem:v47+s10+$0x0], $0xffff;
	[tilespmem:s23+$0xD630] =	vst v16  }
0x20a: {  	v10 =	vor.u32 v7, v43;
	v55 =	vld.idx.msk [tilespmem:v48+s10+$0x0], $0xffff;
	[tilespmem:s23+$0xD640] =	vst v11  }
0x20b: {  	v56 =	vor.u32 v1, v52;
	v15 =	vld.idx.msk [tilespmem:v49+s10+$0x0], $0xffff;
	[tilespmem:s23+$0xD650] =	vst v46  }
0x20c: {  	v57 =	vor.u32 v2, v52;
	v19 =	vld.idx.msk [tilespmem:v51+s10+$0x0], $0xffff;
	[tilespmem:s23+$0xD660] =	vst v18  }
0x20d: {  	v58 =	vor.u32 v3, v52;
	v59 =	vld.idx.msk [tilespmem:v53+s10+$0x0], $0xffff;
	[tilespmem:s23+$0xD670] =	vst v14  }
0x20e: {  	v60 =	vor.u32 v4, v52;
	v16 =	vld.idx.msk [tilespmem:v54+s10+$0x0], $0xffff  }
0x20f: {  	v61 =	vor.u32 v5, v52;
	v10 =	vld.idx.msk [tilespmem:v10+s10+$0x0], $0xffff;
	[tilespmem:s24+$0xD600] =	vst v50  }
0x210: {  	v62 =	vor.u32 v6, v52;
	v11 =	vld.idx.msk [tilespmem:v56+s10+$0x0], $0xffff;
	[tilespmem:s24+$0xD610] =	vst v12  }
0x211: {  	v63 =	vbroadcast v9, $0xA;
	v13 =	vor.u32 v7, v52;
	v21 =	vld.idx.msk [tilespmem:v57+s10+$0x0], $0xffff;
	[tilespmem:s24+$0xD620] =	vst v20  }
0x212: {  	v18 =	vld.idx.msk [tilespmem:v58+s10+$0x0], $0xffff;
	[tilespmem:s24+$0xD630] =	vst v55  }
0x213: {  	v26 =	vor.u32 v0, v63;
	v14 =	vld.idx.msk [tilespmem:v60+s10+$0x0], $0xffff;
	[tilespmem:s24+$0xD640] =	vst v15  }
0x214: {  	v27 =	vor.u32 v1, v63;
	v28 =	vld.idx.msk [tilespmem:v61+s10+$0x0], $0xffff;
	[tilespmem:s24+$0xD650] =	vst v19  }
0x215: {  	v29 =	vor.u32 v2, v63;
	v17 =	vld.idx.msk [tilespmem:v62+s10+$0x0], $0xffff;
	[tilespmem:s24+$0xD660] =	vst v59  }
0x216: {  	v30 =	vor.u32 v3, v63;
	v13 =	vld.idx.msk [tilespmem:v13+s10+$0x0], $0xffff;
	[tilespmem:s23+$0xD680] =	vst v16  }
0x217: {  	v31 =	vor.u32 v4, v63;
	[tilespmem:s24+$0xD670] =	vst v10  }
0x218: {  	v33 =	vor.u32 v5, v63;
	[tilespmem:s23+$0xD690] =	vst v11;
	v32 =	vld.idx.msk [tilespmem:v26+s10+$0x0], $0xffff  }
0x219: {  	v34 =	vbroadcast v8, $0xB;
	v35 =	vor.u32 v6, v63;
	[tilespmem:s23+$0xD6A0] =	vst v21;
	v15 =	vld.idx.msk [tilespmem:v27+s10+$0x0], $0xffff  }
0x21a: {  	v12 =	vor.u32 v7, v63;
	[tilespmem:s23+$0xD6B0] =	vst v18;
	v19 =	vld.idx.msk [tilespmem:v29+s10+$0x0], $0xffff  }
0x21b: {  	v36 =	vor.u32 v0, v34;
	[tilespmem:s23+$0xD6C0] =	vst v14;
	v37 =	vld.idx.msk [tilespmem:v30+s10+$0x0], $0xffff  }
0x21c: {  	v38 =	vor.u32 v1, v34;
	[tilespmem:s23+$0xD6D0] =	vst v28;
	v10 =	vld.idx.msk [tilespmem:v31+s10+$0x0], $0xffff  }
0x21d: {  	v39 =	vor.u32 v2, v34;
	[tilespmem:s23+$0xD6E0] =	vst v17;
	v20 =	vld.idx.msk [tilespmem:v33+s10+$0x0], $0xffff  }
0x21e: {  	v40 =	vor.u32 v3, v34;
	v41 =	vld.idx.msk [tilespmem:v35+s10+$0x0], $0xffff;
	[tilespmem:s23+$0xD6F0] =	vst v13  }
0x21f: {  	v42 =	vor.u32 v4, v34;
	v12 =	vld.idx.msk [tilespmem:v12+s10+$0x0], $0xffff;
	[tilespmem:s24+$0xD680] =	vst v32  }
0x220: {  	v43 =	vor.u32 v5, v34;
	v18 =	vld.idx.msk [tilespmem:v36+s10+$0x0], $0xffff;
	[tilespmem:s24+$0xD690] =	vst v15  }
0x221: {  	v44 =	vor.u32 v6, v34;
	v45 =	vbroadcast v9, $0xB;
	v14 =	vld.idx.msk [tilespmem:v38+s10+$0x0], $0xffff;
	[tilespmem:s24+$0xD6A0] =	vst v19  }
0x222: {  	v11 =	vor.u32 v7, v34;
	v22 =	vld.idx.msk [tilespmem:v39+s10+$0x0], $0xffff;
	[tilespmem:s24+$0xD6B0] =	vst v37  }
0x223: {  	v46 =	vor.u32 v0, v45;
	v17 =	vld.idx.msk [tilespmem:v40+s10+$0x0], $0xffff;
	[tilespmem:s24+$0xD6C0] =	vst v10  }
0x224: {  	v47 =	vor.u32 v1, v45;
	v13 =	vld.idx.msk [tilespmem:v42+s10+$0x0], $0xffff;
	[tilespmem:s24+$0xD6D0] =	vst v20  }
0x225: {  	v49 =	vor.u32 v2, v45;
	v48 =	vld.idx.msk [tilespmem:v43+s10+$0x0], $0xffff;
	[tilespmem:s24+$0xD6E0] =	vst v41  }
0x226: {  	v50 =	vor.u32 v3, v45;
	v16 =	vld.idx.msk [tilespmem:v44+s10+$0x0], $0xffff;
	[tilespmem:s24+$0xD6F0] =	vst v12  }
0x227: {  	v51 =	vor.u32 v4, v45;
	v11 =	vld.idx.msk [tilespmem:v11+s10+$0x0], $0xffff;
	[tilespmem:s23+$0xD700] =	vst v18  }
0x228: {  	v54 =	vbroadcast v8, $0xC;
	v53 =	vor.u32 v5, v45;
	v52 =	vld.idx.msk [tilespmem:v46+s10+$0x0], $0xffff;
	[tilespmem:s23+$0xD710] =	vst v14  }
0x229: {  	v55 =	vor.u32 v6, v45;
	v10 =	vld.idx.msk [tilespmem:v47+s10+$0x0], $0xffff;
	[tilespmem:s23+$0xD720] =	vst v22  }
0x22a: {  	v56 =	vor.u32 v0, v54;
	v20 =	vld.idx.msk [tilespmem:v49+s10+$0x0], $0xffff;
	[tilespmem:s23+$0xD730] =	vst v17  }
0x22b: {  	v15 =	vor.u32 v7, v45;
	v57 =	vld.idx.msk [tilespmem:v50+s10+$0x0], $0xffff;
	[tilespmem:s23+$0xD740] =	vst v13  }
0x22c: {  	v58 =	vor.u32 v1, v54;
	v12 =	vld.idx.msk [tilespmem:v51+s10+$0x0], $0xffff;
	[tilespmem:s23+$0xD750] =	vst v48  }
0x22d: {  	v59 =	vor.u32 v2, v54;
	v19 =	vld.idx.msk [tilespmem:v53+s10+$0x0], $0xffff;
	[tilespmem:s23+$0xD760] =	vst v16  }
0x22e: {  	v60 =	vor.u32 v3, v54;
	v61 =	vld.idx.msk [tilespmem:v55+s10+$0x0], $0xffff;
	[tilespmem:s23+$0xD770] =	vst v11  }
0x22f: {  	v62 =	vor.u32 v4, v54;
	v17 =	vld.idx.msk [tilespmem:v56+s10+$0x0], $0xffff  }
0x230: {  	v63 =	vor.u32 v5, v54;
	v15 =	vld.idx.msk [tilespmem:v15+s10+$0x0], $0xffff;
	[tilespmem:s24+$0xD700] =	vst v52  }
0x231: {  	v27 =	vor.u32 v6, v54;
	v13 =	vld.idx.msk [tilespmem:v58+s10+$0x0], $0xffff;
	[tilespmem:s24+$0xD710] =	vst v10  }
0x232: {  	v28 =	vbroadcast v9, $0xC;
	v14 =	vor.u32 v7, v54;
	v21 =	vld.idx.msk [tilespmem:v59+s10+$0x0], $0xffff;
	[tilespmem:s24+$0xD720] =	vst v20  }
0x233: {  	v16 =	vld.idx.msk [tilespmem:v60+s10+$0x0], $0xffff;
	[tilespmem:s24+$0xD730] =	vst v57  }
0x234: {  	v29 =	vor.u32 v0, v28;
	v11 =	vld.idx.msk [tilespmem:v62+s10+$0x0], $0xffff;
	[tilespmem:s24+$0xD740] =	vst v12  }
0x235: {  	v30 =	vor.u32 v1, v28;
	v31 =	vld.idx.msk [tilespmem:v63+s10+$0x0], $0xffff;
	[tilespmem:s24+$0xD750] =	vst v19  }
0x236: {  	v32 =	vor.u32 v2, v28;
	v18 =	vld.idx.msk [tilespmem:v27+s10+$0x0], $0xffff;
	[tilespmem:s24+$0xD760] =	vst v61  }
0x237: {  	v33 =	vor.u32 v3, v28;
	v14 =	vld.idx.msk [tilespmem:v14+s10+$0x0], $0xffff;
	[tilespmem:s23+$0xD780] =	vst v17  }
0x238: {  	v34 =	vor.u32 v4, v28;
	[tilespmem:s24+$0xD770] =	vst v15  }
0x239: {  	v36 =	vor.u32 v5, v28;
	[tilespmem:s23+$0xD790] =	vst v13;
	v35 =	vld.idx.msk [tilespmem:v29+s10+$0x0], $0xffff  }
0x23a: {  	v38 =	vor.u32 v6, v28;
	v37 =	vbroadcast v8, $0xD;
	[tilespmem:s23+$0xD7A0] =	vst v21;
	v12 =	vld.idx.msk [tilespmem:v30+s10+$0x0], $0xffff  }
0x23b: {  	v10 =	vor.u32 v7, v28;
	[tilespmem:s23+$0xD7B0] =	vst v16;
	v19 =	vld.idx.msk [tilespmem:v32+s10+$0x0], $0xffff  }
0x23c: {  	v39 =	vor.u32 v0, v37;
	[tilespmem:s23+$0xD7C0] =	vst v11;
	v40 =	vld.idx.msk [tilespmem:v33+s10+$0x0], $0xffff  }
0x23d: {  	v41 =	vor.u32 v1, v37;
	[tilespmem:s23+$0xD7D0] =	vst v31;
	v15 =	vld.idx.msk [tilespmem:v34+s10+$0x0], $0xffff  }
0x23e: {  	v42 =	vor.u32 v2, v37;
	[tilespmem:s23+$0xD7E0] =	vst v18;
	v20 =	vld.idx.msk [tilespmem:v36+s10+$0x0], $0xffff  }
0x23f: {  	v43 =	vor.u32 v3, v37;
	v44 =	vld.idx.msk [tilespmem:v38+s10+$0x0], $0xffff;
	[tilespmem:s23+$0xD7F0] =	vst v14  }
0x240: {  	v45 =	vor.u32 v4, v37;
	v10 =	vld.idx.msk [tilespmem:v10+s10+$0x0], $0xffff;
	[tilespmem:s24+$0xD780] =	vst v35  }
0x241: {  	v46 =	vor.u32 v5, v37;
	v16 =	vld.idx.msk [tilespmem:v39+s10+$0x0], $0xffff;
	[tilespmem:s24+$0xD790] =	vst v12  }
0x242: {  	v48 =	vbroadcast v9, $0xD;
	v47 =	vor.u32 v6, v37;
	v11 =	vld.idx.msk [tilespmem:v41+s10+$0x0], $0xffff;
	[tilespmem:s24+$0xD7A0] =	vst v19  }
0x243: {  	v13 =	vor.u32 v7, v37;
	v22 =	vld.idx.msk [tilespmem:v42+s10+$0x0], $0xffff;
	[tilespmem:s24+$0xD7B0] =	vst v40  }
0x244: {  	v49 =	vor.u32 v0, v48;
	v18 =	vld.idx.msk [tilespmem:v43+s10+$0x0], $0xffff;
	[tilespmem:s24+$0xD7C0] =	vst v15  }
0x245: {  	v50 =	vor.u32 v1, v48;
	v14 =	vld.idx.msk [tilespmem:v45+s10+$0x0], $0xffff;
	[tilespmem:s24+$0xD7D0] =	vst v20  }
0x246: {  	v52 =	vor.u32 v2, v48;
	v51 =	vld.idx.msk [tilespmem:v46+s10+$0x0], $0xffff;
	[tilespmem:s24+$0xD7E0] =	vst v44  }
0x247: {  	v53 =	vor.u32 v3, v48;
	v17 =	vld.idx.msk [tilespmem:v47+s10+$0x0], $0xffff;
	[tilespmem:s24+$0xD7F0] =	vst v10  }
0x248: {  	v54 =	vor.u32 v4, v48;
	v13 =	vld.idx.msk [tilespmem:v13+s10+$0x0], $0xffff;
	[tilespmem:s23+$0xD800] =	vst v16  }
0x249: {  	v56 =	vor.u32 v5, v48;
	v57 =	vbroadcast v8, $0xE;
	v55 =	vld.idx.msk [tilespmem:v49+s10+$0x0], $0xffff;
	[tilespmem:s23+$0xD810] =	vst v11  }
0x24a: {  	v58 =	vor.u32 v6, v48;
	v15 =	vld.idx.msk [tilespmem:v50+s10+$0x0], $0xffff;
	[tilespmem:s23+$0xD820] =	vst v22  }
0x24b: {  	v59 =	vor.u32 v0, v57;
	v20 =	vld.idx.msk [tilespmem:v52+s10+$0x0], $0xffff;
	[tilespmem:s23+$0xD830] =	vst v18  }
0x24c: {  	v12 =	vor.u32 v7, v48;
	v60 =	vld.idx.msk [tilespmem:v53+s10+$0x0], $0xffff;
	[tilespmem:s23+$0xD840] =	vst v14  }
0x24d: {  	v61 =	vor.u32 v1, v57;
	v10 =	vld.idx.msk [tilespmem:v54+s10+$0x0], $0xffff;
	[tilespmem:s23+$0xD850] =	vst v51  }
0x24e: {  	v62 =	vor.u32 v2, v57;
	v19 =	vld.idx.msk [tilespmem:v56+s10+$0x0], $0xffff;
	[tilespmem:s23+$0xD860] =	vst v17  }
0x24f: {  	v63 =	vor.u32 v3, v57;
	v28 =	vld.idx.msk [tilespmem:v58+s10+$0x0], $0xffff;
	[tilespmem:s23+$0xD870] =	vst v13  }
0x250: {  	v29 =	vor.u32 v4, v57;
	v18 =	vld.idx.msk [tilespmem:v59+s10+$0x0], $0xffff  }
0x251: {  	v30 =	vor.u32 v5, v57;
	v12 =	vld.idx.msk [tilespmem:v12+s10+$0x0], $0xffff;
	[tilespmem:s24+$0xD800] =	vst v55  }
0x252: {  	v31 =	vor.u32 v6, v57;
	v14 =	vld.idx.msk [tilespmem:v61+s10+$0x0], $0xffff;
	[tilespmem:s24+$0xD810] =	vst v15  }
0x253: {  	v32 =	vbroadcast v9, $0xE;
	v11 =	vor.u32 v7, v57;
	v33 =	vld.idx.msk [tilespmem:v62+s10+$0x0], $0xffff;
	[tilespmem:s24+$0xD820] =	vst v20  }
0x254: {  	v17 =	vld.idx.msk [tilespmem:v63+s10+$0x0], $0xffff;
	[tilespmem:s24+$0xD830] =	vst v60  }
0x255: {  	v34 =	vor.u32 v0, v32;
	v13 =	vld.idx.msk [tilespmem:v29+s10+$0x0], $0xffff;
	[tilespmem:s24+$0xD840] =	vst v10  }
0x256: {  	v35 =	vor.u32 v1, v32;
	v36 =	vld.idx.msk [tilespmem:v30+s10+$0x0], $0xffff;
	[tilespmem:s24+$0xD850] =	vst v19  }
0x257: {  	v37 =	vor.u32 v2, v32;
	v16 =	vld.idx.msk [tilespmem:v31+s10+$0x0], $0xffff;
	[tilespmem:s24+$0xD860] =	vst v28  }
0x258: {  	v38 =	vor.u32 v3, v32;
	v11 =	vld.idx.msk [tilespmem:v11+s10+$0x0], $0xffff;
	[tilespmem:s23+$0xD880] =	vst v18  }
0x259: {  	v39 =	vor.u32 v4, v32;
	[tilespmem:s24+$0xD870] =	vst v12  }
0x25a: {  	v41 =	vor.u32 v5, v32;
	[tilespmem:s23+$0xD890] =	vst v14;
	v40 =	vld.idx.msk [tilespmem:v34+s10+$0x0], $0xffff  }
0x25b: {  	v8 =	vbroadcast v8, $0xF;
	v42 =	vor.u32 v6, v32;
	[tilespmem:s23+$0xD8A0] =	vst v33;
	v10 =	vld.idx.msk [tilespmem:v35+s10+$0x0], $0xffff  }
0x25c: {  	v15 =	vor.u32 v7, v32;
	[tilespmem:s23+$0xD8B0] =	vst v17;
	v19 =	vld.idx.msk [tilespmem:v37+s10+$0x0], $0xffff  }
0x25d: {  	v43 =	vor.u32 v0, v8;
	[tilespmem:s23+$0xD8C0] =	vst v13;
	v44 =	vld.idx.msk [tilespmem:v38+s10+$0x0], $0xffff  }
0x25e: {  	v45 =	vor.u32 v1, v8;
	[tilespmem:s23+$0xD8D0] =	vst v36;
	v12 =	vld.idx.msk [tilespmem:v39+s10+$0x0], $0xffff  }
0x25f: {  	v46 =	vor.u32 v2, v8;
	[tilespmem:s23+$0xD8E0] =	vst v16;
	v21 =	vld.idx.msk [tilespmem:v41+s10+$0x0], $0xffff  }
0x260: {  	v47 =	vor.u32 v3, v8;
	v14 =	vld.idx.msk [tilespmem:v42+s10+$0x0], $0xffff;
	[tilespmem:s23+$0xD8F0] =	vst v11  }
0x261: {  	v48 =	vor.u32 v4, v8;
	v15 =	vld.idx.msk [tilespmem:v15+s10+$0x0], $0xffff;
	[tilespmem:s24+$0xD880] =	vst v40  }
0x262: {  	v49 =	vor.u32 v5, v8;
	v17 =	vld.idx.msk [tilespmem:v43+s10+$0x0], $0xffff;
	[tilespmem:s24+$0xD890] =	vst v10  }
0x263: {  	v9 =	vbroadcast v9, $0xF;
	v50 =	vor.u32 v6, v8;
	v8 =	vor.u32 v7, v8;
	v13 =	vld.idx.msk [tilespmem:v45+s10+$0x0], $0xffff;
	[tilespmem:s24+$0xD8A0] =	vst v19  }
0x264: {  	v51 =	vld.idx.msk [tilespmem:v46+s10+$0x0], $0xffff;
	[tilespmem:s24+$0xD8B0] =	vst v44  }
0x265: {  	v52 =	vor.u32 v0, v9;
	v16 =	vld.idx.msk [tilespmem:v47+s10+$0x0], $0xffff;
	[tilespmem:s24+$0xD8C0] =	vst v12  }
0x266: {  	v53 =	vor.u32 v1, v9;
	v11 =	vld.idx.msk [tilespmem:v48+s10+$0x0], $0xffff;
	[tilespmem:s24+$0xD8D0] =	vst v21  }
0x267: {  	v54 =	vor.u32 v2, v9;
	v18 =	vld.idx.msk [tilespmem:v49+s10+$0x0], $0xffff;
	[tilespmem:s24+$0xD8E0] =	vst v14  }
0x268: {  	v55 =	vor.u32 v3, v9;
	v8 =	vld.idx.msk [tilespmem:v8+s10+$0x0], $0xffff;
	[tilespmem:s24+$0xD8F0] =	vst v15  }
0x269: {  	v56 =	vor.u32 v4, v9;
	v10 =	vld.idx.msk [tilespmem:v50+s10+$0x0], $0xffff;
	[tilespmem:s23+$0xD900] =	vst v17  }
0x26a: {  	v58 =	vor.u32 v5, v9;
	v57 =	vld.idx.msk [tilespmem:v52+s10+$0x0], $0xffff;
	[tilespmem:s23+$0xD910] =	vst v13  }
0x26b: {  	v59 =	vor.u32 v6, v9;
	v12 =	vld.idx.msk [tilespmem:v53+s10+$0x0], $0xffff;
	[tilespmem:s23+$0xD920] =	vst v51  }
0x26c: {  	v9 =	vor.u32 v7, v9;
	v60 =	vld.idx.msk [tilespmem:v54+s10+$0x0], $0xffff;
	[tilespmem:s23+$0xD930] =	vst v16  }
0x26d: {  	v14 =	vld.idx.msk [tilespmem:v55+s10+$0x0], $0xffff;
	[tilespmem:s23+$0xD940] =	vst v11  }
0x26e: {  	v61 =	vld.idx.msk [tilespmem:v56+s10+$0x0], $0xffff;
	[tilespmem:s23+$0xD950] =	vst v18  }
0x26f: {  	v62 =	vld.idx.msk [tilespmem:v58+s10+$0x0], $0xffff;
	[tilespmem:s23+$0xD970] =	vst v8  }
0x270: {  	v63 =	vld.idx.msk [tilespmem:v59+s10+$0x0], $0xffff;
	[tilespmem:s23+$0xD960] =	vst v10  }
0x271: {  	v8 =	vld.idx.msk [tilespmem:v9+s10+$0x0], $0xffff;
	[tilespmem:s24+$0xD900] =	vst v57  }
0x272: {  	[tilespmem:s24+$0xD910] =	vst v12  }
0x273: {  	p0 =	slt.u32 s22, $0xE;
	[tilespmem:s24+$0xD920] =	vst v60  }
.Ltmp1:
0x274: {  	[tilespmem:s24+$0xD930] =	vst v14;
	(pc) =	sbr.rel @p0 .LBB2_6-.Ltmp1, $4  }
0x275: {  	[tilespmem:s24+$0xD940] =	vst v61  }
0x276: {  	[tilespmem:s24+$0xD950] =	vst v62  }
0x277: {  	s31 =	sadd.s32 $0x2, s22;
	[tilespmem:s24+$0xD960] =	vst v63  }
0x278: {  	s22 =	smov.u32 s31;
	[tilespmem:s24+$0xD970] =	vst v8  }
0x279: {  	s19 =	sadd.s32 $0x1, s19  }
0x27a: {  	p0 =	sne.s32 s19, $0x28  }
.Ltmp2:
0x27b: {  	_ = 	snop;
	(pc) =	sbr.rel @p0 .LBB2_3-.Ltmp2, $3  }
0x27c: {  	_ =	sdelay $0x1  }
0x27d: {  	s20 =	sadd.s32 s21, s8  }
0x27e: {  	[hbm4b:s20+s4] =	stream.linear.scatter [tilespmem:s13], [sflag:$0x2], $0x8000, $0x38;
	[tilespmem:$0x15180] =	vst v63  }
0x27f: {  	s17 =	sadd.s32 $0x1, s17  }
0x280: {  	p0 =	sne.s32 s17, $0x5  }
.Ltmp3:
0x281: {  	_ = 	snop;
	(pc) =	sbr.rel @p0 .LBB2_2-.Ltmp3, $1  }
0x282: {  	_ =	sdelay $0x3  }
0x283: {  	s16 =	sadd.s32 $0x1, s16  }
0x284: {  	_ =	swait.ge [sflag:s14], $0x8000;
	p0 =	sne.s32 s16, s9  }
.Ltmp4:
0x285: {  	[sflag:s14] =	ssyncset.done $0x0;
	(pc) =	sbr.rel @p0 .LBB2_1-.Ltmp4, $4  }
0x286: {  	[sflag:s14] =	ssyncadd.s32 $0xFFFF8000  }
0x287: {  	_ =	swait.ge [sflag:s15], $0x8000  }
0x288: {  	[sflag:s15] =	ssyncset.done $0x0  }
0x289: {  	[sflag:s15] =	ssyncadd.s32 $0xFFFF8000  }
0x28a: {  	_ =	sfence.sel $0x180000  }
0x28b: {  	[bflag:$0x0] =	sbarrier.arrive $0xFFFF  }
0x28c: {  	p0 =	sne.s32 s0, $0x0;
	_ =	strace $0x90000047  }
0x28d: {  	s0 =	sadd.s32 @!p0 $0x100000, s1;
	[bflag:$0x2] =	sbarrier.arrive $0xFFFF  }
0x28e: {  	[sflag:s0] =	ssyncadd.tile.s32 @!p0 $0x1;
	_ =	shalt  }
.Lfunc_end2:
_tile_overlayer_lowered:
.L_overlay_start_2:
0x28f: {  	(tag) =	ssettag $0x2  }
0x290: {  	s0 =	rddreg [dreg:$0x0];
	s2 =	stileid.u32  }
0x291: {  	s1 =	rddreg [dreg:$0x1];
	p0 =	sne.s32 s2, $0x0  }
0x292: {  	s3 =	rddreg [dreg:$0x2];
	[bflag:$0x3] =	sbarrier.arrive $0xFFFF;
	s2 =	simm.s32 @!p0 $0x1C03  }
0x293: {  	[timem:s3], [sflag:s2] =	dma.local @!p0 [hbm:s0], s1  }
0x294: {  	s0 =	simm.s32 @!p0 $0x3  }
0x295: {  	_ =	swait.ge @!p0 [sflag:s0], s1  }
0x296: {  	s1 =	ssub.s32 @!p0 $0x0, s1;
	[sflag:s0] =	ssyncset.done @!p0 $0x0  }
0x297: {  	[sflag:s0] =	ssyncadd.s32 @!p0 s1  }
0x298: {  	[bflag:$0x3] =	sbarrier.arrive $0xFFFF  }
0x299: {  	_ =	shalt  }

</sc_bundles>
